<compile_context>
chip_gen: v7x
topology: tpu7x:2x2x1
jax: 0.10.2.dev20260603
libtpu: 0.0.44.dev20260713+nightly
codegen_flags: <defaults>
</compile_context>

<pallas_src>
import functools

import jax
import jax.numpy as jnp
from jax import lax
from jax.experimental import pallas as pl
from jax.experimental.pallas import tpu as pltpu
from jax.experimental.pallas import tpu_sc as plsc

F32 = jnp.float32
NC = 2
NS = 16
NT = NC * NS
LANES = 16


def _round_up(a, m):
    return (a + m - 1) // m * m


def _node_pass(xp, W, a_src, a_dst, blk=1024):
    Np, D = xp.shape
    grid = Np // blk

    def body(x_ref, w_ref, as_ref, ad_ref, h0_ref, h1_ref, sd_ref, ms_ref, md_ref):
        i = pl.program_id(0)
        h = jnp.dot(x_ref[...], w_ref[...], preferred_element_type=F32)
        h0_ref[...] = h[:, : D // 2]
        h1_ref[...] = h[:, D // 2:]
        s = jnp.sum(h * as_ref[...][None, :], axis=1)
        d = jnp.sum(h * ad_ref[...][None, :], axis=1)
        sd_ref[...] = jnp.concatenate([s[None, :], d[None, :]], axis=0)
        ninf = jnp.full((1, 1), -jnp.inf, F32)
        ms = jnp.full((1, 1), jnp.max(s), F32)
        md = jnp.full((1, 1), jnp.max(d), F32)
        ms_ref[...] = jnp.maximum(jnp.where(i == 0, ninf, ms_ref[...]), ms)
        md_ref[...] = jnp.maximum(jnp.where(i == 0, ninf, md_ref[...]), md)

    return pl.pallas_call(
        body,
        grid=(grid,),
        in_specs=[
            pl.BlockSpec((blk, D), lambda i: (i, 0)),
            pl.BlockSpec((D, D), lambda i: (0, 0)),
            pl.BlockSpec((D,), lambda i: (0,)),
            pl.BlockSpec((D,), lambda i: (0,)),
        ],
        out_specs=[
            pl.BlockSpec((blk, D // 2), lambda i: (i, 0)),
            pl.BlockSpec((blk, D // 2), lambda i: (i, 0)),
            pl.BlockSpec((2, blk), lambda i: (0, i)),
            pl.BlockSpec((1, 1), lambda i: (0, 0)),
            pl.BlockSpec((1, 1), lambda i: (0, 0)),
        ],
        out_shape=[
            jax.ShapeDtypeStruct((Np, D // 2), F32),
            jax.ShapeDtypeStruct((Np, D // 2), F32),
            jax.ShapeDtypeStruct((2, Np), F32),
            jax.ShapeDtypeStruct((1, 1), F32),
            jax.ShapeDtypeStruct((1, 1), F32),
        ],
    )(xp, W, a_src, a_dst)


def _edge_pass_both(edge_attr, We1, a_e1, We2, a_e2, blk=4000):
    E, De = edge_attr.shape
    per_row = 128 // De
    Er = E // per_row
    eaf = edge_attr.reshape(Er, 128)
    grid = Er // blk

    def body(ea_ref, we1_ref, ae1_ref, we2_ref, ae2_ref,
             e1_ref, e2_ref, m1_ref, m2_ref):
        i = pl.program_id(0)
        ea = ea_ref[...]
        ninf = jnp.full((1, 1), -jnp.inf, F32)
        g = (jax.lax.broadcasted_iota(jnp.int32, (128, per_row), 0) // De
             == jax.lax.broadcasted_iota(jnp.int32, (128, per_row), 1)
             ).astype(F32)
        for we_ref, ae_ref, e_ref, m_ref in (
                (we1_ref, ae1_ref, e1_ref, m1_ref),
                (we2_ref, ae2_ref, e2_ref, m2_ref)):
            v = jnp.sum(we_ref[...] * ae_ref[...][None, :], axis=1)
            vt = jnp.concatenate([v] * per_row)
            ev = jnp.dot(ea * vt[None, :], g, preferred_element_type=F32)
            e_ref[...] = ev
            m = jnp.full((1, 1), jnp.max(ev), F32)
            m_ref[...] = jnp.maximum(jnp.where(i == 0, ninf, m_ref[...]), m)

    return pl.pallas_call(
        body,
        grid=(grid,),
        in_specs=[
            pl.BlockSpec((blk, 128), lambda i: (i, 0)),
            pl.BlockSpec((De, We1.shape[1]), lambda i: (0, 0)),
            pl.BlockSpec((We1.shape[1],), lambda i: (0,)),
            pl.BlockSpec((De, We2.shape[1]), lambda i: (0, 0)),
            pl.BlockSpec((We2.shape[1],), lambda i: (0,)),
        ],
        out_specs=[
            pl.BlockSpec((blk, per_row), lambda i: (i, 0)),
            pl.BlockSpec((blk, per_row), lambda i: (i, 0)),
            pl.BlockSpec((1, 1), lambda i: (0, 0)),
            pl.BlockSpec((1, 1), lambda i: (0, 0)),
        ],
        out_shape=[
            jax.ShapeDtypeStruct((Er, per_row), F32),
            jax.ShapeDtypeStruct((Er, per_row), F32),
            jax.ShapeDtypeStruct((1, 1), F32),
            jax.ShapeDtypeStruct((1, 1), F32),
        ],
    )(eaf, We1, a_e1, We2, a_e2)


def _combine_node_pass(accp, denp, b_prev, W, a_src, a_dst, blk=1024):
    NCa, Np, Dh = accp.shape
    D = W.shape[0]

    def body(a_ref, den_ref, b_ref, w_ref, as_ref, ad_ref,
             h0_ref, h1_ref, sd_ref, ms_ref, md_ref):
        i = pl.program_id(0)
        a = jnp.concatenate([a_ref[0], a_ref[1]], axis=1)
        dsum = den_ref[0]
        o = a / (dsum[:, None] + F32(1e-16)) + b_ref[...][None, :]
        o = jnp.maximum(o, F32(0.0))
        h = jnp.dot(o, w_ref[...], preferred_element_type=F32)
        h0_ref[...] = h[:, : D // 2]
        h1_ref[...] = h[:, D // 2:]
        s = jnp.sum(h * as_ref[...][None, :], axis=1)
        d = jnp.sum(h * ad_ref[...][None, :], axis=1)
        sd_ref[...] = jnp.concatenate([s[None, :], d[None, :]], axis=0)
        ninf = jnp.full((1, 1), -jnp.inf, F32)
        ms = jnp.full((1, 1), jnp.max(s), F32)
        md = jnp.full((1, 1), jnp.max(d), F32)
        ms_ref[...] = jnp.maximum(jnp.where(i == 0, ninf, ms_ref[...]), ms)
        md_ref[...] = jnp.maximum(jnp.where(i == 0, ninf, md_ref[...]), md)

    grid = Np // blk
    return pl.pallas_call(
        body,
        grid=(grid,),
        in_specs=[
            pl.BlockSpec((NCa, blk, Dh), lambda i: (0, i, 0)),
            pl.BlockSpec((NCa, blk), lambda i: (0, i)),
            pl.BlockSpec((D,), lambda i: (0,)),
            pl.BlockSpec((D, D), lambda i: (0, 0)),
            pl.BlockSpec((D,), lambda i: (0,)),
            pl.BlockSpec((D,), lambda i: (0,)),
        ],
        out_specs=[
            pl.BlockSpec((blk, D // 2), lambda i: (i, 0)),
            pl.BlockSpec((blk, D // 2), lambda i: (i, 0)),
            pl.BlockSpec((2, blk), lambda i: (0, i)),
            pl.BlockSpec((1, 1), lambda i: (0, 0)),
            pl.BlockSpec((1, 1), lambda i: (0, 0)),
        ],
        out_shape=[
            jax.ShapeDtypeStruct((Np, D // 2), F32),
            jax.ShapeDtypeStruct((Np, D // 2), F32),
            jax.ShapeDtypeStruct((2, Np), F32),
            jax.ShapeDtypeStruct((1, 1), F32),
            jax.ShapeDtypeStruct((1, 1), F32),
        ],
    )(accp, denp, b_prev, W, a_src, a_dst)


def _sc_aggregate(h0, h1, s, d, ef3, src3, dst3, avec, Np, D, EPT, KB, N):
    mesh = plsc.VectorSubcoreMesh(
        core_axis_name="c", subcore_axis_name="s", num_cores=NC, num_subcores=NS
    )
    Dh = D // 2
    rows_per_tile = Np // NS
    n_zero_chunks = rows_per_tile // 128
    SBB = 16
    STAGES = KB // SBB
    Nt = min(_round_up(N, 8), Np)

    @functools.partial(
        pl.kernel,
        out_type=[
            jax.ShapeDtypeStruct((NC, Np, Dh), F32),
            jax.ShapeDtypeStruct((NC, Np), F32),
        ],
        mesh=mesh,
        compiler_params=pltpu.CompilerParams(
            needs_layout_passes=False, use_tc_tiling_on_sc=False,
            disable_bounds_checks=True),
        scratch_types=[
            pltpu.VMEM((Nt,), F32),
            pltpu.VMEM((Nt,), F32),
            pltpu.VMEM((SBB, 128), F32),
            pltpu.VMEM((SBB, 128), jnp.int32),
            pltpu.VMEM((SBB, 128), jnp.int32),
            pltpu.VMEM((2, 128, Dh), F32),
            pltpu.VMEM((2, 128), F32),
            pltpu.VMEM((LANES,), F32),
            pltpu.VMEM_SHARED((Np, Dh), F32),
            pltpu.VMEM_SHARED((Np, Dh), F32),
            pltpu.VMEM_SHARED((Np,), F32),
            pltpu.SemaphoreType.DMA,
            pltpu.SemaphoreType.DMA,
            pltpu.SemaphoreType.DMA,
        ],
    )
    def k(h0_hbm, h1_hbm, s_hbm, d_hbm, ef3_hbm, src3_hbm, dst3_hbm, av_hbm,
          acc_hbm, den_hbm,
          s_t, d_t, ef_t, src_t, dst_t, rows, wbuf, av_t,
          acc_sh, h_sh, den_sh, gsem, ssem, dsem):
        cid = lax.axis_index("c")
        sid = lax.axis_index("s")

        pltpu.sync_copy(s_hbm.at[pl.ds(0, Nt)], s_t)
        pltpu.sync_copy(d_hbm.at[pl.ds(0, Nt)], d_t)
        pltpu.sync_copy(av_hbm, av_t)

        hoff = sid * rows_per_tile

        @pl.when(cid == 0)
        def _():
            pltpu.sync_copy(h0_hbm.at[pl.ds(hoff, rows_per_tile)],
                            h_sh.at[pl.ds(hoff, rows_per_tile)])

        @pl.when(cid == 1)
        def _():
            pltpu.sync_copy(h1_hbm.at[pl.ds(hoff, rows_per_tile)],
                            h_sh.at[pl.ds(hoff, rows_per_tile)])

        zeros16 = jnp.zeros((LANES,), F32)

        def zero_rows(i, carry):
            for f in range(Dh // LANES):
                rows[0, i, pl.ds(f * LANES, LANES)] = zeros16
            return carry

        lax.fori_loop(0, 128, zero_rows, 0)
        for f in range(8):
            wbuf[0, pl.ds(f * LANES, LANES)] = zeros16

        for t in range(n_zero_chunks):
            off = sid * rows_per_tile + t * 128
            pltpu.sync_copy(rows.at[0], acc_sh.at[pl.ds(off, 128)])
            pltpu.sync_copy(wbuf.at[0], den_sh.at[pl.ds(off, 128)])
        plsc.subcore_barrier()

        av = av_t[...]

        def issue_gather(lb, r):
            pltpu.async_copy(h_sh.at[src_t.at[lb]], rows.at[r], gsem)

        def wait_gather():
            pltpu.make_async_copy(h_sh.at[src_t.at[0]], rows.at[0], gsem).wait()

        def wait_row_scatter():
            pltpu.make_async_copy(rows.at[0], acc_sh.at[dst_t.at[0]], ssem).wait()

        def wait_den_scatter():
            pltpu.make_async_copy(wbuf.at[0], den_sh.at[dst_t.at[0]], dsem).wait()

        def stage_body(st, carry):
            sbase = st * SBB
            pltpu.sync_copy(ef3_hbm.at[sid, pl.ds(sbase, SBB)], ef_t)
            pltpu.sync_copy(src3_hbm.at[sid, pl.ds(sbase, SBB)], src_t)
            pltpu.sync_copy(dst3_hbm.at[sid, pl.ds(sbase, SBB)], dst_t)

            issue_gather(0, 0)

            def batch_body(lb, c2):
                r = lax.rem(lb, 2)

                @pl.when(lb >= 1)
                def _():
                    wait_row_scatter()
                    wait_den_scatter()

                @pl.when(lb + 1 <= SBB - 1)
                def _():
                    issue_gather(lb + 1, lax.rem(lb + 1, 2))

                wait_gather()

                for j in range(8):
                    off = j * LANES
                    sr = src_t[lb, pl.ds(off, LANES)]
                    dr = dst_t[lb, pl.ds(off, LANES)]
                    ev = ef_t[lb, pl.ds(off, LANES)]
                    sg = plsc.load_gather(s_t, [sr])
                    dg = plsc.load_gather(d_t, [dr])
                    al = sg + dg + ev
                    al = jnp.where(al >= 0.0, al, al * F32(0.2))
                    w = jnp.exp(al - av)
                    wbuf[r, pl.ds(off, LANES)] = w

                pltpu.async_copy(wbuf.at[r], den_sh.at[dst_t.at[lb]], dsem,
                                 add=True)

                def scale_body(i, c3):
                    for u in range(4):
                        iu = i * 4 + u
                        wv = plsc.load_gather(
                            wbuf.at[r], [jnp.full((LANES,), iu, jnp.int32)])
                        for f in range(Dh // LANES):
                            rows[r, iu, pl.ds(f * LANES, LANES)] = (
                                rows[r, iu, pl.ds(f * LANES, LANES)] * wv
                            )
                    return c3

                lax.fori_loop(0, 32, scale_body, 0)
                pltpu.async_copy(rows.at[r], acc_sh.at[dst_t.at[lb]], ssem,
                                 add=True)
                return c2

            lax.fori_loop(0, SBB, batch_body, 0)
            wait_row_scatter()
            wait_den_scatter()
            return carry

        lax.fori_loop(0, STAGES, stage_body, 0)
        plsc.subcore_barrier()

        for t in range(n_zero_chunks):
            off = sid * rows_per_tile + t * 128
            pltpu.sync_copy(acc_sh.at[pl.ds(off, 128)],
                            acc_hbm.at[cid, pl.ds(off, 128)])
        off2 = sid * rows_per_tile
        pltpu.sync_copy(den_sh.at[pl.ds(off2, rows_per_tile)],
                        den_hbm.at[cid, pl.ds(off2, rows_per_tile)])

    return k(h0, h1, s, d, ef3, src3, dst3, avec)


def _combine(accp, denp, b, relu, blk=1024):
    _, Np, _ = accp.shape
    D = b.shape[0]

    def body(a_ref, den_ref, b_ref, o_ref):
        a = jnp.concatenate([a_ref[0], a_ref[1]], axis=1)
        dsum = den_ref[0]
        o = a / (dsum[:, None] + F32(1e-16)) + b_ref[...][None, :]
        if relu:
            o = jnp.maximum(o, F32(0.0))
        o_ref[...] = o

    grid = Np // blk
    return pl.pallas_call(
        body,
        grid=(grid,),
        in_specs=[
            pl.BlockSpec((NC, blk, D // 2), lambda i: (0, i, 0)),
            pl.BlockSpec((NC, blk), lambda i: (0, i)),
            pl.BlockSpec((D,), lambda i: (0,)),
        ],
        out_specs=pl.BlockSpec((blk, D), lambda i: (i, 0)),
        out_shape=jax.ShapeDtypeStruct((Np, D), F32),
    )(accp, denp, b)


def kernel(x, edge_index, edge_attr, W1, a_src1, a_dst1, We1, a_e1, b1,
           W2, a_src2, a_dst2, We2, a_e2, b2):
    N, D = x.shape
    E = edge_index.shape[1]
    Np = _round_up(N, NS * 128)
    EPT = _round_up((E + NS - 1) // NS, 32 * 128)
    Ep = EPT * NS
    KB = EPT // 128

    xp = jnp.pad(x, ((0, Np - N), (0, 0)))
    src = edge_index[0]
    dst = edge_index[1]
    src3 = jnp.pad(src, (0, Ep - E)).reshape(NS, KB, 128)
    dst3 = jnp.pad(dst, (0, Ep - E)).reshape(NS, KB, 128)

    def mk_ef3(e_2d):
        return jnp.concatenate(
            [e_2d.reshape(E), jnp.full((Ep - E,), -1e30, F32)]
        ).reshape(NS, KB, 128)

    e1t, e2t, me1, me2 = _edge_pass_both(edge_attr, We1, a_e1, We2, a_e2)

    h0, h1, sd, ms, md = _node_pass(xp, W1, a_src1, a_dst1)
    A1 = jnp.maximum(ms[0, 0] + md[0, 0] + me1[0, 0], F32(0.0))
    acc1, den1 = _sc_aggregate(h0, h1, sd[0], sd[1], mk_ef3(e1t),
                               src3, dst3, jnp.full((LANES,), A1, F32),
                               Np, D, EPT, KB, N)
    h0b, h1b, sd2, ms2, md2 = _combine_node_pass(acc1, den1, b1,
                                                 W2, a_src2, a_dst2)
    A2 = jnp.maximum(ms2[0, 0] + md2[0, 0] + me2[0, 0], F32(0.0))
    acc2, den2 = _sc_aggregate(h0b, h1b, sd2[0], sd2[1], mk_ef3(e2t),
                               src3, dst3, jnp.full((LANES,), A2, F32),
                               Np, D, EPT, KB, N)
    o2 = _combine(acc2, den2, b2, relu=False)
    return o2[:N]

# --- scband reference (transcript-rebuilt; emitter-appended) ---
"""Pipeline reference for scband-my-gat-conv-77043123356205 (READ-ONLY COPY).

The authoritative reference and input builder live on the scoring server;
editing this copy changes nothing except your own understanding.
"""

import jax, jax.numpy as jnp
import numpy as np

N = 10000
E = 320000
D_IN = 128
D_HID = 128
D_OUT = 128
D_EDGE = 16


def setup_inputs(seed: int = 0) -> dict:
    key = jax.random.key(seed)
    ks = jax.random.split(key, 20)
    inp = {}
    inp["x"] = jax.random.normal(ks[0], (N, D_IN), dtype=jnp.float32)
    inp["edge_index"] = jax.random.randint(ks[1], (2, E), 0, N, dtype=jnp.int32)
    inp["edge_attr"] = jax.random.normal(ks[2], (E, D_EDGE), dtype=jnp.float32)
    # Layer 1 params (GATConv ins->hids, heads=1, edge_dim=D_EDGE)
    inp["W1"] = jax.random.normal(ks[3], (D_IN, D_HID), dtype=jnp.float32) * (1.0 / np.sqrt(D_IN))
    inp["a_src1"] = jax.random.normal(ks[4], (D_HID,), dtype=jnp.float32) * 0.1
    inp["a_dst1"] = jax.random.normal(ks[5], (D_HID,), dtype=jnp.float32) * 0.1
    inp["We1"] = jax.random.normal(ks[6], (D_EDGE, D_HID), dtype=jnp.float32) * (1.0 / np.sqrt(D_EDGE))
    inp["a_e1"] = jax.random.normal(ks[7], (D_HID,), dtype=jnp.float32) * 0.1
    inp["b1"] = jnp.zeros((D_HID,), dtype=jnp.float32)
    # Layer 2 params (GATConv hids->outs, heads=1, edge_dim=D_EDGE)
    inp["W2"] = jax.random.normal(ks[8], (D_HID, D_OUT), dtype=jnp.float32) * (1.0 / np.sqrt(D_HID))
    inp["a_src2"] = jax.random.normal(ks[9], (D_OUT,), dtype=jnp.float32) * 0.1
    inp["a_dst2"] = jax.random.normal(ks[10], (D_OUT,), dtype=jnp.float32) * 0.1
    inp["We2"] = jax.random.normal(ks[11], (D_EDGE, D_OUT), dtype=jnp.float32) * (1.0 / np.sqrt(D_EDGE))
    inp["a_e2"] = jax.random.normal(ks[12], (D_OUT,), dtype=jnp.float32) * 0.1
    inp["b2"] = jnp.zeros((D_OUT,), dtype=jnp.float32)
    return inp


def _gat_layer(x, edge_index, edge_attr, W, a_src, a_dst, We, a_e, b):
    # PyG GATConv with heads=1, edge_dim=D_EDGE, negative_slope=0.2
    src = edge_index[0]
    dst = edge_index[1]
    h = x @ W                                   # [N, F]
    alpha_src = (h * a_src).sum(-1)             # [N]
    alpha_dst = (h * a_dst).sum(-1)             # [N]
    he = edge_attr @ We                         # [E, F]
    alpha_e = (he * a_e).sum(-1)                # [E]
    alpha = alpha_src[src] + alpha_dst[dst] + alpha_e
    alpha = jax.nn.leaky_relu(alpha, negative_slope=0.2)
    # softmax over incoming edges of each dst node
    amax = jax.ops.segment_max(alpha, dst, num_segments=x.shape[0])
    amax = jnp.where(jnp.isfinite(amax), amax, 0.0)
    ex = jnp.exp(alpha - amax[dst])
    denom = jax.ops.segment_sum(ex, dst, num_segments=x.shape[0])
    coef = ex / (denom[dst] + 1e-16)            # [E]
    msg = h[src] * coef[:, None]                # gather + weight
    out = jax.ops.segment_sum(msg, dst, num_segments=x.shape[0])
    return out + b


def reference(x, edge_index, edge_attr, W1, a_src1, a_dst1, We1, a_e1, b1,
              W2, a_src2, a_dst2, We2, a_e2, b2):
    # dropout is identity in eval mode
    h = _gat_layer(x, edge_index, edge_attr, W1, a_src1, a_dst1, We1, a_e1, b1)
    h = jax.nn.relu(h)
    out = _gat_layer(h, edge_index, edge_attr, W2, a_src2, a_dst2, We2, a_e2, b2)
    return out

if __name__ == "__main__":
    import jax
    _d = setup_inputs()
    print(jax.jit(kernel)(*tuple(_d.values())))

</pallas_src>

<mosaic_0001>
#map = affine_map<(d0, d1) -> (0, 0)>
#map1 = affine_map<(d0, d1) -> (0)>
#map2 = affine_map<(d0, d1) -> (0, 0, 0)>
module attributes {stable_mosaic.version = 14 : i64} {
  func.func @k(%arg0: i32, %arg1: i32, %arg2: memref<10240x64xf32, #tpu.memory_space<hbm>>, %arg3: memref<10240x64xf32, #tpu.memory_space<hbm>>, %arg4: memref<10240xf32, #tpu.memory_space<hbm>>, %arg5: memref<10240xf32, #tpu.memory_space<hbm>>, %arg6: memref<16x160x128xf32, #tpu.memory_space<hbm>>, %arg7: memref<16x160x128xi32, #tpu.memory_space<hbm>>, %arg8: memref<16x160x128xi32, #tpu.memory_space<hbm>>, %arg9: memref<16xf32, #tpu.memory_space<hbm>>, %arg10: memref<2x10240x64xf32, #tpu.memory_space<hbm>>, %arg11: memref<2x10240xf32, #tpu.memory_space<hbm>>, %arg12: memref<10000xf32, #tpu.memory_space<vmem>>, %arg13: memref<10000xf32, #tpu.memory_space<vmem>>, %arg14: memref<16x128xf32, #tpu.memory_space<vmem>>, %arg15: memref<16x128xi32, #tpu.memory_space<vmem>>, %arg16: memref<16x128xi32, #tpu.memory_space<vmem>>, %arg17: memref<2x128x64xf32, #tpu.memory_space<vmem>>, %arg18: memref<2x128xf32, #tpu.memory_space<vmem>>, %arg19: memref<16xf32, #tpu.memory_space<vmem>>, %arg20: memref<10240x64xf32, #tpu.memory_space<vmem_shared>>, %arg21: memref<10240x64xf32, #tpu.memory_space<vmem_shared>>, %arg22: memref<10240xf32, #tpu.memory_space<vmem_shared>>, %arg23: memref<!tpu.dma_semaphore, #tpu.memory_space<semaphore_mem>>, %arg24: memref<!tpu.dma_semaphore, #tpu.memory_space<semaphore_mem>>, %arg25: memref<!tpu.dma_semaphore, #tpu.memory_space<semaphore_mem>>) attributes {dimension_semantics = [#tpu.dimension_semantics<core_parallel>, #tpu.dimension_semantics<subcore_parallel>], iteration_bounds = array<i64: 2, 16>, scalar_prefetch = 0 : i64, scratch_operands = 14 : i64, tpu.core_type = #tpu.core_type<sc_vector_subcore>, window_params = [{transform_indices = #map}, {transform_indices = #map}, {transform_indices = #map1}, {transform_indices = #map1}, {transform_indices = #map2}, {transform_indices = #map2}, {transform_indices = #map2}, {transform_indices = #map1}, {transform_indices = #map2}, {transform_indices = #map}]} {
    "tpu.region"() ({
      %run_scoped3A_103 = tpu.sem_alloc : memref<!tpu.dma_semaphore, #tpu.memory_space<semaphore_mem>>
      %dma_start3A = arith.constant 0 : i32
      %dma_start3A_104 = tpu.memref_slice %arg4[%dma_start3A] : memref<10240xf32, #tpu.memory_space<hbm>> -> memref<10000xf32, #tpu.memory_space<hbm>>
      %dma_start3A_105 = arith.constant 0 : i32
      %dma_start3A_106 = tpu.memref_slice %arg4[%dma_start3A_105] : memref<10240xf32, #tpu.memory_space<hbm>> -> memref<10000xf32, #tpu.memory_space<hbm>>
      tpu.enqueue_dma source(%dma_start3A_106 : memref<10000xf32, #tpu.memory_space<hbm>>) target(%arg12 : memref<10000xf32, #tpu.memory_space<vmem>>) target_semaphore(%run_scoped3A_103 : memref<!tpu.dma_semaphore, #tpu.memory_space<semaphore_mem>>)
      %dma_wait3A = arith.constant 0 : i32
      %dma_wait3A_107 = tpu.memref_slice %arg4[%dma_wait3A] : memref<10240xf32, #tpu.memory_space<hbm>> -> memref<10000xf32, #tpu.memory_space<hbm>>
      %dma_wait3A_108 = arith.constant 0 : i32
      %dma_wait3A_109 = tpu.memref_slice %arg4[%dma_wait3A_108] : memref<10240xf32, #tpu.memory_space<hbm>> -> memref<10000xf32, #tpu.memory_space<hbm>>
      tpu.wait_dma2 semaphore(%run_scoped3A_103 : memref<!tpu.dma_semaphore, #tpu.memory_space<semaphore_mem>>) src(%dma_wait3A_109 : memref<10000xf32, #tpu.memory_space<hbm>>) dst(%arg12 : memref<10000xf32, #tpu.memory_space<vmem>>)
      tpu.yield
    }) : () -> ()
    "tpu.region"() ({
      %run_scoped3A_103 = tpu.sem_alloc : memref<!tpu.dma_semaphore, #tpu.memory_space<semaphore_mem>>
      %dma_start3A = arith.constant 0 : i32
      %dma_start3A_104 = tpu.memref_slice %arg5[%dma_start3A] : memref<10240xf32, #tpu.memory_space<hbm>> -> memref<10000xf32, #tpu.memory_space<hbm>>
      %dma_start3A_105 = arith.constant 0 : i32
      %dma_start3A_106 = tpu.memref_slice %arg5[%dma_start3A_105] : memref<10240xf32, #tpu.memory_space<hbm>> -> memref<10000xf32, #tpu.memory_space<hbm>>
      tpu.enqueue_dma source(%dma_start3A_106 : memref<10000xf32, #tpu.memory_space<hbm>>) target(%arg13 : memref<10000xf32, #tpu.memory_space<vmem>>) target_semaphore(%run_scoped3A_103 : memref<!tpu.dma_semaphore, #tpu.memory_space<semaphore_mem>>)
      %dma_wait3A = arith.constant 0 : i32
      %dma_wait3A_107 = tpu.memref_slice %arg5[%dma_wait3A] : memref<10240xf32, #tpu.memory_space<hbm>> -> memref<10000xf32, #tpu.memory_space<hbm>>
      %dma_wait3A_108 = arith.constant 0 : i32
      %dma_wait3A_109 = tpu.memref_slice %arg5[%dma_wait3A_108] : memref<10240xf32, #tpu.memory_space<hbm>> -> memref<10000xf32, #tpu.memory_space<hbm>>
      tpu.wait_dma2 semaphore(%run_scoped3A_103 : memref<!tpu.dma_semaphore, #tpu.memory_space<semaphore_mem>>) src(%dma_wait3A_109 : memref<10000xf32, #tpu.memory_space<hbm>>) dst(%arg13 : memref<10000xf32, #tpu.memory_space<vmem>>)
      tpu.yield
    }) : () -> ()
    "tpu.region"() ({
      %run_scoped3A_103 = tpu.sem_alloc : memref<!tpu.dma_semaphore, #tpu.memory_space<semaphore_mem>>
      tpu.enqueue_dma source(%arg9 : memref<16xf32, #tpu.memory_space<hbm>>) target(%arg19 : memref<16xf32, #tpu.memory_space<vmem>>) target_semaphore(%run_scoped3A_103 : memref<!tpu.dma_semaphore, #tpu.memory_space<semaphore_mem>>)
      tpu.wait_dma2 semaphore(%run_scoped3A_103 : memref<!tpu.dma_semaphore, #tpu.memory_space<semaphore_mem>>) src(%arg9 : memref<16xf32, #tpu.memory_space<hbm>>) dst(%arg19 : memref<16xf32, #tpu.memory_space<vmem>>)
      tpu.yield
    }) : () -> ()
    %mul3A = arith.constant 640 : i32
    %mul3A_0 = arith.muli %arg1, %mul3A : i32
    %eq3A = arith.constant 0 : i32
    %eq3A_1 = arith.cmpi eq, %arg0, %eq3A : i32
    %convert_element_type3A = arith.extui %eq3A_1 : i1 to i32
    %cond3A = arith.constant 0 : i32
    %cond3A_2 = arith.cmpi ne, %convert_element_type3A, %cond3A : i32
    scf.if %cond3A_2 {
      "tpu.region"() ({
        %run_scoped3A_103 = tpu.sem_alloc : memref<!tpu.dma_semaphore, #tpu.memory_space<semaphore_mem>>
        %dma_start3A = arith.constant 0 : i32
        %dma_start3A_104 = tpu.memref_slice %arg21[%mul3A_0, %dma_start3A] : memref<10240x64xf32, #tpu.memory_space<vmem_shared>> -> memref<640x64xf32, #tpu.memory_space<vmem_shared>>
        %dma_start3A_105 = arith.constant 0 : i32
        %dma_start3A_106 = tpu.memref_slice %arg2[%mul3A_0, %dma_start3A_105] : memref<10240x64xf32, #tpu.memory_space<hbm>> -> memref<640x64xf32, #tpu.memory_space<hbm>>
        tpu.enqueue_dma source(%dma_start3A_106 : memref<640x64xf32, #tpu.memory_space<hbm>>) target(%dma_start3A_104 : memref<640x64xf32, #tpu.memory_space<vmem_shared>>) target_semaphore(%run_scoped3A_103 : memref<!tpu.dma_semaphore, #tpu.memory_space<semaphore_mem>>)
        %dma_wait3A = arith.constant 0 : i32
        %dma_wait3A_107 = tpu.memref_slice %arg21[%mul3A_0, %dma_wait3A] : memref<10240x64xf32, #tpu.memory_space<vmem_shared>> -> memref<640x64xf32, #tpu.memory_space<vmem_shared>>
        %dma_wait3A_108 = arith.constant 0 : i32
        %dma_wait3A_109 = tpu.memref_slice %arg2[%mul3A_0, %dma_wait3A_108] : memref<10240x64xf32, #tpu.memory_space<hbm>> -> memref<640x64xf32, #tpu.memory_space<hbm>>
        tpu.wait_dma2 semaphore(%run_scoped3A_103 : memref<!tpu.dma_semaphore, #tpu.memory_space<semaphore_mem>>) src(%dma_wait3A_109 : memref<640x64xf32, #tpu.memory_space<hbm>>) dst(%dma_wait3A_107 : memref<640x64xf32, #tpu.memory_space<vmem_shared>>)
        tpu.yield
      }) : () -> ()
    } else {
    }
    %eq3A_3 = arith.constant 1 : i32
    %eq3A_4 = arith.cmpi eq, %arg0, %eq3A_3 : i32
    %convert_element_type3A_5 = arith.extui %eq3A_4 : i1 to i32
    %cond3A_6 = arith.constant 0 : i32
    %cond3A_7 = arith.cmpi ne, %convert_element_type3A_5, %cond3A_6 : i32
    scf.if %cond3A_7 {
      "tpu.region"() ({
        %run_scoped3A_103 = tpu.sem_alloc : memref<!tpu.dma_semaphore, #tpu.memory_space<semaphore_mem>>
        %dma_start3A = arith.constant 0 : i32
        %dma_start3A_104 = tpu.memref_slice %arg21[%mul3A_0, %dma_start3A] : memref<10240x64xf32, #tpu.memory_space<vmem_shared>> -> memref<640x64xf32, #tpu.memory_space<vmem_shared>>
        %dma_start3A_105 = arith.constant 0 : i32
        %dma_start3A_106 = tpu.memref_slice %arg3[%mul3A_0, %dma_start3A_105] : memref<10240x64xf32, #tpu.memory_space<hbm>> -> memref<640x64xf32, #tpu.memory_space<hbm>>
        tpu.enqueue_dma source(%dma_start3A_106 : memref<640x64xf32, #tpu.memory_space<hbm>>) target(%dma_start3A_104 : memref<640x64xf32, #tpu.memory_space<vmem_shared>>) target_semaphore(%run_scoped3A_103 : memref<!tpu.dma_semaphore, #tpu.memory_space<semaphore_mem>>)
        %dma_wait3A = arith.constant 0 : i32
        %dma_wait3A_107 = tpu.memref_slice %arg21[%mul3A_0, %dma_wait3A] : memref<10240x64xf32, #tpu.memory_space<vmem_shared>> -> memref<640x64xf32, #tpu.memory_space<vmem_shared>>
        %dma_wait3A_108 = arith.constant 0 : i32
        %dma_wait3A_109 = tpu.memref_slice %arg3[%mul3A_0, %dma_wait3A_108] : memref<10240x64xf32, #tpu.memory_space<hbm>> -> memref<640x64xf32, #tpu.memory_space<hbm>>
        tpu.wait_dma2 semaphore(%run_scoped3A_103 : memref<!tpu.dma_semaphore, #tpu.memory_space<semaphore_mem>>) src(%dma_wait3A_109 : memref<640x64xf32, #tpu.memory_space<hbm>>) dst(%dma_wait3A_107 : memref<640x64xf32, #tpu.memory_space<vmem_shared>>)
        tpu.yield
      }) : () -> ()
    } else {
    }
    %broadcast_in_dim3A = arith.constant 0.000000e+00 : f32
    %broadcast_in_dim3A_8 = vector.broadcast %broadcast_in_dim3A : f32 to vector<16xf32>
    %scan3A = arith.constant 0 : i32
    %scan3A_9 = arith.constant 0 : i32
    %scan3A_10 = arith.constant 128 : i32
    %scan3A_11 = arith.addi %scan3A_9, %scan3A_10 : i32
    %scan3A_12 = arith.constant 1 : i32
    scf.for %scan3A_103 = %scan3A_9 to %scan3A_11 step %scan3A_12  : i32 {
      %swap3A_104 = arith.constant 0 : i32
      %swap3A_105 = arith.index_cast %swap3A_104 : i32 to index
      %swap3A_106 = arith.index_cast %scan3A_103 : i32 to index
      %swap3A_107 = arith.constant 0 : index
      %swap3A_108 = tpu.vector_load %arg17[%swap3A_105, %swap3A_106, %swap3A_107] {strides = array<i32>} : memref<2x128x64xf32, #tpu.memory_space<vmem>>, vector<16xf32>,
      tpu.vector_store %arg17[%swap3A_105, %swap3A_106, %swap3A_107], %broadcast_in_dim3A_8 {strides = array<i32>} : memref<2x128x64xf32, #tpu.memory_space<vmem>>, vector<16xf32>,
      %swap3A_109 = arith.constant 0 : i32
      %swap3A_110 = arith.index_cast %swap3A_109 : i32 to index
      %swap3A_111 = arith.index_cast %scan3A_103 : i32 to index
      %swap3A_112 = arith.constant 16 : index
      %swap3A_113 = tpu.vector_load %arg17[%swap3A_110, %swap3A_111, %swap3A_112] {strides = array<i32>} : memref<2x128x64xf32, #tpu.memory_space<vmem>>, vector<16xf32>,
      tpu.vector_store %arg17[%swap3A_110, %swap3A_111, %swap3A_112], %broadcast_in_dim3A_8 {strides = array<i32>} : memref<2x128x64xf32, #tpu.memory_space<vmem>>, vector<16xf32>,
      %swap3A_114 = arith.constant 0 : i32
      %swap3A_115 = arith.index_cast %swap3A_114 : i32 to index
      %swap3A_116 = arith.index_cast %scan3A_103 : i32 to index
      %swap3A_117 = arith.constant 32 : index
      %swap3A_118 = tpu.vector_load %arg17[%swap3A_115, %swap3A_116, %swap3A_117] {strides = array<i32>} : memref<2x128x64xf32, #tpu.memory_space<vmem>>, vector<16xf32>,
      tpu.vector_store %arg17[%swap3A_115, %swap3A_116, %swap3A_117], %broadcast_in_dim3A_8 {strides = array<i32>} : memref<2x128x64xf32, #tpu.memory_space<vmem>>, vector<16xf32>,
      %swap3A_119 = arith.constant 0 : i32
      %swap3A_120 = arith.index_cast %swap3A_119 : i32 to index
      %swap3A_121 = arith.index_cast %scan3A_103 : i32 to index
      %swap3A_122 = arith.constant 48 : index
      %swap3A_123 = tpu.vector_load %arg17[%swap3A_120, %swap3A_121, %swap3A_122] {strides = array<i32>} : memref<2x128x64xf32, #tpu.memory_space<vmem>>, vector<16xf32>,
      tpu.vector_store %arg17[%swap3A_120, %swap3A_121, %swap3A_122], %broadcast_in_dim3A_8 {strides = array<i32>} : memref<2x128x64xf32, #tpu.memory_space<vmem>>, vector<16xf32>,
    }
    %scan3A_13 = arith.constant 128 : i32
    %swap3A = arith.constant 0 : i32
    %swap3A_14 = arith.index_cast %swap3A : i32 to index
    %swap3A_15 = arith.constant 0 : index
    %swap3A_16 = tpu.vector_load %arg18[%swap3A_14, %swap3A_15] {strides = array<i32>} : memref<2x128xf32, #tpu.memory_space<vmem>>, vector<16xf32>,
    tpu.vector_store %arg18[%swap3A_14, %swap3A_15], %broadcast_in_dim3A_8 {strides = array<i32>} : memref<2x128xf32, #tpu.memory_space<vmem>>, vector<16xf32>,
    %swap3A_17 = arith.constant 0 : i32
    %swap3A_18 = arith.index_cast %swap3A_17 : i32 to index
    %swap3A_19 = arith.constant 16 : index
    %swap3A_20 = tpu.vector_load %arg18[%swap3A_18, %swap3A_19] {strides = array<i32>} : memref<2x128xf32, #tpu.memory_space<vmem>>, vector<16xf32>,
    tpu.vector_store %arg18[%swap3A_18, %swap3A_19], %broadcast_in_dim3A_8 {strides = array<i32>} : memref<2x128xf32, #tpu.memory_space<vmem>>, vector<16xf32>,
    %swap3A_21 = arith.constant 0 : i32
    %swap3A_22 = arith.index_cast %swap3A_21 : i32 to index
    %swap3A_23 = arith.constant 32 : index
    %swap3A_24 = tpu.vector_load %arg18[%swap3A_22, %swap3A_23] {strides = array<i32>} : memref<2x128xf32, #tpu.memory_space<vmem>>, vector<16xf32>,
    tpu.vector_store %arg18[%swap3A_22, %swap3A_23], %broadcast_in_dim3A_8 {strides = array<i32>} : memref<2x128xf32, #tpu.memory_space<vmem>>, vector<16xf32>,
    %swap3A_25 = arith.constant 0 : i32
    %swap3A_26 = arith.index_cast %swap3A_25 : i32 to index
    %swap3A_27 = arith.constant 48 : index
    %swap3A_28 = tpu.vector_load %arg18[%swap3A_26, %swap3A_27] {strides = array<i32>} : memref<2x128xf32, #tpu.memory_space<vmem>>, vector<16xf32>,
    tpu.vector_store %arg18[%swap3A_26, %swap3A_27], %broadcast_in_dim3A_8 {strides = array<i32>} : memref<2x128xf32, #tpu.memory_space<vmem>>, vector<16xf32>,
    %swap3A_29 = arith.constant 0 : i32
    %swap3A_30 = arith.index_cast %swap3A_29 : i32 to index
    %swap3A_31 = arith.constant 64 : index
    %swap3A_32 = tpu.vector_load %arg18[%swap3A_30, %swap3A_31] {strides = array<i32>} : memref<2x128xf32, #tpu.memory_space<vmem>>, vector<16xf32>,
    tpu.vector_store %arg18[%swap3A_30, %swap3A_31], %broadcast_in_dim3A_8 {strides = array<i32>} : memref<2x128xf32, #tpu.memory_space<vmem>>, vector<16xf32>,
    %swap3A_33 = arith.constant 0 : i32
    %swap3A_34 = arith.index_cast %swap3A_33 : i32 to index
    %swap3A_35 = arith.constant 80 : index
    %swap3A_36 = tpu.vector_load %arg18[%swap3A_34, %swap3A_35] {strides = array<i32>} : memref<2x128xf32, #tpu.memory_space<vmem>>, vector<16xf32>,
    tpu.vector_store %arg18[%swap3A_34, %swap3A_35], %broadcast_in_dim3A_8 {strides = array<i32>} : memref<2x128xf32, #tpu.memory_space<vmem>>, vector<16xf32>,
    %swap3A_37 = arith.constant 0 : i32
    %swap3A_38 = arith.index_cast %swap3A_37 : i32 to index
    %swap3A_39 = arith.constant 96 : index
    %swap3A_40 = tpu.vector_load %arg18[%swap3A_38, %swap3A_39] {strides = array<i32>} : memref<2x128xf32, #tpu.memory_space<vmem>>, vector<16xf32>,
    tpu.vector_store %arg18[%swap3A_38, %swap3A_39], %broadcast_in_dim3A_8 {strides = array<i32>} : memref<2x128xf32, #tpu.memory_space<vmem>>, vector<16xf32>,
    %swap3A_41 = arith.constant 0 : i32
    %swap3A_42 = arith.index_cast %swap3A_41 : i32 to index
    %swap3A_43 = arith.constant 112 : index
    %swap3A_44 = tpu.vector_load %arg18[%swap3A_42, %swap3A_43] {strides = array<i32>} : memref<2x128xf32, #tpu.memory_space<vmem>>, vector<16xf32>,
    tpu.vector_store %arg18[%swap3A_42, %swap3A_43], %broadcast_in_dim3A_8 {strides = array<i32>} : memref<2x128xf32, #tpu.memory_space<vmem>>, vector<16xf32>,
    %mul3A_45 = arith.constant 640 : i32
    %mul3A_46 = arith.muli %arg1, %mul3A_45 : i32
    %add3A = arith.constant 0 : i32
    %add3A_47 = arith.addi %mul3A_46, %add3A : i32
    %run_scoped3A = arith.constant 0 : i32
    "tpu.region"() ({
      %run_scoped3A_103 = tpu.sem_alloc : memref<!tpu.dma_semaphore, #tpu.memory_space<semaphore_mem>>
      %dma_start3A = arith.constant 0 : i32
      %dma_start3A_104 = arith.constant 0 : i32
      %dma_start3A_105 = tpu.memref_slice %arg17[%run_scoped3A, %dma_start3A, %dma_start3A_104] : memref<2x128x64xf32, #tpu.memory_space<vmem>> -> memref<1x128x64xf32, #tpu.memory_space<vmem>>
      %dma_start3A_106 = tpu.memref_squeeze %dma_start3A_105 : memref<1x128x64xf32, #tpu.memory_space<vmem>> -> memref<128x64xf32, #tpu.memory_space<vmem>>
      %dma_start3A_107 = arith.constant 0 : i32
      %dma_start3A_108 = tpu.memref_slice %arg20[%add3A_47, %dma_start3A_107] : memref<10240x64xf32, #tpu.memory_space<vmem_shared>> -> memref<128x64xf32, #tpu.memory_space<vmem_shared>>
      %dma_start3A_109 = arith.constant 0 : i32
      %dma_start3A_110 = tpu.memref_slice %arg20[%add3A_47, %dma_start3A_109] : memref<10240x64xf32, #tpu.memory_space<vmem_shared>> -> memref<128x64xf32, #tpu.memory_space<vmem_shared>>
      %dma_start3A_111 = arith.constant 0 : i32
      %dma_start3A_112 = arith.constant 0 : i32
      %dma_start3A_113 = tpu.memref_slice %arg17[%run_scoped3A, %dma_start3A_111, %dma_start3A_112] : memref<2x128x64xf32, #tpu.memory_space<vmem>> -> memref<1x128x64xf32, #tpu.memory_space<vmem>>
      %dma_start3A_114 = tpu.memref_squeeze %dma_start3A_113 : memref<1x128x64xf32, #tpu.memory_space<vmem>> -> memref<128x64xf32, #tpu.memory_space<vmem>>
      tpu.enqueue_dma source(%dma_start3A_114 : memref<128x64xf32, #tpu.memory_space<vmem>>) target(%dma_start3A_110 : memref<128x64xf32, #tpu.memory_space<vmem_shared>>) target_semaphore(%run_scoped3A_103 : memref<!tpu.dma_semaphore, #tpu.memory_space<semaphore_mem>>)
      %dma_wait3A = arith.constant 0 : i32
      %dma_wait3A_115 = arith.constant 0 : i32
      %dma_wait3A_116 = tpu.memref_slice %arg17[%run_scoped3A, %dma_wait3A, %dma_wait3A_115] : memref<2x128x64xf32, #tpu.memory_space<vmem>> -> memref<1x128x64xf32, #tpu.memory_space<vmem>>
      %dma_wait3A_117 = tpu.memref_squeeze %dma_wait3A_116 : memref<1x128x64xf32, #tpu.memory_space<vmem>> -> memref<128x64xf32, #tpu.memory_space<vmem>>
      %dma_wait3A_118 = arith.constant 0 : i32
      %dma_wait3A_119 = tpu.memref_slice %arg20[%add3A_47, %dma_wait3A_118] : memref<10240x64xf32, #tpu.memory_space<vmem_shared>> -> memref<128x64xf32, #tpu.memory_space<vmem_shared>>
      %dma_wait3A_120 = arith.constant 0 : i32
      %dma_wait3A_121 = tpu.memref_slice %arg20[%add3A_47, %dma_wait3A_120] : memref<10240x64xf32, #tpu.memory_space<vmem_shared>> -> memref<128x64xf32, #tpu.memory_space<vmem_shared>>
      %dma_wait3A_122 = arith.constant 0 : i32
      %dma_wait3A_123 = arith.constant 0 : i32
      %dma_wait3A_124 = tpu.memref_slice %arg17[%run_scoped3A, %dma_wait3A_122, %dma_wait3A_123] : memref<2x128x64xf32, #tpu.memory_space<vmem>> -> memref<1x128x64xf32, #tpu.memory_space<vmem>>
      %dma_wait3A_125 = tpu.memref_squeeze %dma_wait3A_124 : memref<1x128x64xf32, #tpu.memory_space<vmem>> -> memref<128x64xf32, #tpu.memory_space<vmem>>
      tpu.wait_dma2 semaphore(%run_scoped3A_103 : memref<!tpu.dma_semaphore, #tpu.memory_space<semaphore_mem>>) src(%dma_wait3A_125 : memref<128x64xf32, #tpu.memory_space<vmem>>) dst(%dma_wait3A_121 : memref<128x64xf32, #tpu.memory_space<vmem_shared>>)
      tpu.yield
    }) : () -> ()
    %run_scoped3A_48 = arith.constant 0 : i32
    "tpu.region"() ({
      %run_scoped3A_103 = tpu.sem_alloc : memref<!tpu.dma_semaphore, #tpu.memory_space<semaphore_mem>>
      %dma_start3A = arith.constant 0 : i32
      %dma_start3A_104 = tpu.memref_slice %arg18[%run_scoped3A_48, %dma_start3A] : memref<2x128xf32, #tpu.memory_space<vmem>> -> memref<1x128xf32, #tpu.memory_space<vmem>>
      %dma_start3A_105 = tpu.memref_squeeze %dma_start3A_104 : memref<1x128xf32, #tpu.memory_space<vmem>> -> memref<128xf32, #tpu.memory_space<vmem>>
      %dma_start3A_106 = tpu.memref_slice %arg22[%add3A_47] : memref<10240xf32, #tpu.memory_space<vmem_shared>> -> memref<128xf32, #tpu.memory_space<vmem_shared>>
      %dma_start3A_107 = tpu.memref_slice %arg22[%add3A_47] : memref<10240xf32, #tpu.memory_space<vmem_shared>> -> memref<128xf32, #tpu.memory_space<vmem_shared>>
      %dma_start3A_108 = arith.constant 0 : i32
      %dma_start3A_109 = tpu.memref_slice %arg18[%run_scoped3A_48, %dma_start3A_108] : memref<2x128xf32, #tpu.memory_space<vmem>> -> memref<1x128xf32, #tpu.memory_space<vmem>>
      %dma_start3A_110 = tpu.memref_squeeze %dma_start3A_109 : memref<1x128xf32, #tpu.memory_space<vmem>> -> memref<128xf32, #tpu.memory_space<vmem>>
      tpu.enqueue_dma source(%dma_start3A_110 : memref<128xf32, #tpu.memory_space<vmem>>) target(%dma_start3A_107 : memref<128xf32, #tpu.memory_space<vmem_shared>>) target_semaphore(%run_scoped3A_103 : memref<!tpu.dma_semaphore, #tpu.memory_space<semaphore_mem>>)
      %dma_wait3A = arith.constant 0 : i32
      %dma_wait3A_111 = tpu.memref_slice %arg18[%run_scoped3A_48, %dma_wait3A] : memref<2x128xf32, #tpu.memory_space<vmem>> -> memref<1x128xf32, #tpu.memory_space<vmem>>
      %dma_wait3A_112 = tpu.memref_squeeze %dma_wait3A_111 : memref<1x128xf32, #tpu.memory_space<vmem>> -> memref<128xf32, #tpu.memory_space<vmem>>
      %dma_wait3A_113 = tpu.memref_slice %arg22[%add3A_47] : memref<10240xf32, #tpu.memory_space<vmem_shared>> -> memref<128xf32, #tpu.memory_space<vmem_shared>>
      %dma_wait3A_114 = tpu.memref_slice %arg22[%add3A_47] : memref<10240xf32, #tpu.memory_space<vmem_shared>> -> memref<128xf32, #tpu.memory_space<vmem_shared>>
      %dma_wait3A_115 = arith.constant 0 : i32
      %dma_wait3A_116 = tpu.memref_slice %arg18[%run_scoped3A_48, %dma_wait3A_115] : memref<2x128xf32, #tpu.memory_space<vmem>> -> memref<1x128xf32, #tpu.memory_space<vmem>>
      %dma_wait3A_117 = tpu.memref_squeeze %dma_wait3A_116 : memref<1x128xf32, #tpu.memory_space<vmem>> -> memref<128xf32, #tpu.memory_space<vmem>>
      tpu.wait_dma2 semaphore(%run_scoped3A_103 : memref<!tpu.dma_semaphore, #tpu.memory_space<semaphore_mem>>) src(%dma_wait3A_117 : memref<128xf32, #tpu.memory_space<vmem>>) dst(%dma_wait3A_114 : memref<128xf32, #tpu.memory_space<vmem_shared>>)
      tpu.yield
    }) : () -> ()
    %mul3A_49 = arith.constant 640 : i32
    %mul3A_50 = arith.muli %arg1, %mul3A_49 : i32
    %add3A_51 = arith.constant 128 : i32
    %add3A_52 = arith.addi %mul3A_50, %add3A_51 : i32
    %run_scoped3A_53 = arith.constant 0 : i32
    "tpu.region"() ({
      %run_scoped3A_103 = tpu.sem_alloc : memref<!tpu.dma_semaphore, #tpu.memory_space<semaphore_mem>>
      %dma_start3A = arith.constant 0 : i32
      %dma_start3A_104 = arith.constant 0 : i32
      %dma_start3A_105 = tpu.memref_slice %arg17[%run_scoped3A_53, %dma_start3A, %dma_start3A_104] : memref<2x128x64xf32, #tpu.memory_space<vmem>> -> memref<1x128x64xf32, #tpu.memory_space<vmem>>
      %dma_start3A_106 = tpu.memref_squeeze %dma_start3A_105 : memref<1x128x64xf32, #tpu.memory_space<vmem>> -> memref<128x64xf32, #tpu.memory_space<vmem>>
      %dma_start3A_107 = arith.constant 0 : i32
      %dma_start3A_108 = tpu.memref_slice %arg20[%add3A_52, %dma_start3A_107] : memref<10240x64xf32, #tpu.memory_space<vmem_shared>> -> memref<128x64xf32, #tpu.memory_space<vmem_shared>>
      %dma_start3A_109 = arith.constant 0 : i32
      %dma_start3A_110 = tpu.memref_slice %arg20[%add3A_52, %dma_start3A_109] : memref<10240x64xf32, #tpu.memory_space<vmem_shared>> -> memref<128x64xf32, #tpu.memory_space<vmem_shared>>
      %dma_start3A_111 = arith.constant 0 : i32
      %dma_start3A_112 = arith.constant 0 : i32
      %dma_start3A_113 = tpu.memref_slice %arg17[%run_scoped3A_53, %dma_start3A_111, %dma_start3A_112] : memref<2x128x64xf32, #tpu.memory_space<vmem>> -> memref<1x128x64xf32, #tpu.memory_space<vmem>>
      %dma_start3A_114 = tpu.memref_squeeze %dma_start3A_113 : memref<1x128x64xf32, #tpu.memory_space<vmem>> -> memref<128x64xf32, #tpu.memory_space<vmem>>
      tpu.enqueue_dma source(%dma_start3A_114 : memref<128x64xf32, #tpu.memory_space<vmem>>) target(%dma_start3A_110 : memref<128x64xf32, #tpu.memory_space<vmem_shared>>) target_semaphore(%run_scoped3A_103 : memref<!tpu.dma_semaphore, #tpu.memory_space<semaphore_mem>>)
      %dma_wait3A = arith.constant 0 : i32
      %dma_wait3A_115 = arith.constant 0 : i32
      %dma_wait3A_116 = tpu.memref_slice %arg17[%run_scoped3A_53, %dma_wait3A, %dma_wait3A_115] : memref<2x128x64xf32, #tpu.memory_space<vmem>> -> memref<1x128x64xf32, #tpu.memory_space<vmem>>
      %dma_wait3A_117 = tpu.memref_squeeze %dma_wait3A_116 : memref<1x128x64xf32, #tpu.memory_space<vmem>> -> memref<128x64xf32, #tpu.memory_space<vmem>>
      %dma_wait3A_118 = arith.constant 0 : i32
      %dma_wait3A_119 = tpu.memref_slice %arg20[%add3A_52, %dma_wait3A_118] : memref<10240x64xf32, #tpu.memory_space<vmem_shared>> -> memref<128x64xf32, #tpu.memory_space<vmem_shared>>
      %dma_wait3A_120 = arith.constant 0 : i32
      %dma_wait3A_121 = tpu.memref_slice %arg20[%add3A_52, %dma_wait3A_120] : memref<10240x64xf32, #tpu.memory_space<vmem_shared>> -> memref<128x64xf32, #tpu.memory_space<vmem_shared>>
      %dma_wait3A_122 = arith.constant 0 : i32
      %dma_wait3A_123 = arith.constant 0 : i32
      %dma_wait3A_124 = tpu.memref_slice %arg17[%run_scoped3A_53, %dma_wait3A_122, %dma_wait3A_123] : memref<2x128x64xf32, #tpu.memory_space<vmem>> -> memref<1x128x64xf32, #tpu.memory_space<vmem>>
      %dma_wait3A_125 = tpu.memref_squeeze %dma_wait3A_124 : memref<1x128x64xf32, #tpu.memory_space<vmem>> -> memref<128x64xf32, #tpu.memory_space<vmem>>
      tpu.wait_dma2 semaphore(%run_scoped3A_103 : memref<!tpu.dma_semaphore, #tpu.memory_space<semaphore_mem>>) src(%dma_wait3A_125 : memref<128x64xf32, #tpu.memory_space<vmem>>) dst(%dma_wait3A_121 : memref<128x64xf32, #tpu.memory_space<vmem_shared>>)
      tpu.yield
    }) : () -> ()
    %run_scoped3A_54 = arith.constant 0 : i32
    "tpu.region"() ({
      %run_scoped3A_103 = tpu.sem_alloc : memref<!tpu.dma_semaphore, #tpu.memory_space<semaphore_mem>>
      %dma_start3A = arith.constant 0 : i32
      %dma_start3A_104 = tpu.memref_slice %arg18[%run_scoped3A_54, %dma_start3A] : memref<2x128xf32, #tpu.memory_space<vmem>> -> memref<1x128xf32, #tpu.memory_space<vmem>>
      %dma_start3A_105 = tpu.memref_squeeze %dma_start3A_104 : memref<1x128xf32, #tpu.memory_space<vmem>> -> memref<128xf32, #tpu.memory_space<vmem>>
      %dma_start3A_106 = tpu.memref_slice %arg22[%add3A_52] : memref<10240xf32, #tpu.memory_space<vmem_shared>> -> memref<128xf32, #tpu.memory_space<vmem_shared>>
      %dma_start3A_107 = tpu.memref_slice %arg22[%add3A_52] : memref<10240xf32, #tpu.memory_space<vmem_shared>> -> memref<128xf32, #tpu.memory_space<vmem_shared>>
      %dma_start3A_108 = arith.constant 0 : i32
      %dma_start3A_109 = tpu.memref_slice %arg18[%run_scoped3A_54, %dma_start3A_108] : memref<2x128xf32, #tpu.memory_space<vmem>> -> memref<1x128xf32, #tpu.memory_space<vmem>>
      %dma_start3A_110 = tpu.memref_squeeze %dma_start3A_109 : memref<1x128xf32, #tpu.memory_space<vmem>> -> memref<128xf32, #tpu.memory_space<vmem>>
      tpu.enqueue_dma source(%dma_start3A_110 : memref<128xf32, #tpu.memory_space<vmem>>) target(%dma_start3A_107 : memref<128xf32, #tpu.memory_space<vmem_shared>>) target_semaphore(%run_scoped3A_103 : memref<!tpu.dma_semaphore, #tpu.memory_space<semaphore_mem>>)
      %dma_wait3A = arith.constant 0 : i32
      %dma_wait3A_111 = tpu.memref_slice %arg18[%run_scoped3A_54, %dma_wait3A] : memref<2x128xf32, #tpu.memory_space<vmem>> -> memref<1x128xf32, #tpu.memory_space<vmem>>
      %dma_wait3A_112 = tpu.memref_squeeze %dma_wait3A_111 : memref<1x128xf32, #tpu.memory_space<vmem>> -> memref<128xf32, #tpu.memory_space<vmem>>
      %dma_wait3A_113 = tpu.memref_slice %arg22[%add3A_52] : memref<10240xf32, #tpu.memory_space<vmem_shared>> -> memref<128xf32, #tpu.memory_space<vmem_shared>>
      %dma_wait3A_114 = tpu.memref_slice %arg22[%add3A_52] : memref<10240xf32, #tpu.memory_space<vmem_shared>> -> memref<128xf32, #tpu.memory_space<vmem_shared>>
      %dma_wait3A_115 = arith.constant 0 : i32
      %dma_wait3A_116 = tpu.memref_slice %arg18[%run_scoped3A_54, %dma_wait3A_115] : memref<2x128xf32, #tpu.memory_space<vmem>> -> memref<1x128xf32, #tpu.memory_space<vmem>>
      %dma_wait3A_117 = tpu.memref_squeeze %dma_wait3A_116 : memref<1x128xf32, #tpu.memory_space<vmem>> -> memref<128xf32, #tpu.memory_space<vmem>>
      tpu.wait_dma2 semaphore(%run_scoped3A_103 : memref<!tpu.dma_semaphore, #tpu.memory_space<semaphore_mem>>) src(%dma_wait3A_117 : memref<128xf32, #tpu.memory_space<vmem>>) dst(%dma_wait3A_114 : memref<128xf32, #tpu.memory_space<vmem_shared>>)
      tpu.yield
    }) : () -> ()
    %mul3A_55 = arith.constant 640 : i32
    %mul3A_56 = arith.muli %arg1, %mul3A_55 : i32
    %add3A_57 = arith.constant 256 : i32
    %add3A_58 = arith.addi %mul3A_56, %add3A_57 : i32
    %run_scoped3A_59 = arith.constant 0 : i32
    "tpu.region"() ({
      %run_scoped3A_103 = tpu.sem_alloc : memref<!tpu.dma_semaphore, #tpu.memory_space<semaphore_mem>>
      %dma_start3A = arith.constant 0 : i32
      %dma_start3A_104 = arith.constant 0 : i32
      %dma_start3A_105 = tpu.memref_slice %arg17[%run_scoped3A_59, %dma_start3A, %dma_start3A_104] : memref<2x128x64xf32, #tpu.memory_space<vmem>> -> memref<1x128x64xf32, #tpu.memory_space<vmem>>
      %dma_start3A_106 = tpu.memref_squeeze %dma_start3A_105 : memref<1x128x64xf32, #tpu.memory_space<vmem>> -> memref<128x64xf32, #tpu.memory_space<vmem>>
      %dma_start3A_107 = arith.constant 0 : i32
      %dma_start3A_108 = tpu.memref_slice %arg20[%add3A_58, %dma_start3A_107] : memref<10240x64xf32, #tpu.memory_space<vmem_shared>> -> memref<128x64xf32, #tpu.memory_space<vmem_shared>>
      %dma_start3A_109 = arith.constant 0 : i32
      %dma_start3A_110 = tpu.memref_slice %arg20[%add3A_58, %dma_start3A_109] : memref<10240x64xf32, #tpu.memory_space<vmem_shared>> -> memref<128x64xf32, #tpu.memory_space<vmem_shared>>
      %dma_start3A_111 = arith.constant 0 : i32
      %dma_start3A_112 = arith.constant 0 : i32
      %dma_start3A_113 = tpu.memref_slice %arg17[%run_scoped3A_59, %dma_start3A_111, %dma_start3A_112] : memref<2x128x64xf32, #tpu.memory_space<vmem>> -> memref<1x128x64xf32, #tpu.memory_space<vmem>>
      %dma_start3A_114 = tpu.memref_squeeze %dma_start3A_113 : memref<1x128x64xf32, #tpu.memory_space<vmem>> -> memref<128x64xf32, #tpu.memory_space<vmem>>
      tpu.enqueue_dma source(%dma_start3A_114 : memref<128x64xf32, #tpu.memory_space<vmem>>) target(%dma_start3A_110 : memref<128x64xf32, #tpu.memory_space<vmem_shared>>) target_semaphore(%run_scoped3A_103 : memref<!tpu.dma_semaphore, #tpu.memory_space<semaphore_mem>>)
      %dma_wait3A = arith.constant 0 : i32
      %dma_wait3A_115 = arith.constant 0 : i32
      %dma_wait3A_116 = tpu.memref_slice %arg17[%run_scoped3A_59, %dma_wait3A, %dma_wait3A_115] : memref<2x128x64xf32, #tpu.memory_space<vmem>> -> memref<1x128x64xf32, #tpu.memory_space<vmem>>
      %dma_wait3A_117 = tpu.memref_squeeze %dma_wait3A_116 : memref<1x128x64xf32, #tpu.memory_space<vmem>> -> memref<128x64xf32, #tpu.memory_space<vmem>>
      %dma_wait3A_118 = arith.constant 0 : i32
      %dma_wait3A_119 = tpu.memref_slice %arg20[%add3A_58, %dma_wait3A_118] : memref<10240x64xf32, #tpu.memory_space<vmem_shared>> -> memref<128x64xf32, #tpu.memory_space<vmem_shared>>
      %dma_wait3A_120 = arith.constant 0 : i32
      %dma_wait3A_121 = tpu.memref_slice %arg20[%add3A_58, %dma_wait3A_120] : memref<10240x64xf32, #tpu.memory_space<vmem_shared>> -> memref<128x64xf32, #tpu.memory_space<vmem_shared>>
      %dma_wait3A_122 = arith.constant 0 : i32
      %dma_wait3A_123 = arith.constant 0 : i32
      %dma_wait3A_124 = tpu.memref_slice %arg17[%run_scoped3A_59, %dma_wait3A_122, %dma_wait3A_123] : memref<2x128x64xf32, #tpu.memory_space<vmem>> -> memref<1x128x64xf32, #tpu.memory_space<vmem>>
      %dma_wait3A_125 = tpu.memref_squeeze %dma_wait3A_124 : memref<1x128x64xf32, #tpu.memory_space<vmem>> -> memref<128x64xf32, #tpu.memory_space<vmem>>
      tpu.wait_dma2 semaphore(%run_scoped3A_103 : memref<!tpu.dma_semaphore, #tpu.memory_space<semaphore_mem>>) src(%dma_wait3A_125 : memref<128x64xf32, #tpu.memory_space<vmem>>) dst(%dma_wait3A_121 : memref<128x64xf32, #tpu.memory_space<vmem_shared>>)
      tpu.yield
    }) : () -> ()
    %run_scoped3A_60 = arith.constant 0 : i32
    "tpu.region"() ({
      %run_scoped3A_103 = tpu.sem_alloc : memref<!tpu.dma_semaphore, #tpu.memory_space<semaphore_mem>>
      %dma_start3A = arith.constant 0 : i32
      %dma_start3A_104 = tpu.memref_slice %arg18[%run_scoped3A_60, %dma_start3A] : memref<2x128xf32, #tpu.memory_space<vmem>> -> memref<1x128xf32, #tpu.memory_space<vmem>>
      %dma_start3A_105 = tpu.memref_squeeze %dma_start3A_104 : memref<1x128xf32, #tpu.memory_space<vmem>> -> memref<128xf32, #tpu.memory_space<vmem>>
      %dma_start3A_106 = tpu.memref_slice %arg22[%add3A_58] : memref<10240xf32, #tpu.memory_space<vmem_shared>> -> memref<128xf32, #tpu.memory_space<vmem_shared>>
      %dma_start3A_107 = tpu.memref_slice %arg22[%add3A_58] : memref<10240xf32, #tpu.memory_space<vmem_shared>> -> memref<128xf32, #tpu.memory_space<vmem_shared>>
      %dma_start3A_108 = arith.constant 0 : i32
      %dma_start3A_109 = tpu.memref_slice %arg18[%run_scoped3A_60, %dma_start3A_108] : memref<2x128xf32, #tpu.memory_space<vmem>> -> memref<1x128xf32, #tpu.memory_space<vmem>>
      %dma_start3A_110 = tpu.memref_squeeze %dma_start3A_109 : memref<1x128xf32, #tpu.memory_space<vmem>> -> memref<128xf32, #tpu.memory_space<vmem>>
      tpu.enqueue_dma source(%dma_start3A_110 : memref<128xf32, #tpu.memory_space<vmem>>) target(%dma_start3A_107 : memref<128xf32, #tpu.memory_space<vmem_shared>>) target_semaphore(%run_scoped3A_103 : memref<!tpu.dma_semaphore, #tpu.memory_space<semaphore_mem>>)
      %dma_wait3A = arith.constant 0 : i32
      %dma_wait3A_111 = tpu.memref_slice %arg18[%run_scoped3A_60, %dma_wait3A] : memref<2x128xf32, #tpu.memory_space<vmem>> -> memref<1x128xf32, #tpu.memory_space<vmem>>
      %dma_wait3A_112 = tpu.memref_squeeze %dma_wait3A_111 : memref<1x128xf32, #tpu.memory_space<vmem>> -> memref<128xf32, #tpu.memory_space<vmem>>
      %dma_wait3A_113 = tpu.memref_slice %arg22[%add3A_58] : memref<10240xf32, #tpu.memory_space<vmem_shared>> -> memref<128xf32, #tpu.memory_space<vmem_shared>>
      %dma_wait3A_114 = tpu.memref_slice %arg22[%add3A_58] : memref<10240xf32, #tpu.memory_space<vmem_shared>> -> memref<128xf32, #tpu.memory_space<vmem_shared>>
      %dma_wait3A_115 = arith.constant 0 : i32
      %dma_wait3A_116 = tpu.memref_slice %arg18[%run_scoped3A_60, %dma_wait3A_115] : memref<2x128xf32, #tpu.memory_space<vmem>> -> memref<1x128xf32, #tpu.memory_space<vmem>>
      %dma_wait3A_117 = tpu.memref_squeeze %dma_wait3A_116 : memref<1x128xf32, #tpu.memory_space<vmem>> -> memref<128xf32, #tpu.memory_space<vmem>>
      tpu.wait_dma2 semaphore(%run_scoped3A_103 : memref<!tpu.dma_semaphore, #tpu.memory_space<semaphore_mem>>) src(%dma_wait3A_117 : memref<128xf32, #tpu.memory_space<vmem>>) dst(%dma_wait3A_114 : memref<128xf32, #tpu.memory_space<vmem_shared>>)
      tpu.yield
    }) : () -> ()
    %mul3A_61 = arith.constant 640 : i32
    %mul3A_62 = arith.muli %arg1, %mul3A_61 : i32
    %add3A_63 = arith.constant 384 : i32
    %add3A_64 = arith.addi %mul3A_62, %add3A_63 : i32
    %run_scoped3A_65 = arith.constant 0 : i32
    "tpu.region"() ({
      %run_scoped3A_103 = tpu.sem_alloc : memref<!tpu.dma_semaphore, #tpu.memory_space<semaphore_mem>>
      %dma_start3A = arith.constant 0 : i32
      %dma_start3A_104 = arith.constant 0 : i32
      %dma_start3A_105 = tpu.memref_slice %arg17[%run_scoped3A_65, %dma_start3A, %dma_start3A_104] : memref<2x128x64xf32, #tpu.memory_space<vmem>> -> memref<1x128x64xf32, #tpu.memory_space<vmem>>
      %dma_start3A_106 = tpu.memref_squeeze %dma_start3A_105 : memref<1x128x64xf32, #tpu.memory_space<vmem>> -> memref<128x64xf32, #tpu.memory_space<vmem>>
      %dma_start3A_107 = arith.constant 0 : i32
      %dma_start3A_108 = tpu.memref_slice %arg20[%add3A_64, %dma_start3A_107] : memref<10240x64xf32, #tpu.memory_space<vmem_shared>> -> memref<128x64xf32, #tpu.memory_space<vmem_shared>>
      %dma_start3A_109 = arith.constant 0 : i32
      %dma_start3A_110 = tpu.memref_slice %arg20[%add3A_64, %dma_start3A_109] : memref<10240x64xf32, #tpu.memory_space<vmem_shared>> -> memref<128x64xf32, #tpu.memory_space<vmem_shared>>
      %dma_start3A_111 = arith.constant 0 : i32
      %dma_start3A_112 = arith.constant 0 : i32
      %dma_start3A_113 = tpu.memref_slice %arg17[%run_scoped3A_65, %dma_start3A_111, %dma_start3A_112] : memref<2x128x64xf32, #tpu.memory_space<vmem>> -> memref<1x128x64xf32, #tpu.memory_space<vmem>>
      %dma_start3A_114 = tpu.memref_squeeze %dma_start3A_113 : memref<1x128x64xf32, #tpu.memory_space<vmem>> -> memref<128x64xf32, #tpu.memory_space<vmem>>
      tpu.enqueue_dma source(%dma_start3A_114 : memref<128x64xf32, #tpu.memory_space<vmem>>) target(%dma_start3A_110 : memref<128x64xf32, #tpu.memory_space<vmem_shared>>) target_semaphore(%run_scoped3A_103 : memref<!tpu.dma_semaphore, #tpu.memory_space<semaphore_mem>>)
      %dma_wait3A = arith.constant 0 : i32
      %dma_wait3A_115 = arith.constant 0 : i32
      %dma_wait3A_116 = tpu.memref_slice %arg17[%run_scoped3A_65, %dma_wait3A, %dma_wait3A_115] : memref<2x128x64xf32, #tpu.memory_space<vmem>> -> memref<1x128x64xf32, #tpu.memory_space<vmem>>
      %dma_wait3A_117 = tpu.memref_squeeze %dma_wait3A_116 : memref<1x128x64xf32, #tpu.memory_space<vmem>> -> memref<128x64xf32, #tpu.memory_space<vmem>>
      %dma_wait3A_118 = arith.constant 0 : i32
      %dma_wait3A_119 = tpu.memref_slice %arg20[%add3A_64, %dma_wait3A_118] : memref<10240x64xf32, #tpu.memory_space<vmem_shared>> -> memref<128x64xf32, #tpu.memory_space<vmem_shared>>
      %dma_wait3A_120 = arith.constant 0 : i32
      %dma_wait3A_121 = tpu.memref_slice %arg20[%add3A_64, %dma_wait3A_120] : memref<10240x64xf32, #tpu.memory_space<vmem_shared>> -> memref<128x64xf32, #tpu.memory_space<vmem_shared>>
      %dma_wait3A_122 = arith.constant 0 : i32
      %dma_wait3A_123 = arith.constant 0 : i32
      %dma_wait3A_124 = tpu.memref_slice %arg17[%run_scoped3A_65, %dma_wait3A_122, %dma_wait3A_123] : memref<2x128x64xf32, #tpu.memory_space<vmem>> -> memref<1x128x64xf32, #tpu.memory_space<vmem>>
      %dma_wait3A_125 = tpu.memref_squeeze %dma_wait3A_124 : memref<1x128x64xf32, #tpu.memory_space<vmem>> -> memref<128x64xf32, #tpu.memory_space<vmem>>
      tpu.wait_dma2 semaphore(%run_scoped3A_103 : memref<!tpu.dma_semaphore, #tpu.memory_space<semaphore_mem>>) src(%dma_wait3A_125 : memref<128x64xf32, #tpu.memory_space<vmem>>) dst(%dma_wait3A_121 : memref<128x64xf32, #tpu.memory_space<vmem_shared>>)
      tpu.yield
    }) : () -> ()
    %run_scoped3A_66 = arith.constant 0 : i32
    "tpu.region"() ({
      %run_scoped3A_103 = tpu.sem_alloc : memref<!tpu.dma_semaphore, #tpu.memory_space<semaphore_mem>>
      %dma_start3A = arith.constant 0 : i32
      %dma_start3A_104 = tpu.memref_slice %arg18[%run_scoped3A_66, %dma_start3A] : memref<2x128xf32, #tpu.memory_space<vmem>> -> memref<1x128xf32, #tpu.memory_space<vmem>>
      %dma_start3A_105 = tpu.memref_squeeze %dma_start3A_104 : memref<1x128xf32, #tpu.memory_space<vmem>> -> memref<128xf32, #tpu.memory_space<vmem>>
      %dma_start3A_106 = tpu.memref_slice %arg22[%add3A_64] : memref<10240xf32, #tpu.memory_space<vmem_shared>> -> memref<128xf32, #tpu.memory_space<vmem_shared>>
      %dma_start3A_107 = tpu.memref_slice %arg22[%add3A_64] : memref<10240xf32, #tpu.memory_space<vmem_shared>> -> memref<128xf32, #tpu.memory_space<vmem_shared>>
      %dma_start3A_108 = arith.constant 0 : i32
      %dma_start3A_109 = tpu.memref_slice %arg18[%run_scoped3A_66, %dma_start3A_108] : memref<2x128xf32, #tpu.memory_space<vmem>> -> memref<1x128xf32, #tpu.memory_space<vmem>>
      %dma_start3A_110 = tpu.memref_squeeze %dma_start3A_109 : memref<1x128xf32, #tpu.memory_space<vmem>> -> memref<128xf32, #tpu.memory_space<vmem>>
      tpu.enqueue_dma source(%dma_start3A_110 : memref<128xf32, #tpu.memory_space<vmem>>) target(%dma_start3A_107 : memref<128xf32, #tpu.memory_space<vmem_shared>>) target_semaphore(%run_scoped3A_103 : memref<!tpu.dma_semaphore, #tpu.memory_space<semaphore_mem>>)
      %dma_wait3A = arith.constant 0 : i32
      %dma_wait3A_111 = tpu.memref_slice %arg18[%run_scoped3A_66, %dma_wait3A] : memref<2x128xf32, #tpu.memory_space<vmem>> -> memref<1x128xf32, #tpu.memory_space<vmem>>
      %dma_wait3A_112 = tpu.memref_squeeze %dma_wait3A_111 : memref<1x128xf32, #tpu.memory_space<vmem>> -> memref<128xf32, #tpu.memory_space<vmem>>
      %dma_wait3A_113 = tpu.memref_slice %arg22[%add3A_64] : memref<10240xf32, #tpu.memory_space<vmem_shared>> -> memref<128xf32, #tpu.memory_space<vmem_shared>>
      %dma_wait3A_114 = tpu.memref_slice %arg22[%add3A_64] : memref<10240xf32, #tpu.memory_space<vmem_shared>> -> memref<128xf32, #tpu.memory_space<vmem_shared>>
      %dma_wait3A_115 = arith.constant 0 : i32
      %dma_wait3A_116 = tpu.memref_slice %arg18[%run_scoped3A_66, %dma_wait3A_115] : memref<2x128xf32, #tpu.memory_space<vmem>> -> memref<1x128xf32, #tpu.memory_space<vmem>>
      %dma_wait3A_117 = tpu.memref_squeeze %dma_wait3A_116 : memref<1x128xf32, #tpu.memory_space<vmem>> -> memref<128xf32, #tpu.memory_space<vmem>>
      tpu.wait_dma2 semaphore(%run_scoped3A_103 : memref<!tpu.dma_semaphore, #tpu.memory_space<semaphore_mem>>) src(%dma_wait3A_117 : memref<128xf32, #tpu.memory_space<vmem>>) dst(%dma_wait3A_114 : memref<128xf32, #tpu.memory_space<vmem_shared>>)
      tpu.yield
    }) : () -> ()
    %mul3A_67 = arith.constant 640 : i32
    %mul3A_68 = arith.muli %arg1, %mul3A_67 : i32
    %add3A_69 = arith.constant 512 : i32
    %add3A_70 = arith.addi %mul3A_68, %add3A_69 : i32
    %run_scoped3A_71 = arith.constant 0 : i32
    "tpu.region"() ({
      %run_scoped3A_103 = tpu.sem_alloc : memref<!tpu.dma_semaphore, #tpu.memory_space<semaphore_mem>>
      %dma_start3A = arith.constant 0 : i32
      %dma_start3A_104 = arith.constant 0 : i32
      %dma_start3A_105 = tpu.memref_slice %arg17[%run_scoped3A_71, %dma_start3A, %dma_start3A_104] : memref<2x128x64xf32, #tpu.memory_space<vmem>> -> memref<1x128x64xf32, #tpu.memory_space<vmem>>
      %dma_start3A_106 = tpu.memref_squeeze %dma_start3A_105 : memref<1x128x64xf32, #tpu.memory_space<vmem>> -> memref<128x64xf32, #tpu.memory_space<vmem>>
      %dma_start3A_107 = arith.constant 0 : i32
      %dma_start3A_108 = tpu.memref_slice %arg20[%add3A_70, %dma_start3A_107] : memref<10240x64xf32, #tpu.memory_space<vmem_shared>> -> memref<128x64xf32, #tpu.memory_space<vmem_shared>>
      %dma_start3A_109 = arith.constant 0 : i32
      %dma_start3A_110 = tpu.memref_slice %arg20[%add3A_70, %dma_start3A_109] : memref<10240x64xf32, #tpu.memory_space<vmem_shared>> -> memref<128x64xf32, #tpu.memory_space<vmem_shared>>
      %dma_start3A_111 = arith.constant 0 : i32
      %dma_start3A_112 = arith.constant 0 : i32
      %dma_start3A_113 = tpu.memref_slice %arg17[%run_scoped3A_71, %dma_start3A_111, %dma_start3A_112] : memref<2x128x64xf32, #tpu.memory_space<vmem>> -> memref<1x128x64xf32, #tpu.memory_space<vmem>>
      %dma_start3A_114 = tpu.memref_squeeze %dma_start3A_113 : memref<1x128x64xf32, #tpu.memory_space<vmem>> -> memref<128x64xf32, #tpu.memory_space<vmem>>
      tpu.enqueue_dma source(%dma_start3A_114 : memref<128x64xf32, #tpu.memory_space<vmem>>) target(%dma_start3A_110 : memref<128x64xf32, #tpu.memory_space<vmem_shared>>) target_semaphore(%run_scoped3A_103 : memref<!tpu.dma_semaphore, #tpu.memory_space<semaphore_mem>>)
      %dma_wait3A = arith.constant 0 : i32
      %dma_wait3A_115 = arith.constant 0 : i32
      %dma_wait3A_116 = tpu.memref_slice %arg17[%run_scoped3A_71, %dma_wait3A, %dma_wait3A_115] : memref<2x128x64xf32, #tpu.memory_space<vmem>> -> memref<1x128x64xf32, #tpu.memory_space<vmem>>
      %dma_wait3A_117 = tpu.memref_squeeze %dma_wait3A_116 : memref<1x128x64xf32, #tpu.memory_space<vmem>> -> memref<128x64xf32, #tpu.memory_space<vmem>>
      %dma_wait3A_118 = arith.constant 0 : i32
      %dma_wait3A_119 = tpu.memref_slice %arg20[%add3A_70, %dma_wait3A_118] : memref<10240x64xf32, #tpu.memory_space<vmem_shared>> -> memref<128x64xf32, #tpu.memory_space<vmem_shared>>
      %dma_wait3A_120 = arith.constant 0 : i32
      %dma_wait3A_121 = tpu.memref_slice %arg20[%add3A_70, %dma_wait3A_120] : memref<10240x64xf32, #tpu.memory_space<vmem_shared>> -> memref<128x64xf32, #tpu.memory_space<vmem_shared>>
      %dma_wait3A_122 = arith.constant 0 : i32
      %dma_wait3A_123 = arith.constant 0 : i32
      %dma_wait3A_124 = tpu.memref_slice %arg17[%run_scoped3A_71, %dma_wait3A_122, %dma_wait3A_123] : memref<2x128x64xf32, #tpu.memory_space<vmem>> -> memref<1x128x64xf32, #tpu.memory_space<vmem>>
      %dma_wait3A_125 = tpu.memref_squeeze %dma_wait3A_124 : memref<1x128x64xf32, #tpu.memory_space<vmem>> -> memref<128x64xf32, #tpu.memory_space<vmem>>
      tpu.wait_dma2 semaphore(%run_scoped3A_103 : memref<!tpu.dma_semaphore, #tpu.memory_space<semaphore_mem>>) src(%dma_wait3A_125 : memref<128x64xf32, #tpu.memory_space<vmem>>) dst(%dma_wait3A_121 : memref<128x64xf32, #tpu.memory_space<vmem_shared>>)
      tpu.yield
    }) : () -> ()
    %run_scoped3A_72 = arith.constant 0 : i32
    "tpu.region"() ({
      %run_scoped3A_103 = tpu.sem_alloc : memref<!tpu.dma_semaphore, #tpu.memory_space<semaphore_mem>>
      %dma_start3A = arith.constant 0 : i32
      %dma_start3A_104 = tpu.memref_slice %arg18[%run_scoped3A_72, %dma_start3A] : memref<2x128xf32, #tpu.memory_space<vmem>> -> memref<1x128xf32, #tpu.memory_space<vmem>>
      %dma_start3A_105 = tpu.memref_squeeze %dma_start3A_104 : memref<1x128xf32, #tpu.memory_space<vmem>> -> memref<128xf32, #tpu.memory_space<vmem>>
      %dma_start3A_106 = tpu.memref_slice %arg22[%add3A_70] : memref<10240xf32, #tpu.memory_space<vmem_shared>> -> memref<128xf32, #tpu.memory_space<vmem_shared>>
      %dma_start3A_107 = tpu.memref_slice %arg22[%add3A_70] : memref<10240xf32, #tpu.memory_space<vmem_shared>> -> memref<128xf32, #tpu.memory_space<vmem_shared>>
      %dma_start3A_108 = arith.constant 0 : i32
      %dma_start3A_109 = tpu.memref_slice %arg18[%run_scoped3A_72, %dma_start3A_108] : memref<2x128xf32, #tpu.memory_space<vmem>> -> memref<1x128xf32, #tpu.memory_space<vmem>>
      %dma_start3A_110 = tpu.memref_squeeze %dma_start3A_109 : memref<1x128xf32, #tpu.memory_space<vmem>> -> memref<128xf32, #tpu.memory_space<vmem>>
      tpu.enqueue_dma source(%dma_start3A_110 : memref<128xf32, #tpu.memory_space<vmem>>) target(%dma_start3A_107 : memref<128xf32, #tpu.memory_space<vmem_shared>>) target_semaphore(%run_scoped3A_103 : memref<!tpu.dma_semaphore, #tpu.memory_space<semaphore_mem>>)
      %dma_wait3A = arith.constant 0 : i32
      %dma_wait3A_111 = tpu.memref_slice %arg18[%run_scoped3A_72, %dma_wait3A] : memref<2x128xf32, #tpu.memory_space<vmem>> -> memref<1x128xf32, #tpu.memory_space<vmem>>
      %dma_wait3A_112 = tpu.memref_squeeze %dma_wait3A_111 : memref<1x128xf32, #tpu.memory_space<vmem>> -> memref<128xf32, #tpu.memory_space<vmem>>
      %dma_wait3A_113 = tpu.memref_slice %arg22[%add3A_70] : memref<10240xf32, #tpu.memory_space<vmem_shared>> -> memref<128xf32, #tpu.memory_space<vmem_shared>>
      %dma_wait3A_114 = tpu.memref_slice %arg22[%add3A_70] : memref<10240xf32, #tpu.memory_space<vmem_shared>> -> memref<128xf32, #tpu.memory_space<vmem_shared>>
      %dma_wait3A_115 = arith.constant 0 : i32
      %dma_wait3A_116 = tpu.memref_slice %arg18[%run_scoped3A_72, %dma_wait3A_115] : memref<2x128xf32, #tpu.memory_space<vmem>> -> memref<1x128xf32, #tpu.memory_space<vmem>>
      %dma_wait3A_117 = tpu.memref_squeeze %dma_wait3A_116 : memref<1x128xf32, #tpu.memory_space<vmem>> -> memref<128xf32, #tpu.memory_space<vmem>>
      tpu.wait_dma2 semaphore(%run_scoped3A_103 : memref<!tpu.dma_semaphore, #tpu.memory_space<semaphore_mem>>) src(%dma_wait3A_117 : memref<128xf32, #tpu.memory_space<vmem>>) dst(%dma_wait3A_114 : memref<128xf32, #tpu.memory_space<vmem_shared>>)
      tpu.yield
    }) : () -> ()
    %barrier3A = arith.constant 0 : index
    tpu.barrier barrier_id(%barrier3A)
    %get3A = arith.constant 0 : index
    %get3A_73 = tpu.vector_load %arg19[%get3A] {strides = array<i32>} : memref<16xf32, #tpu.memory_space<vmem>>, vector<16xf32>,
    %scan3A_74 = arith.constant 0 : i32
    %scan3A_75 = arith.constant 0 : i32
    %scan3A_76 = arith.constant 10 : i32
    %scan3A_77 = arith.addi %scan3A_75, %scan3A_76 : i32
    %scan3A_78 = arith.constant 1 : i32
    scf.for %scan3A_103 = %scan3A_75 to %scan3A_77 step %scan3A_78  : i32 {
      %mul3A_104 = arith.constant 16 : i32
      %mul3A_105 = arith.muli %scan3A_103, %mul3A_104 : i32
      "tpu.region"() ({
        %run_scoped3A_144 = tpu.sem_alloc : memref<!tpu.dma_semaphore, #tpu.memory_space<semaphore_mem>>
        %dma_start3A_145 = arith.constant 0 : i32
        %dma_start3A_146 = tpu.memref_slice %arg6[%arg1, %mul3A_105, %dma_start3A_145] : memref<16x160x128xf32, #tpu.memory_space<hbm>> -> memref<1x16x128xf32, #tpu.memory_space<hbm>>
        %dma_start3A_147 = tpu.memref_squeeze %dma_start3A_146 : memref<1x16x128xf32, #tpu.memory_space<hbm>> -> memref<16x128xf32, #tpu.memory_space<hbm>>
        %dma_start3A_148 = arith.constant 0 : i32
        %dma_start3A_149 = tpu.memref_slice %arg6[%arg1, %mul3A_105, %dma_start3A_148] : memref<16x160x128xf32, #tpu.memory_space<hbm>> -> memref<1x16x128xf32, #tpu.memory_space<hbm>>
        %dma_start3A_150 = tpu.memref_squeeze %dma_start3A_149 : memref<1x16x128xf32, #tpu.memory_space<hbm>> -> memref<16x128xf32, #tpu.memory_space<hbm>>
        tpu.enqueue_dma source(%dma_start3A_150 : memref<16x128xf32, #tpu.memory_space<hbm>>) target(%arg14 : memref<16x128xf32, #tpu.memory_space<vmem>>) target_semaphore(%run_scoped3A_144 : memref<!tpu.dma_semaphore, #tpu.memory_space<semaphore_mem>>)
        %dma_wait3A_151 = arith.constant 0 : i32
        %dma_wait3A_152 = tpu.memref_slice %arg6[%arg1, %mul3A_105, %dma_wait3A_151] : memref<16x160x128xf32, #tpu.memory_space<hbm>> -> memref<1x16x128xf32, #tpu.memory_space<hbm>>
        %dma_wait3A_153 = tpu.memref_squeeze %dma_wait3A_152 : memref<1x16x128xf32, #tpu.memory_space<hbm>> -> memref<16x128xf32, #tpu.memory_space<hbm>>
        %dma_wait3A_154 = arith.constant 0 : i32
        %dma_wait3A_155 = tpu.memref_slice %arg6[%arg1, %mul3A_105, %dma_wait3A_154] : memref<16x160x128xf32, #tpu.memory_space<hbm>> -> memref<1x16x128xf32, #tpu.memory_space<hbm>>
        %dma_wait3A_156 = tpu.memref_squeeze %dma_wait3A_155 : memref<1x16x128xf32, #tpu.memory_space<hbm>> -> memref<16x128xf32, #tpu.memory_space<hbm>>
        tpu.wait_dma2 semaphore(%run_scoped3A_144 : memref<!tpu.dma_semaphore, #tpu.memory_space<semaphore_mem>>) src(%dma_wait3A_156 : memref<16x128xf32, #tpu.memory_space<hbm>>) dst(%arg14 : memref<16x128xf32, #tpu.memory_space<vmem>>)
        tpu.yield
      }) : () -> ()
      "tpu.region"() ({
        %run_scoped3A_144 = tpu.sem_alloc : memref<!tpu.dma_semaphore, #tpu.memory_space<semaphore_mem>>
        %dma_start3A_145 = arith.constant 0 : i32
        %dma_start3A_146 = tpu.memref_slice %arg7[%arg1, %mul3A_105, %dma_start3A_145] : memref<16x160x128xi32, #tpu.memory_space<hbm>> -> memref<1x16x128xi32, #tpu.memory_space<hbm>>
        %dma_start3A_147 = tpu.memref_squeeze %dma_start3A_146 : memref<1x16x128xi32, #tpu.memory_space<hbm>> -> memref<16x128xi32, #tpu.memory_space<hbm>>
        %dma_start3A_148 = arith.constant 0 : i32
        %dma_start3A_149 = tpu.memref_slice %arg7[%arg1, %mul3A_105, %dma_start3A_148] : memref<16x160x128xi32, #tpu.memory_space<hbm>> -> memref<1x16x128xi32, #tpu.memory_space<hbm>>
        %dma_start3A_150 = tpu.memref_squeeze %dma_start3A_149 : memref<1x16x128xi32, #tpu.memory_space<hbm>> -> memref<16x128xi32, #tpu.memory_space<hbm>>
        tpu.enqueue_dma source(%dma_start3A_150 : memref<16x128xi32, #tpu.memory_space<hbm>>) target(%arg15 : memref<16x128xi32, #tpu.memory_space<vmem>>) target_semaphore(%run_scoped3A_144 : memref<!tpu.dma_semaphore, #tpu.memory_space<semaphore_mem>>)
        %dma_wait3A_151 = arith.constant 0 : i32
        %dma_wait3A_152 = tpu.memref_slice %arg7[%arg1, %mul3A_105, %dma_wait3A_151] : memref<16x160x128xi32, #tpu.memory_space<hbm>> -> memref<1x16x128xi32, #tpu.memory_space<hbm>>
        %dma_wait3A_153 = tpu.memref_squeeze %dma_wait3A_152 : memref<1x16x128xi32, #tpu.memory_space<hbm>> -> memref<16x128xi32, #tpu.memory_space<hbm>>
        %dma_wait3A_154 = arith.constant 0 : i32
        %dma_wait3A_155 = tpu.memref_slice %arg7[%arg1, %mul3A_105, %dma_wait3A_154] : memref<16x160x128xi32, #tpu.memory_space<hbm>> -> memref<1x16x128xi32, #tpu.memory_space<hbm>>
        %dma_wait3A_156 = tpu.memref_squeeze %dma_wait3A_155 : memref<1x16x128xi32, #tpu.memory_space<hbm>> -> memref<16x128xi32, #tpu.memory_space<hbm>>
        tpu.wait_dma2 semaphore(%run_scoped3A_144 : memref<!tpu.dma_semaphore, #tpu.memory_space<semaphore_mem>>) src(%dma_wait3A_156 : memref<16x128xi32, #tpu.memory_space<hbm>>) dst(%arg15 : memref<16x128xi32, #tpu.memory_space<vmem>>)
        tpu.yield
      }) : () -> ()
      "tpu.region"() ({
        %run_scoped3A_144 = tpu.sem_alloc : memref<!tpu.dma_semaphore, #tpu.memory_space<semaphore_mem>>
        %dma_start3A_145 = arith.constant 0 : i32
        %dma_start3A_146 = tpu.memref_slice %arg8[%arg1, %mul3A_105, %dma_start3A_145] : memref<16x160x128xi32, #tpu.memory_space<hbm>> -> memref<1x16x128xi32, #tpu.memory_space<hbm>>
        %dma_start3A_147 = tpu.memref_squeeze %dma_start3A_146 : memref<1x16x128xi32, #tpu.memory_space<hbm>> -> memref<16x128xi32, #tpu.memory_space<hbm>>
        %dma_start3A_148 = arith.constant 0 : i32
        %dma_start3A_149 = tpu.memref_slice %arg8[%arg1, %mul3A_105, %dma_start3A_148] : memref<16x160x128xi32, #tpu.memory_space<hbm>> -> memref<1x16x128xi32, #tpu.memory_space<hbm>>
        %dma_start3A_150 = tpu.memref_squeeze %dma_start3A_149 : memref<1x16x128xi32, #tpu.memory_space<hbm>> -> memref<16x128xi32, #tpu.memory_space<hbm>>
        tpu.enqueue_dma source(%dma_start3A_150 : memref<16x128xi32, #tpu.memory_space<hbm>>) target(%arg16 : memref<16x128xi32, #tpu.memory_space<vmem>>) target_semaphore(%run_scoped3A_144 : memref<!tpu.dma_semaphore, #tpu.memory_space<semaphore_mem>>)
        %dma_wait3A_151 = arith.constant 0 : i32
        %dma_wait3A_152 = tpu.memref_slice %arg8[%arg1, %mul3A_105, %dma_wait3A_151] : memref<16x160x128xi32, #tpu.memory_space<hbm>> -> memref<1x16x128xi32, #tpu.memory_space<hbm>>
        %dma_wait3A_153 = tpu.memref_squeeze %dma_wait3A_152 : memref<1x16x128xi32, #tpu.memory_space<hbm>> -> memref<16x128xi32, #tpu.memory_space<hbm>>
        %dma_wait3A_154 = arith.constant 0 : i32
        %dma_wait3A_155 = tpu.memref_slice %arg8[%arg1, %mul3A_105, %dma_wait3A_154] : memref<16x160x128xi32, #tpu.memory_space<hbm>> -> memref<1x16x128xi32, #tpu.memory_space<hbm>>
        %dma_wait3A_156 = tpu.memref_squeeze %dma_wait3A_155 : memref<1x16x128xi32, #tpu.memory_space<hbm>> -> memref<16x128xi32, #tpu.memory_space<hbm>>
        tpu.wait_dma2 semaphore(%run_scoped3A_144 : memref<!tpu.dma_semaphore, #tpu.memory_space<semaphore_mem>>) src(%dma_wait3A_156 : memref<16x128xi32, #tpu.memory_space<hbm>>) dst(%arg16 : memref<16x128xi32, #tpu.memory_space<vmem>>)
        tpu.yield
      }) : () -> ()
      %dma_start3A = arith.constant 0 : i32
      %dma_start3A_106 = arith.constant 0 : i32
      %dma_start3A_107 = arith.constant 0 : i32
      %dma_start3A_108 = arith.constant 0 : i32
      %dma_start3A_109 = tpu.memref_slice %arg17[%dma_start3A_106, %dma_start3A_107, %dma_start3A_108] : memref<2x128x64xf32, #tpu.memory_space<vmem>> -> memref<1x128x64xf32, #tpu.memory_space<vmem>>
      %dma_start3A_110 = tpu.memref_squeeze %dma_start3A_109 : memref<1x128x64xf32, #tpu.memory_space<vmem>> -> memref<128x64xf32, #tpu.memory_space<vmem>>
      %dma_start3A_111 = arith.constant 0 : i32
      %dma_start3A_112 = tpu.memref_slice %arg15[%dma_start3A, %dma_start3A_111] : memref<16x128xi32, #tpu.memory_space<vmem>> -> memref<1x128xi32, #tpu.memory_space<vmem>>
      %dma_start3A_113 = tpu.memref_squeeze %dma_start3A_112 : memref<1x128xi32, #tpu.memory_space<vmem>> -> memref<128xi32, #tpu.memory_space<vmem>>
      %dma_start3A_114 = arith.constant 0 : i32
      %dma_start3A_115 = arith.constant 0 : i32
      %dma_start3A_116 = tpu.memref_slice %arg21[%dma_start3A_114, %dma_start3A_115] : memref<10240x64xf32, #tpu.memory_space<vmem_shared>> -> memref<10240x64xf32, #tpu.memory_space<vmem_shared>>
      tpu.enqueue_indirect_dma source(%dma_start3A_116 : memref<10240x64xf32, #tpu.memory_space<vmem_shared>>) target(%dma_start3A_110 : memref<128x64xf32, #tpu.memory_space<vmem>>) offsets(%dma_start3A_113 : memref<128xi32, #tpu.memory_space<vmem>>) semaphore(%arg23 : memref<!tpu.dma_semaphore, #tpu.memory_space<semaphore_mem>>)
      %scan3A_117 = arith.constant 0 : i32
      %scan3A_118 = arith.constant 0 : i32
      %scan3A_119 = arith.constant 16 : i32
      %scan3A_120 = arith.addi %scan3A_118, %scan3A_119 : i32
      %scan3A_121 = arith.constant 1 : i32
      scf.for %scan3A_144 = %scan3A_118 to %scan3A_120 step %scan3A_121  : i32 {
        %rem3A = arith.constant 2 : i32
        %rem3A_145 = arith.remsi %scan3A_144, %rem3A : i32
        %ge3A = arith.constant 1 : i32
        %ge3A_146 = arith.cmpi sge, %scan3A_144, %ge3A : i32
        %convert_element_type3A_147 = arith.extui %ge3A_146 : i1 to i32
        %cond3A_148 = arith.constant 0 : i32
        %cond3A_149 = arith.cmpi ne, %convert_element_type3A_147, %cond3A_148 : i32
        scf.if %cond3A_149 {
          %dma_wait3A_388 = arith.constant 0 : i32
          %dma_wait3A_389 = arith.constant 0 : i32
          %dma_wait3A_390 = arith.constant 0 : i32
          %dma_wait3A_391 = arith.constant 0 : i32
          %dma_wait3A_392 = tpu.memref_slice %arg17[%dma_wait3A_388, %dma_wait3A_390, %dma_wait3A_391] : memref<2x128x64xf32, #tpu.memory_space<vmem>> -> memref<1x128x64xf32, #tpu.memory_space<vmem>>
          %dma_wait3A_393 = tpu.memref_squeeze %dma_wait3A_392 : memref<1x128x64xf32, #tpu.memory_space<vmem>> -> memref<128x64xf32, #tpu.memory_space<vmem>>
          %dma_wait3A_394 = arith.constant 0 : i32
          %dma_wait3A_395 = tpu.memref_slice %arg16[%dma_wait3A_389, %dma_wait3A_394] : memref<16x128xi32, #tpu.memory_space<vmem>> -> memref<1x128xi32, #tpu.memory_space<vmem>>
          %dma_wait3A_396 = tpu.memref_squeeze %dma_wait3A_395 : memref<1x128xi32, #tpu.memory_space<vmem>> -> memref<128xi32, #tpu.memory_space<vmem>>
          %dma_wait3A_397 = arith.constant 0 : i32
          %dma_wait3A_398 = arith.constant 0 : i32
          %dma_wait3A_399 = tpu.memref_slice %arg20[%dma_wait3A_397, %dma_wait3A_398] : memref<10240x64xf32, #tpu.memory_space<vmem_shared>> -> memref<10240x64xf32, #tpu.memory_space<vmem_shared>>
          tpu.wait_indirect_dma semaphore(%arg24 : memref<!tpu.dma_semaphore, #tpu.memory_space<semaphore_mem>>) src(%dma_wait3A_393 : memref<128x64xf32, #tpu.memory_space<vmem>>) dst(%dma_wait3A_399 : memref<10240x64xf32, #tpu.memory_space<vmem_shared>>)
          %dma_wait3A_400 = arith.constant 0 : i32
          %dma_wait3A_401 = arith.constant 0 : i32
          %dma_wait3A_402 = arith.constant 0 : i32
          %dma_wait3A_403 = tpu.memref_slice %arg18[%dma_wait3A_400, %dma_wait3A_402] : memref<2x128xf32, #tpu.memory_space<vmem>> -> memref<1x128xf32, #tpu.memory_space<vmem>>
          %dma_wait3A_404 = tpu.memref_squeeze %dma_wait3A_403 : memref<1x128xf32, #tpu.memory_space<vmem>> -> memref<128xf32, #tpu.memory_space<vmem>>
          %dma_wait3A_405 = arith.constant 0 : i32
          %dma_wait3A_406 = tpu.memref_slice %arg16[%dma_wait3A_401, %dma_wait3A_405] : memref<16x128xi32, #tpu.memory_space<vmem>> -> memref<1x128xi32, #tpu.memory_space<vmem>>
          %dma_wait3A_407 = tpu.memref_squeeze %dma_wait3A_406 : memref<1x128xi32, #tpu.memory_space<vmem>> -> memref<128xi32, #tpu.memory_space<vmem>>
          %dma_wait3A_408 = arith.constant 0 : i32
          %dma_wait3A_409 = tpu.memref_slice %arg22[%dma_wait3A_408] : memref<10240xf32, #tpu.memory_space<vmem_shared>> -> memref<10240xf32, #tpu.memory_space<vmem_shared>>
          tpu.wait_indirect_dma semaphore(%arg25 : memref<!tpu.dma_semaphore, #tpu.memory_space<semaphore_mem>>) src(%dma_wait3A_404 : memref<128xf32, #tpu.memory_space<vmem>>) dst(%dma_wait3A_409 : memref<10240xf32, #tpu.memory_space<vmem_shared>>)
        } else {
        }
        %add3A_150 = arith.constant 1 : i32
        %add3A_151 = arith.addi %scan3A_144, %add3A_150 : i32
        %le3A = arith.constant 15 : i32
        %le3A_152 = arith.cmpi sle, %add3A_151, %le3A : i32
        %convert_element_type3A_153 = arith.extui %le3A_152 : i1 to i32
        %cond3A_154 = arith.constant 0 : i32
        %cond3A_155 = arith.cmpi ne, %convert_element_type3A_153, %cond3A_154 : i32
        scf.if %cond3A_155 {
          %add3A_388 = arith.constant 1 : i32
          %add3A_389 = arith.addi %scan3A_144, %add3A_388 : i32
          %add3A_390 = arith.constant 1 : i32
          %add3A_391 = arith.addi %scan3A_144, %add3A_390 : i32
          %rem3A_392 = arith.constant 2 : i32
          %rem3A_393 = arith.remsi %add3A_391, %rem3A_392 : i32
          %dma_start3A_394 = arith.constant 0 : i32
          %dma_start3A_395 = arith.constant 0 : i32
          %dma_start3A_396 = tpu.memref_slice %arg17[%rem3A_393, %dma_start3A_394, %dma_start3A_395] : memref<2x128x64xf32, #tpu.memory_space<vmem>> -> memref<1x128x64xf32, #tpu.memory_space<vmem>>
          %dma_start3A_397 = tpu.memref_squeeze %dma_start3A_396 : memref<1x128x64xf32, #tpu.memory_space<vmem>> -> memref<128x64xf32, #tpu.memory_space<vmem>>
          %dma_start3A_398 = arith.constant 0 : i32
          %dma_start3A_399 = tpu.memref_slice %arg15[%add3A_389, %dma_start3A_398] : memref<16x128xi32, #tpu.memory_space<vmem>> -> memref<1x128xi32, #tpu.memory_space<vmem>>
          %dma_start3A_400 = tpu.memref_squeeze %dma_start3A_399 : memref<1x128xi32, #tpu.memory_space<vmem>> -> memref<128xi32, #tpu.memory_space<vmem>>
          %dma_start3A_401 = arith.constant 0 : i32
          %dma_start3A_402 = arith.constant 0 : i32
          %dma_start3A_403 = tpu.memref_slice %arg21[%dma_start3A_401, %dma_start3A_402] : memref<10240x64xf32, #tpu.memory_space<vmem_shared>> -> memref<10240x64xf32, #tpu.memory_space<vmem_shared>>
          tpu.enqueue_indirect_dma source(%dma_start3A_403 : memref<10240x64xf32, #tpu.memory_space<vmem_shared>>) target(%dma_start3A_397 : memref<128x64xf32, #tpu.memory_space<vmem>>) offsets(%dma_start3A_400 : memref<128xi32, #tpu.memory_space<vmem>>) semaphore(%arg23 : memref<!tpu.dma_semaphore, #tpu.memory_space<semaphore_mem>>)
        } else {
        }
        %dma_wait3A_156 = arith.constant 0 : i32
        %dma_wait3A_157 = arith.constant 0 : i32
        %dma_wait3A_158 = arith.constant 0 : i32
        %dma_wait3A_159 = arith.constant 0 : i32
        %dma_wait3A_160 = tpu.memref_slice %arg17[%dma_wait3A_157, %dma_wait3A_158, %dma_wait3A_159] : memref<2x128x64xf32, #tpu.memory_space<vmem>> -> memref<1x128x64xf32, #tpu.memory_space<vmem>>
        %dma_wait3A_161 = tpu.memref_squeeze %dma_wait3A_160 : memref<1x128x64xf32, #tpu.memory_space<vmem>> -> memref<128x64xf32, #tpu.memory_space<vmem>>
        %dma_wait3A_162 = arith.constant 0 : i32
        %dma_wait3A_163 = tpu.memref_slice %arg15[%dma_wait3A_156, %dma_wait3A_162] : memref<16x128xi32, #tpu.memory_space<vmem>> -> memref<1x128xi32, #tpu.memory_space<vmem>>
        %dma_wait3A_164 = tpu.memref_squeeze %dma_wait3A_163 : memref<1x128xi32, #tpu.memory_space<vmem>> -> memref<128xi32, #tpu.memory_space<vmem>>
        %dma_wait3A_165 = arith.constant 0 : i32
        %dma_wait3A_166 = arith.constant 0 : i32
        %dma_wait3A_167 = tpu.memref_slice %arg21[%dma_wait3A_165, %dma_wait3A_166] : memref<10240x64xf32, #tpu.memory_space<vmem_shared>> -> memref<10240x64xf32, #tpu.memory_space<vmem_shared>>
        tpu.wait_indirect_dma semaphore(%arg23 : memref<!tpu.dma_semaphore, #tpu.memory_space<semaphore_mem>>) src(%dma_wait3A_167 : memref<10240x64xf32, #tpu.memory_space<vmem_shared>>) dst(%dma_wait3A_161 : memref<128x64xf32, #tpu.memory_space<vmem>>)
        %get3A_168 = arith.index_cast %scan3A_144 : i32 to index
        %get3A_169 = arith.constant 0 : index
        %get3A_170 = tpu.vector_load %arg15[%get3A_168, %get3A_169] {strides = array<i32>} : memref<16x128xi32, #tpu.memory_space<vmem>>, vector<16xi32>,
        %get3A_171 = arith.index_cast %scan3A_144 : i32 to index
        %get3A_172 = arith.constant 0 : index
        %get3A_173 = tpu.vector_load %arg16[%get3A_171, %get3A_172] {strides = array<i32>} : memref<16x128xi32, #tpu.memory_space<vmem>>, vector<16xi32>,
        %get3A_174 = arith.index_cast %scan3A_144 : i32 to index
        %get3A_175 = arith.constant 0 : index
        %get3A_176 = tpu.vector_load %arg14[%get3A_174, %get3A_175] {strides = array<i32>} : memref<16x128xf32, #tpu.memory_space<vmem>>, vector<16xf32>,
        %gather3A = tpu.vector_load_idx %arg12[%get3A_170] : memref<10000xf32, #tpu.memory_space<vmem>>[vector<16xi32>], vector<16xf32>,
        %gather3A_177 = tpu.vector_load_idx %arg13[%get3A_173] : memref<10000xf32, #tpu.memory_space<vmem>>[vector<16xi32>], vector<16xf32>,
        %add3A_178 = arith.addf %gather3A, %gather3A_177 : vector<16xf32>
        %add3A_179 = arith.addf %add3A_178, %get3A_176 : vector<16xf32>
        %ge3A_180 = arith.constant 0.000000e+00 : f32
        %ge3A_181 = vector.broadcast %ge3A_180 : f32 to vector<16xf32>
        %ge3A_182 = arith.cmpf oge, %add3A_179, %ge3A_181 : vector<16xf32>
        %mul3A_183 = arith.constant 2.000000e-01 : f32
        %mul3A_184 = vector.broadcast %mul3A_183 : f32 to vector<16xf32>
        %mul3A_185 = arith.mulf %add3A_179, %mul3A_184 : vector<16xf32>
        %select_n3A = arith.select %ge3A_182, %add3A_179, %mul3A_185 : vector<16xi1>, vector<16xf32>
        %sub3A = arith.subf %select_n3A, %get3A_73 : vector<16xf32>
        %exp3A = math.exp %sub3A : vector<16xf32>
        %swap3A_186 = arith.index_cast %rem3A_145 : i32 to index
        %swap3A_187 = arith.constant 0 : index
        %swap3A_188 = tpu.vector_load %arg18[%swap3A_186, %swap3A_187] {strides = array<i32>} : memref<2x128xf32, #tpu.memory_space<vmem>>, vector<16xf32>,
        tpu.vector_store %arg18[%swap3A_186, %swap3A_187], %exp3A {strides = array<i32>} : memref<2x128xf32, #tpu.memory_space<vmem>>, vector<16xf32>,
        %get3A_189 = arith.index_cast %scan3A_144 : i32 to index
        %get3A_190 = arith.constant 16 : index
        %get3A_191 = tpu.vector_load %arg15[%get3A_189, %get3A_190] {strides = array<i32>} : memref<16x128xi32, #tpu.memory_space<vmem>>, vector<16xi32>,
        %get3A_192 = arith.index_cast %scan3A_144 : i32 to index
        %get3A_193 = arith.constant 16 : index
        %get3A_194 = tpu.vector_load %arg16[%get3A_192, %get3A_193] {strides = array<i32>} : memref<16x128xi32, #tpu.memory_space<vmem>>, vector<16xi32>,
        %get3A_195 = arith.index_cast %scan3A_144 : i32 to index
        %get3A_196 = arith.constant 16 : index
        %get3A_197 = tpu.vector_load %arg14[%get3A_195, %get3A_196] {strides = array<i32>} : memref<16x128xf32, #tpu.memory_space<vmem>>, vector<16xf32>,
        %gather3A_198 = tpu.vector_load_idx %arg12[%get3A_191] : memref<10000xf32, #tpu.memory_space<vmem>>[vector<16xi32>], vector<16xf32>,
        %gather3A_199 = tpu.vector_load_idx %arg13[%get3A_194] : memref<10000xf32, #tpu.memory_space<vmem>>[vector<16xi32>], vector<16xf32>,
        %add3A_200 = arith.addf %gather3A_198, %gather3A_199 : vector<16xf32>
        %add3A_201 = arith.addf %add3A_200, %get3A_197 : vector<16xf32>
        %ge3A_202 = arith.constant 0.000000e+00 : f32
        %ge3A_203 = vector.broadcast %ge3A_202 : f32 to vector<16xf32>
        %ge3A_204 = arith.cmpf oge, %add3A_201, %ge3A_203 : vector<16xf32>
        %mul3A_205 = arith.constant 2.000000e-01 : f32
        %mul3A_206 = vector.broadcast %mul3A_205 : f32 to vector<16xf32>
        %mul3A_207 = arith.mulf %add3A_201, %mul3A_206 : vector<16xf32>
        %select_n3A_208 = arith.select %ge3A_204, %add3A_201, %mul3A_207 : vector<16xi1>, vector<16xf32>
        %sub3A_209 = arith.subf %select_n3A_208, %get3A_73 : vector<16xf32>
        %exp3A_210 = math.exp %sub3A_209 : vector<16xf32>
        %swap3A_211 = arith.index_cast %rem3A_145 : i32 to index
        %swap3A_212 = arith.constant 16 : index
        %swap3A_213 = tpu.vector_load %arg18[%swap3A_211, %swap3A_212] {strides = array<i32>} : memref<2x128xf32, #tpu.memory_space<vmem>>, vector<16xf32>,
        tpu.vector_store %arg18[%swap3A_211, %swap3A_212], %exp3A_210 {strides = array<i32>} : memref<2x128xf32, #tpu.memory_space<vmem>>, vector<16xf32>,
        %get3A_214 = arith.index_cast %scan3A_144 : i32 to index
        %get3A_215 = arith.constant 32 : index
        %get3A_216 = tpu.vector_load %arg15[%get3A_214, %get3A_215] {strides = array<i32>} : memref<16x128xi32, #tpu.memory_space<vmem>>, vector<16xi32>,
        %get3A_217 = arith.index_cast %scan3A_144 : i32 to index
        %get3A_218 = arith.constant 32 : index
        %get3A_219 = tpu.vector_load %arg16[%get3A_217, %get3A_218] {strides = array<i32>} : memref<16x128xi32, #tpu.memory_space<vmem>>, vector<16xi32>,
        %get3A_220 = arith.index_cast %scan3A_144 : i32 to index
        %get3A_221 = arith.constant 32 : index
        %get3A_222 = tpu.vector_load %arg14[%get3A_220, %get3A_221] {strides = array<i32>} : memref<16x128xf32, #tpu.memory_space<vmem>>, vector<16xf32>,
        %gather3A_223 = tpu.vector_load_idx %arg12[%get3A_216] : memref<10000xf32, #tpu.memory_space<vmem>>[vector<16xi32>], vector<16xf32>,
        %gather3A_224 = tpu.vector_load_idx %arg13[%get3A_219] : memref<10000xf32, #tpu.memory_space<vmem>>[vector<16xi32>], vector<16xf32>,
        %add3A_225 = arith.addf %gather3A_223, %gather3A_224 : vector<16xf32>
        %add3A_226 = arith.addf %add3A_225, %get3A_222 : vector<16xf32>
        %ge3A_227 = arith.constant 0.000000e+00 : f32
        %ge3A_228 = vector.broadcast %ge3A_227 : f32 to vector<16xf32>
        %ge3A_229 = arith.cmpf oge, %add3A_226, %ge3A_228 : vector<16xf32>
        %mul3A_230 = arith.constant 2.000000e-01 : f32
        %mul3A_231 = vector.broadcast %mul3A_230 : f32 to vector<16xf32>
        %mul3A_232 = arith.mulf %add3A_226, %mul3A_231 : vector<16xf32>
        %select_n3A_233 = arith.select %ge3A_229, %add3A_226, %mul3A_232 : vector<16xi1>, vector<16xf32>
        %sub3A_234 = arith.subf %select_n3A_233, %get3A_73 : vector<16xf32>
        %exp3A_235 = math.exp %sub3A_234 : vector<16xf32>
        %swap3A_236 = arith.index_cast %rem3A_145 : i32 to index
        %swap3A_237 = arith.constant 32 : index
        %swap3A_238 = tpu.vector_load %arg18[%swap3A_236, %swap3A_237] {strides = array<i32>} : memref<2x128xf32, #tpu.memory_space<vmem>>, vector<16xf32>,
        tpu.vector_store %arg18[%swap3A_236, %swap3A_237], %exp3A_235 {strides = array<i32>} : memref<2x128xf32, #tpu.memory_space<vmem>>, vector<16xf32>,
        %get3A_239 = arith.index_cast %scan3A_144 : i32 to index
        %get3A_240 = arith.constant 48 : index
        %get3A_241 = tpu.vector_load %arg15[%get3A_239, %get3A_240] {strides = array<i32>} : memref<16x128xi32, #tpu.memory_space<vmem>>, vector<16xi32>,
        %get3A_242 = arith.index_cast %scan3A_144 : i32 to index
        %get3A_243 = arith.constant 48 : index
        %get3A_244 = tpu.vector_load %arg16[%get3A_242, %get3A_243] {strides = array<i32>} : memref<16x128xi32, #tpu.memory_space<vmem>>, vector<16xi32>,
        %get3A_245 = arith.index_cast %scan3A_144 : i32 to index
        %get3A_246 = arith.constant 48 : index
        %get3A_247 = tpu.vector_load %arg14[%get3A_245, %get3A_246] {strides = array<i32>} : memref<16x128xf32, #tpu.memory_space<vmem>>, vector<16xf32>,
        %gather3A_248 = tpu.vector_load_idx %arg12[%get3A_241] : memref<10000xf32, #tpu.memory_space<vmem>>[vector<16xi32>], vector<16xf32>,
        %gather3A_249 = tpu.vector_load_idx %arg13[%get3A_244] : memref<10000xf32, #tpu.memory_space<vmem>>[vector<16xi32>], vector<16xf32>,
        %add3A_250 = arith.addf %gather3A_248, %gather3A_249 : vector<16xf32>
        %add3A_251 = arith.addf %add3A_250, %get3A_247 : vector<16xf32>
        %ge3A_252 = arith.constant 0.000000e+00 : f32
        %ge3A_253 = vector.broadcast %ge3A_252 : f32 to vector<16xf32>
        %ge3A_254 = arith.cmpf oge, %add3A_251, %ge3A_253 : vector<16xf32>
        %mul3A_255 = arith.constant 2.000000e-01 : f32
        %mul3A_256 = vector.broadcast %mul3A_255 : f32 to vector<16xf32>
        %mul3A_257 = arith.mulf %add3A_251, %mul3A_256 : vector<16xf32>
        %select_n3A_258 = arith.select %ge3A_254, %add3A_251, %mul3A_257 : vector<16xi1>, vector<16xf32>
        %sub3A_259 = arith.subf %select_n3A_258, %get3A_73 : vector<16xf32>
        %exp3A_260 = math.exp %sub3A_259 : vector<16xf32>
        %swap3A_261 = arith.index_cast %rem3A_145 : i32 to index
        %swap3A_262 = arith.constant 48 : index
        %swap3A_263 = tpu.vector_load %arg18[%swap3A_261, %swap3A_262] {strides = array<i32>} : memref<2x128xf32, #tpu.memory_space<vmem>>, vector<16xf32>,
        tpu.vector_store %arg18[%swap3A_261, %swap3A_262], %exp3A_260 {strides = array<i32>} : memref<2x128xf32, #tpu.memory_space<vmem>>, vector<16xf32>,
        %get3A_264 = arith.index_cast %scan3A_144 : i32 to index
        %get3A_265 = arith.constant 64 : index
        %get3A_266 = tpu.vector_load %arg15[%get3A_264, %get3A_265] {strides = array<i32>} : memref<16x128xi32, #tpu.memory_space<vmem>>, vector<16xi32>,
        %get3A_267 = arith.index_cast %scan3A_144 : i32 to index
        %get3A_268 = arith.constant 64 : index
        %get3A_269 = tpu.vector_load %arg16[%get3A_267, %get3A_268] {strides = array<i32>} : memref<16x128xi32, #tpu.memory_space<vmem>>, vector<16xi32>,
        %get3A_270 = arith.index_cast %scan3A_144 : i32 to index
        %get3A_271 = arith.constant 64 : index
        %get3A_272 = tpu.vector_load %arg14[%get3A_270, %get3A_271] {strides = array<i32>} : memref<16x128xf32, #tpu.memory_space<vmem>>, vector<16xf32>,
        %gather3A_273 = tpu.vector_load_idx %arg12[%get3A_266] : memref<10000xf32, #tpu.memory_space<vmem>>[vector<16xi32>], vector<16xf32>,
        %gather3A_274 = tpu.vector_load_idx %arg13[%get3A_269] : memref<10000xf32, #tpu.memory_space<vmem>>[vector<16xi32>], vector<16xf32>,
        %add3A_275 = arith.addf %gather3A_273, %gather3A_274 : vector<16xf32>
        %add3A_276 = arith.addf %add3A_275, %get3A_272 : vector<16xf32>
        %ge3A_277 = arith.constant 0.000000e+00 : f32
        %ge3A_278 = vector.broadcast %ge3A_277 : f32 to vector<16xf32>
        %ge3A_279 = arith.cmpf oge, %add3A_276, %ge3A_278 : vector<16xf32>
        %mul3A_280 = arith.constant 2.000000e-01 : f32
        %mul3A_281 = vector.broadcast %mul3A_280 : f32 to vector<16xf32>
        %mul3A_282 = arith.mulf %add3A_276, %mul3A_281 : vector<16xf32>
        %select_n3A_283 = arith.select %ge3A_279, %add3A_276, %mul3A_282 : vector<16xi1>, vector<16xf32>
        %sub3A_284 = arith.subf %select_n3A_283, %get3A_73 : vector<16xf32>
        %exp3A_285 = math.exp %sub3A_284 : vector<16xf32>
        %swap3A_286 = arith.index_cast %rem3A_145 : i32 to index
        %swap3A_287 = arith.constant 64 : index
        %swap3A_288 = tpu.vector_load %arg18[%swap3A_286, %swap3A_287] {strides = array<i32>} : memref<2x128xf32, #tpu.memory_space<vmem>>, vector<16xf32>,
        tpu.vector_store %arg18[%swap3A_286, %swap3A_287], %exp3A_285 {strides = array<i32>} : memref<2x128xf32, #tpu.memory_space<vmem>>, vector<16xf32>,
        %get3A_289 = arith.index_cast %scan3A_144 : i32 to index
        %get3A_290 = arith.constant 80 : index
        %get3A_291 = tpu.vector_load %arg15[%get3A_289, %get3A_290] {strides = array<i32>} : memref<16x128xi32, #tpu.memory_space<vmem>>, vector<16xi32>,
        %get3A_292 = arith.index_cast %scan3A_144 : i32 to index
        %get3A_293 = arith.constant 80 : index
        %get3A_294 = tpu.vector_load %arg16[%get3A_292, %get3A_293] {strides = array<i32>} : memref<16x128xi32, #tpu.memory_space<vmem>>, vector<16xi32>,
        %get3A_295 = arith.index_cast %scan3A_144 : i32 to index
        %get3A_296 = arith.constant 80 : index
        %get3A_297 = tpu.vector_load %arg14[%get3A_295, %get3A_296] {strides = array<i32>} : memref<16x128xf32, #tpu.memory_space<vmem>>, vector<16xf32>,
        %gather3A_298 = tpu.vector_load_idx %arg12[%get3A_291] : memref<10000xf32, #tpu.memory_space<vmem>>[vector<16xi32>], vector<16xf32>,
        %gather3A_299 = tpu.vector_load_idx %arg13[%get3A_294] : memref<10000xf32, #tpu.memory_space<vmem>>[vector<16xi32>], vector<16xf32>,
        %add3A_300 = arith.addf %gather3A_298, %gather3A_299 : vector<16xf32>
        %add3A_301 = arith.addf %add3A_300, %get3A_297 : vector<16xf32>
        %ge3A_302 = arith.constant 0.000000e+00 : f32
        %ge3A_303 = vector.broadcast %ge3A_302 : f32 to vector<16xf32>
        %ge3A_304 = arith.cmpf oge, %add3A_301, %ge3A_303 : vector<16xf32>
        %mul3A_305 = arith.constant 2.000000e-01 : f32
        %mul3A_306 = vector.broadcast %mul3A_305 : f32 to vector<16xf32>
        %mul3A_307 = arith.mulf %add3A_301, %mul3A_306 : vector<16xf32>
        %select_n3A_308 = arith.select %ge3A_304, %add3A_301, %mul3A_307 : vector<16xi1>, vector<16xf32>
        %sub3A_309 = arith.subf %select_n3A_308, %get3A_73 : vector<16xf32>
        %exp3A_310 = math.exp %sub3A_309 : vector<16xf32>
        %swap3A_311 = arith.index_cast %rem3A_145 : i32 to index
        %swap3A_312 = arith.constant 80 : index
        %swap3A_313 = tpu.vector_load %arg18[%swap3A_311, %swap3A_312] {strides = array<i32>} : memref<2x128xf32, #tpu.memory_space<vmem>>, vector<16xf32>,
        tpu.vector_store %arg18[%swap3A_311, %swap3A_312], %exp3A_310 {strides = array<i32>} : memref<2x128xf32, #tpu.memory_space<vmem>>, vector<16xf32>,
        %get3A_314 = arith.index_cast %scan3A_144 : i32 to index
        %get3A_315 = arith.constant 96 : index
        %get3A_316 = tpu.vector_load %arg15[%get3A_314, %get3A_315] {strides = array<i32>} : memref<16x128xi32, #tpu.memory_space<vmem>>, vector<16xi32>,
        %get3A_317 = arith.index_cast %scan3A_144 : i32 to index
        %get3A_318 = arith.constant 96 : index
        %get3A_319 = tpu.vector_load %arg16[%get3A_317, %get3A_318] {strides = array<i32>} : memref<16x128xi32, #tpu.memory_space<vmem>>, vector<16xi32>,
        %get3A_320 = arith.index_cast %scan3A_144 : i32 to index
        %get3A_321 = arith.constant 96 : index
        %get3A_322 = tpu.vector_load %arg14[%get3A_320, %get3A_321] {strides = array<i32>} : memref<16x128xf32, #tpu.memory_space<vmem>>, vector<16xf32>,
        %gather3A_323 = tpu.vector_load_idx %arg12[%get3A_316] : memref<10000xf32, #tpu.memory_space<vmem>>[vector<16xi32>], vector<16xf32>,
        %gather3A_324 = tpu.vector_load_idx %arg13[%get3A_319] : memref<10000xf32, #tpu.memory_space<vmem>>[vector<16xi32>], vector<16xf32>,
        %add3A_325 = arith.addf %gather3A_323, %gather3A_324 : vector<16xf32>
        %add3A_326 = arith.addf %add3A_325, %get3A_322 : vector<16xf32>
        %ge3A_327 = arith.constant 0.000000e+00 : f32
        %ge3A_328 = vector.broadcast %ge3A_327 : f32 to vector<16xf32>
        %ge3A_329 = arith.cmpf oge, %add3A_326, %ge3A_328 : vector<16xf32>
        %mul3A_330 = arith.constant 2.000000e-01 : f32
        %mul3A_331 = vector.broadcast %mul3A_330 : f32 to vector<16xf32>
        %mul3A_332 = arith.mulf %add3A_326, %mul3A_331 : vector<16xf32>
        %select_n3A_333 = arith.select %ge3A_329, %add3A_326, %mul3A_332 : vector<16xi1>, vector<16xf32>
        %sub3A_334 = arith.subf %select_n3A_333, %get3A_73 : vector<16xf32>
        %exp3A_335 = math.exp %sub3A_334 : vector<16xf32>
        %swap3A_336 = arith.index_cast %rem3A_145 : i32 to index
        %swap3A_337 = arith.constant 96 : index
        %swap3A_338 = tpu.vector_load %arg18[%swap3A_336, %swap3A_337] {strides = array<i32>} : memref<2x128xf32, #tpu.memory_space<vmem>>, vector<16xf32>,
        tpu.vector_store %arg18[%swap3A_336, %swap3A_337], %exp3A_335 {strides = array<i32>} : memref<2x128xf32, #tpu.memory_space<vmem>>, vector<16xf32>,
        %get3A_339 = arith.index_cast %scan3A_144 : i32 to index
        %get3A_340 = arith.constant 112 : index
        %get3A_341 = tpu.vector_load %arg15[%get3A_339, %get3A_340] {strides = array<i32>} : memref<16x128xi32, #tpu.memory_space<vmem>>, vector<16xi32>,
        %get3A_342 = arith.index_cast %scan3A_144 : i32 to index
        %get3A_343 = arith.constant 112 : index
        %get3A_344 = tpu.vector_load %arg16[%get3A_342, %get3A_343] {strides = array<i32>} : memref<16x128xi32, #tpu.memory_space<vmem>>, vector<16xi32>,
        %get3A_345 = arith.index_cast %scan3A_144 : i32 to index
        %get3A_346 = arith.constant 112 : index
        %get3A_347 = tpu.vector_load %arg14[%get3A_345, %get3A_346] {strides = array<i32>} : memref<16x128xf32, #tpu.memory_space<vmem>>, vector<16xf32>,
        %gather3A_348 = tpu.vector_load_idx %arg12[%get3A_341] : memref<10000xf32, #tpu.memory_space<vmem>>[vector<16xi32>], vector<16xf32>,
        %gather3A_349 = tpu.vector_load_idx %arg13[%get3A_344] : memref<10000xf32, #tpu.memory_space<vmem>>[vector<16xi32>], vector<16xf32>,
        %add3A_350 = arith.addf %gather3A_348, %gather3A_349 : vector<16xf32>
        %add3A_351 = arith.addf %add3A_350, %get3A_347 : vector<16xf32>
        %ge3A_352 = arith.constant 0.000000e+00 : f32
        %ge3A_353 = vector.broadcast %ge3A_352 : f32 to vector<16xf32>
        %ge3A_354 = arith.cmpf oge, %add3A_351, %ge3A_353 : vector<16xf32>
        %mul3A_355 = arith.constant 2.000000e-01 : f32
        %mul3A_356 = vector.broadcast %mul3A_355 : f32 to vector<16xf32>
        %mul3A_357 = arith.mulf %add3A_351, %mul3A_356 : vector<16xf32>
        %select_n3A_358 = arith.select %ge3A_354, %add3A_351, %mul3A_357 : vector<16xi1>, vector<16xf32>
        %sub3A_359 = arith.subf %select_n3A_358, %get3A_73 : vector<16xf32>
        %exp3A_360 = math.exp %sub3A_359 : vector<16xf32>
        %swap3A_361 = arith.index_cast %rem3A_145 : i32 to index
        %swap3A_362 = arith.constant 112 : index
        %swap3A_363 = tpu.vector_load %arg18[%swap3A_361, %swap3A_362] {strides = array<i32>} : memref<2x128xf32, #tpu.memory_space<vmem>>, vector<16xf32>,
        tpu.vector_store %arg18[%swap3A_361, %swap3A_362], %exp3A_360 {strides = array<i32>} : memref<2x128xf32, #tpu.memory_space<vmem>>, vector<16xf32>,
        %dma_start3A_364 = arith.constant 0 : i32
        %dma_start3A_365 = tpu.memref_slice %arg18[%rem3A_145, %dma_start3A_364] : memref<2x128xf32, #tpu.memory_space<vmem>> -> memref<1x128xf32, #tpu.memory_space<vmem>>
        %dma_start3A_366 = tpu.memref_squeeze %dma_start3A_365 : memref<1x128xf32, #tpu.memory_space<vmem>> -> memref<128xf32, #tpu.memory_space<vmem>>
        %dma_start3A_367 = arith.constant 0 : i32
        %dma_start3A_368 = tpu.memref_slice %arg16[%scan3A_144, %dma_start3A_367] : memref<16x128xi32, #tpu.memory_space<vmem>> -> memref<1x128xi32, #tpu.memory_space<vmem>>
        %dma_start3A_369 = tpu.memref_squeeze %dma_start3A_368 : memref<1x128xi32, #tpu.memory_space<vmem>> -> memref<128xi32, #tpu.memory_space<vmem>>
        %dma_start3A_370 = arith.constant 0 : i32
        %dma_start3A_371 = tpu.memref_slice %arg22[%dma_start3A_370] : memref<10240xf32, #tpu.memory_space<vmem_shared>> -> memref<10240xf32, #tpu.memory_space<vmem_shared>>
        tpu.enqueue_indirect_dma source(%dma_start3A_366 : memref<128xf32, #tpu.memory_space<vmem>>) target(%dma_start3A_371 : memref<10240xf32, #tpu.memory_space<vmem_shared>>) offsets(%dma_start3A_369 : memref<128xi32, #tpu.memory_space<vmem>>) semaphore(%arg25 : memref<!tpu.dma_semaphore, #tpu.memory_space<semaphore_mem>>) {add = true}
        %scan3A_372 = arith.constant 0 : i32
        %scan3A_373 = arith.constant 0 : i32
        %scan3A_374 = arith.constant 32 : i32
        %scan3A_375 = arith.addi %scan3A_373, %scan3A_374 : i32
        %scan3A_376 = arith.constant 1 : i32
        scf.for %scan3A_388 = %scan3A_373 to %scan3A_375 step %scan3A_376  : i32 {
          %mul3A_389 = arith.constant 4 : i32
          %mul3A_390 = arith.muli %scan3A_388, %mul3A_389 : i32
          %add3A_391 = arith.constant 0 : i32
          %add3A_392 = arith.addi %mul3A_390, %add3A_391 : i32
          %broadcast_in_dim3A_393 = vector.broadcast %add3A_392 : i32 to vector<16xi32>
          %gather3A_394 = arith.constant 0 : i32
          %gather3A_395 = tpu.memref_slice %arg18[%rem3A_145, %gather3A_394] : memref<2x128xf32, #tpu.memory_space<vmem>> -> memref<1x128xf32, #tpu.memory_space<vmem>>
          %gather3A_396 = tpu.memref_squeeze %gather3A_395 : memref<1x128xf32, #tpu.memory_space<vmem>> -> memref<128xf32, #tpu.memory_space<vmem>>
          %gather3A_397 = tpu.vector_load_idx %gather3A_396[%broadcast_in_dim3A_393] : memref<128xf32, #tpu.memory_space<vmem>>[vector<16xi32>], vector<16xf32>,
          %get3A_398 = arith.index_cast %rem3A_145 : i32 to index
          %get3A_399 = arith.index_cast %add3A_392 : i32 to index
          %get3A_400 = arith.constant 0 : index
          %get3A_401 = tpu.vector_load %arg17[%get3A_398, %get3A_399, %get3A_400] {strides = array<i32>} : memref<2x128x64xf32, #tpu.memory_space<vmem>>, vector<16xf32>,
          %mul3A_402 = arith.mulf %get3A_401, %gather3A_397 : vector<16xf32>
          %swap3A_403 = arith.index_cast %rem3A_145 : i32 to index
          %swap3A_404 = arith.index_cast %add3A_392 : i32 to index
          %swap3A_405 = arith.constant 0 : index
          %swap3A_406 = tpu.vector_load %arg17[%swap3A_403, %swap3A_404, %swap3A_405] {strides = array<i32>} : memref<2x128x64xf32, #tpu.memory_space<vmem>>, vector<16xf32>,
          tpu.vector_store %arg17[%swap3A_403, %swap3A_404, %swap3A_405], %mul3A_402 {strides = array<i32>} : memref<2x128x64xf32, #tpu.memory_space<vmem>>, vector<16xf32>,
          %get3A_407 = arith.index_cast %rem3A_145 : i32 to index
          %get3A_408 = arith.index_cast %add3A_392 : i32 to index
          %get3A_409 = arith.constant 16 : index
          %get3A_410 = tpu.vector_load %arg17[%get3A_407, %get3A_408, %get3A_409] {strides = array<i32>} : memref<2x128x64xf32, #tpu.memory_space<vmem>>, vector<16xf32>,
          %mul3A_411 = arith.mulf %get3A_410, %gather3A_397 : vector<16xf32>
          %swap3A_412 = arith.index_cast %rem3A_145 : i32 to index
          %swap3A_413 = arith.index_cast %add3A_392 : i32 to index
          %swap3A_414 = arith.constant 16 : index
          %swap3A_415 = tpu.vector_load %arg17[%swap3A_412, %swap3A_413, %swap3A_414] {strides = array<i32>} : memref<2x128x64xf32, #tpu.memory_space<vmem>>, vector<16xf32>,
          tpu.vector_store %arg17[%swap3A_412, %swap3A_413, %swap3A_414], %mul3A_411 {strides = array<i32>} : memref<2x128x64xf32, #tpu.memory_space<vmem>>, vector<16xf32>,
          %get3A_416 = arith.index_cast %rem3A_145 : i32 to index
          %get3A_417 = arith.index_cast %add3A_392 : i32 to index
          %get3A_418 = arith.constant 32 : index
          %get3A_419 = tpu.vector_load %arg17[%get3A_416, %get3A_417, %get3A_418] {strides = array<i32>} : memref<2x128x64xf32, #tpu.memory_space<vmem>>, vector<16xf32>,
          %mul3A_420 = arith.mulf %get3A_419, %gather3A_397 : vector<16xf32>
          %swap3A_421 = arith.index_cast %rem3A_145 : i32 to index
          %swap3A_422 = arith.index_cast %add3A_392 : i32 to index
          %swap3A_423 = arith.constant 32 : index
          %swap3A_424 = tpu.vector_load %arg17[%swap3A_421, %swap3A_422, %swap3A_423] {strides = array<i32>} : memref<2x128x64xf32, #tpu.memory_space<vmem>>, vector<16xf32>,
          tpu.vector_store %arg17[%swap3A_421, %swap3A_422, %swap3A_423], %mul3A_420 {strides = array<i32>} : memref<2x128x64xf32, #tpu.memory_space<vmem>>, vector<16xf32>,
          %get3A_425 = arith.index_cast %rem3A_145 : i32 to index
          %get3A_426 = arith.index_cast %add3A_392 : i32 to index
          %get3A_427 = arith.constant 48 : index
          %get3A_428 = tpu.vector_load %arg17[%get3A_425, %get3A_426, %get3A_427] {strides = array<i32>} : memref<2x128x64xf32, #tpu.memory_space<vmem>>, vector<16xf32>,
          %mul3A_429 = arith.mulf %get3A_428, %gather3A_397 : vector<16xf32>
          %swap3A_430 = arith.index_cast %rem3A_145 : i32 to index
          %swap3A_431 = arith.index_cast %add3A_392 : i32 to index
          %swap3A_432 = arith.constant 48 : index
          %swap3A_433 = tpu.vector_load %arg17[%swap3A_430, %swap3A_431, %swap3A_432] {strides = array<i32>} : memref<2x128x64xf32, #tpu.memory_space<vmem>>, vector<16xf32>,
          tpu.vector_store %arg17[%swap3A_430, %swap3A_431, %swap3A_432], %mul3A_429 {strides = array<i32>} : memref<2x128x64xf32, #tpu.memory_space<vmem>>, vector<16xf32>,
          %mul3A_434 = arith.constant 4 : i32
          %mul3A_435 = arith.muli %scan3A_388, %mul3A_434 : i32
          %add3A_436 = arith.constant 1 : i32
          %add3A_437 = arith.addi %mul3A_435, %add3A_436 : i32
          %broadcast_in_dim3A_438 = vector.broadcast %add3A_437 : i32 to vector<16xi32>
          %gather3A_439 = arith.constant 0 : i32
          %gather3A_440 = tpu.memref_slice %arg18[%rem3A_145, %gather3A_439] : memref<2x128xf32, #tpu.memory_space<vmem>> -> memref<1x128xf32, #tpu.memory_space<vmem>>
          %gather3A_441 = tpu.memref_squeeze %gather3A_440 : memref<1x128xf32, #tpu.memory_space<vmem>> -> memref<128xf32, #tpu.memory_space<vmem>>
          %gather3A_442 = tpu.vector_load_idx %gather3A_441[%broadcast_in_dim3A_438] : memref<128xf32, #tpu.memory_space<vmem>>[vector<16xi32>], vector<16xf32>,
          %get3A_443 = arith.index_cast %rem3A_145 : i32 to index
          %get3A_444 = arith.index_cast %add3A_437 : i32 to index
          %get3A_445 = arith.constant 0 : index
          %get3A_446 = tpu.vector_load %arg17[%get3A_443, %get3A_444, %get3A_445] {strides = array<i32>} : memref<2x128x64xf32, #tpu.memory_space<vmem>>, vector<16xf32>,
          %mul3A_447 = arith.mulf %get3A_446, %gather3A_442 : vector<16xf32>
          %swap3A_448 = arith.index_cast %rem3A_145 : i32 to index
          %swap3A_449 = arith.index_cast %add3A_437 : i32 to index
          %swap3A_450 = arith.constant 0 : index
          %swap3A_451 = tpu.vector_load %arg17[%swap3A_448, %swap3A_449, %swap3A_450] {strides = array<i32>} : memref<2x128x64xf32, #tpu.memory_space<vmem>>, vector<16xf32>,
          tpu.vector_store %arg17[%swap3A_448, %swap3A_449, %swap3A_450], %mul3A_447 {strides = array<i32>} : memref<2x128x64xf32, #tpu.memory_space<vmem>>, vector<16xf32>,
          %get3A_452 = arith.index_cast %rem3A_145 : i32 to index
          %get3A_453 = arith.index_cast %add3A_437 : i32 to index
          %get3A_454 = arith.constant 16 : index
          %get3A_455 = tpu.vector_load %arg17[%get3A_452, %get3A_453, %get3A_454] {strides = array<i32>} : memref<2x128x64xf32, #tpu.memory_space<vmem>>, vector<16xf32>,
          %mul3A_456 = arith.mulf %get3A_455, %gather3A_442 : vector<16xf32>
          %swap3A_457 = arith.index_cast %rem3A_145 : i32 to index
          %swap3A_458 = arith.index_cast %add3A_437 : i32 to index
          %swap3A_459 = arith.constant 16 : index
          %swap3A_460 = tpu.vector_load %arg17[%swap3A_457, %swap3A_458, %swap3A_459] {strides = array<i32>} : memref<2x128x64xf32, #tpu.memory_space<vmem>>, vector<16xf32>,
          tpu.vector_store %arg17[%swap3A_457, %swap3A_458, %swap3A_459], %mul3A_456 {strides = array<i32>} : memref<2x128x64xf32, #tpu.memory_space<vmem>>, vector<16xf32>,
          %get3A_461 = arith.index_cast %rem3A_145 : i32 to index
          %get3A_462 = arith.index_cast %add3A_437 : i32 to index
          %get3A_463 = arith.constant 32 : index
          %get3A_464 = tpu.vector_load %arg17[%get3A_461, %get3A_462, %get3A_463] {strides = array<i32>} : memref<2x128x64xf32, #tpu.memory_space<vmem>>, vector<16xf32>,
          %mul3A_465 = arith.mulf %get3A_464, %gather3A_442 : vector<16xf32>
          %swap3A_466 = arith.index_cast %rem3A_145 : i32 to index
          %swap3A_467 = arith.index_cast %add3A_437 : i32 to index
          %swap3A_468 = arith.constant 32 : index
          %swap3A_469 = tpu.vector_load %arg17[%swap3A_466, %swap3A_467, %swap3A_468] {strides = array<i32>} : memref<2x128x64xf32, #tpu.memory_space<vmem>>, vector<16xf32>,
          tpu.vector_store %arg17[%swap3A_466, %swap3A_467, %swap3A_468], %mul3A_465 {strides = array<i32>} : memref<2x128x64xf32, #tpu.memory_space<vmem>>, vector<16xf32>,
          %get3A_470 = arith.index_cast %rem3A_145 : i32 to index
          %get3A_471 = arith.index_cast %add3A_437 : i32 to index
          %get3A_472 = arith.constant 48 : index
          %get3A_473 = tpu.vector_load %arg17[%get3A_470, %get3A_471, %get3A_472] {strides = array<i32>} : memref<2x128x64xf32, #tpu.memory_space<vmem>>, vector<16xf32>,
          %mul3A_474 = arith.mulf %get3A_473, %gather3A_442 : vector<16xf32>
          %swap3A_475 = arith.index_cast %rem3A_145 : i32 to index
          %swap3A_476 = arith.index_cast %add3A_437 : i32 to index
          %swap3A_477 = arith.constant 48 : index
          %swap3A_478 = tpu.vector_load %arg17[%swap3A_475, %swap3A_476, %swap3A_477] {strides = array<i32>} : memref<2x128x64xf32, #tpu.memory_space<vmem>>, vector<16xf32>,
          tpu.vector_store %arg17[%swap3A_475, %swap3A_476, %swap3A_477], %mul3A_474 {strides = array<i32>} : memref<2x128x64xf32, #tpu.memory_space<vmem>>, vector<16xf32>,
          %mul3A_479 = arith.constant 4 : i32
          %mul3A_480 = arith.muli %scan3A_388, %mul3A_479 : i32
          %add3A_481 = arith.constant 2 : i32
          %add3A_482 = arith.addi %mul3A_480, %add3A_481 : i32
          %broadcast_in_dim3A_483 = vector.broadcast %add3A_482 : i32 to vector<16xi32>
          %gather3A_484 = arith.constant 0 : i32
          %gather3A_485 = tpu.memref_slice %arg18[%rem3A_145, %gather3A_484] : memref<2x128xf32, #tpu.memory_space<vmem>> -> memref<1x128xf32, #tpu.memory_space<vmem>>
          %gather3A_486 = tpu.memref_squeeze %gather3A_485 : memref<1x128xf32, #tpu.memory_space<vmem>> -> memref<128xf32, #tpu.memory_space<vmem>>
          %gather3A_487 = tpu.vector_load_idx %gather3A_486[%broadcast_in_dim3A_483] : memref<128xf32, #tpu.memory_space<vmem>>[vector<16xi32>], vector<16xf32>,
          %get3A_488 = arith.index_cast %rem3A_145 : i32 to index
          %get3A_489 = arith.index_cast %add3A_482 : i32 to index
          %get3A_490 = arith.constant 0 : index
          %get3A_491 = tpu.vector_load %arg17[%get3A_488, %get3A_489, %get3A_490] {strides = array<i32>} : memref<2x128x64xf32, #tpu.memory_space<vmem>>, vector<16xf32>,
          %mul3A_492 = arith.mulf %get3A_491, %gather3A_487 : vector<16xf32>
          %swap3A_493 = arith.index_cast %rem3A_145 : i32 to index
          %swap3A_494 = arith.index_cast %add3A_482 : i32 to index
          %swap3A_495 = arith.constant 0 : index
          %swap3A_496 = tpu.vector_load %arg17[%swap3A_493, %swap3A_494, %swap3A_495] {strides = array<i32>} : memref<2x128x64xf32, #tpu.memory_space<vmem>>, vector<16xf32>,
          tpu.vector_store %arg17[%swap3A_493, %swap3A_494, %swap3A_495], %mul3A_492 {strides = array<i32>} : memref<2x128x64xf32, #tpu.memory_space<vmem>>, vector<16xf32>,
          %get3A_497 = arith.index_cast %rem3A_145 : i32 to index
          %get3A_498 = arith.index_cast %add3A_482 : i32 to index
          %get3A_499 = arith.constant 16 : index
          %get3A_500 = tpu.vector_load %arg17[%get3A_497, %get3A_498, %get3A_499] {strides = array<i32>} : memref<2x128x64xf32, #tpu.memory_space<vmem>>, vector<16xf32>,
          %mul3A_501 = arith.mulf %get3A_500, %gather3A_487 : vector<16xf32>
          %swap3A_502 = arith.index_cast %rem3A_145 : i32 to index
          %swap3A_503 = arith.index_cast %add3A_482 : i32 to index
          %swap3A_504 = arith.constant 16 : index
          %swap3A_505 = tpu.vector_load %arg17[%swap3A_502, %swap3A_503, %swap3A_504] {strides = array<i32>} : memref<2x128x64xf32, #tpu.memory_space<vmem>>, vector<16xf32>,
          tpu.vector_store %arg17[%swap3A_502, %swap3A_503, %swap3A_504], %mul3A_501 {strides = array<i32>} : memref<2x128x64xf32, #tpu.memory_space<vmem>>, vector<16xf32>,
          %get3A_506 = arith.index_cast %rem3A_145 : i32 to index
          %get3A_507 = arith.index_cast %add3A_482 : i32 to index
          %get3A_508 = arith.constant 32 : index
          %get3A_509 = tpu.vector_load %arg17[%get3A_506, %get3A_507, %get3A_508] {strides = array<i32>} : memref<2x128x64xf32, #tpu.memory_space<vmem>>, vector<16xf32>,
          %mul3A_510 = arith.mulf %get3A_509, %gather3A_487 : vector<16xf32>
          %swap3A_511 = arith.index_cast %rem3A_145 : i32 to index
          %swap3A_512 = arith.index_cast %add3A_482 : i32 to index
          %swap3A_513 = arith.constant 32 : index
          %swap3A_514 = tpu.vector_load %arg17[%swap3A_511, %swap3A_512, %swap3A_513] {strides = array<i32>} : memref<2x128x64xf32, #tpu.memory_space<vmem>>, vector<16xf32>,
          tpu.vector_store %arg17[%swap3A_511, %swap3A_512, %swap3A_513], %mul3A_510 {strides = array<i32>} : memref<2x128x64xf32, #tpu.memory_space<vmem>>, vector<16xf32>,
          %get3A_515 = arith.index_cast %rem3A_145 : i32 to index
          %get3A_516 = arith.index_cast %add3A_482 : i32 to index
          %get3A_517 = arith.constant 48 : index
          %get3A_518 = tpu.vector_load %arg17[%get3A_515, %get3A_516, %get3A_517] {strides = array<i32>} : memref<2x128x64xf32, #tpu.memory_space<vmem>>, vector<16xf32>,
          %mul3A_519 = arith.mulf %get3A_518, %gather3A_487 : vector<16xf32>
          %swap3A_520 = arith.index_cast %rem3A_145 : i32 to index
          %swap3A_521 = arith.index_cast %add3A_482 : i32 to index
          %swap3A_522 = arith.constant 48 : index
          %swap3A_523 = tpu.vector_load %arg17[%swap3A_520, %swap3A_521, %swap3A_522] {strides = array<i32>} : memref<2x128x64xf32, #tpu.memory_space<vmem>>, vector<16xf32>,
          tpu.vector_store %arg17[%swap3A_520, %swap3A_521, %swap3A_522], %mul3A_519 {strides = array<i32>} : memref<2x128x64xf32, #tpu.memory_space<vmem>>, vector<16xf32>,
          %mul3A_524 = arith.constant 4 : i32
          %mul3A_525 = arith.muli %scan3A_388, %mul3A_524 : i32
          %add3A_526 = arith.constant 3 : i32
          %add3A_527 = arith.addi %mul3A_525, %add3A_526 : i32
          %broadcast_in_dim3A_528 = vector.broadcast %add3A_527 : i32 to vector<16xi32>
          %gather3A_529 = arith.constant 0 : i32
          %gather3A_530 = tpu.memref_slice %arg18[%rem3A_145, %gather3A_529] : memref<2x128xf32, #tpu.memory_space<vmem>> -> memref<1x128xf32, #tpu.memory_space<vmem>>
          %gather3A_531 = tpu.memref_squeeze %gather3A_530 : memref<1x128xf32, #tpu.memory_space<vmem>> -> memref<128xf32, #tpu.memory_space<vmem>>
          %gather3A_532 = tpu.vector_load_idx %gather3A_531[%broadcast_in_dim3A_528] : memref<128xf32, #tpu.memory_space<vmem>>[vector<16xi32>], vector<16xf32>,
          %get3A_533 = arith.index_cast %rem3A_145 : i32 to index
          %get3A_534 = arith.index_cast %add3A_527 : i32 to index
          %get3A_535 = arith.constant 0 : index
          %get3A_536 = tpu.vector_load %arg17[%get3A_533, %get3A_534, %get3A_535] {strides = array<i32>} : memref<2x128x64xf32, #tpu.memory_space<vmem>>, vector<16xf32>,
          %mul3A_537 = arith.mulf %get3A_536, %gather3A_532 : vector<16xf32>
          %swap3A_538 = arith.index_cast %rem3A_145 : i32 to index
          %swap3A_539 = arith.index_cast %add3A_527 : i32 to index
          %swap3A_540 = arith.constant 0 : index
          %swap3A_541 = tpu.vector_load %arg17[%swap3A_538, %swap3A_539, %swap3A_540] {strides = array<i32>} : memref<2x128x64xf32, #tpu.memory_space<vmem>>, vector<16xf32>,
          tpu.vector_store %arg17[%swap3A_538, %swap3A_539, %swap3A_540], %mul3A_537 {strides = array<i32>} : memref<2x128x64xf32, #tpu.memory_space<vmem>>, vector<16xf32>,
          %get3A_542 = arith.index_cast %rem3A_145 : i32 to index
          %get3A_543 = arith.index_cast %add3A_527 : i32 to index
          %get3A_544 = arith.constant 16 : index
          %get3A_545 = tpu.vector_load %arg17[%get3A_542, %get3A_543, %get3A_544] {strides = array<i32>} : memref<2x128x64xf32, #tpu.memory_space<vmem>>, vector<16xf32>,
          %mul3A_546 = arith.mulf %get3A_545, %gather3A_532 : vector<16xf32>
          %swap3A_547 = arith.index_cast %rem3A_145 : i32 to index
          %swap3A_548 = arith.index_cast %add3A_527 : i32 to index
          %swap3A_549 = arith.constant 16 : index
          %swap3A_550 = tpu.vector_load %arg17[%swap3A_547, %swap3A_548, %swap3A_549] {strides = array<i32>} : memref<2x128x64xf32, #tpu.memory_space<vmem>>, vector<16xf32>,
          tpu.vector_store %arg17[%swap3A_547, %swap3A_548, %swap3A_549], %mul3A_546 {strides = array<i32>} : memref<2x128x64xf32, #tpu.memory_space<vmem>>, vector<16xf32>,
          %get3A_551 = arith.index_cast %rem3A_145 : i32 to index
          %get3A_552 = arith.index_cast %add3A_527 : i32 to index
          %get3A_553 = arith.constant 32 : index
          %get3A_554 = tpu.vector_load %arg17[%get3A_551, %get3A_552, %get3A_553] {strides = array<i32>} : memref<2x128x64xf32, #tpu.memory_space<vmem>>, vector<16xf32>,
          %mul3A_555 = arith.mulf %get3A_554, %gather3A_532 : vector<16xf32>
          %swap3A_556 = arith.index_cast %rem3A_145 : i32 to index
          %swap3A_557 = arith.index_cast %add3A_527 : i32 to index
          %swap3A_558 = arith.constant 32 : index
          %swap3A_559 = tpu.vector_load %arg17[%swap3A_556, %swap3A_557, %swap3A_558] {strides = array<i32>} : memref<2x128x64xf32, #tpu.memory_space<vmem>>, vector<16xf32>,
          tpu.vector_store %arg17[%swap3A_556, %swap3A_557, %swap3A_558], %mul3A_555 {strides = array<i32>} : memref<2x128x64xf32, #tpu.memory_space<vmem>>, vector<16xf32>,
          %get3A_560 = arith.index_cast %rem3A_145 : i32 to index
          %get3A_561 = arith.index_cast %add3A_527 : i32 to index
          %get3A_562 = arith.constant 48 : index
          %get3A_563 = tpu.vector_load %arg17[%get3A_560, %get3A_561, %get3A_562] {strides = array<i32>} : memref<2x128x64xf32, #tpu.memory_space<vmem>>, vector<16xf32>,
          %mul3A_564 = arith.mulf %get3A_563, %gather3A_532 : vector<16xf32>
          %swap3A_565 = arith.index_cast %rem3A_145 : i32 to index
          %swap3A_566 = arith.index_cast %add3A_527 : i32 to index
          %swap3A_567 = arith.constant 48 : index
          %swap3A_568 = tpu.vector_load %arg17[%swap3A_565, %swap3A_566, %swap3A_567] {strides = array<i32>} : memref<2x128x64xf32, #tpu.memory_space<vmem>>, vector<16xf32>,
          tpu.vector_store %arg17[%swap3A_565, %swap3A_566, %swap3A_567], %mul3A_564 {strides = array<i32>} : memref<2x128x64xf32, #tpu.memory_space<vmem>>, vector<16xf32>,
        }
        %scan3A_377 = arith.constant 32 : i32
        %dma_start3A_378 = arith.constant 0 : i32
        %dma_start3A_379 = arith.constant 0 : i32
        %dma_start3A_380 = tpu.memref_slice %arg17[%rem3A_145, %dma_start3A_378, %dma_start3A_379] : memref<2x128x64xf32, #tpu.memory_space<vmem>> -> memref<1x128x64xf32, #tpu.memory_space<vmem>>
        %dma_start3A_381 = tpu.memref_squeeze %dma_start3A_380 : memref<1x128x64xf32, #tpu.memory_space<vmem>> -> memref<128x64xf32, #tpu.memory_space<vmem>>
        %dma_start3A_382 = arith.constant 0 : i32
        %dma_start3A_383 = tpu.memref_slice %arg16[%scan3A_144, %dma_start3A_382] : memref<16x128xi32, #tpu.memory_space<vmem>> -> memref<1x128xi32, #tpu.memory_space<vmem>>
        %dma_start3A_384 = tpu.memref_squeeze %dma_start3A_383 : memref<1x128xi32, #tpu.memory_space<vmem>> -> memref<128xi32, #tpu.memory_space<vmem>>
        %dma_start3A_385 = arith.constant 0 : i32
        %dma_start3A_386 = arith.constant 0 : i32
        %dma_start3A_387 = tpu.memref_slice %arg20[%dma_start3A_385, %dma_start3A_386] : memref<10240x64xf32, #tpu.memory_space<vmem_shared>> -> memref<10240x64xf32, #tpu.memory_space<vmem_shared>>
        tpu.enqueue_indirect_dma source(%dma_start3A_381 : memref<128x64xf32, #tpu.memory_space<vmem>>) target(%dma_start3A_387 : memref<10240x64xf32, #tpu.memory_space<vmem_shared>>) offsets(%dma_start3A_384 : memref<128xi32, #tpu.memory_space<vmem>>) semaphore(%arg24 : memref<!tpu.dma_semaphore, #tpu.memory_space<semaphore_mem>>) {add = true}
      }
      %scan3A_122 = arith.constant 16 : i32
      %dma_wait3A = arith.constant 0 : i32
      %dma_wait3A_123 = arith.constant 0 : i32
      %dma_wait3A_124 = arith.constant 0 : i32
      %dma_wait3A_125 = arith.constant 0 : i32
      %dma_wait3A_126 = tpu.memref_slice %arg17[%dma_wait3A, %dma_wait3A_124, %dma_wait3A_125] : memref<2x128x64xf32, #tpu.memory_space<vmem>> -> memref<1x128x64xf32, #tpu.memory_space<vmem>>
      %dma_wait3A_127 = tpu.memref_squeeze %dma_wait3A_126 : memref<1x128x64xf32, #tpu.memory_space<vmem>> -> memref<128x64xf32, #tpu.memory_space<vmem>>
      %dma_wait3A_128 = arith.constant 0 : i32
      %dma_wait3A_129 = tpu.memref_slice %arg16[%dma_wait3A_123, %dma_wait3A_128] : memref<16x128xi32, #tpu.memory_space<vmem>> -> memref<1x128xi32, #tpu.memory_space<vmem>>
      %dma_wait3A_130 = tpu.memref_squeeze %dma_wait3A_129 : memref<1x128xi32, #tpu.memory_space<vmem>> -> memref<128xi32, #tpu.memory_space<vmem>>
      %dma_wait3A_131 = arith.constant 0 : i32
      %dma_wait3A_132 = arith.constant 0 : i32
      %dma_wait3A_133 = tpu.memref_slice %arg20[%dma_wait3A_131, %dma_wait3A_132] : memref<10240x64xf32, #tpu.memory_space<vmem_shared>> -> memref<10240x64xf32, #tpu.memory_space<vmem_shared>>
      tpu.wait_indirect_dma semaphore(%arg24 : memref<!tpu.dma_semaphore, #tpu.memory_space<semaphore_mem>>) src(%dma_wait3A_127 : memref<128x64xf32, #tpu.memory_space<vmem>>) dst(%dma_wait3A_133 : memref<10240x64xf32, #tpu.memory_space<vmem_shared>>)
      %dma_wait3A_134 = arith.constant 0 : i32
      %dma_wait3A_135 = arith.constant 0 : i32
      %dma_wait3A_136 = arith.constant 0 : i32
      %dma_wait3A_137 = tpu.memref_slice %arg18[%dma_wait3A_134, %dma_wait3A_136] : memref<2x128xf32, #tpu.memory_space<vmem>> -> memref<1x128xf32, #tpu.memory_space<vmem>>
      %dma_wait3A_138 = tpu.memref_squeeze %dma_wait3A_137 : memref<1x128xf32, #tpu.memory_space<vmem>> -> memref<128xf32, #tpu.memory_space<vmem>>
      %dma_wait3A_139 = arith.constant 0 : i32
      %dma_wait3A_140 = tpu.memref_slice %arg16[%dma_wait3A_135, %dma_wait3A_139] : memref<16x128xi32, #tpu.memory_space<vmem>> -> memref<1x128xi32, #tpu.memory_space<vmem>>
      %dma_wait3A_141 = tpu.memref_squeeze %dma_wait3A_140 : memref<1x128xi32, #tpu.memory_space<vmem>> -> memref<128xi32, #tpu.memory_space<vmem>>
      %dma_wait3A_142 = arith.constant 0 : i32
      %dma_wait3A_143 = tpu.memref_slice %arg22[%dma_wait3A_142] : memref<10240xf32, #tpu.memory_space<vmem_shared>> -> memref<10240xf32, #tpu.memory_space<vmem_shared>>
      tpu.wait_indirect_dma semaphore(%arg25 : memref<!tpu.dma_semaphore, #tpu.memory_space<semaphore_mem>>) src(%dma_wait3A_138 : memref<128xf32, #tpu.memory_space<vmem>>) dst(%dma_wait3A_143 : memref<10240xf32, #tpu.memory_space<vmem_shared>>)
    }
    %scan3A_79 = arith.constant 10 : i32
    %barrier3A_80 = arith.constant 0 : index
    tpu.barrier barrier_id(%barrier3A_80)
    %mul3A_81 = arith.constant 640 : i32
    %mul3A_82 = arith.muli %arg1, %mul3A_81 : i32
    %add3A_83 = arith.constant 0 : i32
    %add3A_84 = arith.addi %mul3A_82, %add3A_83 : i32
    "tpu.region"() ({
      %run_scoped3A_103 = tpu.sem_alloc : memref<!tpu.dma_semaphore, #tpu.memory_space<semaphore_mem>>
      %dma_start3A = arith.constant 0 : i32
      %dma_start3A_104 = tpu.memref_slice %arg10[%arg0, %add3A_84, %dma_start3A] : memref<2x10240x64xf32, #tpu.memory_space<hbm>> -> memref<1x128x64xf32, #tpu.memory_space<hbm>>
      %dma_start3A_105 = tpu.memref_squeeze %dma_start3A_104 : memref<1x128x64xf32, #tpu.memory_space<hbm>> -> memref<128x64xf32, #tpu.memory_space<hbm>>
      %dma_start3A_106 = arith.constant 0 : i32
      %dma_start3A_107 = tpu.memref_slice %arg20[%add3A_84, %dma_start3A_106] : memref<10240x64xf32, #tpu.memory_space<vmem_shared>> -> memref<128x64xf32, #tpu.memory_space<vmem_shared>>
      tpu.enqueue_dma source(%dma_start3A_107 : memref<128x64xf32, #tpu.memory_space<vmem_shared>>) target(%dma_start3A_105 : memref<128x64xf32, #tpu.memory_space<hbm>>) target_semaphore(%run_scoped3A_103 : memref<!tpu.dma_semaphore, #tpu.memory_space<semaphore_mem>>)
      %dma_wait3A = arith.constant 0 : i32
      %dma_wait3A_108 = tpu.memref_slice %arg10[%arg0, %add3A_84, %dma_wait3A] : memref<2x10240x64xf32, #tpu.memory_space<hbm>> -> memref<1x128x64xf32, #tpu.memory_space<hbm>>
      %dma_wait3A_109 = tpu.memref_squeeze %dma_wait3A_108 : memref<1x128x64xf32, #tpu.memory_space<hbm>> -> memref<128x64xf32, #tpu.memory_space<hbm>>
      %dma_wait3A_110 = arith.constant 0 : i32
      %dma_wait3A_111 = tpu.memref_slice %arg20[%add3A_84, %dma_wait3A_110] : memref<10240x64xf32, #tpu.memory_space<vmem_shared>> -> memref<128x64xf32, #tpu.memory_space<vmem_shared>>
      tpu.wait_dma2 semaphore(%run_scoped3A_103 : memref<!tpu.dma_semaphore, #tpu.memory_space<semaphore_mem>>) src(%dma_wait3A_111 : memref<128x64xf32, #tpu.memory_space<vmem_shared>>) dst(%dma_wait3A_109 : memref<128x64xf32, #tpu.memory_space<hbm>>)
      tpu.yield
    }) : () -> ()
    %mul3A_85 = arith.constant 640 : i32
    %mul3A_86 = arith.muli %arg1, %mul3A_85 : i32
    %add3A_87 = arith.constant 128 : i32
    %add3A_88 = arith.addi %mul3A_86, %add3A_87 : i32
    "tpu.region"() ({
      %run_scoped3A_103 = tpu.sem_alloc : memref<!tpu.dma_semaphore, #tpu.memory_space<semaphore_mem>>
      %dma_start3A = arith.constant 0 : i32
      %dma_start3A_104 = tpu.memref_slice %arg10[%arg0, %add3A_88, %dma_start3A] : memref<2x10240x64xf32, #tpu.memory_space<hbm>> -> memref<1x128x64xf32, #tpu.memory_space<hbm>>
      %dma_start3A_105 = tpu.memref_squeeze %dma_start3A_104 : memref<1x128x64xf32, #tpu.memory_space<hbm>> -> memref<128x64xf32, #tpu.memory_space<hbm>>
      %dma_start3A_106 = arith.constant 0 : i32
      %dma_start3A_107 = tpu.memref_slice %arg20[%add3A_88, %dma_start3A_106] : memref<10240x64xf32, #tpu.memory_space<vmem_shared>> -> memref<128x64xf32, #tpu.memory_space<vmem_shared>>
      tpu.enqueue_dma source(%dma_start3A_107 : memref<128x64xf32, #tpu.memory_space<vmem_shared>>) target(%dma_start3A_105 : memref<128x64xf32, #tpu.memory_space<hbm>>) target_semaphore(%run_scoped3A_103 : memref<!tpu.dma_semaphore, #tpu.memory_space<semaphore_mem>>)
      %dma_wait3A = arith.constant 0 : i32
      %dma_wait3A_108 = tpu.memref_slice %arg10[%arg0, %add3A_88, %dma_wait3A] : memref<2x10240x64xf32, #tpu.memory_space<hbm>> -> memref<1x128x64xf32, #tpu.memory_space<hbm>>
      %dma_wait3A_109 = tpu.memref_squeeze %dma_wait3A_108 : memref<1x128x64xf32, #tpu.memory_space<hbm>> -> memref<128x64xf32, #tpu.memory_space<hbm>>
      %dma_wait3A_110 = arith.constant 0 : i32
      %dma_wait3A_111 = tpu.memref_slice %arg20[%add3A_88, %dma_wait3A_110] : memref<10240x64xf32, #tpu.memory_space<vmem_shared>> -> memref<128x64xf32, #tpu.memory_space<vmem_shared>>
      tpu.wait_dma2 semaphore(%run_scoped3A_103 : memref<!tpu.dma_semaphore, #tpu.memory_space<semaphore_mem>>) src(%dma_wait3A_111 : memref<128x64xf32, #tpu.memory_space<vmem_shared>>) dst(%dma_wait3A_109 : memref<128x64xf32, #tpu.memory_space<hbm>>)
      tpu.yield
    }) : () -> ()
    %mul3A_89 = arith.constant 640 : i32
    %mul3A_90 = arith.muli %arg1, %mul3A_89 : i32
    %add3A_91 = arith.constant 256 : i32
    %add3A_92 = arith.addi %mul3A_90, %add3A_91 : i32
    "tpu.region"() ({
      %run_scoped3A_103 = tpu.sem_alloc : memref<!tpu.dma_semaphore, #tpu.memory_space<semaphore_mem>>
      %dma_start3A = arith.constant 0 : i32
      %dma_start3A_104 = tpu.memref_slice %arg10[%arg0, %add3A_92, %dma_start3A] : memref<2x10240x64xf32, #tpu.memory_space<hbm>> -> memref<1x128x64xf32, #tpu.memory_space<hbm>>
      %dma_start3A_105 = tpu.memref_squeeze %dma_start3A_104 : memref<1x128x64xf32, #tpu.memory_space<hbm>> -> memref<128x64xf32, #tpu.memory_space<hbm>>
      %dma_start3A_106 = arith.constant 0 : i32
      %dma_start3A_107 = tpu.memref_slice %arg20[%add3A_92, %dma_start3A_106] : memref<10240x64xf32, #tpu.memory_space<vmem_shared>> -> memref<128x64xf32, #tpu.memory_space<vmem_shared>>
      tpu.enqueue_dma source(%dma_start3A_107 : memref<128x64xf32, #tpu.memory_space<vmem_shared>>) target(%dma_start3A_105 : memref<128x64xf32, #tpu.memory_space<hbm>>) target_semaphore(%run_scoped3A_103 : memref<!tpu.dma_semaphore, #tpu.memory_space<semaphore_mem>>)
      %dma_wait3A = arith.constant 0 : i32
      %dma_wait3A_108 = tpu.memref_slice %arg10[%arg0, %add3A_92, %dma_wait3A] : memref<2x10240x64xf32, #tpu.memory_space<hbm>> -> memref<1x128x64xf32, #tpu.memory_space<hbm>>
      %dma_wait3A_109 = tpu.memref_squeeze %dma_wait3A_108 : memref<1x128x64xf32, #tpu.memory_space<hbm>> -> memref<128x64xf32, #tpu.memory_space<hbm>>
      %dma_wait3A_110 = arith.constant 0 : i32
      %dma_wait3A_111 = tpu.memref_slice %arg20[%add3A_92, %dma_wait3A_110] : memref<10240x64xf32, #tpu.memory_space<vmem_shared>> -> memref<128x64xf32, #tpu.memory_space<vmem_shared>>
      tpu.wait_dma2 semaphore(%run_scoped3A_103 : memref<!tpu.dma_semaphore, #tpu.memory_space<semaphore_mem>>) src(%dma_wait3A_111 : memref<128x64xf32, #tpu.memory_space<vmem_shared>>) dst(%dma_wait3A_109 : memref<128x64xf32, #tpu.memory_space<hbm>>)
      tpu.yield
    }) : () -> ()
    %mul3A_93 = arith.constant 640 : i32
    %mul3A_94 = arith.muli %arg1, %mul3A_93 : i32
    %add3A_95 = arith.constant 384 : i32
    %add3A_96 = arith.addi %mul3A_94, %add3A_95 : i32
    "tpu.region"() ({
      %run_scoped3A_103 = tpu.sem_alloc : memref<!tpu.dma_semaphore, #tpu.memory_space<semaphore_mem>>
      %dma_start3A = arith.constant 0 : i32
      %dma_start3A_104 = tpu.memref_slice %arg10[%arg0, %add3A_96, %dma_start3A] : memref<2x10240x64xf32, #tpu.memory_space<hbm>> -> memref<1x128x64xf32, #tpu.memory_space<hbm>>
      %dma_start3A_105 = tpu.memref_squeeze %dma_start3A_104 : memref<1x128x64xf32, #tpu.memory_space<hbm>> -> memref<128x64xf32, #tpu.memory_space<hbm>>
      %dma_start3A_106 = arith.constant 0 : i32
      %dma_start3A_107 = tpu.memref_slice %arg20[%add3A_96, %dma_start3A_106] : memref<10240x64xf32, #tpu.memory_space<vmem_shared>> -> memref<128x64xf32, #tpu.memory_space<vmem_shared>>
      tpu.enqueue_dma source(%dma_start3A_107 : memref<128x64xf32, #tpu.memory_space<vmem_shared>>) target(%dma_start3A_105 : memref<128x64xf32, #tpu.memory_space<hbm>>) target_semaphore(%run_scoped3A_103 : memref<!tpu.dma_semaphore, #tpu.memory_space<semaphore_mem>>)
      %dma_wait3A = arith.constant 0 : i32
      %dma_wait3A_108 = tpu.memref_slice %arg10[%arg0, %add3A_96, %dma_wait3A] : memref<2x10240x64xf32, #tpu.memory_space<hbm>> -> memref<1x128x64xf32, #tpu.memory_space<hbm>>
      %dma_wait3A_109 = tpu.memref_squeeze %dma_wait3A_108 : memref<1x128x64xf32, #tpu.memory_space<hbm>> -> memref<128x64xf32, #tpu.memory_space<hbm>>
      %dma_wait3A_110 = arith.constant 0 : i32
      %dma_wait3A_111 = tpu.memref_slice %arg20[%add3A_96, %dma_wait3A_110] : memref<10240x64xf32, #tpu.memory_space<vmem_shared>> -> memref<128x64xf32, #tpu.memory_space<vmem_shared>>
      tpu.wait_dma2 semaphore(%run_scoped3A_103 : memref<!tpu.dma_semaphore, #tpu.memory_space<semaphore_mem>>) src(%dma_wait3A_111 : memref<128x64xf32, #tpu.memory_space<vmem_shared>>) dst(%dma_wait3A_109 : memref<128x64xf32, #tpu.memory_space<hbm>>)
      tpu.yield
    }) : () -> ()
    %mul3A_97 = arith.constant 640 : i32
    %mul3A_98 = arith.muli %arg1, %mul3A_97 : i32
    %add3A_99 = arith.constant 512 : i32
    %add3A_100 = arith.addi %mul3A_98, %add3A_99 : i32
    "tpu.region"() ({
      %run_scoped3A_103 = tpu.sem_alloc : memref<!tpu.dma_semaphore, #tpu.memory_space<semaphore_mem>>
      %dma_start3A = arith.constant 0 : i32
      %dma_start3A_104 = tpu.memref_slice %arg10[%arg0, %add3A_100, %dma_start3A] : memref<2x10240x64xf32, #tpu.memory_space<hbm>> -> memref<1x128x64xf32, #tpu.memory_space<hbm>>
      %dma_start3A_105 = tpu.memref_squeeze %dma_start3A_104 : memref<1x128x64xf32, #tpu.memory_space<hbm>> -> memref<128x64xf32, #tpu.memory_space<hbm>>
      %dma_start3A_106 = arith.constant 0 : i32
      %dma_start3A_107 = tpu.memref_slice %arg20[%add3A_100, %dma_start3A_106] : memref<10240x64xf32, #tpu.memory_space<vmem_shared>> -> memref<128x64xf32, #tpu.memory_space<vmem_shared>>
      tpu.enqueue_dma source(%dma_start3A_107 : memref<128x64xf32, #tpu.memory_space<vmem_shared>>) target(%dma_start3A_105 : memref<128x64xf32, #tpu.memory_space<hbm>>) target_semaphore(%run_scoped3A_103 : memref<!tpu.dma_semaphore, #tpu.memory_space<semaphore_mem>>)
      %dma_wait3A = arith.constant 0 : i32
      %dma_wait3A_108 = tpu.memref_slice %arg10[%arg0, %add3A_100, %dma_wait3A] : memref<2x10240x64xf32, #tpu.memory_space<hbm>> -> memref<1x128x64xf32, #tpu.memory_space<hbm>>
      %dma_wait3A_109 = tpu.memref_squeeze %dma_wait3A_108 : memref<1x128x64xf32, #tpu.memory_space<hbm>> -> memref<128x64xf32, #tpu.memory_space<hbm>>
      %dma_wait3A_110 = arith.constant 0 : i32
      %dma_wait3A_111 = tpu.memref_slice %arg20[%add3A_100, %dma_wait3A_110] : memref<10240x64xf32, #tpu.memory_space<vmem_shared>> -> memref<128x64xf32, #tpu.memory_space<vmem_shared>>
      tpu.wait_dma2 semaphore(%run_scoped3A_103 : memref<!tpu.dma_semaphore, #tpu.memory_space<semaphore_mem>>) src(%dma_wait3A_111 : memref<128x64xf32, #tpu.memory_space<vmem_shared>>) dst(%dma_wait3A_109 : memref<128x64xf32, #tpu.memory_space<hbm>>)
      tpu.yield
    }) : () -> ()
    %mul3A_101 = arith.constant 640 : i32
    %mul3A_102 = arith.muli %arg1, %mul3A_101 : i32
    "tpu.region"() ({
      %run_scoped3A_103 = tpu.sem_alloc : memref<!tpu.dma_semaphore, #tpu.memory_space<semaphore_mem>>
      %dma_start3A = tpu.memref_slice %arg11[%arg0, %mul3A_102] : memref<2x10240xf32, #tpu.memory_space<hbm>> -> memref<1x640xf32, #tpu.memory_space<hbm>>
      %dma_start3A_104 = tpu.memref_squeeze %dma_start3A : memref<1x640xf32, #tpu.memory_space<hbm>> -> memref<640xf32, #tpu.memory_space<hbm>>
      %dma_start3A_105 = tpu.memref_slice %arg22[%mul3A_102] : memref<10240xf32, #tpu.memory_space<vmem_shared>> -> memref<640xf32, #tpu.memory_space<vmem_shared>>
      tpu.enqueue_dma source(%dma_start3A_105 : memref<640xf32, #tpu.memory_space<vmem_shared>>) target(%dma_start3A_104 : memref<640xf32, #tpu.memory_space<hbm>>) target_semaphore(%run_scoped3A_103 : memref<!tpu.dma_semaphore, #tpu.memory_space<semaphore_mem>>)
      %dma_wait3A = tpu.memref_slice %arg11[%arg0, %mul3A_102] : memref<2x10240xf32, #tpu.memory_space<hbm>> -> memref<1x640xf32, #tpu.memory_space<hbm>>
      %dma_wait3A_106 = tpu.memref_squeeze %dma_wait3A : memref<1x640xf32, #tpu.memory_space<hbm>> -> memref<640xf32, #tpu.memory_space<hbm>>
      %dma_wait3A_107 = tpu.memref_slice %arg22[%mul3A_102] : memref<10240xf32, #tpu.memory_space<vmem_shared>> -> memref<640xf32, #tpu.memory_space<vmem_shared>>
      tpu.wait_dma2 semaphore(%run_scoped3A_103 : memref<!tpu.dma_semaphore, #tpu.memory_space<semaphore_mem>>) src(%dma_wait3A_107 : memref<640xf32, #tpu.memory_space<vmem_shared>>) dst(%dma_wait3A_106 : memref<640xf32, #tpu.memory_space<hbm>>)
      tpu.yield
    }) : () -> ()
    return
  }
}

#map = affine_map<(d0, d1) -> (0, 0)>
#map1 = affine_map<(d0, d1) -> (0)>
#map2 = affine_map<(d0, d1) -> (0, 0, 0)>
module attributes {stable_mosaic.version = 14 : i64} {
  func.func @k(%arg0: i32, %arg1: i32, %arg2: memref<10240x64xf32, #tpu.memory_space<hbm>>, %arg3: memref<10240x64xf32, #tpu.memory_space<hbm>>, %arg4: memref<10240xf32, #tpu.memory_space<hbm>>, %arg5: memref<10240xf32, #tpu.memory_space<hbm>>, %arg6: memref<16x160x128xf32, #tpu.memory_space<hbm>>, %arg7: memref<16x160x128xi32, #tpu.memory_space<hbm>>, %arg8: memref<16x160x128xi32, #tpu.memory_space<hbm>>, %arg9: memref<16xf32, #tpu.memory_space<hbm>>, %arg10: memref<2x10240x64xf32, #tpu.memory_space<hbm>>, %arg11: memref<2x10240xf32, #tpu.memory_space<hbm>>, %arg12: memref<10000xf32, #tpu.memory_space<vmem>>, %arg13: memref<10000xf32, #tpu.memory_space<vmem>>, %arg14: memref<16x128xf32, #tpu.memory_space<vmem>>, %arg15: memref<16x128xi32, #tpu.memory_space<vmem>>, %arg16: memref<16x128xi32, #tpu.memory_space<vmem>>, %arg17: memref<2x128x64xf32, #tpu.memory_space<vmem>>, %arg18: memref<2x128xf32, #tpu.memory_space<vmem>>, %arg19: memref<16xf32, #tpu.memory_space<vmem>>, %arg20: memref<10240x64xf32, #tpu.memory_space<vmem_shared>>, %arg21: memref<10240x64xf32, #tpu.memory_space<vmem_shared>>, %arg22: memref<10240xf32, #tpu.memory_space<vmem_shared>>, %arg23: memref<!tpu.dma_semaphore, #tpu.memory_space<semaphore_mem>>, %arg24: memref<!tpu.dma_semaphore, #tpu.memory_space<semaphore_mem>>, %arg25: memref<!tpu.dma_semaphore, #tpu.memory_space<semaphore_mem>>) attributes {dimension_semantics = [#tpu.dimension_semantics<core_parallel>, #tpu.dimension_semantics<subcore_parallel>], iteration_bounds = array<i64: 2, 16>, scalar_prefetch = 0 : i64, scratch_operands = 14 : i64, tpu.core_type = #tpu.core_type<sc_vector_subcore>, window_params = [{transform_indices = #map}, {transform_indices = #map}, {transform_indices = #map1}, {transform_indices = #map1}, {transform_indices = #map2}, {transform_indices = #map2}, {transform_indices = #map2}, {transform_indices = #map1}, {transform_indices = #map2}, {transform_indices = #map}]} {
    "tpu.region"() ({
      %run_scoped3A_103 = tpu.sem_alloc : memref<!tpu.dma_semaphore, #tpu.memory_space<semaphore_mem>>
      %dma_start3A = arith.constant 0 : i32
      %dma_start3A_104 = tpu.memref_slice %arg4[%dma_start3A] : memref<10240xf32, #tpu.memory_space<hbm>> -> memref<10000xf32, #tpu.memory_space<hbm>>
      %dma_start3A_105 = arith.constant 0 : i32
      %dma_start3A_106 = tpu.memref_slice %arg4[%dma_start3A_105] : memref<10240xf32, #tpu.memory_space<hbm>> -> memref<10000xf32, #tpu.memory_space<hbm>>
      tpu.enqueue_dma source(%dma_start3A_106 : memref<10000xf32, #tpu.memory_space<hbm>>) target(%arg12 : memref<10000xf32, #tpu.memory_space<vmem>>) target_semaphore(%run_scoped3A_103 : memref<!tpu.dma_semaphore, #tpu.memory_space<semaphore_mem>>)
      %dma_wait3A = arith.constant 0 : i32
      %dma_wait3A_107 = tpu.memref_slice %arg4[%dma_wait3A] : memref<10240xf32, #tpu.memory_space<hbm>> -> memref<10000xf32, #tpu.memory_space<hbm>>
      %dma_wait3A_108 = arith.constant 0 : i32
      %dma_wait3A_109 = tpu.memref_slice %arg4[%dma_wait3A_108] : memref<10240xf32, #tpu.memory_space<hbm>> -> memref<10000xf32, #tpu.memory_space<hbm>>
      tpu.wait_dma2 semaphore(%run_scoped3A_103 : memref<!tpu.dma_semaphore, #tpu.memory_space<semaphore_mem>>) src(%dma_wait3A_109 : memref<10000xf32, #tpu.memory_space<hbm>>) dst(%arg12 : memref<10000xf32, #tpu.memory_space<vmem>>)
      tpu.yield
    }) : () -> ()
    "tpu.region"() ({
      %run_scoped3A_103 = tpu.sem_alloc : memref<!tpu.dma_semaphore, #tpu.memory_space<semaphore_mem>>
      %dma_start3A = arith.constant 0 : i32
      %dma_start3A_104 = tpu.memref_slice %arg5[%dma_start3A] : memref<10240xf32, #tpu.memory_space<hbm>> -> memref<10000xf32, #tpu.memory_space<hbm>>
      %dma_start3A_105 = arith.constant 0 : i32
      %dma_start3A_106 = tpu.memref_slice %arg5[%dma_start3A_105] : memref<10240xf32, #tpu.memory_space<hbm>> -> memref<10000xf32, #tpu.memory_space<hbm>>
      tpu.enqueue_dma source(%dma_start3A_106 : memref<10000xf32, #tpu.memory_space<hbm>>) target(%arg13 : memref<10000xf32, #tpu.memory_space<vmem>>) target_semaphore(%run_scoped3A_103 : memref<!tpu.dma_semaphore, #tpu.memory_space<semaphore_mem>>)
      %dma_wait3A = arith.constant 0 : i32
      %dma_wait3A_107 = tpu.memref_slice %arg5[%dma_wait3A] : memref<10240xf32, #tpu.memory_space<hbm>> -> memref<10000xf32, #tpu.memory_space<hbm>>
      %dma_wait3A_108 = arith.constant 0 : i32
      %dma_wait3A_109 = tpu.memref_slice %arg5[%dma_wait3A_108] : memref<10240xf32, #tpu.memory_space<hbm>> -> memref<10000xf32, #tpu.memory_space<hbm>>
      tpu.wait_dma2 semaphore(%run_scoped3A_103 : memref<!tpu.dma_semaphore, #tpu.memory_space<semaphore_mem>>) src(%dma_wait3A_109 : memref<10000xf32, #tpu.memory_space<hbm>>) dst(%arg13 : memref<10000xf32, #tpu.memory_space<vmem>>)
      tpu.yield
    }) : () -> ()
    "tpu.region"() ({
      %run_scoped3A_103 = tpu.sem_alloc : memref<!tpu.dma_semaphore, #tpu.memory_space<semaphore_mem>>
      tpu.enqueue_dma source(%arg9 : memref<16xf32, #tpu.memory_space<hbm>>) target(%arg19 : memref<16xf32, #tpu.memory_space<vmem>>) target_semaphore(%run_scoped3A_103 : memref<!tpu.dma_semaphore, #tpu.memory_space<semaphore_mem>>)
      tpu.wait_dma2 semaphore(%run_scoped3A_103 : memref<!tpu.dma_semaphore, #tpu.memory_space<semaphore_mem>>) src(%arg9 : memref<16xf32, #tpu.memory_space<hbm>>) dst(%arg19 : memref<16xf32, #tpu.memory_space<vmem>>)
      tpu.yield
    }) : () -> ()
    %mul3A = arith.constant 640 : i32
    %mul3A_0 = arith.muli %arg1, %mul3A : i32
    %eq3A = arith.constant 0 : i32
    %eq3A_1 = arith.cmpi eq, %arg0, %eq3A : i32
    %convert_element_type3A = arith.extui %eq3A_1 : i1 to i32
    %cond3A = arith.constant 0 : i32
    %cond3A_2 = arith.cmpi ne, %convert_element_type3A, %cond3A : i32
    scf.if %cond3A_2 {
      "tpu.region"() ({
        %run_scoped3A_103 = tpu.sem_alloc : memref<!tpu.dma_semaphore, #tpu.memory_space<semaphore_mem>>
        %dma_start3A = arith.constant 0 : i32
        %dma_start3A_104 = tpu.memref_slice %arg21[%mul3A_0, %dma_start3A] : memref<10240x64xf32, #tpu.memory_space<vmem_shared>> -> memref<640x64xf32, #tpu.memory_space<vmem_shared>>
        %dma_start3A_105 = arith.constant 0 : i32
        %dma_start3A_106 = tpu.memref_slice %arg2[%mul3A_0, %dma_start3A_105] : memref<10240x64xf32, #tpu.memory_space<hbm>> -> memref<640x64xf32, #tpu.memory_space<hbm>>
        tpu.enqueue_dma source(%dma_start3A_106 : memref<640x64xf32, #tpu.memory_space<hbm>>) target(%dma_start3A_104 : memref<640x64xf32, #tpu.memory_space<vmem_shared>>) target_semaphore(%run_scoped3A_103 : memref<!tpu.dma_semaphore, #tpu.memory_space<semaphore_mem>>)
        %dma_wait3A = arith.constant 0 : i32
        %dma_wait3A_107 = tpu.memref_slice %arg21[%mul3A_0, %dma_wait3A] : memref<10240x64xf32, #tpu.memory_space<vmem_shared>> -> memref<640x64xf32, #tpu.memory_space<vmem_shared>>
        %dma_wait3A_108 = arith.constant 0 : i32
        %dma_wait3A_109 = tpu.memref_slice %arg2[%mul3A_0, %dma_wait3A_108] : memref<10240x64xf32, #tpu.memory_space<hbm>> -> memref<640x64xf32, #tpu.memory_space<hbm>>
        tpu.wait_dma2 semaphore(%run_scoped3A_103 : memref<!tpu.dma_semaphore, #tpu.memory_space<semaphore_mem>>) src(%dma_wait3A_109 : memref<640x64xf32, #tpu.memory_space<hbm>>) dst(%dma_wait3A_107 : memref<640x64xf32, #tpu.memory_space<vmem_shared>>)
        tpu.yield
      }) : () -> ()
    } else {
    }
    %eq3A_3 = arith.constant 1 : i32
    %eq3A_4 = arith.cmpi eq, %arg0, %eq3A_3 : i32
    %convert_element_type3A_5 = arith.extui %eq3A_4 : i1 to i32
    %cond3A_6 = arith.constant 0 : i32
    %cond3A_7 = arith.cmpi ne, %convert_element_type3A_5, %cond3A_6 : i32
    scf.if %cond3A_7 {
      "tpu.region"() ({
        %run_scoped3A_103 = tpu.sem_alloc : memref<!tpu.dma_semaphore, #tpu.memory_space<semaphore_mem>>
        %dma_start3A = arith.constant 0 : i32
        %dma_start3A_104 = tpu.memref_slice %arg21[%mul3A_0, %dma_start3A] : memref<10240x64xf32, #tpu.memory_space<vmem_shared>> -> memref<640x64xf32, #tpu.memory_space<vmem_shared>>
        %dma_start3A_105 = arith.constant 0 : i32
        %dma_start3A_106 = tpu.memref_slice %arg3[%mul3A_0, %dma_start3A_105] : memref<10240x64xf32, #tpu.memory_space<hbm>> -> memref<640x64xf32, #tpu.memory_space<hbm>>
        tpu.enqueue_dma source(%dma_start3A_106 : memref<640x64xf32, #tpu.memory_space<hbm>>) target(%dma_start3A_104 : memref<640x64xf32, #tpu.memory_space<vmem_shared>>) target_semaphore(%run_scoped3A_103 : memref<!tpu.dma_semaphore, #tpu.memory_space<semaphore_mem>>)
        %dma_wait3A = arith.constant 0 : i32
        %dma_wait3A_107 = tpu.memref_slice %arg21[%mul3A_0, %dma_wait3A] : memref<10240x64xf32, #tpu.memory_space<vmem_shared>> -> memref<640x64xf32, #tpu.memory_space<vmem_shared>>
        %dma_wait3A_108 = arith.constant 0 : i32
        %dma_wait3A_109 = tpu.memref_slice %arg3[%mul3A_0, %dma_wait3A_108] : memref<10240x64xf32, #tpu.memory_space<hbm>> -> memref<640x64xf32, #tpu.memory_space<hbm>>
        tpu.wait_dma2 semaphore(%run_scoped3A_103 : memref<!tpu.dma_semaphore, #tpu.memory_space<semaphore_mem>>) src(%dma_wait3A_109 : memref<640x64xf32, #tpu.memory_space<hbm>>) dst(%dma_wait3A_107 : memref<640x64xf32, #tpu.memory_space<vmem_shared>>)
        tpu.yield
      }) : () -> ()
    } else {
    }
    %broadcast_in_dim3A = arith.constant 0.000000e+00 : f32
    %broadcast_in_dim3A_8 = vector.broadcast %broadcast_in_dim3A : f32 to vector<16xf32>
    %scan3A = arith.constant 0 : i32
    %scan3A_9 = arith.constant 0 : i32
    %scan3A_10 = arith.constant 128 : i32
    %scan3A_11 = arith.addi %scan3A_9, %scan3A_10 : i32
    %scan3A_12 = arith.constant 1 : i32
    scf.for %scan3A_103 = %scan3A_9 to %scan3A_11 step %scan3A_12  : i32 {
      %swap3A_104 = arith.constant 0 : i32
      %swap3A_105 = arith.index_cast %swap3A_104 : i32 to index
      %swap3A_106 = arith.index_cast %scan3A_103 : i32 to index
      %swap3A_107 = arith.constant 0 : index
      %swap3A_108 = tpu.vector_load %arg17[%swap3A_105, %swap3A_106, %swap3A_107] {strides = array<i32>} : memref<2x128x64xf32, #tpu.memory_space<vmem>>, vector<16xf32>,
      tpu.vector_store %arg17[%swap3A_105, %swap3A_106, %swap3A_107], %broadcast_in_dim3A_8 {strides = array<i32>} : memref<2x128x64xf32, #tpu.memory_space<vmem>>, vector<16xf32>,
      %swap3A_109 = arith.constant 0 : i32
      %swap3A_110 = arith.index_cast %swap3A_109 : i32 to index
      %swap3A_111 = arith.index_cast %scan3A_103 : i32 to index
      %swap3A_112 = arith.constant 16 : index
      %swap3A_113 = tpu.vector_load %arg17[%swap3A_110, %swap3A_111, %swap3A_112] {strides = array<i32>} : memref<2x128x64xf32, #tpu.memory_space<vmem>>, vector<16xf32>,
      tpu.vector_store %arg17[%swap3A_110, %swap3A_111, %swap3A_112], %broadcast_in_dim3A_8 {strides = array<i32>} : memref<2x128x64xf32, #tpu.memory_space<vmem>>, vector<16xf32>,
      %swap3A_114 = arith.constant 0 : i32
      %swap3A_115 = arith.index_cast %swap3A_114 : i32 to index
      %swap3A_116 = arith.index_cast %scan3A_103 : i32 to index
      %swap3A_117 = arith.constant 32 : index
      %swap3A_118 = tpu.vector_load %arg17[%swap3A_115, %swap3A_116, %swap3A_117] {strides = array<i32>} : memref<2x128x64xf32, #tpu.memory_space<vmem>>, vector<16xf32>,
      tpu.vector_store %arg17[%swap3A_115, %swap3A_116, %swap3A_117], %broadcast_in_dim3A_8 {strides = array<i32>} : memref<2x128x64xf32, #tpu.memory_space<vmem>>, vector<16xf32>,
      %swap3A_119 = arith.constant 0 : i32
      %swap3A_120 = arith.index_cast %swap3A_119 : i32 to index
      %swap3A_121 = arith.index_cast %scan3A_103 : i32 to index
      %swap3A_122 = arith.constant 48 : index
      %swap3A_123 = tpu.vector_load %arg17[%swap3A_120, %swap3A_121, %swap3A_122] {strides = array<i32>} : memref<2x128x64xf32, #tpu.memory_space<vmem>>, vector<16xf32>,
      tpu.vector_store %arg17[%swap3A_120, %swap3A_121, %swap3A_122], %broadcast_in_dim3A_8 {strides = array<i32>} : memref<2x128x64xf32, #tpu.memory_space<vmem>>, vector<16xf32>,
    }
    %scan3A_13 = arith.constant 128 : i32
    %swap3A = arith.constant 0 : i32
    %swap3A_14 = arith.index_cast %swap3A : i32 to index
    %swap3A_15 = arith.constant 0 : index
    %swap3A_16 = tpu.vector_load %arg18[%swap3A_14, %swap3A_15] {strides = array<i32>} : memref<2x128xf32, #tpu.memory_space<vmem>>, vector<16xf32>,
    tpu.vector_store %arg18[%swap3A_14, %swap3A_15], %broadcast_in_dim3A_8 {strides = array<i32>} : memref<2x128xf32, #tpu.memory_space<vmem>>, vector<16xf32>,
    %swap3A_17 = arith.constant 0 : i32
    %swap3A_18 = arith.index_cast %swap3A_17 : i32 to index
    %swap3A_19 = arith.constant 16 : index
    %swap3A_20 = tpu.vector_load %arg18[%swap3A_18, %swap3A_19] {strides = array<i32>} : memref<2x128xf32, #tpu.memory_space<vmem>>, vector<16xf32>,
    tpu.vector_store %arg18[%swap3A_18, %swap3A_19], %broadcast_in_dim3A_8 {strides = array<i32>} : memref<2x128xf32, #tpu.memory_space<vmem>>, vector<16xf32>,
    %swap3A_21 = arith.constant 0 : i32
    %swap3A_22 = arith.index_cast %swap3A_21 : i32 to index
    %swap3A_23 = arith.constant 32 : index
    %swap3A_24 = tpu.vector_load %arg18[%swap3A_22, %swap3A_23] {strides = array<i32>} : memref<2x128xf32, #tpu.memory_space<vmem>>, vector<16xf32>,
    tpu.vector_store %arg18[%swap3A_22, %swap3A_23], %broadcast_in_dim3A_8 {strides = array<i32>} : memref<2x128xf32, #tpu.memory_space<vmem>>, vector<16xf32>,
    %swap3A_25 = arith.constant 0 : i32
    %swap3A_26 = arith.index_cast %swap3A_25 : i32 to index
    %swap3A_27 = arith.constant 48 : index
    %swap3A_28 = tpu.vector_load %arg18[%swap3A_26, %swap3A_27] {strides = array<i32>} : memref<2x128xf32, #tpu.memory_space<vmem>>, vector<16xf32>,
    tpu.vector_store %arg18[%swap3A_26, %swap3A_27], %broadcast_in_dim3A_8 {strides = array<i32>} : memref<2x128xf32, #tpu.memory_space<vmem>>, vector<16xf32>,
    %swap3A_29 = arith.constant 0 : i32
    %swap3A_30 = arith.index_cast %swap3A_29 : i32 to index
    %swap3A_31 = arith.constant 64 : index
    %swap3A_32 = tpu.vector_load %arg18[%swap3A_30, %swap3A_31] {strides = array<i32>} : memref<2x128xf32, #tpu.memory_space<vmem>>, vector<16xf32>,
    tpu.vector_store %arg18[%swap3A_30, %swap3A_31], %broadcast_in_dim3A_8 {strides = array<i32>} : memref<2x128xf32, #tpu.memory_space<vmem>>, vector<16xf32>,
    %swap3A_33 = arith.constant 0 : i32
    %swap3A_34 = arith.index_cast %swap3A_33 : i32 to index
    %swap3A_35 = arith.constant 80 : index
    %swap3A_36 = tpu.vector_load %arg18[%swap3A_34, %swap3A_35] {strides = array<i32>} : memref<2x128xf32, #tpu.memory_space<vmem>>, vector<16xf32>,
    tpu.vector_store %arg18[%swap3A_34, %swap3A_35], %broadcast_in_dim3A_8 {strides = array<i32>} : memref<2x128xf32, #tpu.memory_space<vmem>>, vector<16xf32>,
    %swap3A_37 = arith.constant 0 : i32
    %swap3A_38 = arith.index_cast %swap3A_37 : i32 to index
    %swap3A_39 = arith.constant 96 : index
    %swap3A_40 = tpu.vector_load %arg18[%swap3A_38, %swap3A_39] {strides = array<i32>} : memref<2x128xf32, #tpu.memory_space<vmem>>, vector<16xf32>,
    tpu.vector_store %arg18[%swap3A_38, %swap3A_39], %broadcast_in_dim3A_8 {strides = array<i32>} : memref<2x128xf32, #tpu.memory_space<vmem>>, vector<16xf32>,
    %swap3A_41 = arith.constant 0 : i32
    %swap3A_42 = arith.index_cast %swap3A_41 : i32 to index
    %swap3A_43 = arith.constant 112 : index
    %swap3A_44 = tpu.vector_load %arg18[%swap3A_42, %swap3A_43] {strides = array<i32>} : memref<2x128xf32, #tpu.memory_space<vmem>>, vector<16xf32>,
    tpu.vector_store %arg18[%swap3A_42, %swap3A_43], %broadcast_in_dim3A_8 {strides = array<i32>} : memref<2x128xf32, #tpu.memory_space<vmem>>, vector<16xf32>,
    %mul3A_45 = arith.constant 640 : i32
    %mul3A_46 = arith.muli %arg1, %mul3A_45 : i32
    %add3A = arith.constant 0 : i32
    %add3A_47 = arith.addi %mul3A_46, %add3A : i32
    %run_scoped3A = arith.constant 0 : i32
    "tpu.region"() ({
      %run_scoped3A_103 = tpu.sem_alloc : memref<!tpu.dma_semaphore, #tpu.memory_space<semaphore_mem>>
      %dma_start3A = arith.constant 0 : i32
      %dma_start3A_104 = arith.constant 0 : i32
      %dma_start3A_105 = tpu.memref_slice %arg17[%run_scoped3A, %dma_start3A, %dma_start3A_104] : memref<2x128x64xf32, #tpu.memory_space<vmem>> -> memref<1x128x64xf32, #tpu.memory_space<vmem>>
      %dma_start3A_106 = tpu.memref_squeeze %dma_start3A_105 : memref<1x128x64xf32, #tpu.memory_space<vmem>> -> memref<128x64xf32, #tpu.memory_space<vmem>>
      %dma_start3A_107 = arith.constant 0 : i32
      %dma_start3A_108 = tpu.memref_slice %arg20[%add3A_47, %dma_start3A_107] : memref<10240x64xf32, #tpu.memory_space<vmem_shared>> -> memref<128x64xf32, #tpu.memory_space<vmem_shared>>
      %dma_start3A_109 = arith.constant 0 : i32
      %dma_start3A_110 = tpu.memref_slice %arg20[%add3A_47, %dma_start3A_109] : memref<10240x64xf32, #tpu.memory_space<vmem_shared>> -> memref<128x64xf32, #tpu.memory_space<vmem_shared>>
      %dma_start3A_111 = arith.constant 0 : i32
      %dma_start3A_112 = arith.constant 0 : i32
      %dma_start3A_113 = tpu.memref_slice %arg17[%run_scoped3A, %dma_start3A_111, %dma_start3A_112] : memref<2x128x64xf32, #tpu.memory_space<vmem>> -> memref<1x128x64xf32, #tpu.memory_space<vmem>>
      %dma_start3A_114 = tpu.memref_squeeze %dma_start3A_113 : memref<1x128x64xf32, #tpu.memory_space<vmem>> -> memref<128x64xf32, #tpu.memory_space<vmem>>
      tpu.enqueue_dma source(%dma_start3A_114 : memref<128x64xf32, #tpu.memory_space<vmem>>) target(%dma_start3A_110 : memref<128x64xf32, #tpu.memory_space<vmem_shared>>) target_semaphore(%run_scoped3A_103 : memref<!tpu.dma_semaphore, #tpu.memory_space<semaphore_mem>>)
      %dma_wait3A = arith.constant 0 : i32
      %dma_wait3A_115 = arith.constant 0 : i32
      %dma_wait3A_116 = tpu.memref_slice %arg17[%run_scoped3A, %dma_wait3A, %dma_wait3A_115] : memref<2x128x64xf32, #tpu.memory_space<vmem>> -> memref<1x128x64xf32, #tpu.memory_space<vmem>>
      %dma_wait3A_117 = tpu.memref_squeeze %dma_wait3A_116 : memref<1x128x64xf32, #tpu.memory_space<vmem>> -> memref<128x64xf32, #tpu.memory_space<vmem>>
      %dma_wait3A_118 = arith.constant 0 : i32
      %dma_wait3A_119 = tpu.memref_slice %arg20[%add3A_47, %dma_wait3A_118] : memref<10240x64xf32, #tpu.memory_space<vmem_shared>> -> memref<128x64xf32, #tpu.memory_space<vmem_shared>>
      %dma_wait3A_120 = arith.constant 0 : i32
      %dma_wait3A_121 = tpu.memref_slice %arg20[%add3A_47, %dma_wait3A_120] : memref<10240x64xf32, #tpu.memory_space<vmem_shared>> -> memref<128x64xf32, #tpu.memory_space<vmem_shared>>
      %dma_wait3A_122 = arith.constant 0 : i32
      %dma_wait3A_123 = arith.constant 0 : i32
      %dma_wait3A_124 = tpu.memref_slice %arg17[%run_scoped3A, %dma_wait3A_122, %dma_wait3A_123] : memref<2x128x64xf32, #tpu.memory_space<vmem>> -> memref<1x128x64xf32, #tpu.memory_space<vmem>>
      %dma_wait3A_125 = tpu.memref_squeeze %dma_wait3A_124 : memref<1x128x64xf32, #tpu.memory_space<vmem>> -> memref<128x64xf32, #tpu.memory_space<vmem>>
      tpu.wait_dma2 semaphore(%run_scoped3A_103 : memref<!tpu.dma_semaphore, #tpu.memory_space<semaphore_mem>>) src(%dma_wait3A_125 : memref<128x64xf32, #tpu.memory_space<vmem>>) dst(%dma_wait3A_121 : memref<128x64xf32, #tpu.memory_space<vmem_shared>>)
      tpu.yield
    }) : () -> ()
    %run_scoped3A_48 = arith.constant 0 : i32
    "tpu.region"() ({
      %run_scoped3A_103 = tpu.sem_alloc : memref<!tpu.dma_semaphore, #tpu.memory_space<semaphore_mem>>
      %dma_start3A = arith.constant 0 : i32
      %dma_start3A_104 = tpu.memref_slice %arg18[%run_scoped3A_48, %dma_start3A] : memref<2x128xf32, #tpu.memory_space<vmem>> -> memref<1x128xf32, #tpu.memory_space<vmem>>
      %dma_start3A_105 = tpu.memref_squeeze %dma_start3A_104 : memref<1x128xf32, #tpu.memory_space<vmem>> -> memref<128xf32, #tpu.memory_space<vmem>>
      %dma_start3A_106 = tpu.memref_slice %arg22[%add3A_47] : memref<10240xf32, #tpu.memory_space<vmem_shared>> -> memref<128xf32, #tpu.memory_space<vmem_shared>>
      %dma_start3A_107 = tpu.memref_slice %arg22[%add3A_47] : memref<10240xf32, #tpu.memory_space<vmem_shared>> -> memref<128xf32, #tpu.memory_space<vmem_shared>>
      %dma_start3A_108 = arith.constant 0 : i32
      %dma_start3A_109 = tpu.memref_slice %arg18[%run_scoped3A_48, %dma_start3A_108] : memref<2x128xf32, #tpu.memory_space<vmem>> -> memref<1x128xf32, #tpu.memory_space<vmem>>
      %dma_start3A_110 = tpu.memref_squeeze %dma_start3A_109 : memref<1x128xf32, #tpu.memory_space<vmem>> -> memref<128xf32, #tpu.memory_space<vmem>>
      tpu.enqueue_dma source(%dma_start3A_110 : memref<128xf32, #tpu.memory_space<vmem>>) target(%dma_start3A_107 : memref<128xf32, #tpu.memory_space<vmem_shared>>) target_semaphore(%run_scoped3A_103 : memref<!tpu.dma_semaphore, #tpu.memory_space<semaphore_mem>>)
      %dma_wait3A = arith.constant 0 : i32
      %dma_wait3A_111 = tpu.memref_slice %arg18[%run_scoped3A_48, %dma_wait3A] : memref<2x128xf32, #tpu.memory_space<vmem>> -> memref<1x128xf32, #tpu.memory_space<vmem>>
      %dma_wait3A_112 = tpu.memref_squeeze %dma_wait3A_111 : memref<1x128xf32, #tpu.memory_space<vmem>> -> memref<128xf32, #tpu.memory_space<vmem>>
      %dma_wait3A_113 = tpu.memref_slice %arg22[%add3A_47] : memref<10240xf32, #tpu.memory_space<vmem_shared>> -> memref<128xf32, #tpu.memory_space<vmem_shared>>
      %dma_wait3A_114 = tpu.memref_slice %arg22[%add3A_47] : memref<10240xf32, #tpu.memory_space<vmem_shared>> -> memref<128xf32, #tpu.memory_space<vmem_shared>>
      %dma_wait3A_115 = arith.constant 0 : i32
      %dma_wait3A_116 = tpu.memref_slice %arg18[%run_scoped3A_48, %dma_wait3A_115] : memref<2x128xf32, #tpu.memory_space<vmem>> -> memref<1x128xf32, #tpu.memory_space<vmem>>
      %dma_wait3A_117 = tpu.memref_squeeze %dma_wait3A_116 : memref<1x128xf32, #tpu.memory_space<vmem>> -> memref<128xf32, #tpu.memory_space<vmem>>
      tpu.wait_dma2 semaphore(%run_scoped3A_103 : memref<!tpu.dma_semaphore, #tpu.memory_space<semaphore_mem>>) src(%dma_wait3A_117 : memref<128xf32, #tpu.memory_space<vmem>>) dst(%dma_wait3A_114 : memref<128xf32, #tpu.memory_space<vmem_shared>>)
      tpu.yield
    }) : () -> ()
    %mul3A_49 = arith.constant 640 : i32
    %mul3A_50 = arith.muli %arg1, %mul3A_49 : i32
    %add3A_51 = arith.constant 128 : i32
    %add3A_52 = arith.addi %mul3A_50, %add3A_51 : i32
    %run_scoped3A_53 = arith.constant 0 : i32
    "tpu.region"() ({
      %run_scoped3A_103 = tpu.sem_alloc : memref<!tpu.dma_semaphore, #tpu.memory_space<semaphore_mem>>
      %dma_start3A = arith.constant 0 : i32
      %dma_start3A_104 = arith.constant 0 : i32
      %dma_start3A_105 = tpu.memref_slice %arg17[%run_scoped3A_53, %dma_start3A, %dma_start3A_104] : memref<2x128x64xf32, #tpu.memory_space<vmem>> -> memref<1x128x64xf32, #tpu.memory_space<vmem>>
      %dma_start3A_106 = tpu.memref_squeeze %dma_start3A_105 : memref<1x128x64xf32, #tpu.memory_space<vmem>> -> memref<128x64xf32, #tpu.memory_space<vmem>>
      %dma_start3A_107 = arith.constant 0 : i32
      %dma_start3A_108 = tpu.memref_slice %arg20[%add3A_52, %dma_start3A_107] : memref<10240x64xf32, #tpu.memory_space<vmem_shared>> -> memref<128x64xf32, #tpu.memory_space<vmem_shared>>
      %dma_start3A_109 = arith.constant 0 : i32
      %dma_start3A_110 = tpu.memref_slice %arg20[%add3A_52, %dma_start3A_109] : memref<10240x64xf32, #tpu.memory_space<vmem_shared>> -> memref<128x64xf32, #tpu.memory_space<vmem_shared>>
      %dma_start3A_111 = arith.constant 0 : i32
      %dma_start3A_112 = arith.constant 0 : i32
      %dma_start3A_113 = tpu.memref_slice %arg17[%run_scoped3A_53, %dma_start3A_111, %dma_start3A_112] : memref<2x128x64xf32, #tpu.memory_space<vmem>> -> memref<1x128x64xf32, #tpu.memory_space<vmem>>
      %dma_start3A_114 = tpu.memref_squeeze %dma_start3A_113 : memref<1x128x64xf32, #tpu.memory_space<vmem>> -> memref<128x64xf32, #tpu.memory_space<vmem>>
      tpu.enqueue_dma source(%dma_start3A_114 : memref<128x64xf32, #tpu.memory_space<vmem>>) target(%dma_start3A_110 : memref<128x64xf32, #tpu.memory_space<vmem_shared>>) target_semaphore(%run_scoped3A_103 : memref<!tpu.dma_semaphore, #tpu.memory_space<semaphore_mem>>)
      %dma_wait3A = arith.constant 0 : i32
      %dma_wait3A_115 = arith.constant 0 : i32
      %dma_wait3A_116 = tpu.memref_slice %arg17[%run_scoped3A_53, %dma_wait3A, %dma_wait3A_115] : memref<2x128x64xf32, #tpu.memory_space<vmem>> -> memref<1x128x64xf32, #tpu.memory_space<vmem>>
      %dma_wait3A_117 = tpu.memref_squeeze %dma_wait3A_116 : memref<1x128x64xf32, #tpu.memory_space<vmem>> -> memref<128x64xf32, #tpu.memory_space<vmem>>
      %dma_wait3A_118 = arith.constant 0 : i32
      %dma_wait3A_119 = tpu.memref_slice %arg20[%add3A_52, %dma_wait3A_118] : memref<10240x64xf32, #tpu.memory_space<vmem_shared>> -> memref<128x64xf32, #tpu.memory_space<vmem_shared>>
      %dma_wait3A_120 = arith.constant 0 : i32
      %dma_wait3A_121 = tpu.memref_slice %arg20[%add3A_52, %dma_wait3A_120] : memref<10240x64xf32, #tpu.memory_space<vmem_shared>> -> memref<128x64xf32, #tpu.memory_space<vmem_shared>>
      %dma_wait3A_122 = arith.constant 0 : i32
      %dma_wait3A_123 = arith.constant 0 : i32
      %dma_wait3A_124 = tpu.memref_slice %arg17[%run_scoped3A_53, %dma_wait3A_122, %dma_wait3A_123] : memref<2x128x64xf32, #tpu.memory_space<vmem>> -> memref<1x128x64xf32, #tpu.memory_space<vmem>>
      %dma_wait3A_125 = tpu.memref_squeeze %dma_wait3A_124 : memref<1x128x64xf32, #tpu.memory_space<vmem>> -> memref<128x64xf32, #tpu.memory_space<vmem>>
      tpu.wait_dma2 semaphore(%run_scoped3A_103 : memref<!tpu.dma_semaphore, #tpu.memory_space<semaphore_mem>>) src(%dma_wait3A_125 : memref<128x64xf32, #tpu.memory_space<vmem>>) dst(%dma_wait3A_121 : memref<128x64xf32, #tpu.memory_space<vmem_shared>>)
      tpu.yield
    }) : () -> ()
    %run_scoped3A_54 = arith.constant 0 : i32
    "tpu.region"() ({
      %run_scoped3A_103 = tpu.sem_alloc : memref<!tpu.dma_semaphore, #tpu.memory_space<semaphore_mem>>
      %dma_start3A = arith.constant 0 : i32
      %dma_start3A_104 = tpu.memref_slice %arg18[%run_scoped3A_54, %dma_start3A] : memref<2x128xf32, #tpu.memory_space<vmem>> -> memref<1x128xf32, #tpu.memory_space<vmem>>
      %dma_start3A_105 = tpu.memref_squeeze %dma_start3A_104 : memref<1x128xf32, #tpu.memory_space<vmem>> -> memref<128xf32, #tpu.memory_space<vmem>>
      %dma_start3A_106 = tpu.memref_slice %arg22[%add3A_52] : memref<10240xf32, #tpu.memory_space<vmem_shared>> -> memref<128xf32, #tpu.memory_space<vmem_shared>>
      %dma_start3A_107 = tpu.memref_slice %arg22[%add3A_52] : memref<10240xf32, #tpu.memory_space<vmem_shared>> -> memref<128xf32, #tpu.memory_space<vmem_shared>>
      %dma_start3A_108 = arith.constant 0 : i32
      %dma_start3A_109 = tpu.memref_slice %arg18[%run_scoped3A_54, %dma_start3A_108] : memref<2x128xf32, #tpu.memory_space<vmem>> -> memref<1x128xf32, #tpu.memory_space<vmem>>
      %dma_start3A_110 = tpu.memref_squeeze %dma_start3A_109 : memref<1x128xf32, #tpu.memory_space<vmem>> -> memref<128xf32, #tpu.memory_space<vmem>>
      tpu.enqueue_dma source(%dma_start3A_110 : memref<128xf32, #tpu.memory_space<vmem>>) target(%dma_start3A_107 : memref<128xf32, #tpu.memory_space<vmem_shared>>) target_semaphore(%run_scoped3A_103 : memref<!tpu.dma_semaphore, #tpu.memory_space<semaphore_mem>>)
      %dma_wait3A = arith.constant 0 : i32
      %dma_wait3A_111 = tpu.memref_slice %arg18[%run_scoped3A_54, %dma_wait3A] : memref<2x128xf32, #tpu.memory_space<vmem>> -> memref<1x128xf32, #tpu.memory_space<vmem>>
      %dma_wait3A_112 = tpu.memref_squeeze %dma_wait3A_111 : memref<1x128xf32, #tpu.memory_space<vmem>> -> memref<128xf32, #tpu.memory_space<vmem>>
      %dma_wait3A_113 = tpu.memref_slice %arg22[%add3A_52] : memref<10240xf32, #tpu.memory_space<vmem_shared>> -> memref<128xf32, #tpu.memory_space<vmem_shared>>
      %dma_wait3A_114 = tpu.memref_slice %arg22[%add3A_52] : memref<10240xf32, #tpu.memory_space<vmem_shared>> -> memref<128xf32, #tpu.memory_space<vmem_shared>>
      %dma_wait3A_115 = arith.constant 0 : i32
      %dma_wait3A_116 = tpu.memref_slice %arg18[%run_scoped3A_54, %dma_wait3A_115] : memref<2x128xf32, #tpu.memory_space<vmem>> -> memref<1x128xf32, #tpu.memory_space<vmem>>
      %dma_wait3A_117 = tpu.memref_squeeze %dma_wait3A_116 : memref<1x128xf32, #tpu.memory_space<vmem>> -> memref<128xf32, #tpu.memory_space<vmem>>
      tpu.wait_dma2 semaphore(%run_scoped3A_103 : memref<!tpu.dma_semaphore, #tpu.memory_space<semaphore_mem>>) src(%dma_wait3A_117 : memref<128xf32, #tpu.memory_space<vmem>>) dst(%dma_wait3A_114 : memref<128xf32, #tpu.memory_space<vmem_shared>>)
      tpu.yield
    }) : () -> ()
    %mul3A_55 = arith.constant 640 : i32
    %mul3A_56 = arith.muli %arg1, %mul3A_55 : i32
    %add3A_57 = arith.constant 256 : i32
    %add3A_58 = arith.addi %mul3A_56, %add3A_57 : i32
    %run_scoped3A_59 = arith.constant 0 : i32
    "tpu.region"() ({
      %run_scoped3A_103 = tpu.sem_alloc : memref<!tpu.dma_semaphore, #tpu.memory_space<semaphore_mem>>
      %dma_start3A = arith.constant 0 : i32
      %dma_start3A_104 = arith.constant 0 : i32
      %dma_start3A_105 = tpu.memref_slice %arg17[%run_scoped3A_59, %dma_start3A, %dma_start3A_104] : memref<2x128x64xf32, #tpu.memory_space<vmem>> -> memref<1x128x64xf32, #tpu.memory_space<vmem>>
      %dma_start3A_106 = tpu.memref_squeeze %dma_start3A_105 : memref<1x128x64xf32, #tpu.memory_space<vmem>> -> memref<128x64xf32, #tpu.memory_space<vmem>>
      %dma_start3A_107 = arith.constant 0 : i32
      %dma_start3A_108 = tpu.memref_slice %arg20[%add3A_58, %dma_start3A_107] : memref<10240x64xf32, #tpu.memory_space<vmem_shared>> -> memref<128x64xf32, #tpu.memory_space<vmem_shared>>
      %dma_start3A_109 = arith.constant 0 : i32
      %dma_start3A_110 = tpu.memref_slice %arg20[%add3A_58, %dma_start3A_109] : memref<10240x64xf32, #tpu.memory_space<vmem_shared>> -> memref<128x64xf32, #tpu.memory_space<vmem_shared>>
      %dma_start3A_111 = arith.constant 0 : i32
      %dma_start3A_112 = arith.constant 0 : i32
      %dma_start3A_113 = tpu.memref_slice %arg17[%run_scoped3A_59, %dma_start3A_111, %dma_start3A_112] : memref<2x128x64xf32, #tpu.memory_space<vmem>> -> memref<1x128x64xf32, #tpu.memory_space<vmem>>
      %dma_start3A_114 = tpu.memref_squeeze %dma_start3A_113 : memref<1x128x64xf32, #tpu.memory_space<vmem>> -> memref<128x64xf32, #tpu.memory_space<vmem>>
      tpu.enqueue_dma source(%dma_start3A_114 : memref<128x64xf32, #tpu.memory_space<vmem>>) target(%dma_start3A_110 : memref<128x64xf32, #tpu.memory_space<vmem_shared>>) target_semaphore(%run_scoped3A_103 : memref<!tpu.dma_semaphore, #tpu.memory_space<semaphore_mem>>)
      %dma_wait3A = arith.constant 0 : i32
      %dma_wait3A_115 = arith.constant 0 : i32
      %dma_wait3A_116 = tpu.memref_slice %arg17[%run_scoped3A_59, %dma_wait3A, %dma_wait3A_115] : memref<2x128x64xf32, #tpu.memory_space<vmem>> -> memref<1x128x64xf32, #tpu.memory_space<vmem>>
      %dma_wait3A_117 = tpu.memref_squeeze %dma_wait3A_116 : memref<1x128x64xf32, #tpu.memory_space<vmem>> -> memref<128x64xf32, #tpu.memory_space<vmem>>
      %dma_wait3A_118 = arith.constant 0 : i32
      %dma_wait3A_119 = tpu.memref_slice %arg20[%add3A_58, %dma_wait3A_118] : memref<10240x64xf32, #tpu.memory_space<vmem_shared>> -> memref<128x64xf32, #tpu.memory_space<vmem_shared>>
      %dma_wait3A_120 = arith.constant 0 : i32
      %dma_wait3A_121 = tpu.memref_slice %arg20[%add3A_58, %dma_wait3A_120] : memref<10240x64xf32, #tpu.memory_space<vmem_shared>> -> memref<128x64xf32, #tpu.memory_space<vmem_shared>>
      %dma_wait3A_122 = arith.constant 0 : i32
      %dma_wait3A_123 = arith.constant 0 : i32
      %dma_wait3A_124 = tpu.memref_slice %arg17[%run_scoped3A_59, %dma_wait3A_122, %dma_wait3A_123] : memref<2x128x64xf32, #tpu.memory_space<vmem>> -> memref<1x128x64xf32, #tpu.memory_space<vmem>>
      %dma_wait3A_125 = tpu.memref_squeeze %dma_wait3A_124 : memref<1x128x64xf32, #tpu.memory_space<vmem>> -> memref<128x64xf32, #tpu.memory_space<vmem>>
      tpu.wait_dma2 semaphore(%run_scoped3A_103 : memref<!tpu.dma_semaphore, #tpu.memory_space<semaphore_mem>>) src(%dma_wait3A_125 : memref<128x64xf32, #tpu.memory_space<vmem>>) dst(%dma_wait3A_121 : memref<128x64xf32, #tpu.memory_space<vmem_shared>>)
      tpu.yield
    }) : () -> ()
    %run_scoped3A_60 = arith.constant 0 : i32
    "tpu.region"() ({
      %run_scoped3A_103 = tpu.sem_alloc : memref<!tpu.dma_semaphore, #tpu.memory_space<semaphore_mem>>
      %dma_start3A = arith.constant 0 : i32
      %dma_start3A_104 = tpu.memref_slice %arg18[%run_scoped3A_60, %dma_start3A] : memref<2x128xf32, #tpu.memory_space<vmem>> -> memref<1x128xf32, #tpu.memory_space<vmem>>
      %dma_start3A_105 = tpu.memref_squeeze %dma_start3A_104 : memref<1x128xf32, #tpu.memory_space<vmem>> -> memref<128xf32, #tpu.memory_space<vmem>>
      %dma_start3A_106 = tpu.memref_slice %arg22[%add3A_58] : memref<10240xf32, #tpu.memory_space<vmem_shared>> -> memref<128xf32, #tpu.memory_space<vmem_shared>>
      %dma_start3A_107 = tpu.memref_slice %arg22[%add3A_58] : memref<10240xf32, #tpu.memory_space<vmem_shared>> -> memref<128xf32, #tpu.memory_space<vmem_shared>>
      %dma_start3A_108 = arith.constant 0 : i32
      %dma_start3A_109 = tpu.memref_slice %arg18[%run_scoped3A_60, %dma_start3A_108] : memref<2x128xf32, #tpu.memory_space<vmem>> -> memref<1x128xf32, #tpu.memory_space<vmem>>
      %dma_start3A_110 = tpu.memref_squeeze %dma_start3A_109 : memref<1x128xf32, #tpu.memory_space<vmem>> -> memref<128xf32, #tpu.memory_space<vmem>>
      tpu.enqueue_dma source(%dma_start3A_110 : memref<128xf32, #tpu.memory_space<vmem>>) target(%dma_start3A_107 : memref<128xf32, #tpu.memory_space<vmem_shared>>) target_semaphore(%run_scoped3A_103 : memref<!tpu.dma_semaphore, #tpu.memory_space<semaphore_mem>>)
      %dma_wait3A = arith.constant 0 : i32
      %dma_wait3A_111 = tpu.memref_slice %arg18[%run_scoped3A_60, %dma_wait3A] : memref<2x128xf32, #tpu.memory_space<vmem>> -> memref<1x128xf32, #tpu.memory_space<vmem>>
      %dma_wait3A_112 = tpu.memref_squeeze %dma_wait3A_111 : memref<1x128xf32, #tpu.memory_space<vmem>> -> memref<128xf32, #tpu.memory_space<vmem>>
      %dma_wait3A_113 = tpu.memref_slice %arg22[%add3A_58] : memref<10240xf32, #tpu.memory_space<vmem_shared>> -> memref<128xf32, #tpu.memory_space<vmem_shared>>
      %dma_wait3A_114 = tpu.memref_slice %arg22[%add3A_58] : memref<10240xf32, #tpu.memory_space<vmem_shared>> -> memref<128xf32, #tpu.memory_space<vmem_shared>>
      %dma_wait3A_115 = arith.constant 0 : i32
      %dma_wait3A_116 = tpu.memref_slice %arg18[%run_scoped3A_60, %dma_wait3A_115] : memref<2x128xf32, #tpu.memory_space<vmem>> -> memref<1x128xf32, #tpu.memory_space<vmem>>
      %dma_wait3A_117 = tpu.memref_squeeze %dma_wait3A_116 : memref<1x128xf32, #tpu.memory_space<vmem>> -> memref<128xf32, #tpu.memory_space<vmem>>
      tpu.wait_dma2 semaphore(%run_scoped3A_103 : memref<!tpu.dma_semaphore, #tpu.memory_space<semaphore_mem>>) src(%dma_wait3A_117 : memref<128xf32, #tpu.memory_space<vmem>>) dst(%dma_wait3A_114 : memref<128xf32, #tpu.memory_space<vmem_shared>>)
      tpu.yield
    }) : () -> ()
    %mul3A_61 = arith.constant 640 : i32
    %mul3A_62 = arith.muli %arg1, %mul3A_61 : i32
    %add3A_63 = arith.constant 384 : i32
    %add3A_64 = arith.addi %mul3A_62, %add3A_63 : i32
    %run_scoped3A_65 = arith.constant 0 : i32
    "tpu.region"() ({
      %run_scoped3A_103 = tpu.sem_alloc : memref<!tpu.dma_semaphore, #tpu.memory_space<semaphore_mem>>
      %dma_start3A = arith.constant 0 : i32
      %dma_start3A_104 = arith.constant 0 : i32
      %dma_start3A_105 = tpu.memref_slice %arg17[%run_scoped3A_65, %dma_start3A, %dma_start3A_104] : memref<2x128x64xf32, #tpu.memory_space<vmem>> -> memref<1x128x64xf32, #tpu.memory_space<vmem>>
      %dma_start3A_106 = tpu.memref_squeeze %dma_start3A_105 : memref<1x128x64xf32, #tpu.memory_space<vmem>> -> memref<128x64xf32, #tpu.memory_space<vmem>>
      %dma_start3A_107 = arith.constant 0 : i32
      %dma_start3A_108 = tpu.memref_slice %arg20[%add3A_64, %dma_start3A_107] : memref<10240x64xf32, #tpu.memory_space<vmem_shared>> -> memref<128x64xf32, #tpu.memory_space<vmem_shared>>
      %dma_start3A_109 = arith.constant 0 : i32
      %dma_start3A_110 = tpu.memref_slice %arg20[%add3A_64, %dma_start3A_109] : memref<10240x64xf32, #tpu.memory_space<vmem_shared>> -> memref<128x64xf32, #tpu.memory_space<vmem_shared>>
      %dma_start3A_111 = arith.constant 0 : i32
      %dma_start3A_112 = arith.constant 0 : i32
      %dma_start3A_113 = tpu.memref_slice %arg17[%run_scoped3A_65, %dma_start3A_111, %dma_start3A_112] : memref<2x128x64xf32, #tpu.memory_space<vmem>> -> memref<1x128x64xf32, #tpu.memory_space<vmem>>
      %dma_start3A_114 = tpu.memref_squeeze %dma_start3A_113 : memref<1x128x64xf32, #tpu.memory_space<vmem>> -> memref<128x64xf32, #tpu.memory_space<vmem>>
      tpu.enqueue_dma source(%dma_start3A_114 : memref<128x64xf32, #tpu.memory_space<vmem>>) target(%dma_start3A_110 : memref<128x64xf32, #tpu.memory_space<vmem_shared>>) target_semaphore(%run_scoped3A_103 : memref<!tpu.dma_semaphore, #tpu.memory_space<semaphore_mem>>)
      %dma_wait3A = arith.constant 0 : i32
      %dma_wait3A_115 = arith.constant 0 : i32
      %dma_wait3A_116 = tpu.memref_slice %arg17[%run_scoped3A_65, %dma_wait3A, %dma_wait3A_115] : memref<2x128x64xf32, #tpu.memory_space<vmem>> -> memref<1x128x64xf32, #tpu.memory_space<vmem>>
      %dma_wait3A_117 = tpu.memref_squeeze %dma_wait3A_116 : memref<1x128x64xf32, #tpu.memory_space<vmem>> -> memref<128x64xf32, #tpu.memory_space<vmem>>
      %dma_wait3A_118 = arith.constant 0 : i32
      %dma_wait3A_119 = tpu.memref_slice %arg20[%add3A_64, %dma_wait3A_118] : memref<10240x64xf32, #tpu.memory_space<vmem_shared>> -> memref<128x64xf32, #tpu.memory_space<vmem_shared>>
      %dma_wait3A_120 = arith.constant 0 : i32
      %dma_wait3A_121 = tpu.memref_slice %arg20[%add3A_64, %dma_wait3A_120] : memref<10240x64xf32, #tpu.memory_space<vmem_shared>> -> memref<128x64xf32, #tpu.memory_space<vmem_shared>>
      %dma_wait3A_122 = arith.constant 0 : i32
      %dma_wait3A_123 = arith.constant 0 : i32
      %dma_wait3A_124 = tpu.memref_slice %arg17[%run_scoped3A_65, %dma_wait3A_122, %dma_wait3A_123] : memref<2x128x64xf32, #tpu.memory_space<vmem>> -> memref<1x128x64xf32, #tpu.memory_space<vmem>>
      %dma_wait3A_125 = tpu.memref_squeeze %dma_wait3A_124 : memref<1x128x64xf32, #tpu.memory_space<vmem>> -> memref<128x64xf32, #tpu.memory_space<vmem>>
      tpu.wait_dma2 semaphore(%run_scoped3A_103 : memref<!tpu.dma_semaphore, #tpu.memory_space<semaphore_mem>>) src(%dma_wait3A_125 : memref<128x64xf32, #tpu.memory_space<vmem>>) dst(%dma_wait3A_121 : memref<128x64xf32, #tpu.memory_space<vmem_shared>>)
      tpu.yield
    }) : () -> ()
    %run_scoped3A_66 = arith.constant 0 : i32
    "tpu.region"() ({
      %run_scoped3A_103 = tpu.sem_alloc : memref<!tpu.dma_semaphore, #tpu.memory_space<semaphore_mem>>
      %dma_start3A = arith.constant 0 : i32
      %dma_start3A_104 = tpu.memref_slice %arg18[%run_scoped3A_66, %dma_start3A] : memref<2x128xf32, #tpu.memory_space<vmem>> -> memref<1x128xf32, #tpu.memory_space<vmem>>
      %dma_start3A_105 = tpu.memref_squeeze %dma_start3A_104 : memref<1x128xf32, #tpu.memory_space<vmem>> -> memref<128xf32, #tpu.memory_space<vmem>>
      %dma_start3A_106 = tpu.memref_slice %arg22[%add3A_64] : memref<10240xf32, #tpu.memory_space<vmem_shared>> -> memref<128xf32, #tpu.memory_space<vmem_shared>>
      %dma_start3A_107 = tpu.memref_slice %arg22[%add3A_64] : memref<10240xf32, #tpu.memory_space<vmem_shared>> -> memref<128xf32, #tpu.memory_space<vmem_shared>>
      %dma_start3A_108 = arith.constant 0 : i32
      %dma_start3A_109 = tpu.memref_slice %arg18[%run_scoped3A_66, %dma_start3A_108] : memref<2x128xf32, #tpu.memory_space<vmem>> -> memref<1x128xf32, #tpu.memory_space<vmem>>
      %dma_start3A_110 = tpu.memref_squeeze %dma_start3A_109 : memref<1x128xf32, #tpu.memory_space<vmem>> -> memref<128xf32, #tpu.memory_space<vmem>>
      tpu.enqueue_dma source(%dma_start3A_110 : memref<128xf32, #tpu.memory_space<vmem>>) target(%dma_start3A_107 : memref<128xf32, #tpu.memory_space<vmem_shared>>) target_semaphore(%run_scoped3A_103 : memref<!tpu.dma_semaphore, #tpu.memory_space<semaphore_mem>>)
      %dma_wait3A = arith.constant 0 : i32
      %dma_wait3A_111 = tpu.memref_slice %arg18[%run_scoped3A_66, %dma_wait3A] : memref<2x128xf32, #tpu.memory_space<vmem>> -> memref<1x128xf32, #tpu.memory_space<vmem>>
      %dma_wait3A_112 = tpu.memref_squeeze %dma_wait3A_111 : memref<1x128xf32, #tpu.memory_space<vmem>> -> memref<128xf32, #tpu.memory_space<vmem>>
      %dma_wait3A_113 = tpu.memref_slice %arg22[%add3A_64] : memref<10240xf32, #tpu.memory_space<vmem_shared>> -> memref<128xf32, #tpu.memory_space<vmem_shared>>
      %dma_wait3A_114 = tpu.memref_slice %arg22[%add3A_64] : memref<10240xf32, #tpu.memory_space<vmem_shared>> -> memref<128xf32, #tpu.memory_space<vmem_shared>>
      %dma_wait3A_115 = arith.constant 0 : i32
      %dma_wait3A_116 = tpu.memref_slice %arg18[%run_scoped3A_66, %dma_wait3A_115] : memref<2x128xf32, #tpu.memory_space<vmem>> -> memref<1x128xf32, #tpu.memory_space<vmem>>
      %dma_wait3A_117 = tpu.memref_squeeze %dma_wait3A_116 : memref<1x128xf32, #tpu.memory_space<vmem>> -> memref<128xf32, #tpu.memory_space<vmem>>
      tpu.wait_dma2 semaphore(%run_scoped3A_103 : memref<!tpu.dma_semaphore, #tpu.memory_space<semaphore_mem>>) src(%dma_wait3A_117 : memref<128xf32, #tpu.memory_space<vmem>>) dst(%dma_wait3A_114 : memref<128xf32, #tpu.memory_space<vmem_shared>>)
      tpu.yield
    }) : () -> ()
    %mul3A_67 = arith.constant 640 : i32
    %mul3A_68 = arith.muli %arg1, %mul3A_67 : i32
    %add3A_69 = arith.constant 512 : i32
    %add3A_70 = arith.addi %mul3A_68, %add3A_69 : i32
    %run_scoped3A_71 = arith.constant 0 : i32
    "tpu.region"() ({
      %run_scoped3A_103 = tpu.sem_alloc : memref<!tpu.dma_semaphore, #tpu.memory_space<semaphore_mem>>
      %dma_start3A = arith.constant 0 : i32
      %dma_start3A_104 = arith.constant 0 : i32
      %dma_start3A_105 = tpu.memref_slice %arg17[%run_scoped3A_71, %dma_start3A, %dma_start3A_104] : memref<2x128x64xf32, #tpu.memory_space<vmem>> -> memref<1x128x64xf32, #tpu.memory_space<vmem>>
      %dma_start3A_106 = tpu.memref_squeeze %dma_start3A_105 : memref<1x128x64xf32, #tpu.memory_space<vmem>> -> memref<128x64xf32, #tpu.memory_space<vmem>>
      %dma_start3A_107 = arith.constant 0 : i32
      %dma_start3A_108 = tpu.memref_slice %arg20[%add3A_70, %dma_start3A_107] : memref<10240x64xf32, #tpu.memory_space<vmem_shared>> -> memref<128x64xf32, #tpu.memory_space<vmem_shared>>
      %dma_start3A_109 = arith.constant 0 : i32
      %dma_start3A_110 = tpu.memref_slice %arg20[%add3A_70, %dma_start3A_109] : memref<10240x64xf32, #tpu.memory_space<vmem_shared>> -> memref<128x64xf32, #tpu.memory_space<vmem_shared>>
      %dma_start3A_111 = arith.constant 0 : i32
      %dma_start3A_112 = arith.constant 0 : i32
      %dma_start3A_113 = tpu.memref_slice %arg17[%run_scoped3A_71, %dma_start3A_111, %dma_start3A_112] : memref<2x128x64xf32, #tpu.memory_space<vmem>> -> memref<1x128x64xf32, #tpu.memory_space<vmem>>
      %dma_start3A_114 = tpu.memref_squeeze %dma_start3A_113 : memref<1x128x64xf32, #tpu.memory_space<vmem>> -> memref<128x64xf32, #tpu.memory_space<vmem>>
      tpu.enqueue_dma source(%dma_start3A_114 : memref<128x64xf32, #tpu.memory_space<vmem>>) target(%dma_start3A_110 : memref<128x64xf32, #tpu.memory_space<vmem_shared>>) target_semaphore(%run_scoped3A_103 : memref<!tpu.dma_semaphore, #tpu.memory_space<semaphore_mem>>)
      %dma_wait3A = arith.constant 0 : i32
      %dma_wait3A_115 = arith.constant 0 : i32
      %dma_wait3A_116 = tpu.memref_slice %arg17[%run_scoped3A_71, %dma_wait3A, %dma_wait3A_115] : memref<2x128x64xf32, #tpu.memory_space<vmem>> -> memref<1x128x64xf32, #tpu.memory_space<vmem>>
      %dma_wait3A_117 = tpu.memref_squeeze %dma_wait3A_116 : memref<1x128x64xf32, #tpu.memory_space<vmem>> -> memref<128x64xf32, #tpu.memory_space<vmem>>
      %dma_wait3A_118 = arith.constant 0 : i32
      %dma_wait3A_119 = tpu.memref_slice %arg20[%add3A_70, %dma_wait3A_118] : memref<10240x64xf32, #tpu.memory_space<vmem_shared>> -> memref<128x64xf32, #tpu.memory_space<vmem_shared>>
      %dma_wait3A_120 = arith.constant 0 : i32
      %dma_wait3A_121 = tpu.memref_slice %arg20[%add3A_70, %dma_wait3A_120] : memref<10240x64xf32, #tpu.memory_space<vmem_shared>> -> memref<128x64xf32, #tpu.memory_space<vmem_shared>>
      %dma_wait3A_122 = arith.constant 0 : i32
      %dma_wait3A_123 = arith.constant 0 : i32
      %dma_wait3A_124 = tpu.memref_slice %arg17[%run_scoped3A_71, %dma_wait3A_122, %dma_wait3A_123] : memref<2x128x64xf32, #tpu.memory_space<vmem>> -> memref<1x128x64xf32, #tpu.memory_space<vmem>>
      %dma_wait3A_125 = tpu.memref_squeeze %dma_wait3A_124 : memref<1x128x64xf32, #tpu.memory_space<vmem>> -> memref<128x64xf32, #tpu.memory_space<vmem>>
      tpu.wait_dma2 semaphore(%run_scoped3A_103 : memref<!tpu.dma_semaphore, #tpu.memory_space<semaphore_mem>>) src(%dma_wait3A_125 : memref<128x64xf32, #tpu.memory_space<vmem>>) dst(%dma_wait3A_121 : memref<128x64xf32, #tpu.memory_space<vmem_shared>>)
      tpu.yield
    }) : () -> ()
    %run_scoped3A_72 = arith.constant 0 : i32
    "tpu.region"() ({
      %run_scoped3A_103 = tpu.sem_alloc : memref<!tpu.dma_semaphore, #tpu.memory_space<semaphore_mem>>
      %dma_start3A = arith.constant 0 : i32
      %dma_start3A_104 = tpu.memref_slice %arg18[%run_scoped3A_72, %dma_start3A] : memref<2x128xf32, #tpu.memory_space<vmem>> -> memref<1x128xf32, #tpu.memory_space<vmem>>
      %dma_start3A_105 = tpu.memref_squeeze %dma_start3A_104 : memref<1x128xf32, #tpu.memory_space<vmem>> -> memref<128xf32, #tpu.memory_space<vmem>>
      %dma_start3A_106 = tpu.memref_slice %arg22[%add3A_70] : memref<10240xf32, #tpu.memory_space<vmem_shared>> -> memref<128xf32, #tpu.memory_space<vmem_shared>>
      %dma_start3A_107 = tpu.memref_slice %arg22[%add3A_70] : memref<10240xf32, #tpu.memory_space<vmem_shared>> -> memref<128xf32, #tpu.memory_space<vmem_shared>>
      %dma_start3A_108 = arith.constant 0 : i32
      %dma_start3A_109 = tpu.memref_slice %arg18[%run_scoped3A_72, %dma_start3A_108] : memref<2x128xf32, #tpu.memory_space<vmem>> -> memref<1x128xf32, #tpu.memory_space<vmem>>
      %dma_start3A_110 = tpu.memref_squeeze %dma_start3A_109 : memref<1x128xf32, #tpu.memory_space<vmem>> -> memref<128xf32, #tpu.memory_space<vmem>>
      tpu.enqueue_dma source(%dma_start3A_110 : memref<128xf32, #tpu.memory_space<vmem>>) target(%dma_start3A_107 : memref<128xf32, #tpu.memory_space<vmem_shared>>) target_semaphore(%run_scoped3A_103 : memref<!tpu.dma_semaphore, #tpu.memory_space<semaphore_mem>>)
      %dma_wait3A = arith.constant 0 : i32
      %dma_wait3A_111 = tpu.memref_slice %arg18[%run_scoped3A_72, %dma_wait3A] : memref<2x128xf32, #tpu.memory_space<vmem>> -> memref<1x128xf32, #tpu.memory_space<vmem>>
      %dma_wait3A_112 = tpu.memref_squeeze %dma_wait3A_111 : memref<1x128xf32, #tpu.memory_space<vmem>> -> memref<128xf32, #tpu.memory_space<vmem>>
      %dma_wait3A_113 = tpu.memref_slice %arg22[%add3A_70] : memref<10240xf32, #tpu.memory_space<vmem_shared>> -> memref<128xf32, #tpu.memory_space<vmem_shared>>
      %dma_wait3A_114 = tpu.memref_slice %arg22[%add3A_70] : memref<10240xf32, #tpu.memory_space<vmem_shared>> -> memref<128xf32, #tpu.memory_space<vmem_shared>>
      %dma_wait3A_115 = arith.constant 0 : i32
      %dma_wait3A_116 = tpu.memref_slice %arg18[%run_scoped3A_72, %dma_wait3A_115] : memref<2x128xf32, #tpu.memory_space<vmem>> -> memref<1x128xf32, #tpu.memory_space<vmem>>
      %dma_wait3A_117 = tpu.memref_squeeze %dma_wait3A_116 : memref<1x128xf32, #tpu.memory_space<vmem>> -> memref<128xf32, #tpu.memory_space<vmem>>
      tpu.wait_dma2 semaphore(%run_scoped3A_103 : memref<!tpu.dma_semaphore, #tpu.memory_space<semaphore_mem>>) src(%dma_wait3A_117 : memref<128xf32, #tpu.memory_space<vmem>>) dst(%dma_wait3A_114 : memref<128xf32, #tpu.memory_space<vmem_shared>>)
      tpu.yield
    }) : () -> ()
    %barrier3A = arith.constant 0 : index
    tpu.barrier barrier_id(%barrier3A)
    %get3A = arith.constant 0 : index
    %get3A_73 = tpu.vector_load %arg19[%get3A] {strides = array<i32>} : memref<16xf32, #tpu.memory_space<vmem>>, vector<16xf32>,
    %scan3A_74 = arith.constant 0 : i32
    %scan3A_75 = arith.constant 0 : i32
    %scan3A_76 = arith.constant 10 : i32
    %scan3A_77 = arith.addi %scan3A_75, %scan3A_76 : i32
    %scan3A_78 = arith.constant 1 : i32
    scf.for %scan3A_103 = %scan3A_75 to %scan3A_77 step %scan3A_78  : i32 {
      %mul3A_104 = arith.constant 16 : i32
      %mul3A_105 = arith.muli %scan3A_103, %mul3A_104 : i32
      "tpu.region"() ({
        %run_scoped3A_144 = tpu.sem_alloc : memref<!tpu.dma_semaphore, #tpu.memory_space<semaphore_mem>>
        %dma_start3A_145 = arith.constant 0 : i32
        %dma_start3A_146 = tpu.memref_slice %arg6[%arg1, %mul3A_105, %dma_start3A_145] : memref<16x160x128xf32, #tpu.memory_space<hbm>> -> memref<1x16x128xf32, #tpu.memory_space<hbm>>
        %dma_start3A_147 = tpu.memref_squeeze %dma_start3A_146 : memref<1x16x128xf32, #tpu.memory_space<hbm>> -> memref<16x128xf32, #tpu.memory_space<hbm>>
        %dma_start3A_148 = arith.constant 0 : i32
        %dma_start3A_149 = tpu.memref_slice %arg6[%arg1, %mul3A_105, %dma_start3A_148] : memref<16x160x128xf32, #tpu.memory_space<hbm>> -> memref<1x16x128xf32, #tpu.memory_space<hbm>>
        %dma_start3A_150 = tpu.memref_squeeze %dma_start3A_149 : memref<1x16x128xf32, #tpu.memory_space<hbm>> -> memref<16x128xf32, #tpu.memory_space<hbm>>
        tpu.enqueue_dma source(%dma_start3A_150 : memref<16x128xf32, #tpu.memory_space<hbm>>) target(%arg14 : memref<16x128xf32, #tpu.memory_space<vmem>>) target_semaphore(%run_scoped3A_144 : memref<!tpu.dma_semaphore, #tpu.memory_space<semaphore_mem>>)
        %dma_wait3A_151 = arith.constant 0 : i32
        %dma_wait3A_152 = tpu.memref_slice %arg6[%arg1, %mul3A_105, %dma_wait3A_151] : memref<16x160x128xf32, #tpu.memory_space<hbm>> -> memref<1x16x128xf32, #tpu.memory_space<hbm>>
        %dma_wait3A_153 = tpu.memref_squeeze %dma_wait3A_152 : memref<1x16x128xf32, #tpu.memory_space<hbm>> -> memref<16x128xf32, #tpu.memory_space<hbm>>
        %dma_wait3A_154 = arith.constant 0 : i32
        %dma_wait3A_155 = tpu.memref_slice %arg6[%arg1, %mul3A_105, %dma_wait3A_154] : memref<16x160x128xf32, #tpu.memory_space<hbm>> -> memref<1x16x128xf32, #tpu.memory_space<hbm>>
        %dma_wait3A_156 = tpu.memref_squeeze %dma_wait3A_155 : memref<1x16x128xf32, #tpu.memory_space<hbm>> -> memref<16x128xf32, #tpu.memory_space<hbm>>
        tpu.wait_dma2 semaphore(%run_scoped3A_144 : memref<!tpu.dma_semaphore, #tpu.memory_space<semaphore_mem>>) src(%dma_wait3A_156 : memref<16x128xf32, #tpu.memory_space<hbm>>) dst(%arg14 : memref<16x128xf32, #tpu.memory_space<vmem>>)
        tpu.yield
      }) : () -> ()
      "tpu.region"() ({
        %run_scoped3A_144 = tpu.sem_alloc : memref<!tpu.dma_semaphore, #tpu.memory_space<semaphore_mem>>
        %dma_start3A_145 = arith.constant 0 : i32
        %dma_start3A_146 = tpu.memref_slice %arg7[%arg1, %mul3A_105, %dma_start3A_145] : memref<16x160x128xi32, #tpu.memory_space<hbm>> -> memref<1x16x128xi32, #tpu.memory_space<hbm>>
        %dma_start3A_147 = tpu.memref_squeeze %dma_start3A_146 : memref<1x16x128xi32, #tpu.memory_space<hbm>> -> memref<16x128xi32, #tpu.memory_space<hbm>>
        %dma_start3A_148 = arith.constant 0 : i32
        %dma_start3A_149 = tpu.memref_slice %arg7[%arg1, %mul3A_105, %dma_start3A_148] : memref<16x160x128xi32, #tpu.memory_space<hbm>> -> memref<1x16x128xi32, #tpu.memory_space<hbm>>
        %dma_start3A_150 = tpu.memref_squeeze %dma_start3A_149 : memref<1x16x128xi32, #tpu.memory_space<hbm>> -> memref<16x128xi32, #tpu.memory_space<hbm>>
        tpu.enqueue_dma source(%dma_start3A_150 : memref<16x128xi32, #tpu.memory_space<hbm>>) target(%arg15 : memref<16x128xi32, #tpu.memory_space<vmem>>) target_semaphore(%run_scoped3A_144 : memref<!tpu.dma_semaphore, #tpu.memory_space<semaphore_mem>>)
        %dma_wait3A_151 = arith.constant 0 : i32
        %dma_wait3A_152 = tpu.memref_slice %arg7[%arg1, %mul3A_105, %dma_wait3A_151] : memref<16x160x128xi32, #tpu.memory_space<hbm>> -> memref<1x16x128xi32, #tpu.memory_space<hbm>>
        %dma_wait3A_153 = tpu.memref_squeeze %dma_wait3A_152 : memref<1x16x128xi32, #tpu.memory_space<hbm>> -> memref<16x128xi32, #tpu.memory_space<hbm>>
        %dma_wait3A_154 = arith.constant 0 : i32
        %dma_wait3A_155 = tpu.memref_slice %arg7[%arg1, %mul3A_105, %dma_wait3A_154] : memref<16x160x128xi32, #tpu.memory_space<hbm>> -> memref<1x16x128xi32, #tpu.memory_space<hbm>>
        %dma_wait3A_156 = tpu.memref_squeeze %dma_wait3A_155 : memref<1x16x128xi32, #tpu.memory_space<hbm>> -> memref<16x128xi32, #tpu.memory_space<hbm>>
        tpu.wait_dma2 semaphore(%run_scoped3A_144 : memref<!tpu.dma_semaphore, #tpu.memory_space<semaphore_mem>>) src(%dma_wait3A_156 : memref<16x128xi32, #tpu.memory_space<hbm>>) dst(%arg15 : memref<16x128xi32, #tpu.memory_space<vmem>>)
        tpu.yield
      }) : () -> ()
      "tpu.region"() ({
        %run_scoped3A_144 = tpu.sem_alloc : memref<!tpu.dma_semaphore, #tpu.memory_space<semaphore_mem>>
        %dma_start3A_145 = arith.constant 0 : i32
        %dma_start3A_146 = tpu.memref_slice %arg8[%arg1, %mul3A_105, %dma_start3A_145] : memref<16x160x128xi32, #tpu.memory_space<hbm>> -> memref<1x16x128xi32, #tpu.memory_space<hbm>>
        %dma_start3A_147 = tpu.memref_squeeze %dma_start3A_146 : memref<1x16x128xi32, #tpu.memory_space<hbm>> -> memref<16x128xi32, #tpu.memory_space<hbm>>
        %dma_start3A_148 = arith.constant 0 : i32
        %dma_start3A_149 = tpu.memref_slice %arg8[%arg1, %mul3A_105, %dma_start3A_148] : memref<16x160x128xi32, #tpu.memory_space<hbm>> -> memref<1x16x128xi32, #tpu.memory_space<hbm>>
        %dma_start3A_150 = tpu.memref_squeeze %dma_start3A_149 : memref<1x16x128xi32, #tpu.memory_space<hbm>> -> memref<16x128xi32, #tpu.memory_space<hbm>>
        tpu.enqueue_dma source(%dma_start3A_150 : memref<16x128xi32, #tpu.memory_space<hbm>>) target(%arg16 : memref<16x128xi32, #tpu.memory_space<vmem>>) target_semaphore(%run_scoped3A_144 : memref<!tpu.dma_semaphore, #tpu.memory_space<semaphore_mem>>)
        %dma_wait3A_151 = arith.constant 0 : i32
        %dma_wait3A_152 = tpu.memref_slice %arg8[%arg1, %mul3A_105, %dma_wait3A_151] : memref<16x160x128xi32, #tpu.memory_space<hbm>> -> memref<1x16x128xi32, #tpu.memory_space<hbm>>
        %dma_wait3A_153 = tpu.memref_squeeze %dma_wait3A_152 : memref<1x16x128xi32, #tpu.memory_space<hbm>> -> memref<16x128xi32, #tpu.memory_space<hbm>>
        %dma_wait3A_154 = arith.constant 0 : i32
        %dma_wait3A_155 = tpu.memref_slice %arg8[%arg1, %mul3A_105, %dma_wait3A_154] : memref<16x160x128xi32, #tpu.memory_space<hbm>> -> memref<1x16x128xi32, #tpu.memory_space<hbm>>
        %dma_wait3A_156 = tpu.memref_squeeze %dma_wait3A_155 : memref<1x16x128xi32, #tpu.memory_space<hbm>> -> memref<16x128xi32, #tpu.memory_space<hbm>>
        tpu.wait_dma2 semaphore(%run_scoped3A_144 : memref<!tpu.dma_semaphore, #tpu.memory_space<semaphore_mem>>) src(%dma_wait3A_156 : memref<16x128xi32, #tpu.memory_space<hbm>>) dst(%arg16 : memref<16x128xi32, #tpu.memory_space<vmem>>)
        tpu.yield
      }) : () -> ()
      %dma_start3A = arith.constant 0 : i32
      %dma_start3A_106 = arith.constant 0 : i32
      %dma_start3A_107 = arith.constant 0 : i32
      %dma_start3A_108 = arith.constant 0 : i32
      %dma_start3A_109 = tpu.memref_slice %arg17[%dma_start3A_106, %dma_start3A_107, %dma_start3A_108] : memref<2x128x64xf32, #tpu.memory_space<vmem>> -> memref<1x128x64xf32, #tpu.memory_space<vmem>>
      %dma_start3A_110 = tpu.memref_squeeze %dma_start3A_109 : memref<1x128x64xf32, #tpu.memory_space<vmem>> -> memref<128x64xf32, #tpu.memory_space<vmem>>
      %dma_start3A_111 = arith.constant 0 : i32
      %dma_start3A_112 = tpu.memref_slice %arg15[%dma_start3A, %dma_start3A_111] : memref<16x128xi32, #tpu.memory_space<vmem>> -> memref<1x128xi32, #tpu.memory_space<vmem>>
      %dma_start3A_113 = tpu.memref_squeeze %dma_start3A_112 : memref<1x128xi32, #tpu.memory_space<vmem>> -> memref<128xi32, #tpu.memory_space<vmem>>
      %dma_start3A_114 = arith.constant 0 : i32
      %dma_start3A_115 = arith.constant 0 : i32
      %dma_start3A_116 = tpu.memref_slice %arg21[%dma_start3A_114, %dma_start3A_115] : memref<10240x64xf32, #tpu.memory_space<vmem_shared>> -> memref<10240x64xf32, #tpu.memory_space<vmem_shared>>
      tpu.enqueue_indirect_dma source(%dma_start3A_116 : memref<10240x64xf32, #tpu.memory_space<vmem_shared>>) target(%dma_start3A_110 : memref<128x64xf32, #tpu.memory_space<vmem>>) offsets(%dma_start3A_113 : memref<128xi32, #tpu.memory_space<vmem>>) semaphore(%arg23 : memref<!tpu.dma_semaphore, #tpu.memory_space<semaphore_mem>>)
      %scan3A_117 = arith.constant 0 : i32
      %scan3A_118 = arith.constant 0 : i32
      %scan3A_119 = arith.constant 16 : i32
      %scan3A_120 = arith.addi %scan3A_118, %scan3A_119 : i32
      %scan3A_121 = arith.constant 1 : i32
      scf.for %scan3A_144 = %scan3A_118 to %scan3A_120 step %scan3A_121  : i32 {
        %rem3A = arith.constant 2 : i32
        %rem3A_145 = arith.remsi %scan3A_144, %rem3A : i32
        %ge3A = arith.constant 1 : i32
        %ge3A_146 = arith.cmpi sge, %scan3A_144, %ge3A : i32
        %convert_element_type3A_147 = arith.extui %ge3A_146 : i1 to i32
        %cond3A_148 = arith.constant 0 : i32
        %cond3A_149 = arith.cmpi ne, %convert_element_type3A_147, %cond3A_148 : i32
        scf.if %cond3A_149 {
          %dma_wait3A_388 = arith.constant 0 : i32
          %dma_wait3A_389 = arith.constant 0 : i32
          %dma_wait3A_390 = arith.constant 0 : i32
          %dma_wait3A_391 = arith.constant 0 : i32
          %dma_wait3A_392 = tpu.memref_slice %arg17[%dma_wait3A_388, %dma_wait3A_390, %dma_wait3A_391] : memref<2x128x64xf32, #tpu.memory_space<vmem>> -> memref<1x128x64xf32, #tpu.memory_space<vmem>>
          %dma_wait3A_393 = tpu.memref_squeeze %dma_wait3A_392 : memref<1x128x64xf32, #tpu.memory_space<vmem>> -> memref<128x64xf32, #tpu.memory_space<vmem>>
          %dma_wait3A_394 = arith.constant 0 : i32
          %dma_wait3A_395 = tpu.memref_slice %arg16[%dma_wait3A_389, %dma_wait3A_394] : memref<16x128xi32, #tpu.memory_space<vmem>> -> memref<1x128xi32, #tpu.memory_space<vmem>>
          %dma_wait3A_396 = tpu.memref_squeeze %dma_wait3A_395 : memref<1x128xi32, #tpu.memory_space<vmem>> -> memref<128xi32, #tpu.memory_space<vmem>>
          %dma_wait3A_397 = arith.constant 0 : i32
          %dma_wait3A_398 = arith.constant 0 : i32
          %dma_wait3A_399 = tpu.memref_slice %arg20[%dma_wait3A_397, %dma_wait3A_398] : memref<10240x64xf32, #tpu.memory_space<vmem_shared>> -> memref<10240x64xf32, #tpu.memory_space<vmem_shared>>
          tpu.wait_indirect_dma semaphore(%arg24 : memref<!tpu.dma_semaphore, #tpu.memory_space<semaphore_mem>>) src(%dma_wait3A_393 : memref<128x64xf32, #tpu.memory_space<vmem>>) dst(%dma_wait3A_399 : memref<10240x64xf32, #tpu.memory_space<vmem_shared>>)
          %dma_wait3A_400 = arith.constant 0 : i32
          %dma_wait3A_401 = arith.constant 0 : i32
          %dma_wait3A_402 = arith.constant 0 : i32
          %dma_wait3A_403 = tpu.memref_slice %arg18[%dma_wait3A_400, %dma_wait3A_402] : memref<2x128xf32, #tpu.memory_space<vmem>> -> memref<1x128xf32, #tpu.memory_space<vmem>>
          %dma_wait3A_404 = tpu.memref_squeeze %dma_wait3A_403 : memref<1x128xf32, #tpu.memory_space<vmem>> -> memref<128xf32, #tpu.memory_space<vmem>>
          %dma_wait3A_405 = arith.constant 0 : i32
          %dma_wait3A_406 = tpu.memref_slice %arg16[%dma_wait3A_401, %dma_wait3A_405] : memref<16x128xi32, #tpu.memory_space<vmem>> -> memref<1x128xi32, #tpu.memory_space<vmem>>
          %dma_wait3A_407 = tpu.memref_squeeze %dma_wait3A_406 : memref<1x128xi32, #tpu.memory_space<vmem>> -> memref<128xi32, #tpu.memory_space<vmem>>
          %dma_wait3A_408 = arith.constant 0 : i32
          %dma_wait3A_409 = tpu.memref_slice %arg22[%dma_wait3A_408] : memref<10240xf32, #tpu.memory_space<vmem_shared>> -> memref<10240xf32, #tpu.memory_space<vmem_shared>>
          tpu.wait_indirect_dma semaphore(%arg25 : memref<!tpu.dma_semaphore, #tpu.memory_space<semaphore_mem>>) src(%dma_wait3A_404 : memref<128xf32, #tpu.memory_space<vmem>>) dst(%dma_wait3A_409 : memref<10240xf32, #tpu.memory_space<vmem_shared>>)
        } else {
        }
        %add3A_150 = arith.constant 1 : i32
        %add3A_151 = arith.addi %scan3A_144, %add3A_150 : i32
        %le3A = arith.constant 15 : i32
        %le3A_152 = arith.cmpi sle, %add3A_151, %le3A : i32
        %convert_element_type3A_153 = arith.extui %le3A_152 : i1 to i32
        %cond3A_154 = arith.constant 0 : i32
        %cond3A_155 = arith.cmpi ne, %convert_element_type3A_153, %cond3A_154 : i32
        scf.if %cond3A_155 {
          %add3A_388 = arith.constant 1 : i32
          %add3A_389 = arith.addi %scan3A_144, %add3A_388 : i32
          %add3A_390 = arith.constant 1 : i32
          %add3A_391 = arith.addi %scan3A_144, %add3A_390 : i32
          %rem3A_392 = arith.constant 2 : i32
          %rem3A_393 = arith.remsi %add3A_391, %rem3A_392 : i32
          %dma_start3A_394 = arith.constant 0 : i32
          %dma_start3A_395 = arith.constant 0 : i32
          %dma_start3A_396 = tpu.memref_slice %arg17[%rem3A_393, %dma_start3A_394, %dma_start3A_395] : memref<2x128x64xf32, #tpu.memory_space<vmem>> -> memref<1x128x64xf32, #tpu.memory_space<vmem>>
          %dma_start3A_397 = tpu.memref_squeeze %dma_start3A_396 : memref<1x128x64xf32, #tpu.memory_space<vmem>> -> memref<128x64xf32, #tpu.memory_space<vmem>>
          %dma_start3A_398 = arith.constant 0 : i32
          %dma_start3A_399 = tpu.memref_slice %arg15[%add3A_389, %dma_start3A_398] : memref<16x128xi32, #tpu.memory_space<vmem>> -> memref<1x128xi32, #tpu.memory_space<vmem>>
          %dma_start3A_400 = tpu.memref_squeeze %dma_start3A_399 : memref<1x128xi32, #tpu.memory_space<vmem>> -> memref<128xi32, #tpu.memory_space<vmem>>
          %dma_start3A_401 = arith.constant 0 : i32
          %dma_start3A_402 = arith.constant 0 : i32
          %dma_start3A_403 = tpu.memref_slice %arg21[%dma_start3A_401, %dma_start3A_402] : memref<10240x64xf32, #tpu.memory_space<vmem_shared>> -> memref<10240x64xf32, #tpu.memory_space<vmem_shared>>
          tpu.enqueue_indirect_dma source(%dma_start3A_403 : memref<10240x64xf32, #tpu.memory_space<vmem_shared>>) target(%dma_start3A_397 : memref<128x64xf32, #tpu.memory_space<vmem>>) offsets(%dma_start3A_400 : memref<128xi32, #tpu.memory_space<vmem>>) semaphore(%arg23 : memref<!tpu.dma_semaphore, #tpu.memory_space<semaphore_mem>>)
        } else {
        }
        %dma_wait3A_156 = arith.constant 0 : i32
        %dma_wait3A_157 = arith.constant 0 : i32
        %dma_wait3A_158 = arith.constant 0 : i32
        %dma_wait3A_159 = arith.constant 0 : i32
        %dma_wait3A_160 = tpu.memref_slice %arg17[%dma_wait3A_157, %dma_wait3A_158, %dma_wait3A_159] : memref<2x128x64xf32, #tpu.memory_space<vmem>> -> memref<1x128x64xf32, #tpu.memory_space<vmem>>
        %dma_wait3A_161 = tpu.memref_squeeze %dma_wait3A_160 : memref<1x128x64xf32, #tpu.memory_space<vmem>> -> memref<128x64xf32, #tpu.memory_space<vmem>>
        %dma_wait3A_162 = arith.constant 0 : i32
        %dma_wait3A_163 = tpu.memref_slice %arg15[%dma_wait3A_156, %dma_wait3A_162] : memref<16x128xi32, #tpu.memory_space<vmem>> -> memref<1x128xi32, #tpu.memory_space<vmem>>
        %dma_wait3A_164 = tpu.memref_squeeze %dma_wait3A_163 : memref<1x128xi32, #tpu.memory_space<vmem>> -> memref<128xi32, #tpu.memory_space<vmem>>
        %dma_wait3A_165 = arith.constant 0 : i32
        %dma_wait3A_166 = arith.constant 0 : i32
        %dma_wait3A_167 = tpu.memref_slice %arg21[%dma_wait3A_165, %dma_wait3A_166] : memref<10240x64xf32, #tpu.memory_space<vmem_shared>> -> memref<10240x64xf32, #tpu.memory_space<vmem_shared>>
        tpu.wait_indirect_dma semaphore(%arg23 : memref<!tpu.dma_semaphore, #tpu.memory_space<semaphore_mem>>) src(%dma_wait3A_167 : memref<10240x64xf32, #tpu.memory_space<vmem_shared>>) dst(%dma_wait3A_161 : memref<128x64xf32, #tpu.memory_space<vmem>>)
        %get3A_168 = arith.index_cast %scan3A_144 : i32 to index
        %get3A_169 = arith.constant 0 : index
        %get3A_170 = tpu.vector_load %arg15[%get3A_168, %get3A_169] {strides = array<i32>} : memref<16x128xi32, #tpu.memory_space<vmem>>, vector<16xi32>,
        %get3A_171 = arith.index_cast %scan3A_144 : i32 to index
        %get3A_172 = arith.constant 0 : index
        %get3A_173 = tpu.vector_load %arg16[%get3A_171, %get3A_172] {strides = array<i32>} : memref<16x128xi32, #tpu.memory_space<vmem>>, vector<16xi32>,
        %get3A_174 = arith.index_cast %scan3A_144 : i32 to index
        %get3A_175 = arith.constant 0 : index
        %get3A_176 = tpu.vector_load %arg14[%get3A_174, %get3A_175] {strides = array<i32>} : memref<16x128xf32, #tpu.memory_space<vmem>>, vector<16xf32>,
        %gather3A = tpu.vector_load_idx %arg12[%get3A_170] : memref<10000xf32, #tpu.memory_space<vmem>>[vector<16xi32>], vector<16xf32>,
        %gather3A_177 = tpu.vector_load_idx %arg13[%get3A_173] : memref<10000xf32, #tpu.memory_space<vmem>>[vector<16xi32>], vector<16xf32>,
        %add3A_178 = arith.addf %gather3A, %gather3A_177 : vector<16xf32>
        %add3A_179 = arith.addf %add3A_178, %get3A_176 : vector<16xf32>
        %ge3A_180 = arith.constant 0.000000e+00 : f32
        %ge3A_181 = vector.broadcast %ge3A_180 : f32 to vector<16xf32>
        %ge3A_182 = arith.cmpf oge, %add3A_179, %ge3A_181 : vector<16xf32>
        %mul3A_183 = arith.constant 2.000000e-01 : f32
        %mul3A_184 = vector.broadcast %mul3A_183 : f32 to vector<16xf32>
        %mul3A_185 = arith.mulf %add3A_179, %mul3A_184 : vector<16xf32>
        %select_n3A = arith.select %ge3A_182, %add3A_179, %mul3A_185 : vector<16xi1>, vector<16xf32>
        %sub3A = arith.subf %select_n3A, %get3A_73 : vector<16xf32>
        %exp3A = math.exp %sub3A : vector<16xf32>
        %swap3A_186 = arith.index_cast %rem3A_145 : i32 to index
        %swap3A_187 = arith.constant 0 : index
        %swap3A_188 = tpu.vector_load %arg18[%swap3A_186, %swap3A_187] {strides = array<i32>} : memref<2x128xf32, #tpu.memory_space<vmem>>, vector<16xf32>,
        tpu.vector_store %arg18[%swap3A_186, %swap3A_187], %exp3A {strides = array<i32>} : memref<2x128xf32, #tpu.memory_space<vmem>>, vector<16xf32>,
        %get3A_189 = arith.index_cast %scan3A_144 : i32 to index
        %get3A_190 = arith.constant 16 : index
        %get3A_191 = tpu.vector_load %arg15[%get3A_189, %get3A_190] {strides = array<i32>} : memref<16x128xi32, #tpu.memory_space<vmem>>, vector<16xi32>,
        %get3A_192 = arith.index_cast %scan3A_144 : i32 to index
        %get3A_193 = arith.constant 16 : index
        %get3A_194 = tpu.vector_load %arg16[%get3A_192, %get3A_193] {strides = array<i32>} : memref<16x128xi32, #tpu.memory_space<vmem>>, vector<16xi32>,
        %get3A_195 = arith.index_cast %scan3A_144 : i32 to index
        %get3A_196 = arith.constant 16 : index
        %get3A_197 = tpu.vector_load %arg14[%get3A_195, %get3A_196] {strides = array<i32>} : memref<16x128xf32, #tpu.memory_space<vmem>>, vector<16xf32>,
        %gather3A_198 = tpu.vector_load_idx %arg12[%get3A_191] : memref<10000xf32, #tpu.memory_space<vmem>>[vector<16xi32>], vector<16xf32>,
        %gather3A_199 = tpu.vector_load_idx %arg13[%get3A_194] : memref<10000xf32, #tpu.memory_space<vmem>>[vector<16xi32>], vector<16xf32>,
        %add3A_200 = arith.addf %gather3A_198, %gather3A_199 : vector<16xf32>
        %add3A_201 = arith.addf %add3A_200, %get3A_197 : vector<16xf32>
        %ge3A_202 = arith.constant 0.000000e+00 : f32
        %ge3A_203 = vector.broadcast %ge3A_202 : f32 to vector<16xf32>
        %ge3A_204 = arith.cmpf oge, %add3A_201, %ge3A_203 : vector<16xf32>
        %mul3A_205 = arith.constant 2.000000e-01 : f32
        %mul3A_206 = vector.broadcast %mul3A_205 : f32 to vector<16xf32>
        %mul3A_207 = arith.mulf %add3A_201, %mul3A_206 : vector<16xf32>
        %select_n3A_208 = arith.select %ge3A_204, %add3A_201, %mul3A_207 : vector<16xi1>, vector<16xf32>
        %sub3A_209 = arith.subf %select_n3A_208, %get3A_73 : vector<16xf32>
        %exp3A_210 = math.exp %sub3A_209 : vector<16xf32>
        %swap3A_211 = arith.index_cast %rem3A_145 : i32 to index
        %swap3A_212 = arith.constant 16 : index
        %swap3A_213 = tpu.vector_load %arg18[%swap3A_211, %swap3A_212] {strides = array<i32>} : memref<2x128xf32, #tpu.memory_space<vmem>>, vector<16xf32>,
        tpu.vector_store %arg18[%swap3A_211, %swap3A_212], %exp3A_210 {strides = array<i32>} : memref<2x128xf32, #tpu.memory_space<vmem>>, vector<16xf32>,
        %get3A_214 = arith.index_cast %scan3A_144 : i32 to index
        %get3A_215 = arith.constant 32 : index
        %get3A_216 = tpu.vector_load %arg15[%get3A_214, %get3A_215] {strides = array<i32>} : memref<16x128xi32, #tpu.memory_space<vmem>>, vector<16xi32>,
        %get3A_217 = arith.index_cast %scan3A_144 : i32 to index
        %get3A_218 = arith.constant 32 : index
        %get3A_219 = tpu.vector_load %arg16[%get3A_217, %get3A_218] {strides = array<i32>} : memref<16x128xi32, #tpu.memory_space<vmem>>, vector<16xi32>,
        %get3A_220 = arith.index_cast %scan3A_144 : i32 to index
        %get3A_221 = arith.constant 32 : index
        %get3A_222 = tpu.vector_load %arg14[%get3A_220, %get3A_221] {strides = array<i32>} : memref<16x128xf32, #tpu.memory_space<vmem>>, vector<16xf32>,
        %gather3A_223 = tpu.vector_load_idx %arg12[%get3A_216] : memref<10000xf32, #tpu.memory_space<vmem>>[vector<16xi32>], vector<16xf32>,
        %gather3A_224 = tpu.vector_load_idx %arg13[%get3A_219] : memref<10000xf32, #tpu.memory_space<vmem>>[vector<16xi32>], vector<16xf32>,
        %add3A_225 = arith.addf %gather3A_223, %gather3A_224 : vector<16xf32>
        %add3A_226 = arith.addf %add3A_225, %get3A_222 : vector<16xf32>
        %ge3A_227 = arith.constant 0.000000e+00 : f32
        %ge3A_228 = vector.broadcast %ge3A_227 : f32 to vector<16xf32>
        %ge3A_229 = arith.cmpf oge, %add3A_226, %ge3A_228 : vector<16xf32>
        %mul3A_230 = arith.constant 2.000000e-01 : f32
        %mul3A_231 = vector.broadcast %mul3A_230 : f32 to vector<16xf32>
        %mul3A_232 = arith.mulf %add3A_226, %mul3A_231 : vector<16xf32>
        %select_n3A_233 = arith.select %ge3A_229, %add3A_226, %mul3A_232 : vector<16xi1>, vector<16xf32>
        %sub3A_234 = arith.subf %select_n3A_233, %get3A_73 : vector<16xf32>
        %exp3A_235 = math.exp %sub3A_234 : vector<16xf32>
        %swap3A_236 = arith.index_cast %rem3A_145 : i32 to index
        %swap3A_237 = arith.constant 32 : index
        %swap3A_238 = tpu.vector_load %arg18[%swap3A_236, %swap3A_237] {strides = array<i32>} : memref<2x128xf32, #tpu.memory_space<vmem>>, vector<16xf32>,
        tpu.vector_store %arg18[%swap3A_236, %swap3A_237], %exp3A_235 {strides = array<i32>} : memref<2x128xf32, #tpu.memory_space<vmem>>, vector<16xf32>,
        %get3A_239 = arith.index_cast %scan3A_144 : i32 to index
        %get3A_240 = arith.constant 48 : index
        %get3A_241 = tpu.vector_load %arg15[%get3A_239, %get3A_240] {strides = array<i32>} : memref<16x128xi32, #tpu.memory_space<vmem>>, vector<16xi32>,
        %get3A_242 = arith.index_cast %scan3A_144 : i32 to index
        %get3A_243 = arith.constant 48 : index
        %get3A_244 = tpu.vector_load %arg16[%get3A_242, %get3A_243] {strides = array<i32>} : memref<16x128xi32, #tpu.memory_space<vmem>>, vector<16xi32>,
        %get3A_245 = arith.index_cast %scan3A_144 : i32 to index
        %get3A_246 = arith.constant 48 : index
        %get3A_247 = tpu.vector_load %arg14[%get3A_245, %get3A_246] {strides = array<i32>} : memref<16x128xf32, #tpu.memory_space<vmem>>, vector<16xf32>,
        %gather3A_248 = tpu.vector_load_idx %arg12[%get3A_241] : memref<10000xf32, #tpu.memory_space<vmem>>[vector<16xi32>], vector<16xf32>,
        %gather3A_249 = tpu.vector_load_idx %arg13[%get3A_244] : memref<10000xf32, #tpu.memory_space<vmem>>[vector<16xi32>], vector<16xf32>,
        %add3A_250 = arith.addf %gather3A_248, %gather3A_249 : vector<16xf32>
        %add3A_251 = arith.addf %add3A_250, %get3A_247 : vector<16xf32>
        %ge3A_252 = arith.constant 0.000000e+00 : f32
        %ge3A_253 = vector.broadcast %ge3A_252 : f32 to vector<16xf32>
        %ge3A_254 = arith.cmpf oge, %add3A_251, %ge3A_253 : vector<16xf32>
        %mul3A_255 = arith.constant 2.000000e-01 : f32
        %mul3A_256 = vector.broadcast %mul3A_255 : f32 to vector<16xf32>
        %mul3A_257 = arith.mulf %add3A_251, %mul3A_256 : vector<16xf32>
        %select_n3A_258 = arith.select %ge3A_254, %add3A_251, %mul3A_257 : vector<16xi1>, vector<16xf32>
        %sub3A_259 = arith.subf %select_n3A_258, %get3A_73 : vector<16xf32>
        %exp3A_260 = math.exp %sub3A_259 : vector<16xf32>
        %swap3A_261 = arith.index_cast %rem3A_145 : i32 to index
        %swap3A_262 = arith.constant 48 : index
        %swap3A_263 = tpu.vector_load %arg18[%swap3A_261, %swap3A_262] {strides = array<i32>} : memref<2x128xf32, #tpu.memory_space<vmem>>, vector<16xf32>,
        tpu.vector_store %arg18[%swap3A_261, %swap3A_262], %exp3A_260 {strides = array<i32>} : memref<2x128xf32, #tpu.memory_space<vmem>>, vector<16xf32>,
        %get3A_264 = arith.index_cast %scan3A_144 : i32 to index
        %get3A_265 = arith.constant 64 : index
        %get3A_266 = tpu.vector_load %arg15[%get3A_264, %get3A_265] {strides = array<i32>} : memref<16x128xi32, #tpu.memory_space<vmem>>, vector<16xi32>,
        %get3A_267 = arith.index_cast %scan3A_144 : i32 to index
        %get3A_268 = arith.constant 64 : index
        %get3A_269 = tpu.vector_load %arg16[%get3A_267, %get3A_268] {strides = array<i32>} : memref<16x128xi32, #tpu.memory_space<vmem>>, vector<16xi32>,
        %get3A_270 = arith.index_cast %scan3A_144 : i32 to index
        %get3A_271 = arith.constant 64 : index
        %get3A_272 = tpu.vector_load %arg14[%get3A_270, %get3A_271] {strides = array<i32>} : memref<16x128xf32, #tpu.memory_space<vmem>>, vector<16xf32>,
        %gather3A_273 = tpu.vector_load_idx %arg12[%get3A_266] : memref<10000xf32, #tpu.memory_space<vmem>>[vector<16xi32>], vector<16xf32>,
        %gather3A_274 = tpu.vector_load_idx %arg13[%get3A_269] : memref<10000xf32, #tpu.memory_space<vmem>>[vector<16xi32>], vector<16xf32>,
        %add3A_275 = arith.addf %gather3A_273, %gather3A_274 : vector<16xf32>
        %add3A_276 = arith.addf %add3A_275, %get3A_272 : vector<16xf32>
        %ge3A_277 = arith.constant 0.000000e+00 : f32
        %ge3A_278 = vector.broadcast %ge3A_277 : f32 to vector<16xf32>
        %ge3A_279 = arith.cmpf oge, %add3A_276, %ge3A_278 : vector<16xf32>
        %mul3A_280 = arith.constant 2.000000e-01 : f32
        %mul3A_281 = vector.broadcast %mul3A_280 : f32 to vector<16xf32>
        %mul3A_282 = arith.mulf %add3A_276, %mul3A_281 : vector<16xf32>
        %select_n3A_283 = arith.select %ge3A_279, %add3A_276, %mul3A_282 : vector<16xi1>, vector<16xf32>
        %sub3A_284 = arith.subf %select_n3A_283, %get3A_73 : vector<16xf32>
        %exp3A_285 = math.exp %sub3A_284 : vector<16xf32>
        %swap3A_286 = arith.index_cast %rem3A_145 : i32 to index
        %swap3A_287 = arith.constant 64 : index
        %swap3A_288 = tpu.vector_load %arg18[%swap3A_286, %swap3A_287] {strides = array<i32>} : memref<2x128xf32, #tpu.memory_space<vmem>>, vector<16xf32>,
        tpu.vector_store %arg18[%swap3A_286, %swap3A_287], %exp3A_285 {strides = array<i32>} : memref<2x128xf32, #tpu.memory_space<vmem>>, vector<16xf32>,
        %get3A_289 = arith.index_cast %scan3A_144 : i32 to index
        %get3A_290 = arith.constant 80 : index
        %get3A_291 = tpu.vector_load %arg15[%get3A_289, %get3A_290] {strides = array<i32>} : memref<16x128xi32, #tpu.memory_space<vmem>>, vector<16xi32>,
        %get3A_292 = arith.index_cast %scan3A_144 : i32 to index
        %get3A_293 = arith.constant 80 : index
        %get3A_294 = tpu.vector_load %arg16[%get3A_292, %get3A_293] {strides = array<i32>} : memref<16x128xi32, #tpu.memory_space<vmem>>, vector<16xi32>,
        %get3A_295 = arith.index_cast %scan3A_144 : i32 to index
        %get3A_296 = arith.constant 80 : index
        %get3A_297 = tpu.vector_load %arg14[%get3A_295, %get3A_296] {strides = array<i32>} : memref<16x128xf32, #tpu.memory_space<vmem>>, vector<16xf32>,
        %gather3A_298 = tpu.vector_load_idx %arg12[%get3A_291] : memref<10000xf32, #tpu.memory_space<vmem>>[vector<16xi32>], vector<16xf32>,
        %gather3A_299 = tpu.vector_load_idx %arg13[%get3A_294] : memref<10000xf32, #tpu.memory_space<vmem>>[vector<16xi32>], vector<16xf32>,
        %add3A_300 = arith.addf %gather3A_298, %gather3A_299 : vector<16xf32>
        %add3A_301 = arith.addf %add3A_300, %get3A_297 : vector<16xf32>
        %ge3A_302 = arith.constant 0.000000e+00 : f32
        %ge3A_303 = vector.broadcast %ge3A_302 : f32 to vector<16xf32>
        %ge3A_304 = arith.cmpf oge, %add3A_301, %ge3A_303 : vector<16xf32>
        %mul3A_305 = arith.constant 2.000000e-01 : f32
        %mul3A_306 = vector.broadcast %mul3A_305 : f32 to vector<16xf32>
        %mul3A_307 = arith.mulf %add3A_301, %mul3A_306 : vector<16xf32>
        %select_n3A_308 = arith.select %ge3A_304, %add3A_301, %mul3A_307 : vector<16xi1>, vector<16xf32>
        %sub3A_309 = arith.subf %select_n3A_308, %get3A_73 : vector<16xf32>
        %exp3A_310 = math.exp %sub3A_309 : vector<16xf32>
        %swap3A_311 = arith.index_cast %rem3A_145 : i32 to index
        %swap3A_312 = arith.constant 80 : index
        %swap3A_313 = tpu.vector_load %arg18[%swap3A_311, %swap3A_312] {strides = array<i32>} : memref<2x128xf32, #tpu.memory_space<vmem>>, vector<16xf32>,
        tpu.vector_store %arg18[%swap3A_311, %swap3A_312], %exp3A_310 {strides = array<i32>} : memref<2x128xf32, #tpu.memory_space<vmem>>, vector<16xf32>,
        %get3A_314 = arith.index_cast %scan3A_144 : i32 to index
        %get3A_315 = arith.constant 96 : index
        %get3A_316 = tpu.vector_load %arg15[%get3A_314, %get3A_315] {strides = array<i32>} : memref<16x128xi32, #tpu.memory_space<vmem>>, vector<16xi32>,
        %get3A_317 = arith.index_cast %scan3A_144 : i32 to index
        %get3A_318 = arith.constant 96 : index
        %get3A_319 = tpu.vector_load %arg16[%get3A_317, %get3A_318] {strides = array<i32>} : memref<16x128xi32, #tpu.memory_space<vmem>>, vector<16xi32>,
        %get3A_320 = arith.index_cast %scan3A_144 : i32 to index
        %get3A_321 = arith.constant 96 : index
        %get3A_322 = tpu.vector_load %arg14[%get3A_320, %get3A_321] {strides = array<i32>} : memref<16x128xf32, #tpu.memory_space<vmem>>, vector<16xf32>,
        %gather3A_323 = tpu.vector_load_idx %arg12[%get3A_316] : memref<10000xf32, #tpu.memory_space<vmem>>[vector<16xi32>], vector<16xf32>,
        %gather3A_324 = tpu.vector_load_idx %arg13[%get3A_319] : memref<10000xf32, #tpu.memory_space<vmem>>[vector<16xi32>], vector<16xf32>,
        %add3A_325 = arith.addf %gather3A_323, %gather3A_324 : vector<16xf32>
        %add3A_326 = arith.addf %add3A_325, %get3A_322 : vector<16xf32>
        %ge3A_327 = arith.constant 0.000000e+00 : f32
        %ge3A_328 = vector.broadcast %ge3A_327 : f32 to vector<16xf32>
        %ge3A_329 = arith.cmpf oge, %add3A_326, %ge3A_328 : vector<16xf32>
        %mul3A_330 = arith.constant 2.000000e-01 : f32
        %mul3A_331 = vector.broadcast %mul3A_330 : f32 to vector<16xf32>
        %mul3A_332 = arith.mulf %add3A_326, %mul3A_331 : vector<16xf32>
        %select_n3A_333 = arith.select %ge3A_329, %add3A_326, %mul3A_332 : vector<16xi1>, vector<16xf32>
        %sub3A_334 = arith.subf %select_n3A_333, %get3A_73 : vector<16xf32>
        %exp3A_335 = math.exp %sub3A_334 : vector<16xf32>
        %swap3A_336 = arith.index_cast %rem3A_145 : i32 to index
        %swap3A_337 = arith.constant 96 : index
        %swap3A_338 = tpu.vector_load %arg18[%swap3A_336, %swap3A_337] {strides = array<i32>} : memref<2x128xf32, #tpu.memory_space<vmem>>, vector<16xf32>,
        tpu.vector_store %arg18[%swap3A_336, %swap3A_337], %exp3A_335 {strides = array<i32>} : memref<2x128xf32, #tpu.memory_space<vmem>>, vector<16xf32>,
        %get3A_339 = arith.index_cast %scan3A_144 : i32 to index
        %get3A_340 = arith.constant 112 : index
        %get3A_341 = tpu.vector_load %arg15[%get3A_339, %get3A_340] {strides = array<i32>} : memref<16x128xi32, #tpu.memory_space<vmem>>, vector<16xi32>,
        %get3A_342 = arith.index_cast %scan3A_144 : i32 to index
        %get3A_343 = arith.constant 112 : index
        %get3A_344 = tpu.vector_load %arg16[%get3A_342, %get3A_343] {strides = array<i32>} : memref<16x128xi32, #tpu.memory_space<vmem>>, vector<16xi32>,
        %get3A_345 = arith.index_cast %scan3A_144 : i32 to index
        %get3A_346 = arith.constant 112 : index
        %get3A_347 = tpu.vector_load %arg14[%get3A_345, %get3A_346] {strides = array<i32>} : memref<16x128xf32, #tpu.memory_space<vmem>>, vector<16xf32>,
        %gather3A_348 = tpu.vector_load_idx %arg12[%get3A_341] : memref<10000xf32, #tpu.memory_space<vmem>>[vector<16xi32>], vector<16xf32>,
        %gather3A_349 = tpu.vector_load_idx %arg13[%get3A_344] : memref<10000xf32, #tpu.memory_space<vmem>>[vector<16xi32>], vector<16xf32>,
        %add3A_350 = arith.addf %gather3A_348, %gather3A_349 : vector<16xf32>
        %add3A_351 = arith.addf %add3A_350, %get3A_347 : vector<16xf32>
        %ge3A_352 = arith.constant 0.000000e+00 : f32
        %ge3A_353 = vector.broadcast %ge3A_352 : f32 to vector<16xf32>
        %ge3A_354 = arith.cmpf oge, %add3A_351, %ge3A_353 : vector<16xf32>
        %mul3A_355 = arith.constant 2.000000e-01 : f32
        %mul3A_356 = vector.broadcast %mul3A_355 : f32 to vector<16xf32>
        %mul3A_357 = arith.mulf %add3A_351, %mul3A_356 : vector<16xf32>
        %select_n3A_358 = arith.select %ge3A_354, %add3A_351, %mul3A_357 : vector<16xi1>, vector<16xf32>
        %sub3A_359 = arith.subf %select_n3A_358, %get3A_73 : vector<16xf32>
        %exp3A_360 = math.exp %sub3A_359 : vector<16xf32>
        %swap3A_361 = arith.index_cast %rem3A_145 : i32 to index
        %swap3A_362 = arith.constant 112 : index
        %swap3A_363 = tpu.vector_load %arg18[%swap3A_361, %swap3A_362] {strides = array<i32>} : memref<2x128xf32, #tpu.memory_space<vmem>>, vector<16xf32>,
        tpu.vector_store %arg18[%swap3A_361, %swap3A_362], %exp3A_360 {strides = array<i32>} : memref<2x128xf32, #tpu.memory_space<vmem>>, vector<16xf32>,
        %dma_start3A_364 = arith.constant 0 : i32
        %dma_start3A_365 = tpu.memref_slice %arg18[%rem3A_145, %dma_start3A_364] : memref<2x128xf32, #tpu.memory_space<vmem>> -> memref<1x128xf32, #tpu.memory_space<vmem>>
        %dma_start3A_366 = tpu.memref_squeeze %dma_start3A_365 : memref<1x128xf32, #tpu.memory_space<vmem>> -> memref<128xf32, #tpu.memory_space<vmem>>
        %dma_start3A_367 = arith.constant 0 : i32
        %dma_start3A_368 = tpu.memref_slice %arg16[%scan3A_144, %dma_start3A_367] : memref<16x128xi32, #tpu.memory_space<vmem>> -> memref<1x128xi32, #tpu.memory_space<vmem>>
        %dma_start3A_369 = tpu.memref_squeeze %dma_start3A_368 : memref<1x128xi32, #tpu.memory_space<vmem>> -> memref<128xi32, #tpu.memory_space<vmem>>
        %dma_start3A_370 = arith.constant 0 : i32
        %dma_start3A_371 = tpu.memref_slice %arg22[%dma_start3A_370] : memref<10240xf32, #tpu.memory_space<vmem_shared>> -> memref<10240xf32, #tpu.memory_space<vmem_shared>>
        tpu.enqueue_indirect_dma source(%dma_start3A_366 : memref<128xf32, #tpu.memory_space<vmem>>) target(%dma_start3A_371 : memref<10240xf32, #tpu.memory_space<vmem_shared>>) offsets(%dma_start3A_369 : memref<128xi32, #tpu.memory_space<vmem>>) semaphore(%arg25 : memref<!tpu.dma_semaphore, #tpu.memory_space<semaphore_mem>>) {add = true}
        %scan3A_372 = arith.constant 0 : i32
        %scan3A_373 = arith.constant 0 : i32
        %scan3A_374 = arith.constant 32 : i32
        %scan3A_375 = arith.addi %scan3A_373, %scan3A_374 : i32
        %scan3A_376 = arith.constant 1 : i32
        scf.for %scan3A_388 = %scan3A_373 to %scan3A_375 step %scan3A_376  : i32 {
          %mul3A_389 = arith.constant 4 : i32
          %mul3A_390 = arith.muli %scan3A_388, %mul3A_389 : i32
          %add3A_391 = arith.constant 0 : i32
          %add3A_392 = arith.addi %mul3A_390, %add3A_391 : i32
          %broadcast_in_dim3A_393 = vector.broadcast %add3A_392 : i32 to vector<16xi32>
          %gather3A_394 = arith.constant 0 : i32
          %gather3A_395 = tpu.memref_slice %arg18[%rem3A_145, %gather3A_394] : memref<2x128xf32, #tpu.memory_space<vmem>> -> memref<1x128xf32, #tpu.memory_space<vmem>>
          %gather3A_396 = tpu.memref_squeeze %gather3A_395 : memref<1x128xf32, #tpu.memory_space<vmem>> -> memref<128xf32, #tpu.memory_space<vmem>>
          %gather3A_397 = tpu.vector_load_idx %gather3A_396[%broadcast_in_dim3A_393] : memref<128xf32, #tpu.memory_space<vmem>>[vector<16xi32>], vector<16xf32>,
          %get3A_398 = arith.index_cast %rem3A_145 : i32 to index
          %get3A_399 = arith.index_cast %add3A_392 : i32 to index
          %get3A_400 = arith.constant 0 : index
          %get3A_401 = tpu.vector_load %arg17[%get3A_398, %get3A_399, %get3A_400] {strides = array<i32>} : memref<2x128x64xf32, #tpu.memory_space<vmem>>, vector<16xf32>,
          %mul3A_402 = arith.mulf %get3A_401, %gather3A_397 : vector<16xf32>
          %swap3A_403 = arith.index_cast %rem3A_145 : i32 to index
          %swap3A_404 = arith.index_cast %add3A_392 : i32 to index
          %swap3A_405 = arith.constant 0 : index
          %swap3A_406 = tpu.vector_load %arg17[%swap3A_403, %swap3A_404, %swap3A_405] {strides = array<i32>} : memref<2x128x64xf32, #tpu.memory_space<vmem>>, vector<16xf32>,
          tpu.vector_store %arg17[%swap3A_403, %swap3A_404, %swap3A_405], %mul3A_402 {strides = array<i32>} : memref<2x128x64xf32, #tpu.memory_space<vmem>>, vector<16xf32>,
          %get3A_407 = arith.index_cast %rem3A_145 : i32 to index
          %get3A_408 = arith.index_cast %add3A_392 : i32 to index
          %get3A_409 = arith.constant 16 : index
          %get3A_410 = tpu.vector_load %arg17[%get3A_407, %get3A_408, %get3A_409] {strides = array<i32>} : memref<2x128x64xf32, #tpu.memory_space<vmem>>, vector<16xf32>,
          %mul3A_411 = arith.mulf %get3A_410, %gather3A_397 : vector<16xf32>
          %swap3A_412 = arith.index_cast %rem3A_145 : i32 to index
          %swap3A_413 = arith.index_cast %add3A_392 : i32 to index
          %swap3A_414 = arith.constant 16 : index
          %swap3A_415 = tpu.vector_load %arg17[%swap3A_412, %swap3A_413, %swap3A_414] {strides = array<i32>} : memref<2x128x64xf32, #tpu.memory_space<vmem>>, vector<16xf32>,
          tpu.vector_store %arg17[%swap3A_412, %swap3A_413, %swap3A_414], %mul3A_411 {strides = array<i32>} : memref<2x128x64xf32, #tpu.memory_space<vmem>>, vector<16xf32>,
          %get3A_416 = arith.index_cast %rem3A_145 : i32 to index
          %get3A_417 = arith.index_cast %add3A_392 : i32 to index
          %get3A_418 = arith.constant 32 : index
          %get3A_419 = tpu.vector_load %arg17[%get3A_416, %get3A_417, %get3A_418] {strides = array<i32>} : memref<2x128x64xf32, #tpu.memory_space<vmem>>, vector<16xf32>,
          %mul3A_420 = arith.mulf %get3A_419, %gather3A_397 : vector<16xf32>
          %swap3A_421 = arith.index_cast %rem3A_145 : i32 to index
          %swap3A_422 = arith.index_cast %add3A_392 : i32 to index
          %swap3A_423 = arith.constant 32 : index
          %swap3A_424 = tpu.vector_load %arg17[%swap3A_421, %swap3A_422, %swap3A_423] {strides = array<i32>} : memref<2x128x64xf32, #tpu.memory_space<vmem>>, vector<16xf32>,
          tpu.vector_store %arg17[%swap3A_421, %swap3A_422, %swap3A_423], %mul3A_420 {strides = array<i32>} : memref<2x128x64xf32, #tpu.memory_space<vmem>>, vector<16xf32>,
          %get3A_425 = arith.index_cast %rem3A_145 : i32 to index
          %get3A_426 = arith.index_cast %add3A_392 : i32 to index
          %get3A_427 = arith.constant 48 : index
          %get3A_428 = tpu.vector_load %arg17[%get3A_425, %get3A_426, %get3A_427] {strides = array<i32>} : memref<2x128x64xf32, #tpu.memory_space<vmem>>, vector<16xf32>,
          %mul3A_429 = arith.mulf %get3A_428, %gather3A_397 : vector<16xf32>
          %swap3A_430 = arith.index_cast %rem3A_145 : i32 to index
          %swap3A_431 = arith.index_cast %add3A_392 : i32 to index
          %swap3A_432 = arith.constant 48 : index
          %swap3A_433 = tpu.vector_load %arg17[%swap3A_430, %swap3A_431, %swap3A_432] {strides = array<i32>} : memref<2x128x64xf32, #tpu.memory_space<vmem>>, vector<16xf32>,
          tpu.vector_store %arg17[%swap3A_430, %swap3A_431, %swap3A_432], %mul3A_429 {strides = array<i32>} : memref<2x128x64xf32, #tpu.memory_space<vmem>>, vector<16xf32>,
          %mul3A_434 = arith.constant 4 : i32
          %mul3A_435 = arith.muli %scan3A_388, %mul3A_434 : i32
          %add3A_436 = arith.constant 1 : i32
          %add3A_437 = arith.addi %mul3A_435, %add3A_436 : i32
          %broadcast_in_dim3A_438 = vector.broadcast %add3A_437 : i32 to vector<16xi32>
          %gather3A_439 = arith.constant 0 : i32
          %gather3A_440 = tpu.memref_slice %arg18[%rem3A_145, %gather3A_439] : memref<2x128xf32, #tpu.memory_space<vmem>> -> memref<1x128xf32, #tpu.memory_space<vmem>>
          %gather3A_441 = tpu.memref_squeeze %gather3A_440 : memref<1x128xf32, #tpu.memory_space<vmem>> -> memref<128xf32, #tpu.memory_space<vmem>>
          %gather3A_442 = tpu.vector_load_idx %gather3A_441[%broadcast_in_dim3A_438] : memref<128xf32, #tpu.memory_space<vmem>>[vector<16xi32>], vector<16xf32>,
          %get3A_443 = arith.index_cast %rem3A_145 : i32 to index
          %get3A_444 = arith.index_cast %add3A_437 : i32 to index
          %get3A_445 = arith.constant 0 : index
          %get3A_446 = tpu.vector_load %arg17[%get3A_443, %get3A_444, %get3A_445] {strides = array<i32>} : memref<2x128x64xf32, #tpu.memory_space<vmem>>, vector<16xf32>,
          %mul3A_447 = arith.mulf %get3A_446, %gather3A_442 : vector<16xf32>
          %swap3A_448 = arith.index_cast %rem3A_145 : i32 to index
          %swap3A_449 = arith.index_cast %add3A_437 : i32 to index
          %swap3A_450 = arith.constant 0 : index
          %swap3A_451 = tpu.vector_load %arg17[%swap3A_448, %swap3A_449, %swap3A_450] {strides = array<i32>} : memref<2x128x64xf32, #tpu.memory_space<vmem>>, vector<16xf32>,
          tpu.vector_store %arg17[%swap3A_448, %swap3A_449, %swap3A_450], %mul3A_447 {strides = array<i32>} : memref<2x128x64xf32, #tpu.memory_space<vmem>>, vector<16xf32>,
          %get3A_452 = arith.index_cast %rem3A_145 : i32 to index
          %get3A_453 = arith.index_cast %add3A_437 : i32 to index
          %get3A_454 = arith.constant 16 : index
          %get3A_455 = tpu.vector_load %arg17[%get3A_452, %get3A_453, %get3A_454] {strides = array<i32>} : memref<2x128x64xf32, #tpu.memory_space<vmem>>, vector<16xf32>,
          %mul3A_456 = arith.mulf %get3A_455, %gather3A_442 : vector<16xf32>
          %swap3A_457 = arith.index_cast %rem3A_145 : i32 to index
          %swap3A_458 = arith.index_cast %add3A_437 : i32 to index
          %swap3A_459 = arith.constant 16 : index
          %swap3A_460 = tpu.vector_load %arg17[%swap3A_457, %swap3A_458, %swap3A_459] {strides = array<i32>} : memref<2x128x64xf32, #tpu.memory_space<vmem>>, vector<16xf32>,
          tpu.vector_store %arg17[%swap3A_457, %swap3A_458, %swap3A_459], %mul3A_456 {strides = array<i32>} : memref<2x128x64xf32, #tpu.memory_space<vmem>>, vector<16xf32>,
          %get3A_461 = arith.index_cast %rem3A_145 : i32 to index
          %get3A_462 = arith.index_cast %add3A_437 : i32 to index
          %get3A_463 = arith.constant 32 : index
          %get3A_464 = tpu.vector_load %arg17[%get3A_461, %get3A_462, %get3A_463] {strides = array<i32>} : memref<2x128x64xf32, #tpu.memory_space<vmem>>, vector<16xf32>,
          %mul3A_465 = arith.mulf %get3A_464, %gather3A_442 : vector<16xf32>
          %swap3A_466 = arith.index_cast %rem3A_145 : i32 to index
          %swap3A_467 = arith.index_cast %add3A_437 : i32 to index
          %swap3A_468 = arith.constant 32 : index
          %swap3A_469 = tpu.vector_load %arg17[%swap3A_466, %swap3A_467, %swap3A_468] {strides = array<i32>} : memref<2x128x64xf32, #tpu.memory_space<vmem>>, vector<16xf32>,
          tpu.vector_store %arg17[%swap3A_466, %swap3A_467, %swap3A_468], %mul3A_465 {strides = array<i32>} : memref<2x128x64xf32, #tpu.memory_space<vmem>>, vector<16xf32>,
          %get3A_470 = arith.index_cast %rem3A_145 : i32 to index
          %get3A_471 = arith.index_cast %add3A_437 : i32 to index
          %get3A_472 = arith.constant 48 : index
          %get3A_473 = tpu.vector_load %arg17[%get3A_470, %get3A_471, %get3A_472] {strides = array<i32>} : memref<2x128x64xf32, #tpu.memory_space<vmem>>, vector<16xf32>,
          %mul3A_474 = arith.mulf %get3A_473, %gather3A_442 : vector<16xf32>
          %swap3A_475 = arith.index_cast %rem3A_145 : i32 to index
          %swap3A_476 = arith.index_cast %add3A_437 : i32 to index
          %swap3A_477 = arith.constant 48 : index
          %swap3A_478 = tpu.vector_load %arg17[%swap3A_475, %swap3A_476, %swap3A_477] {strides = array<i32>} : memref<2x128x64xf32, #tpu.memory_space<vmem>>, vector<16xf32>,
          tpu.vector_store %arg17[%swap3A_475, %swap3A_476, %swap3A_477], %mul3A_474 {strides = array<i32>} : memref<2x128x64xf32, #tpu.memory_space<vmem>>, vector<16xf32>,
          %mul3A_479 = arith.constant 4 : i32
          %mul3A_480 = arith.muli %scan3A_388, %mul3A_479 : i32
          %add3A_481 = arith.constant 2 : i32
          %add3A_482 = arith.addi %mul3A_480, %add3A_481 : i32
          %broadcast_in_dim3A_483 = vector.broadcast %add3A_482 : i32 to vector<16xi32>
          %gather3A_484 = arith.constant 0 : i32
          %gather3A_485 = tpu.memref_slice %arg18[%rem3A_145, %gather3A_484] : memref<2x128xf32, #tpu.memory_space<vmem>> -> memref<1x128xf32, #tpu.memory_space<vmem>>
          %gather3A_486 = tpu.memref_squeeze %gather3A_485 : memref<1x128xf32, #tpu.memory_space<vmem>> -> memref<128xf32, #tpu.memory_space<vmem>>
          %gather3A_487 = tpu.vector_load_idx %gather3A_486[%broadcast_in_dim3A_483] : memref<128xf32, #tpu.memory_space<vmem>>[vector<16xi32>], vector<16xf32>,
          %get3A_488 = arith.index_cast %rem3A_145 : i32 to index
          %get3A_489 = arith.index_cast %add3A_482 : i32 to index
          %get3A_490 = arith.constant 0 : index
          %get3A_491 = tpu.vector_load %arg17[%get3A_488, %get3A_489, %get3A_490] {strides = array<i32>} : memref<2x128x64xf32, #tpu.memory_space<vmem>>, vector<16xf32>,
          %mul3A_492 = arith.mulf %get3A_491, %gather3A_487 : vector<16xf32>
          %swap3A_493 = arith.index_cast %rem3A_145 : i32 to index
          %swap3A_494 = arith.index_cast %add3A_482 : i32 to index
          %swap3A_495 = arith.constant 0 : index
          %swap3A_496 = tpu.vector_load %arg17[%swap3A_493, %swap3A_494, %swap3A_495] {strides = array<i32>} : memref<2x128x64xf32, #tpu.memory_space<vmem>>, vector<16xf32>,
          tpu.vector_store %arg17[%swap3A_493, %swap3A_494, %swap3A_495], %mul3A_492 {strides = array<i32>} : memref<2x128x64xf32, #tpu.memory_space<vmem>>, vector<16xf32>,
          %get3A_497 = arith.index_cast %rem3A_145 : i32 to index
          %get3A_498 = arith.index_cast %add3A_482 : i32 to index
          %get3A_499 = arith.constant 16 : index
          %get3A_500 = tpu.vector_load %arg17[%get3A_497, %get3A_498, %get3A_499] {strides = array<i32>} : memref<2x128x64xf32, #tpu.memory_space<vmem>>, vector<16xf32>,
          %mul3A_501 = arith.mulf %get3A_500, %gather3A_487 : vector<16xf32>
          %swap3A_502 = arith.index_cast %rem3A_145 : i32 to index
          %swap3A_503 = arith.index_cast %add3A_482 : i32 to index
          %swap3A_504 = arith.constant 16 : index
          %swap3A_505 = tpu.vector_load %arg17[%swap3A_502, %swap3A_503, %swap3A_504] {strides = array<i32>} : memref<2x128x64xf32, #tpu.memory_space<vmem>>, vector<16xf32>,
          tpu.vector_store %arg17[%swap3A_502, %swap3A_503, %swap3A_504], %mul3A_501 {strides = array<i32>} : memref<2x128x64xf32, #tpu.memory_space<vmem>>, vector<16xf32>,
          %get3A_506 = arith.index_cast %rem3A_145 : i32 to index
          %get3A_507 = arith.index_cast %add3A_482 : i32 to index
          %get3A_508 = arith.constant 32 : index
          %get3A_509 = tpu.vector_load %arg17[%get3A_506, %get3A_507, %get3A_508] {strides = array<i32>} : memref<2x128x64xf32, #tpu.memory_space<vmem>>, vector<16xf32>,
          %mul3A_510 = arith.mulf %get3A_509, %gather3A_487 : vector<16xf32>
          %swap3A_511 = arith.index_cast %rem3A_145 : i32 to index
          %swap3A_512 = arith.index_cast %add3A_482 : i32 to index
          %swap3A_513 = arith.constant 32 : index
          %swap3A_514 = tpu.vector_load %arg17[%swap3A_511, %swap3A_512, %swap3A_513] {strides = array<i32>} : memref<2x128x64xf32, #tpu.memory_space<vmem>>, vector<16xf32>,
          tpu.vector_store %arg17[%swap3A_511, %swap3A_512, %swap3A_513], %mul3A_510 {strides = array<i32>} : memref<2x128x64xf32, #tpu.memory_space<vmem>>, vector<16xf32>,
          %get3A_515 = arith.index_cast %rem3A_145 : i32 to index
          %get3A_516 = arith.index_cast %add3A_482 : i32 to index
          %get3A_517 = arith.constant 48 : index
          %get3A_518 = tpu.vector_load %arg17[%get3A_515, %get3A_516, %get3A_517] {strides = array<i32>} : memref<2x128x64xf32, #tpu.memory_space<vmem>>, vector<16xf32>,
          %mul3A_519 = arith.mulf %get3A_518, %gather3A_487 : vector<16xf32>
          %swap3A_520 = arith.index_cast %rem3A_145 : i32 to index
          %swap3A_521 = arith.index_cast %add3A_482 : i32 to index
          %swap3A_522 = arith.constant 48 : index
          %swap3A_523 = tpu.vector_load %arg17[%swap3A_520, %swap3A_521, %swap3A_522] {strides = array<i32>} : memref<2x128x64xf32, #tpu.memory_space<vmem>>, vector<16xf32>,
          tpu.vector_store %arg17[%swap3A_520, %swap3A_521, %swap3A_522], %mul3A_519 {strides = array<i32>} : memref<2x128x64xf32, #tpu.memory_space<vmem>>, vector<16xf32>,
          %mul3A_524 = arith.constant 4 : i32
          %mul3A_525 = arith.muli %scan3A_388, %mul3A_524 : i32
          %add3A_526 = arith.constant 3 : i32
          %add3A_527 = arith.addi %mul3A_525, %add3A_526 : i32
          %broadcast_in_dim3A_528 = vector.broadcast %add3A_527 : i32 to vector<16xi32>
          %gather3A_529 = arith.constant 0 : i32
          %gather3A_530 = tpu.memref_slice %arg18[%rem3A_145, %gather3A_529] : memref<2x128xf32, #tpu.memory_space<vmem>> -> memref<1x128xf32, #tpu.memory_space<vmem>>
          %gather3A_531 = tpu.memref_squeeze %gather3A_530 : memref<1x128xf32, #tpu.memory_space<vmem>> -> memref<128xf32, #tpu.memory_space<vmem>>
          %gather3A_532 = tpu.vector_load_idx %gather3A_531[%broadcast_in_dim3A_528] : memref<128xf32, #tpu.memory_space<vmem>>[vector<16xi32>], vector<16xf32>,
          %get3A_533 = arith.index_cast %rem3A_145 : i32 to index
          %get3A_534 = arith.index_cast %add3A_527 : i32 to index
          %get3A_535 = arith.constant 0 : index
          %get3A_536 = tpu.vector_load %arg17[%get3A_533, %get3A_534, %get3A_535] {strides = array<i32>} : memref<2x128x64xf32, #tpu.memory_space<vmem>>, vector<16xf32>,
          %mul3A_537 = arith.mulf %get3A_536, %gather3A_532 : vector<16xf32>
          %swap3A_538 = arith.index_cast %rem3A_145 : i32 to index
          %swap3A_539 = arith.index_cast %add3A_527 : i32 to index
          %swap3A_540 = arith.constant 0 : index
          %swap3A_541 = tpu.vector_load %arg17[%swap3A_538, %swap3A_539, %swap3A_540] {strides = array<i32>} : memref<2x128x64xf32, #tpu.memory_space<vmem>>, vector<16xf32>,
          tpu.vector_store %arg17[%swap3A_538, %swap3A_539, %swap3A_540], %mul3A_537 {strides = array<i32>} : memref<2x128x64xf32, #tpu.memory_space<vmem>>, vector<16xf32>,
          %get3A_542 = arith.index_cast %rem3A_145 : i32 to index
          %get3A_543 = arith.index_cast %add3A_527 : i32 to index
          %get3A_544 = arith.constant 16 : index
          %get3A_545 = tpu.vector_load %arg17[%get3A_542, %get3A_543, %get3A_544] {strides = array<i32>} : memref<2x128x64xf32, #tpu.memory_space<vmem>>, vector<16xf32>,
          %mul3A_546 = arith.mulf %get3A_545, %gather3A_532 : vector<16xf32>
          %swap3A_547 = arith.index_cast %rem3A_145 : i32 to index
          %swap3A_548 = arith.index_cast %add3A_527 : i32 to index
          %swap3A_549 = arith.constant 16 : index
          %swap3A_550 = tpu.vector_load %arg17[%swap3A_547, %swap3A_548, %swap3A_549] {strides = array<i32>} : memref<2x128x64xf32, #tpu.memory_space<vmem>>, vector<16xf32>,
          tpu.vector_store %arg17[%swap3A_547, %swap3A_548, %swap3A_549], %mul3A_546 {strides = array<i32>} : memref<2x128x64xf32, #tpu.memory_space<vmem>>, vector<16xf32>,
          %get3A_551 = arith.index_cast %rem3A_145 : i32 to index
          %get3A_552 = arith.index_cast %add3A_527 : i32 to index
          %get3A_553 = arith.constant 32 : index
          %get3A_554 = tpu.vector_load %arg17[%get3A_551, %get3A_552, %get3A_553] {strides = array<i32>} : memref<2x128x64xf32, #tpu.memory_space<vmem>>, vector<16xf32>,
          %mul3A_555 = arith.mulf %get3A_554, %gather3A_532 : vector<16xf32>
          %swap3A_556 = arith.index_cast %rem3A_145 : i32 to index
          %swap3A_557 = arith.index_cast %add3A_527 : i32 to index
          %swap3A_558 = arith.constant 32 : index
          %swap3A_559 = tpu.vector_load %arg17[%swap3A_556, %swap3A_557, %swap3A_558] {strides = array<i32>} : memref<2x128x64xf32, #tpu.memory_space<vmem>>, vector<16xf32>,
          tpu.vector_store %arg17[%swap3A_556, %swap3A_557, %swap3A_558], %mul3A_555 {strides = array<i32>} : memref<2x128x64xf32, #tpu.memory_space<vmem>>, vector<16xf32>,
          %get3A_560 = arith.index_cast %rem3A_145 : i32 to index
          %get3A_561 = arith.index_cast %add3A_527 : i32 to index
          %get3A_562 = arith.constant 48 : index
          %get3A_563 = tpu.vector_load %arg17[%get3A_560, %get3A_561, %get3A_562] {strides = array<i32>} : memref<2x128x64xf32, #tpu.memory_space<vmem>>, vector<16xf32>,
          %mul3A_564 = arith.mulf %get3A_563, %gather3A_532 : vector<16xf32>
          %swap3A_565 = arith.index_cast %rem3A_145 : i32 to index
          %swap3A_566 = arith.index_cast %add3A_527 : i32 to index
          %swap3A_567 = arith.constant 48 : index
          %swap3A_568 = tpu.vector_load %arg17[%swap3A_565, %swap3A_566, %swap3A_567] {strides = array<i32>} : memref<2x128x64xf32, #tpu.memory_space<vmem>>, vector<16xf32>,
          tpu.vector_store %arg17[%swap3A_565, %swap3A_566, %swap3A_567], %mul3A_564 {strides = array<i32>} : memref<2x128x64xf32, #tpu.memory_space<vmem>>, vector<16xf32>,
        }
        %scan3A_377 = arith.constant 32 : i32
        %dma_start3A_378 = arith.constant 0 : i32
        %dma_start3A_379 = arith.constant 0 : i32
        %dma_start3A_380 = tpu.memref_slice %arg17[%rem3A_145, %dma_start3A_378, %dma_start3A_379] : memref<2x128x64xf32, #tpu.memory_space<vmem>> -> memref<1x128x64xf32, #tpu.memory_space<vmem>>
        %dma_start3A_381 = tpu.memref_squeeze %dma_start3A_380 : memref<1x128x64xf32, #tpu.memory_space<vmem>> -> memref<128x64xf32, #tpu.memory_space<vmem>>
        %dma_start3A_382 = arith.constant 0 : i32
        %dma_start3A_383 = tpu.memref_slice %arg16[%scan3A_144, %dma_start3A_382] : memref<16x128xi32, #tpu.memory_space<vmem>> -> memref<1x128xi32, #tpu.memory_space<vmem>>
        %dma_start3A_384 = tpu.memref_squeeze %dma_start3A_383 : memref<1x128xi32, #tpu.memory_space<vmem>> -> memref<128xi32, #tpu.memory_space<vmem>>
        %dma_start3A_385 = arith.constant 0 : i32
        %dma_start3A_386 = arith.constant 0 : i32
        %dma_start3A_387 = tpu.memref_slice %arg20[%dma_start3A_385, %dma_start3A_386] : memref<10240x64xf32, #tpu.memory_space<vmem_shared>> -> memref<10240x64xf32, #tpu.memory_space<vmem_shared>>
        tpu.enqueue_indirect_dma source(%dma_start3A_381 : memref<128x64xf32, #tpu.memory_space<vmem>>) target(%dma_start3A_387 : memref<10240x64xf32, #tpu.memory_space<vmem_shared>>) offsets(%dma_start3A_384 : memref<128xi32, #tpu.memory_space<vmem>>) semaphore(%arg24 : memref<!tpu.dma_semaphore, #tpu.memory_space<semaphore_mem>>) {add = true}
      }
      %scan3A_122 = arith.constant 16 : i32
      %dma_wait3A = arith.constant 0 : i32
      %dma_wait3A_123 = arith.constant 0 : i32
      %dma_wait3A_124 = arith.constant 0 : i32
      %dma_wait3A_125 = arith.constant 0 : i32
      %dma_wait3A_126 = tpu.memref_slice %arg17[%dma_wait3A, %dma_wait3A_124, %dma_wait3A_125] : memref<2x128x64xf32, #tpu.memory_space<vmem>> -> memref<1x128x64xf32, #tpu.memory_space<vmem>>
      %dma_wait3A_127 = tpu.memref_squeeze %dma_wait3A_126 : memref<1x128x64xf32, #tpu.memory_space<vmem>> -> memref<128x64xf32, #tpu.memory_space<vmem>>
      %dma_wait3A_128 = arith.constant 0 : i32
      %dma_wait3A_129 = tpu.memref_slice %arg16[%dma_wait3A_123, %dma_wait3A_128] : memref<16x128xi32, #tpu.memory_space<vmem>> -> memref<1x128xi32, #tpu.memory_space<vmem>>
      %dma_wait3A_130 = tpu.memref_squeeze %dma_wait3A_129 : memref<1x128xi32, #tpu.memory_space<vmem>> -> memref<128xi32, #tpu.memory_space<vmem>>
      %dma_wait3A_131 = arith.constant 0 : i32
      %dma_wait3A_132 = arith.constant 0 : i32
      %dma_wait3A_133 = tpu.memref_slice %arg20[%dma_wait3A_131, %dma_wait3A_132] : memref<10240x64xf32, #tpu.memory_space<vmem_shared>> -> memref<10240x64xf32, #tpu.memory_space<vmem_shared>>
      tpu.wait_indirect_dma semaphore(%arg24 : memref<!tpu.dma_semaphore, #tpu.memory_space<semaphore_mem>>) src(%dma_wait3A_127 : memref<128x64xf32, #tpu.memory_space<vmem>>) dst(%dma_wait3A_133 : memref<10240x64xf32, #tpu.memory_space<vmem_shared>>)
      %dma_wait3A_134 = arith.constant 0 : i32
      %dma_wait3A_135 = arith.constant 0 : i32
      %dma_wait3A_136 = arith.constant 0 : i32
      %dma_wait3A_137 = tpu.memref_slice %arg18[%dma_wait3A_134, %dma_wait3A_136] : memref<2x128xf32, #tpu.memory_space<vmem>> -> memref<1x128xf32, #tpu.memory_space<vmem>>
      %dma_wait3A_138 = tpu.memref_squeeze %dma_wait3A_137 : memref<1x128xf32, #tpu.memory_space<vmem>> -> memref<128xf32, #tpu.memory_space<vmem>>
      %dma_wait3A_139 = arith.constant 0 : i32
      %dma_wait3A_140 = tpu.memref_slice %arg16[%dma_wait3A_135, %dma_wait3A_139] : memref<16x128xi32, #tpu.memory_space<vmem>> -> memref<1x128xi32, #tpu.memory_space<vmem>>
      %dma_wait3A_141 = tpu.memref_squeeze %dma_wait3A_140 : memref<1x128xi32, #tpu.memory_space<vmem>> -> memref<128xi32, #tpu.memory_space<vmem>>
      %dma_wait3A_142 = arith.constant 0 : i32
      %dma_wait3A_143 = tpu.memref_slice %arg22[%dma_wait3A_142] : memref<10240xf32, #tpu.memory_space<vmem_shared>> -> memref<10240xf32, #tpu.memory_space<vmem_shared>>
      tpu.wait_indirect_dma semaphore(%arg25 : memref<!tpu.dma_semaphore, #tpu.memory_space<semaphore_mem>>) src(%dma_wait3A_138 : memref<128xf32, #tpu.memory_space<vmem>>) dst(%dma_wait3A_143 : memref<10240xf32, #tpu.memory_space<vmem_shared>>)
    }
    %scan3A_79 = arith.constant 10 : i32
    %barrier3A_80 = arith.constant 0 : index
    tpu.barrier barrier_id(%barrier3A_80)
    %mul3A_81 = arith.constant 640 : i32
    %mul3A_82 = arith.muli %arg1, %mul3A_81 : i32
    %add3A_83 = arith.constant 0 : i32
    %add3A_84 = arith.addi %mul3A_82, %add3A_83 : i32
    "tpu.region"() ({
      %run_scoped3A_103 = tpu.sem_alloc : memref<!tpu.dma_semaphore, #tpu.memory_space<semaphore_mem>>
      %dma_start3A = arith.constant 0 : i32
      %dma_start3A_104 = tpu.memref_slice %arg10[%arg0, %add3A_84, %dma_start3A] : memref<2x10240x64xf32, #tpu.memory_space<hbm>> -> memref<1x128x64xf32, #tpu.memory_space<hbm>>
      %dma_start3A_105 = tpu.memref_squeeze %dma_start3A_104 : memref<1x128x64xf32, #tpu.memory_space<hbm>> -> memref<128x64xf32, #tpu.memory_space<hbm>>
      %dma_start3A_106 = arith.constant 0 : i32
      %dma_start3A_107 = tpu.memref_slice %arg20[%add3A_84, %dma_start3A_106] : memref<10240x64xf32, #tpu.memory_space<vmem_shared>> -> memref<128x64xf32, #tpu.memory_space<vmem_shared>>
      tpu.enqueue_dma source(%dma_start3A_107 : memref<128x64xf32, #tpu.memory_space<vmem_shared>>) target(%dma_start3A_105 : memref<128x64xf32, #tpu.memory_space<hbm>>) target_semaphore(%run_scoped3A_103 : memref<!tpu.dma_semaphore, #tpu.memory_space<semaphore_mem>>)
      %dma_wait3A = arith.constant 0 : i32
      %dma_wait3A_108 = tpu.memref_slice %arg10[%arg0, %add3A_84, %dma_wait3A] : memref<2x10240x64xf32, #tpu.memory_space<hbm>> -> memref<1x128x64xf32, #tpu.memory_space<hbm>>
      %dma_wait3A_109 = tpu.memref_squeeze %dma_wait3A_108 : memref<1x128x64xf32, #tpu.memory_space<hbm>> -> memref<128x64xf32, #tpu.memory_space<hbm>>
      %dma_wait3A_110 = arith.constant 0 : i32
      %dma_wait3A_111 = tpu.memref_slice %arg20[%add3A_84, %dma_wait3A_110] : memref<10240x64xf32, #tpu.memory_space<vmem_shared>> -> memref<128x64xf32, #tpu.memory_space<vmem_shared>>
      tpu.wait_dma2 semaphore(%run_scoped3A_103 : memref<!tpu.dma_semaphore, #tpu.memory_space<semaphore_mem>>) src(%dma_wait3A_111 : memref<128x64xf32, #tpu.memory_space<vmem_shared>>) dst(%dma_wait3A_109 : memref<128x64xf32, #tpu.memory_space<hbm>>)
      tpu.yield
    }) : () -> ()
    %mul3A_85 = arith.constant 640 : i32
    %mul3A_86 = arith.muli %arg1, %mul3A_85 : i32
    %add3A_87 = arith.constant 128 : i32
    %add3A_88 = arith.addi %mul3A_86, %add3A_87 : i32
    "tpu.region"() ({
      %run_scoped3A_103 = tpu.sem_alloc : memref<!tpu.dma_semaphore, #tpu.memory_space<semaphore_mem>>
      %dma_start3A = arith.constant 0 : i32
      %dma_start3A_104 = tpu.memref_slice %arg10[%arg0, %add3A_88, %dma_start3A] : memref<2x10240x64xf32, #tpu.memory_space<hbm>> -> memref<1x128x64xf32, #tpu.memory_space<hbm>>
      %dma_start3A_105 = tpu.memref_squeeze %dma_start3A_104 : memref<1x128x64xf32, #tpu.memory_space<hbm>> -> memref<128x64xf32, #tpu.memory_space<hbm>>
      %dma_start3A_106 = arith.constant 0 : i32
      %dma_start3A_107 = tpu.memref_slice %arg20[%add3A_88, %dma_start3A_106] : memref<10240x64xf32, #tpu.memory_space<vmem_shared>> -> memref<128x64xf32, #tpu.memory_space<vmem_shared>>
      tpu.enqueue_dma source(%dma_start3A_107 : memref<128x64xf32, #tpu.memory_space<vmem_shared>>) target(%dma_start3A_105 : memref<128x64xf32, #tpu.memory_space<hbm>>) target_semaphore(%run_scoped3A_103 : memref<!tpu.dma_semaphore, #tpu.memory_space<semaphore_mem>>)
      %dma_wait3A = arith.constant 0 : i32
      %dma_wait3A_108 = tpu.memref_slice %arg10[%arg0, %add3A_88, %dma_wait3A] : memref<2x10240x64xf32, #tpu.memory_space<hbm>> -> memref<1x128x64xf32, #tpu.memory_space<hbm>>
      %dma_wait3A_109 = tpu.memref_squeeze %dma_wait3A_108 : memref<1x128x64xf32, #tpu.memory_space<hbm>> -> memref<128x64xf32, #tpu.memory_space<hbm>>
      %dma_wait3A_110 = arith.constant 0 : i32
      %dma_wait3A_111 = tpu.memref_slice %arg20[%add3A_88, %dma_wait3A_110] : memref<10240x64xf32, #tpu.memory_space<vmem_shared>> -> memref<128x64xf32, #tpu.memory_space<vmem_shared>>
      tpu.wait_dma2 semaphore(%run_scoped3A_103 : memref<!tpu.dma_semaphore, #tpu.memory_space<semaphore_mem>>) src(%dma_wait3A_111 : memref<128x64xf32, #tpu.memory_space<vmem_shared>>) dst(%dma_wait3A_109 : memref<128x64xf32, #tpu.memory_space<hbm>>)
      tpu.yield
    }) : () -> ()
    %mul3A_89 = arith.constant 640 : i32
    %mul3A_90 = arith.muli %arg1, %mul3A_89 : i32
    %add3A_91 = arith.constant 256 : i32
    %add3A_92 = arith.addi %mul3A_90, %add3A_91 : i32
    "tpu.region"() ({
      %run_scoped3A_103 = tpu.sem_alloc : memref<!tpu.dma_semaphore, #tpu.memory_space<semaphore_mem>>
      %dma_start3A = arith.constant 0 : i32
      %dma_start3A_104 = tpu.memref_slice %arg10[%arg0, %add3A_92, %dma_start3A] : memref<2x10240x64xf32, #tpu.memory_space<hbm>> -> memref<1x128x64xf32, #tpu.memory_space<hbm>>
      %dma_start3A_105 = tpu.memref_squeeze %dma_start3A_104 : memref<1x128x64xf32, #tpu.memory_space<hbm>> -> memref<128x64xf32, #tpu.memory_space<hbm>>
      %dma_start3A_106 = arith.constant 0 : i32
      %dma_start3A_107 = tpu.memref_slice %arg20[%add3A_92, %dma_start3A_106] : memref<10240x64xf32, #tpu.memory_space<vmem_shared>> -> memref<128x64xf32, #tpu.memory_space<vmem_shared>>
      tpu.enqueue_dma source(%dma_start3A_107 : memref<128x64xf32, #tpu.memory_space<vmem_shared>>) target(%dma_start3A_105 : memref<128x64xf32, #tpu.memory_space<hbm>>) target_semaphore(%run_scoped3A_103 : memref<!tpu.dma_semaphore, #tpu.memory_space<semaphore_mem>>)
      %dma_wait3A = arith.constant 0 : i32
      %dma_wait3A_108 = tpu.memref_slice %arg10[%arg0, %add3A_92, %dma_wait3A] : memref<2x10240x64xf32, #tpu.memory_space<hbm>> -> memref<1x128x64xf32, #tpu.memory_space<hbm>>
      %dma_wait3A_109 = tpu.memref_squeeze %dma_wait3A_108 : memref<1x128x64xf32, #tpu.memory_space<hbm>> -> memref<128x64xf32, #tpu.memory_space<hbm>>
      %dma_wait3A_110 = arith.constant 0 : i32
      %dma_wait3A_111 = tpu.memref_slice %arg20[%add3A_92, %dma_wait3A_110] : memref<10240x64xf32, #tpu.memory_space<vmem_shared>> -> memref<128x64xf32, #tpu.memory_space<vmem_shared>>
      tpu.wait_dma2 semaphore(%run_scoped3A_103 : memref<!tpu.dma_semaphore, #tpu.memory_space<semaphore_mem>>) src(%dma_wait3A_111 : memref<128x64xf32, #tpu.memory_space<vmem_shared>>) dst(%dma_wait3A_109 : memref<128x64xf32, #tpu.memory_space<hbm>>)
      tpu.yield
    }) : () -> ()
    %mul3A_93 = arith.constant 640 : i32
    %mul3A_94 = arith.muli %arg1, %mul3A_93 : i32
    %add3A_95 = arith.constant 384 : i32
    %add3A_96 = arith.addi %mul3A_94, %add3A_95 : i32
    "tpu.region"() ({
      %run_scoped3A_103 = tpu.sem_alloc : memref<!tpu.dma_semaphore, #tpu.memory_space<semaphore_mem>>
      %dma_start3A = arith.constant 0 : i32
      %dma_start3A_104 = tpu.memref_slice %arg10[%arg0, %add3A_96, %dma_start3A] : memref<2x10240x64xf32, #tpu.memory_space<hbm>> -> memref<1x128x64xf32, #tpu.memory_space<hbm>>
      %dma_start3A_105 = tpu.memref_squeeze %dma_start3A_104 : memref<1x128x64xf32, #tpu.memory_space<hbm>> -> memref<128x64xf32, #tpu.memory_space<hbm>>
      %dma_start3A_106 = arith.constant 0 : i32
      %dma_start3A_107 = tpu.memref_slice %arg20[%add3A_96, %dma_start3A_106] : memref<10240x64xf32, #tpu.memory_space<vmem_shared>> -> memref<128x64xf32, #tpu.memory_space<vmem_shared>>
      tpu.enqueue_dma source(%dma_start3A_107 : memref<128x64xf32, #tpu.memory_space<vmem_shared>>) target(%dma_start3A_105 : memref<128x64xf32, #tpu.memory_space<hbm>>) target_semaphore(%run_scoped3A_103 : memref<!tpu.dma_semaphore, #tpu.memory_space<semaphore_mem>>)
      %dma_wait3A = arith.constant 0 : i32
      %dma_wait3A_108 = tpu.memref_slice %arg10[%arg0, %add3A_96, %dma_wait3A] : memref<2x10240x64xf32, #tpu.memory_space<hbm>> -> memref<1x128x64xf32, #tpu.memory_space<hbm>>
      %dma_wait3A_109 = tpu.memref_squeeze %dma_wait3A_108 : memref<1x128x64xf32, #tpu.memory_space<hbm>> -> memref<128x64xf32, #tpu.memory_space<hbm>>
      %dma_wait3A_110 = arith.constant 0 : i32
      %dma_wait3A_111 = tpu.memref_slice %arg20[%add3A_96, %dma_wait3A_110] : memref<10240x64xf32, #tpu.memory_space<vmem_shared>> -> memref<128x64xf32, #tpu.memory_space<vmem_shared>>
      tpu.wait_dma2 semaphore(%run_scoped3A_103 : memref<!tpu.dma_semaphore, #tpu.memory_space<semaphore_mem>>) src(%dma_wait3A_111 : memref<128x64xf32, #tpu.memory_space<vmem_shared>>) dst(%dma_wait3A_109 : memref<128x64xf32, #tpu.memory_space<hbm>>)
      tpu.yield
    }) : () -> ()
    %mul3A_97 = arith.constant 640 : i32
    %mul3A_98 = arith.muli %arg1, %mul3A_97 : i32
    %add3A_99 = arith.constant 512 : i32
    %add3A_100 = arith.addi %mul3A_98, %add3A_99 : i32
    "tpu.region"() ({
      %run_scoped3A_103 = tpu.sem_alloc : memref<!tpu.dma_semaphore, #tpu.memory_space<semaphore_mem>>
      %dma_start3A = arith.constant 0 : i32
      %dma_start3A_104 = tpu.memref_slice %arg10[%arg0, %add3A_100, %dma_start3A] : memref<2x10240x64xf32, #tpu.memory_space<hbm>> -> memref<1x128x64xf32, #tpu.memory_space<hbm>>
      %dma_start3A_105 = tpu.memref_squeeze %dma_start3A_104 : memref<1x128x64xf32, #tpu.memory_space<hbm>> -> memref<128x64xf32, #tpu.memory_space<hbm>>
      %dma_start3A_106 = arith.constant 0 : i32
      %dma_start3A_107 = tpu.memref_slice %arg20[%add3A_100, %dma_start3A_106] : memref<10240x64xf32, #tpu.memory_space<vmem_shared>> -> memref<128x64xf32, #tpu.memory_space<vmem_shared>>
      tpu.enqueue_dma source(%dma_start3A_107 : memref<128x64xf32, #tpu.memory_space<vmem_shared>>) target(%dma_start3A_105 : memref<128x64xf32, #tpu.memory_space<hbm>>) target_semaphore(%run_scoped3A_103 : memref<!tpu.dma_semaphore, #tpu.memory_space<semaphore_mem>>)
      %dma_wait3A = arith.constant 0 : i32
      %dma_wait3A_108 = tpu.memref_slice %arg10[%arg0, %add3A_100, %dma_wait3A] : memref<2x10240x64xf32, #tpu.memory_space<hbm>> -> memref<1x128x64xf32, #tpu.memory_space<hbm>>
      %dma_wait3A_109 = tpu.memref_squeeze %dma_wait3A_108 : memref<1x128x64xf32, #tpu.memory_space<hbm>> -> memref<128x64xf32, #tpu.memory_space<hbm>>
      %dma_wait3A_110 = arith.constant 0 : i32
      %dma_wait3A_111 = tpu.memref_slice %arg20[%add3A_100, %dma_wait3A_110] : memref<10240x64xf32, #tpu.memory_space<vmem_shared>> -> memref<128x64xf32, #tpu.memory_space<vmem_shared>>
      tpu.wait_dma2 semaphore(%run_scoped3A_103 : memref<!tpu.dma_semaphore, #tpu.memory_space<semaphore_mem>>) src(%dma_wait3A_111 : memref<128x64xf32, #tpu.memory_space<vmem_shared>>) dst(%dma_wait3A_109 : memref<128x64xf32, #tpu.memory_space<hbm>>)
      tpu.yield
    }) : () -> ()
    %mul3A_101 = arith.constant 640 : i32
    %mul3A_102 = arith.muli %arg1, %mul3A_101 : i32
    "tpu.region"() ({
      %run_scoped3A_103 = tpu.sem_alloc : memref<!tpu.dma_semaphore, #tpu.memory_space<semaphore_mem>>
      %dma_start3A = tpu.memref_slice %arg11[%arg0, %mul3A_102] : memref<2x10240xf32, #tpu.memory_space<hbm>> -> memref<1x640xf32, #tpu.memory_space<hbm>>
      %dma_start3A_104 = tpu.memref_squeeze %dma_start3A : memref<1x640xf32, #tpu.memory_space<hbm>> -> memref<640xf32, #tpu.memory_space<hbm>>
      %dma_start3A_105 = tpu.memref_slice %arg22[%mul3A_102] : memref<10240xf32, #tpu.memory_space<vmem_shared>> -> memref<640xf32, #tpu.memory_space<vmem_shared>>
      tpu.enqueue_dma source(%dma_start3A_105 : memref<640xf32, #tpu.memory_space<vmem_shared>>) target(%dma_start3A_104 : memref<640xf32, #tpu.memory_space<hbm>>) target_semaphore(%run_scoped3A_103 : memref<!tpu.dma_semaphore, #tpu.memory_space<semaphore_mem>>)
      %dma_wait3A = tpu.memref_slice %arg11[%arg0, %mul3A_102] : memref<2x10240xf32, #tpu.memory_space<hbm>> -> memref<1x640xf32, #tpu.memory_space<hbm>>
      %dma_wait3A_106 = tpu.memref_squeeze %dma_wait3A : memref<1x640xf32, #tpu.memory_space<hbm>> -> memref<640xf32, #tpu.memory_space<hbm>>
      %dma_wait3A_107 = tpu.memref_slice %arg22[%mul3A_102] : memref<10240xf32, #tpu.memory_space<vmem_shared>> -> memref<640xf32, #tpu.memory_space<vmem_shared>>
      tpu.wait_dma2 semaphore(%run_scoped3A_103 : memref<!tpu.dma_semaphore, #tpu.memory_space<semaphore_mem>>) src(%dma_wait3A_107 : memref<640xf32, #tpu.memory_space<vmem_shared>>) dst(%dma_wait3A_106 : memref<640xf32, #tpu.memory_space<hbm>>)
      tpu.yield
    }) : () -> ()
    return
  }
}

module attributes {stable_mosaic.version = 14 : i64} {
  func.func @body(%arg0: i32, %arg1: memref<1024x128xf32, #tpu.memory_space<vmem>>, %arg2: memref<128x128xf32, #tpu.memory_space<vmem>>, %arg3: memref<128xf32, #tpu.memory_space<vmem>>, %arg4: memref<128xf32, #tpu.memory_space<vmem>>, %arg5: memref<1024x64xf32, #tpu.memory_space<vmem>>, %arg6: memref<1024x64xf32, #tpu.memory_space<vmem>>, %arg7: memref<2x1024xf32, #tpu.memory_space<vmem>>, %arg8: memref<1x1xf32, #tpu.memory_space<vmem>>, %arg9: memref<1x1xf32, #tpu.memory_space<vmem>>) attributes {dimension_semantics = [#tpu.dimension_semantics<arbitrary>], iteration_bounds = array<i64: 10>, scalar_prefetch = 0 : i64, scratch_operands = 0 : i64, tpu.core_type = #tpu.core_type<tc>, window_params = [{transform_indices = @transform_0, window_bounds = array<i64: 1024, 128>}, {pipeline_mode = #tpu.pipeline_mode<synchronous>, transform_indices = @transform_1, window_bounds = array<i64: 128, 128>}, {pipeline_mode = #tpu.pipeline_mode<synchronous>, transform_indices = @transform_2, window_bounds = array<i64: 128>}, {pipeline_mode = #tpu.pipeline_mode<synchronous>, transform_indices = @transform_3, window_bounds = array<i64: 128>}, {transform_indices = @transform_4, window_bounds = array<i64: 1024, 64>}, {transform_indices = @transform_5, window_bounds = array<i64: 1024, 64>}, {transform_indices = @transform_6, window_bounds = array<i64: 2, 1024>}, {pipeline_mode = #tpu.pipeline_mode<synchronous>, transform_indices = @transform_7, window_bounds = array<i64: 1, 1>}, {pipeline_mode = #tpu.pipeline_mode<synchronous>, transform_indices = @transform_8, window_bounds = array<i64: 1, 1>}]} {
    %get3A = arith.constant 0 : index
    %get3A_0 = arith.constant 0 : index
    %get3A_1 = vector.load %arg1[%get3A, %get3A_0] : memref<1024x128xf32, #tpu.memory_space<vmem>>, vector<1024x128xf32>
    %get3A_2 = arith.constant 0 : index
    %get3A_3 = arith.constant 0 : index
    %get3A_4 = vector.load %arg2[%get3A_2, %get3A_3] : memref<128x128xf32, #tpu.memory_space<vmem>>, vector<128x128xf32>
    %dot_general3A = arith.constant dense<0.000000e+00> : vector<1024x128xf32>
    %dot_general3A_5 = tpu.matmul %get3A_1, %get3A_4, %dot_general3A {dimension_numbers = #tpu.dot_dimension_numbers<[1], [0], [0], [1], [0, 0, 1, 1], [], []>, transpose_lhs_hint = false} : vector<1024x128xf32>, vector<128x128xf32>, vector<1024x128xf32> -> vector<1024x128xf32>
    %slice3A = vector.extract_strided_slice %dot_general3A_5 {offsets = [0, 0], sizes = [1024, 64], strides = [1, 1]} : vector<1024x128xf32> to vector<1024x64xf32>
    %swap3A = arith.constant 0 : index
    %swap3A_6 = arith.constant 0 : index
    %swap3A_7 = vector.load %arg5[%swap3A, %swap3A_6] : memref<1024x64xf32, #tpu.memory_space<vmem>>, vector<1024x64xf32>
    tpu.vector_store %arg5[%swap3A, %swap3A_6], %slice3A {strides = array<i32>} : memref<1024x64xf32, #tpu.memory_space<vmem>>, vector<1024x64xf32>,
    %slice3A_8 = vector.extract_strided_slice %dot_general3A_5 {offsets = [0, 64], sizes = [1024, 64], strides = [1, 1]} : vector<1024x128xf32> to vector<1024x64xf32>
    %swap3A_9 = arith.constant 0 : index
    %swap3A_10 = arith.constant 0 : index
    %swap3A_11 = vector.load %arg6[%swap3A_9, %swap3A_10] : memref<1024x64xf32, #tpu.memory_space<vmem>>, vector<1024x64xf32>
    tpu.vector_store %arg6[%swap3A_9, %swap3A_10], %slice3A_8 {strides = array<i32>} : memref<1024x64xf32, #tpu.memory_space<vmem>>, vector<1024x64xf32>,
    %get3A_12 = arith.constant 0 : index
    %get3A_13 = vector.load %arg3[%get3A_12] : memref<128xf32, #tpu.memory_space<vmem>>, vector<128xf32>
    %broadcast_in_dim3A = vector.shape_cast %get3A_13 : vector<128xf32> to vector<1x128xf32>
    %mul3A = vector.broadcast %broadcast_in_dim3A : vector<1x128xf32> to vector<1024x128xf32>
    %mul3A_14 = arith.mulf %dot_general3A_5, %mul3A : vector<1024x128xf32>
    %reduce_sum3A = arith.constant dense<0.000000e+00> : vector<1024xf32>
    %reduce_sum3A_15 = vector.multi_reduction <add>, %mul3A_14, %reduce_sum3A [1] : vector<1024x128xf32> to vector<1024xf32>
    %get3A_16 = arith.constant 0 : index
    %get3A_17 = vector.load %arg4[%get3A_16] : memref<128xf32, #tpu.memory_space<vmem>>, vector<128xf32>
    %broadcast_in_dim3A_18 = vector.shape_cast %get3A_17 : vector<128xf32> to vector<1x128xf32>
    %mul3A_19 = vector.broadcast %broadcast_in_dim3A_18 : vector<1x128xf32> to vector<1024x128xf32>
    %mul3A_20 = arith.mulf %dot_general3A_5, %mul3A_19 : vector<1024x128xf32>
    %reduce_sum3A_21 = arith.constant dense<0.000000e+00> : vector<1024xf32>
    %reduce_sum3A_22 = vector.multi_reduction <add>, %mul3A_20, %reduce_sum3A_21 [1] : vector<1024x128xf32> to vector<1024xf32>
    %broadcast_in_dim3A_23 = vector.shape_cast %reduce_sum3A_15 : vector<1024xf32> to vector<1x1024xf32>
    %broadcast_in_dim3A_24 = vector.shape_cast %reduce_sum3A_22 : vector<1024xf32> to vector<1x1024xf32>
    %concatenate3A = tpu.concatenate %broadcast_in_dim3A_23, %broadcast_in_dim3A_24 in 0 : vector<1x1024xf32>, vector<1x1024xf32> -> vector<2x1024xf32>
    %swap3A_25 = arith.constant 0 : index
    %swap3A_26 = arith.constant 0 : index
    %swap3A_27 = vector.load %arg7[%swap3A_25, %swap3A_26] : memref<2x1024xf32, #tpu.memory_space<vmem>>, vector<2x1024xf32>
    tpu.vector_store %arg7[%swap3A_25, %swap3A_26], %concatenate3A {strides = array<i32>} : memref<2x1024xf32, #tpu.memory_space<vmem>>, vector<2x1024xf32>,
    %broadcast_in_dim3A_28 = arith.constant 0xFF800000 : f32
    %broadcast_in_dim3A_29 = vector.broadcast %broadcast_in_dim3A_28 : f32 to vector<1x1xf32>
    %reduce_max3A = vector.shape_cast %reduce_sum3A_15 : vector<1024xf32> to vector<1x1024xf32>
    %reduce_max3A_30 = arith.constant dense<0xFF800000> : vector<1xf32>
    %reduce_max3A_31 = vector.multi_reduction <maximumf>, %reduce_max3A, %reduce_max3A_30 [1] : vector<1x1024xf32> to vector<1xf32>
    %reduce_max3A_32 = vector.shape_cast %reduce_max3A_31 : vector<1xf32> to vector<1x1xf32>
    %reduce_max3A_33 = vector.extract %reduce_max3A_32[0, 0] : f32 from vector<1x1xf32>
    %broadcast_in_dim3A_34 = vector.broadcast %reduce_max3A_33 : f32 to vector<1x1xf32>
    %reduce_max3A_35 = vector.shape_cast %reduce_sum3A_22 : vector<1024xf32> to vector<1x1024xf32>
    %reduce_max3A_36 = arith.constant dense<0xFF800000> : vector<1xf32>
    %reduce_max3A_37 = vector.multi_reduction <maximumf>, %reduce_max3A_35, %reduce_max3A_36 [1] : vector<1x1024xf32> to vector<1xf32>
    %reduce_max3A_38 = vector.shape_cast %reduce_max3A_37 : vector<1xf32> to vector<1x1xf32>
    %reduce_max3A_39 = vector.extract %reduce_max3A_38[0, 0] : f32 from vector<1x1xf32>
    %broadcast_in_dim3A_40 = vector.broadcast %reduce_max3A_39 : f32 to vector<1x1xf32>
    %eq3A = arith.constant 0 : i32
    %eq3A_41 = arith.cmpi eq, %arg0, %eq3A : i32
    %get3A_42 = arith.constant 0 : index
    %get3A_43 = arith.constant 0 : index
    %get3A_44 = vector.load %arg8[%get3A_42, %get3A_43] : memref<1x1xf32, #tpu.memory_space<vmem>>, vector<1x1xf32>
    %select_n3A = arith.select %eq3A_41, %broadcast_in_dim3A_29, %get3A_44 : vector<1x1xf32>
    %max3A = arith.maximumf %select_n3A, %broadcast_in_dim3A_34 : vector<1x1xf32>
    %swap3A_45 = arith.constant 0 : index
    %swap3A_46 = arith.constant 0 : index
    %swap3A_47 = vector.load %arg8[%swap3A_45, %swap3A_46] : memref<1x1xf32, #tpu.memory_space<vmem>>, vector<1x1xf32>
    tpu.vector_store %arg8[%swap3A_45, %swap3A_46], %max3A {strides = array<i32>} : memref<1x1xf32, #tpu.memory_space<vmem>>, vector<1x1xf32>,
    %eq3A_48 = arith.constant 0 : i32
    %eq3A_49 = arith.cmpi eq, %arg0, %eq3A_48 : i32
    %get3A_50 = arith.constant 0 : index
    %get3A_51 = arith.constant 0 : index
    %get3A_52 = vector.load %arg9[%get3A_50, %get3A_51] : memref<1x1xf32, #tpu.memory_space<vmem>>, vector<1x1xf32>
    %select_n3A_53 = arith.select %eq3A_49, %broadcast_in_dim3A_29, %get3A_52 : vector<1x1xf32>
    %max3A_54 = arith.maximumf %select_n3A_53, %broadcast_in_dim3A_40 : vector<1x1xf32>
    %swap3A_55 = arith.constant 0 : index
    %swap3A_56 = arith.constant 0 : index
    %swap3A_57 = vector.load %arg9[%swap3A_55, %swap3A_56] : memref<1x1xf32, #tpu.memory_space<vmem>>, vector<1x1xf32>
    tpu.vector_store %arg9[%swap3A_55, %swap3A_56], %max3A_54 {strides = array<i32>} : memref<1x1xf32, #tpu.memory_space<vmem>>, vector<1x1xf32>,
    return
  }
  func.func @transform_0(%arg0: i32) -> (i32, i32) {
    %c0_i32 = arith.constant 0 : i32
    %c0_i32_0 = arith.constant 0 : i32
    return %arg0, %c0_i32 : i32, i32
  }
  func.func @transform_1(%arg0: i32) -> (i32, i32) {
    %c0_i32 = arith.constant 0 : i32
    %c0_i32_0 = arith.constant 0 : i32
    %c0_i32_1 = arith.constant 0 : i32
    return %c0_i32, %c0_i32_0 : i32, i32
  }
  func.func @transform_2(%arg0: i32) -> i32 {
    %c0_i32 = arith.constant 0 : i32
    %c0_i32_0 = arith.constant 0 : i32
    return %c0_i32 : i32
  }
  func.func @transform_3(%arg0: i32) -> i32 {
    %c0_i32 = arith.constant 0 : i32
    %c0_i32_0 = arith.constant 0 : i32
    return %c0_i32 : i32
  }
  func.func @transform_4(%arg0: i32) -> (i32, i32) {
    %c0_i32 = arith.constant 0 : i32
    %c0_i32_0 = arith.constant 0 : i32
    return %arg0, %c0_i32 : i32, i32
  }
  func.func @transform_5(%arg0: i32) -> (i32, i32) {
    %c0_i32 = arith.constant 0 : i32
    %c0_i32_0 = arith.constant 0 : i32
    return %arg0, %c0_i32 : i32, i32
  }
  func.func @transform_6(%arg0: i32) -> (i32, i32) {
    %c0_i32 = arith.constant 0 : i32
    %c0_i32_0 = arith.constant 0 : i32
    return %c0_i32, %arg0 : i32, i32
  }
  func.func @transform_7(%arg0: i32) -> (i32, i32) {
    %c0_i32 = arith.constant 0 : i32
    %c0_i32_0 = arith.constant 0 : i32
    %c0_i32_1 = arith.constant 0 : i32
    return %c0_i32, %c0_i32_0 : i32, i32
  }
  func.func @transform_8(%arg0: i32) -> (i32, i32) {
    %c0_i32 = arith.constant 0 : i32
    %c0_i32_0 = arith.constant 0 : i32
    %c0_i32_1 = arith.constant 0 : i32
    return %c0_i32, %c0_i32_0 : i32, i32
  }
}

module attributes {stable_mosaic.version = 14 : i64} {
  func.func @body(%arg0: i32, %arg1: memref<4000x128xf32, #tpu.memory_space<vmem>>, %arg2: memref<16x128xf32, #tpu.memory_space<vmem>>, %arg3: memref<128xf32, #tpu.memory_space<vmem>>, %arg4: memref<16x128xf32, #tpu.memory_space<vmem>>, %arg5: memref<128xf32, #tpu.memory_space<vmem>>, %arg6: memref<4000x8xf32, #tpu.memory_space<vmem>>, %arg7: memref<4000x8xf32, #tpu.memory_space<vmem>>, %arg8: memref<1x1xf32, #tpu.memory_space<vmem>>, %arg9: memref<1x1xf32, #tpu.memory_space<vmem>>) attributes {dimension_semantics = [#tpu.dimension_semantics<arbitrary>], iteration_bounds = array<i64: 10>, scalar_prefetch = 0 : i64, scratch_operands = 0 : i64, tpu.core_type = #tpu.core_type<tc>, window_params = [{transform_indices = @transform_0, window_bounds = array<i64: 4000, 128>}, {pipeline_mode = #tpu.pipeline_mode<synchronous>, transform_indices = @transform_1, window_bounds = array<i64: 16, 128>}, {pipeline_mode = #tpu.pipeline_mode<synchronous>, transform_indices = @transform_2, window_bounds = array<i64: 128>}, {pipeline_mode = #tpu.pipeline_mode<synchronous>, transform_indices = @transform_3, window_bounds = array<i64: 16, 128>}, {pipeline_mode = #tpu.pipeline_mode<synchronous>, transform_indices = @transform_4, window_bounds = array<i64: 128>}, {transform_indices = @transform_5, window_bounds = array<i64: 4000, 8>}, {transform_indices = @transform_6, window_bounds = array<i64: 4000, 8>}, {pipeline_mode = #tpu.pipeline_mode<synchronous>, transform_indices = @transform_7, window_bounds = array<i64: 1, 1>}, {pipeline_mode = #tpu.pipeline_mode<synchronous>, transform_indices = @transform_8, window_bounds = array<i64: 1, 1>}]} {
    %get3A = arith.constant 0 : index
    %get3A_0 = arith.constant 0 : index
    %get3A_1 = vector.load %arg1[%get3A, %get3A_0] : memref<4000x128xf32, #tpu.memory_space<vmem>>, vector<4000x128xf32>
    %broadcast_in_dim3A = arith.constant 0xFF800000 : f32
    %broadcast_in_dim3A_2 = vector.broadcast %broadcast_in_dim3A : f32 to vector<1x1xf32>
    %iota3A = tpu.iota {dimensions = array<i32: 0>} : vector<128x8xi32>
    %jit3A = arith.constant 16 : i32
    %div3A = vector.broadcast %jit3A : i32 to vector<128x8xi32>
    %div3A_3 = arith.divsi %iota3A, %div3A : vector<128x8xi32>
    %sign3A = arith.constant 0 : i32
    %sign3A_4 = vector.broadcast %sign3A : i32 to vector<128x8xi32>
    %sign3A_5 = arith.cmpi sgt, %iota3A, %sign3A_4 : vector<128x8xi32>
    %sign3A_6 = arith.extui %sign3A_5 : vector<128x8xi1> to vector<128x8xi32>
    %sign3A_7 = arith.constant 0 : i32
    %sign3A_8 = vector.broadcast %sign3A_7 : i32 to vector<128x8xi32>
    %sign3A_9 = arith.cmpi slt, %iota3A, %sign3A_8 : vector<128x8xi32>
    %sign3A_10 = arith.extui %sign3A_9 : vector<128x8xi1> to vector<128x8xi32>
    %sign3A_11 = arith.subi %sign3A_6, %sign3A_10 : vector<128x8xi32>
    %sign3A_12 = arith.constant 0 : i32
    %sign3A_13 = arith.cmpi sgt, %jit3A, %sign3A_12 : i32
    %sign3A_14 = arith.extui %sign3A_13 : i1 to i32
    %sign3A_15 = arith.constant 0 : i32
    %sign3A_16 = arith.cmpi slt, %jit3A, %sign3A_15 : i32
    %sign3A_17 = arith.extui %sign3A_16 : i1 to i32
    %sign3A_18 = arith.subi %sign3A_14, %sign3A_17 : i32
    %ne3A = vector.broadcast %sign3A_18 : i32 to vector<128x8xi32>
    %ne3A_19 = arith.cmpi ne, %sign3A_11, %ne3A : vector<128x8xi32>
    %rem3A = vector.broadcast %jit3A : i32 to vector<128x8xi32>
    %rem3A_20 = arith.remsi %iota3A, %rem3A : vector<128x8xi32>
    %ne3A_21 = arith.constant 0 : i32
    %ne3A_22 = vector.broadcast %ne3A_21 : i32 to vector<128x8xi32>
    %ne3A_23 = arith.cmpi ne, %rem3A_20, %ne3A_22 : vector<128x8xi32>
    %and3A = arith.andi %ne3A_19, %ne3A_23 : vector<128x8xi1>
    %sub3A = arith.constant 1 : i32
    %sub3A_24 = vector.broadcast %sub3A : i32 to vector<128x8xi32>
    %sub3A_25 = arith.subi %div3A_3, %sub3A_24 : vector<128x8xi32>
    %select_n3A = arith.select %and3A, %sub3A_25, %div3A_3 : vector<128x8xi1>, vector<128x8xi32>
    %iota3A_26 = tpu.iota {dimensions = array<i32: 1>} : vector<128x8xi32>
    %eq3A = arith.cmpi eq, %select_n3A, %iota3A_26 : vector<128x8xi32>
    %convert_element_type3A = arith.extui %eq3A : vector<128x8xi1> to vector<128x8xi32>
    %convert_element_type3A_27 = arith.sitofp %convert_element_type3A : vector<128x8xi32> to vector<128x8xf32>
    %get3A_28 = arith.constant 0 : index
    %get3A_29 = arith.constant 0 : index
    %get3A_30 = vector.load %arg2[%get3A_28, %get3A_29] : memref<16x128xf32, #tpu.memory_space<vmem>>, vector<16x128xf32>
    %get3A_31 = arith.constant 0 : index
    %get3A_32 = vector.load %arg3[%get3A_31] : memref<128xf32, #tpu.memory_space<vmem>>, vector<128xf32>
    %broadcast_in_dim3A_33 = vector.shape_cast %get3A_32 : vector<128xf32> to vector<1x128xf32>
    %mul3A = vector.broadcast %broadcast_in_dim3A_33 : vector<1x128xf32> to vector<16x128xf32>
    %mul3A_34 = arith.mulf %get3A_30, %mul3A : vector<16x128xf32>
    %reduce_sum3A = arith.constant dense<0.000000e+00> : vector<16xf32>
    %reduce_sum3A_35 = vector.multi_reduction <add>, %mul3A_34, %reduce_sum3A [1] : vector<16x128xf32> to vector<16xf32>
    %concatenate3A = tpu.concatenate %reduce_sum3A_35, %reduce_sum3A_35, %reduce_sum3A_35, %reduce_sum3A_35, %reduce_sum3A_35, %reduce_sum3A_35, %reduce_sum3A_35, %reduce_sum3A_35 in 0 : vector<16xf32>, vector<16xf32>, vector<16xf32>, vector<16xf32>, vector<16xf32>, vector<16xf32>, vector<16xf32>, vector<16xf32> -> vector<128xf32>
    %broadcast_in_dim3A_36 = vector.shape_cast %concatenate3A : vector<128xf32> to vector<1x128xf32>
    %mul3A_37 = vector.broadcast %broadcast_in_dim3A_36 : vector<1x128xf32> to vector<4000x128xf32>
    %mul3A_38 = arith.mulf %get3A_1, %mul3A_37 : vector<4000x128xf32>
    %dot_general3A = arith.constant dense<0.000000e+00> : vector<4000x8xf32>
    %dot_general3A_39 = tpu.matmul %mul3A_38, %convert_element_type3A_27, %dot_general3A {dimension_numbers = #tpu.dot_dimension_numbers<[1], [0], [0], [1], [0, 0, 1, 1], [], []>, transpose_lhs_hint = false} : vector<4000x128xf32>, vector<128x8xf32>, vector<4000x8xf32> -> vector<4000x8xf32>
    %swap3A = arith.constant 0 : index
    %swap3A_40 = arith.constant 0 : index
    %swap3A_41 = vector.load %arg6[%swap3A, %swap3A_40] : memref<4000x8xf32, #tpu.memory_space<vmem>>, vector<4000x8xf32>
    tpu.vector_store %arg6[%swap3A, %swap3A_40], %dot_general3A_39 {strides = array<i32>} : memref<4000x8xf32, #tpu.memory_space<vmem>>, vector<4000x8xf32>,
    %reduce_max3A = vector.shape_cast %dot_general3A_39 : vector<4000x8xf32> to vector<1x4000x8xf32>
    %reduce_max3A_42 = arith.constant dense<0xFF800000> : vector<1xf32>
    %reduce_max3A_43 = vector.multi_reduction <maximumf>, %reduce_max3A, %reduce_max3A_42 [1, 2] : vector<1x4000x8xf32> to vector<1xf32>
    %reduce_max3A_44 = vector.shape_cast %reduce_max3A_43 : vector<1xf32> to vector<1x1x1xf32>
    %reduce_max3A_45 = vector.extract %reduce_max3A_44[0, 0, 0] : f32 from vector<1x1x1xf32>
    %broadcast_in_dim3A_46 = vector.broadcast %reduce_max3A_45 : f32 to vector<1x1xf32>
    %eq3A_47 = arith.constant 0 : i32
    %eq3A_48 = arith.cmpi eq, %arg0, %eq3A_47 : i32
    %get3A_49 = arith.constant 0 : index
    %get3A_50 = arith.constant 0 : index
    %get3A_51 = vector.load %arg8[%get3A_49, %get3A_50] : memref<1x1xf32, #tpu.memory_space<vmem>>, vector<1x1xf32>
    %select_n3A_52 = arith.select %eq3A_48, %broadcast_in_dim3A_2, %get3A_51 : vector<1x1xf32>
    %max3A = arith.maximumf %select_n3A_52, %broadcast_in_dim3A_46 : vector<1x1xf32>
    %swap3A_53 = arith.constant 0 : index
    %swap3A_54 = arith.constant 0 : index
    %swap3A_55 = vector.load %arg8[%swap3A_53, %swap3A_54] : memref<1x1xf32, #tpu.memory_space<vmem>>, vector<1x1xf32>
    tpu.vector_store %arg8[%swap3A_53, %swap3A_54], %max3A {strides = array<i32>} : memref<1x1xf32, #tpu.memory_space<vmem>>, vector<1x1xf32>,
    %get3A_56 = arith.constant 0 : index
    %get3A_57 = arith.constant 0 : index
    %get3A_58 = vector.load %arg4[%get3A_56, %get3A_57] : memref<16x128xf32, #tpu.memory_space<vmem>>, vector<16x128xf32>
    %get3A_59 = arith.constant 0 : index
    %get3A_60 = vector.load %arg5[%get3A_59] : memref<128xf32, #tpu.memory_space<vmem>>, vector<128xf32>
    %broadcast_in_dim3A_61 = vector.shape_cast %get3A_60 : vector<128xf32> to vector<1x128xf32>
    %mul3A_62 = vector.broadcast %broadcast_in_dim3A_61 : vector<1x128xf32> to vector<16x128xf32>
    %mul3A_63 = arith.mulf %get3A_58, %mul3A_62 : vector<16x128xf32>
    %reduce_sum3A_64 = arith.constant dense<0.000000e+00> : vector<16xf32>
    %reduce_sum3A_65 = vector.multi_reduction <add>, %mul3A_63, %reduce_sum3A_64 [1] : vector<16x128xf32> to vector<16xf32>
    %concatenate3A_66 = tpu.concatenate %reduce_sum3A_65, %reduce_sum3A_65, %reduce_sum3A_65, %reduce_sum3A_65, %reduce_sum3A_65, %reduce_sum3A_65, %reduce_sum3A_65, %reduce_sum3A_65 in 0 : vector<16xf32>, vector<16xf32>, vector<16xf32>, vector<16xf32>, vector<16xf32>, vector<16xf32>, vector<16xf32>, vector<16xf32> -> vector<128xf32>
    %broadcast_in_dim3A_67 = vector.shape_cast %concatenate3A_66 : vector<128xf32> to vector<1x128xf32>
    %mul3A_68 = vector.broadcast %broadcast_in_dim3A_67 : vector<1x128xf32> to vector<4000x128xf32>
    %mul3A_69 = arith.mulf %get3A_1, %mul3A_68 : vector<4000x128xf32>
    %dot_general3A_70 = arith.constant dense<0.000000e+00> : vector<4000x8xf32>
    %dot_general3A_71 = tpu.matmul %mul3A_69, %convert_element_type3A_27, %dot_general3A_70 {dimension_numbers = #tpu.dot_dimension_numbers<[1], [0], [0], [1], [0, 0, 1, 1], [], []>, transpose_lhs_hint = false} : vector<4000x128xf32>, vector<128x8xf32>, vector<4000x8xf32> -> vector<4000x8xf32>
    %swap3A_72 = arith.constant 0 : index
    %swap3A_73 = arith.constant 0 : index
    %swap3A_74 = vector.load %arg7[%swap3A_72, %swap3A_73] : memref<4000x8xf32, #tpu.memory_space<vmem>>, vector<4000x8xf32>
    tpu.vector_store %arg7[%swap3A_72, %swap3A_73], %dot_general3A_71 {strides = array<i32>} : memref<4000x8xf32, #tpu.memory_space<vmem>>, vector<4000x8xf32>,
    %reduce_max3A_75 = vector.shape_cast %dot_general3A_71 : vector<4000x8xf32> to vector<1x4000x8xf32>
    %reduce_max3A_76 = arith.constant dense<0xFF800000> : vector<1xf32>
    %reduce_max3A_77 = vector.multi_reduction <maximumf>, %reduce_max3A_75, %reduce_max3A_76 [1, 2] : vector<1x4000x8xf32> to vector<1xf32>
    %reduce_max3A_78 = vector.shape_cast %reduce_max3A_77 : vector<1xf32> to vector<1x1x1xf32>
    %reduce_max3A_79 = vector.extract %reduce_max3A_78[0, 0, 0] : f32 from vector<1x1x1xf32>
    %broadcast_in_dim3A_80 = vector.broadcast %reduce_max3A_79 : f32 to vector<1x1xf32>
    %eq3A_81 = arith.constant 0 : i32
    %eq3A_82 = arith.cmpi eq, %arg0, %eq3A_81 : i32
    %get3A_83 = arith.constant 0 : index
    %get3A_84 = arith.constant 0 : index
    %get3A_85 = vector.load %arg9[%get3A_83, %get3A_84] : memref<1x1xf32, #tpu.memory_space<vmem>>, vector<1x1xf32>
    %select_n3A_86 = arith.select %eq3A_82, %broadcast_in_dim3A_2, %get3A_85 : vector<1x1xf32>
    %max3A_87 = arith.maximumf %select_n3A_86, %broadcast_in_dim3A_80 : vector<1x1xf32>
    %swap3A_88 = arith.constant 0 : index
    %swap3A_89 = arith.constant 0 : index
    %swap3A_90 = vector.load %arg9[%swap3A_88, %swap3A_89] : memref<1x1xf32, #tpu.memory_space<vmem>>, vector<1x1xf32>
    tpu.vector_store %arg9[%swap3A_88, %swap3A_89], %max3A_87 {strides = array<i32>} : memref<1x1xf32, #tpu.memory_space<vmem>>, vector<1x1xf32>,
    return
  }
  func.func @transform_0(%arg0: i32) -> (i32, i32) {
    %c0_i32 = arith.constant 0 : i32
    %c0_i32_0 = arith.constant 0 : i32
    return %arg0, %c0_i32 : i32, i32
  }
  func.func @transform_1(%arg0: i32) -> (i32, i32) {
    %c0_i32 = arith.constant 0 : i32
    %c0_i32_0 = arith.constant 0 : i32
    %c0_i32_1 = arith.constant 0 : i32
    return %c0_i32, %c0_i32_0 : i32, i32
  }
  func.func @transform_2(%arg0: i32) -> i32 {
    %c0_i32 = arith.constant 0 : i32
    %c0_i32_0 = arith.constant 0 : i32
    return %c0_i32 : i32
  }
  func.func @transform_3(%arg0: i32) -> (i32, i32) {
    %c0_i32 = arith.constant 0 : i32
    %c0_i32_0 = arith.constant 0 : i32
    %c0_i32_1 = arith.constant 0 : i32
    return %c0_i32, %c0_i32_0 : i32, i32
  }
  func.func @transform_4(%arg0: i32) -> i32 {
    %c0_i32 = arith.constant 0 : i32
    %c0_i32_0 = arith.constant 0 : i32
    return %c0_i32 : i32
  }
  func.func @transform_5(%arg0: i32) -> (i32, i32) {
    %c0_i32 = arith.constant 0 : i32
    %c0_i32_0 = arith.constant 0 : i32
    return %arg0, %c0_i32 : i32, i32
  }
  func.func @transform_6(%arg0: i32) -> (i32, i32) {
    %c0_i32 = arith.constant 0 : i32
    %c0_i32_0 = arith.constant 0 : i32
    return %arg0, %c0_i32 : i32, i32
  }
  func.func @transform_7(%arg0: i32) -> (i32, i32) {
    %c0_i32 = arith.constant 0 : i32
    %c0_i32_0 = arith.constant 0 : i32
    %c0_i32_1 = arith.constant 0 : i32
    return %c0_i32, %c0_i32_0 : i32, i32
  }
  func.func @transform_8(%arg0: i32) -> (i32, i32) {
    %c0_i32 = arith.constant 0 : i32
    %c0_i32_0 = arith.constant 0 : i32
    %c0_i32_1 = arith.constant 0 : i32
    return %c0_i32, %c0_i32_0 : i32, i32
  }
}

module attributes {stable_mosaic.version = 14 : i64} {
  func.func @body(%arg0: i32, %arg1: memref<2x1024x64xf32, #tpu.memory_space<vmem>>, %arg2: memref<2x1024xf32, #tpu.memory_space<vmem>>, %arg3: memref<128xf32, #tpu.memory_space<vmem>>, %arg4: memref<128x128xf32, #tpu.memory_space<vmem>>, %arg5: memref<128xf32, #tpu.memory_space<vmem>>, %arg6: memref<128xf32, #tpu.memory_space<vmem>>, %arg7: memref<1024x64xf32, #tpu.memory_space<vmem>>, %arg8: memref<1024x64xf32, #tpu.memory_space<vmem>>, %arg9: memref<2x1024xf32, #tpu.memory_space<vmem>>, %arg10: memref<1x1xf32, #tpu.memory_space<vmem>>, %arg11: memref<1x1xf32, #tpu.memory_space<vmem>>) attributes {dimension_semantics = [#tpu.dimension_semantics<arbitrary>], iteration_bounds = array<i64: 10>, scalar_prefetch = 0 : i64, scratch_operands = 0 : i64, tpu.core_type = #tpu.core_type<tc>, window_params = [{transform_indices = @transform_0, window_bounds = array<i64: 2, 1024, 64>}, {transform_indices = @transform_1, window_bounds = array<i64: 2, 1024>}, {pipeline_mode = #tpu.pipeline_mode<synchronous>, transform_indices = @transform_2, window_bounds = array<i64: 128>}, {pipeline_mode = #tpu.pipeline_mode<synchronous>, transform_indices = @transform_3, window_bounds = array<i64: 128, 128>}, {pipeline_mode = #tpu.pipeline_mode<synchronous>, transform_indices = @transform_4, window_bounds = array<i64: 128>}, {pipeline_mode = #tpu.pipeline_mode<synchronous>, transform_indices = @transform_5, window_bounds = array<i64: 128>}, {transform_indices = @transform_6, window_bounds = array<i64: 1024, 64>}, {transform_indices = @transform_7, window_bounds = array<i64: 1024, 64>}, {transform_indices = @transform_8, window_bounds = array<i64: 2, 1024>}, {pipeline_mode = #tpu.pipeline_mode<synchronous>, transform_indices = @transform_9, window_bounds = array<i64: 1, 1>}, {pipeline_mode = #tpu.pipeline_mode<synchronous>, transform_indices = @transform_10, window_bounds = array<i64: 1, 1>}]} {
    %get3A = arith.constant 0 : index
    %get3A_0 = arith.constant 0 : index
    %get3A_1 = arith.constant 0 : index
    %get3A_2 = vector.load %arg1[%get3A, %get3A_0, %get3A_1] : memref<2x1024x64xf32, #tpu.memory_space<vmem>>, vector<1x1024x64xf32>
    %get3A_3 = vector.shape_cast %get3A_2 : vector<1x1024x64xf32> to vector<1024x64xf32>
    %get3A_4 = arith.constant 1 : index
    %get3A_5 = arith.constant 0 : index
    %get3A_6 = arith.constant 0 : index
    %get3A_7 = vector.load %arg1[%get3A_4, %get3A_5, %get3A_6] : memref<2x1024x64xf32, #tpu.memory_space<vmem>>, vector<1x1024x64xf32>
    %get3A_8 = vector.shape_cast %get3A_7 : vector<1x1024x64xf32> to vector<1024x64xf32>
    %concatenate3A = tpu.concatenate %get3A_3, %get3A_8 in 1 : vector<1024x64xf32>, vector<1024x64xf32> -> vector<1024x128xf32>
    %get3A_9 = arith.constant 0 : index
    %get3A_10 = arith.constant 0 : index
    %get3A_11 = vector.load %arg2[%get3A_9, %get3A_10] : memref<2x1024xf32, #tpu.memory_space<vmem>>, vector<1x1024xf32>
    %get3A_12 = vector.shape_cast %get3A_11 : vector<1x1024xf32> to vector<1024xf32>
    %broadcast_in_dim3A = vector.shape_cast %get3A_12 : vector<1024xf32> to vector<1024x1xf32>
    %add3A = arith.constant 1.000000e-16 : f32
    %add3A_13 = vector.broadcast %add3A : f32 to vector<1024x1xf32>
    %add3A_14 = arith.addf %broadcast_in_dim3A, %add3A_13 : vector<1024x1xf32>
    %div3A = vector.broadcast %add3A_14 : vector<1024x1xf32> to vector<1024x128xf32>
    %div3A_15 = arith.divf %concatenate3A, %div3A : vector<1024x128xf32>
    %get3A_16 = arith.constant 0 : index
    %get3A_17 = vector.load %arg3[%get3A_16] : memref<128xf32, #tpu.memory_space<vmem>>, vector<128xf32>
    %broadcast_in_dim3A_18 = vector.shape_cast %get3A_17 : vector<128xf32> to vector<1x128xf32>
    %add3A_19 = vector.broadcast %broadcast_in_dim3A_18 : vector<1x128xf32> to vector<1024x128xf32>
    %add3A_20 = arith.addf %div3A_15, %add3A_19 : vector<1024x128xf32>
    %max3A = arith.constant 0.000000e+00 : f32
    %max3A_21 = vector.broadcast %max3A : f32 to vector<1024x128xf32>
    %max3A_22 = arith.maximumf %add3A_20, %max3A_21 : vector<1024x128xf32>
    %get3A_23 = arith.constant 0 : index
    %get3A_24 = arith.constant 0 : index
    %get3A_25 = vector.load %arg4[%get3A_23, %get3A_24] : memref<128x128xf32, #tpu.memory_space<vmem>>, vector<128x128xf32>
    %dot_general3A = arith.constant dense<0.000000e+00> : vector<1024x128xf32>
    %dot_general3A_26 = tpu.matmul %max3A_22, %get3A_25, %dot_general3A {dimension_numbers = #tpu.dot_dimension_numbers<[1], [0], [0], [1], [0, 0, 1, 1], [], []>, transpose_lhs_hint = false} : vector<1024x128xf32>, vector<128x128xf32>, vector<1024x128xf32> -> vector<1024x128xf32>
    %slice3A = vector.extract_strided_slice %dot_general3A_26 {offsets = [0, 0], sizes = [1024, 64], strides = [1, 1]} : vector<1024x128xf32> to vector<1024x64xf32>
    %swap3A = arith.constant 0 : index
    %swap3A_27 = arith.constant 0 : index
    %swap3A_28 = vector.load %arg7[%swap3A, %swap3A_27] : memref<1024x64xf32, #tpu.memory_space<vmem>>, vector<1024x64xf32>
    tpu.vector_store %arg7[%swap3A, %swap3A_27], %slice3A {strides = array<i32>} : memref<1024x64xf32, #tpu.memory_space<vmem>>, vector<1024x64xf32>,
    %slice3A_29 = vector.extract_strided_slice %dot_general3A_26 {offsets = [0, 64], sizes = [1024, 64], strides = [1, 1]} : vector<1024x128xf32> to vector<1024x64xf32>
    %swap3A_30 = arith.constant 0 : index
    %swap3A_31 = arith.constant 0 : index
    %swap3A_32 = vector.load %arg8[%swap3A_30, %swap3A_31] : memref<1024x64xf32, #tpu.memory_space<vmem>>, vector<1024x64xf32>
    tpu.vector_store %arg8[%swap3A_30, %swap3A_31], %slice3A_29 {strides = array<i32>} : memref<1024x64xf32, #tpu.memory_space<vmem>>, vector<1024x64xf32>,
    %get3A_33 = arith.constant 0 : index
    %get3A_34 = vector.load %arg5[%get3A_33] : memref<128xf32, #tpu.memory_space<vmem>>, vector<128xf32>
    %broadcast_in_dim3A_35 = vector.shape_cast %get3A_34 : vector<128xf32> to vector<1x128xf32>
    %mul3A = vector.broadcast %broadcast_in_dim3A_35 : vector<1x128xf32> to vector<1024x128xf32>
    %mul3A_36 = arith.mulf %dot_general3A_26, %mul3A : vector<1024x128xf32>
    %reduce_sum3A = arith.constant dense<0.000000e+00> : vector<1024xf32>
    %reduce_sum3A_37 = vector.multi_reduction <add>, %mul3A_36, %reduce_sum3A [1] : vector<1024x128xf32> to vector<1024xf32>
    %get3A_38 = arith.constant 0 : index
    %get3A_39 = vector.load %arg6[%get3A_38] : memref<128xf32, #tpu.memory_space<vmem>>, vector<128xf32>
    %broadcast_in_dim3A_40 = vector.shape_cast %get3A_39 : vector<128xf32> to vector<1x128xf32>
    %mul3A_41 = vector.broadcast %broadcast_in_dim3A_40 : vector<1x128xf32> to vector<1024x128xf32>
    %mul3A_42 = arith.mulf %dot_general3A_26, %mul3A_41 : vector<1024x128xf32>
    %reduce_sum3A_43 = arith.constant dense<0.000000e+00> : vector<1024xf32>
    %reduce_sum3A_44 = vector.multi_reduction <add>, %mul3A_42, %reduce_sum3A_43 [1] : vector<1024x128xf32> to vector<1024xf32>
    %broadcast_in_dim3A_45 = vector.shape_cast %reduce_sum3A_37 : vector<1024xf32> to vector<1x1024xf32>
    %broadcast_in_dim3A_46 = vector.shape_cast %reduce_sum3A_44 : vector<1024xf32> to vector<1x1024xf32>
    %concatenate3A_47 = tpu.concatenate %broadcast_in_dim3A_45, %broadcast_in_dim3A_46 in 0 : vector<1x1024xf32>, vector<1x1024xf32> -> vector<2x1024xf32>
    %swap3A_48 = arith.constant 0 : index
    %swap3A_49 = arith.constant 0 : index
    %swap3A_50 = vector.load %arg9[%swap3A_48, %swap3A_49] : memref<2x1024xf32, #tpu.memory_space<vmem>>, vector<2x1024xf32>
    tpu.vector_store %arg9[%swap3A_48, %swap3A_49], %concatenate3A_47 {strides = array<i32>} : memref<2x1024xf32, #tpu.memory_space<vmem>>, vector<2x1024xf32>,
    %broadcast_in_dim3A_51 = arith.constant 0xFF800000 : f32
    %broadcast_in_dim3A_52 = vector.broadcast %broadcast_in_dim3A_51 : f32 to vector<1x1xf32>
    %reduce_max3A = vector.shape_cast %reduce_sum3A_37 : vector<1024xf32> to vector<1x1024xf32>
    %reduce_max3A_53 = arith.constant dense<0xFF800000> : vector<1xf32>
    %reduce_max3A_54 = vector.multi_reduction <maximumf>, %reduce_max3A, %reduce_max3A_53 [1] : vector<1x1024xf32> to vector<1xf32>
    %reduce_max3A_55 = vector.shape_cast %reduce_max3A_54 : vector<1xf32> to vector<1x1xf32>
    %reduce_max3A_56 = vector.extract %reduce_max3A_55[0, 0] : f32 from vector<1x1xf32>
    %broadcast_in_dim3A_57 = vector.broadcast %reduce_max3A_56 : f32 to vector<1x1xf32>
    %reduce_max3A_58 = vector.shape_cast %reduce_sum3A_44 : vector<1024xf32> to vector<1x1024xf32>
    %reduce_max3A_59 = arith.constant dense<0xFF800000> : vector<1xf32>
    %reduce_max3A_60 = vector.multi_reduction <maximumf>, %reduce_max3A_58, %reduce_max3A_59 [1] : vector<1x1024xf32> to vector<1xf32>
    %reduce_max3A_61 = vector.shape_cast %reduce_max3A_60 : vector<1xf32> to vector<1x1xf32>
    %reduce_max3A_62 = vector.extract %reduce_max3A_61[0, 0] : f32 from vector<1x1xf32>
    %broadcast_in_dim3A_63 = vector.broadcast %reduce_max3A_62 : f32 to vector<1x1xf32>
    %eq3A = arith.constant 0 : i32
    %eq3A_64 = arith.cmpi eq, %arg0, %eq3A : i32
    %get3A_65 = arith.constant 0 : index
    %get3A_66 = arith.constant 0 : index
    %get3A_67 = vector.load %arg10[%get3A_65, %get3A_66] : memref<1x1xf32, #tpu.memory_space<vmem>>, vector<1x1xf32>
    %select_n3A = arith.select %eq3A_64, %broadcast_in_dim3A_52, %get3A_67 : vector<1x1xf32>
    %max3A_68 = arith.maximumf %select_n3A, %broadcast_in_dim3A_57 : vector<1x1xf32>
    %swap3A_69 = arith.constant 0 : index
    %swap3A_70 = arith.constant 0 : index
    %swap3A_71 = vector.load %arg10[%swap3A_69, %swap3A_70] : memref<1x1xf32, #tpu.memory_space<vmem>>, vector<1x1xf32>
    tpu.vector_store %arg10[%swap3A_69, %swap3A_70], %max3A_68 {strides = array<i32>} : memref<1x1xf32, #tpu.memory_space<vmem>>, vector<1x1xf32>,
    %eq3A_72 = arith.constant 0 : i32
    %eq3A_73 = arith.cmpi eq, %arg0, %eq3A_72 : i32
    %get3A_74 = arith.constant 0 : index
    %get3A_75 = arith.constant 0 : index
    %get3A_76 = vector.load %arg11[%get3A_74, %get3A_75] : memref<1x1xf32, #tpu.memory_space<vmem>>, vector<1x1xf32>
    %select_n3A_77 = arith.select %eq3A_73, %broadcast_in_dim3A_52, %get3A_76 : vector<1x1xf32>
    %max3A_78 = arith.maximumf %select_n3A_77, %broadcast_in_dim3A_63 : vector<1x1xf32>
    %swap3A_79 = arith.constant 0 : index
    %swap3A_80 = arith.constant 0 : index
    %swap3A_81 = vector.load %arg11[%swap3A_79, %swap3A_80] : memref<1x1xf32, #tpu.memory_space<vmem>>, vector<1x1xf32>
    tpu.vector_store %arg11[%swap3A_79, %swap3A_80], %max3A_78 {strides = array<i32>} : memref<1x1xf32, #tpu.memory_space<vmem>>, vector<1x1xf32>,
    return
  }
  func.func @transform_0(%arg0: i32) -> (i32, i32, i32) {
    %c0_i32 = arith.constant 0 : i32
    %c0_i32_0 = arith.constant 0 : i32
    %c0_i32_1 = arith.constant 0 : i32
    return %c0_i32, %arg0, %c0_i32_0 : i32, i32, i32
  }
  func.func @transform_1(%arg0: i32) -> (i32, i32) {
    %c0_i32 = arith.constant 0 : i32
    %c0_i32_0 = arith.constant 0 : i32
    return %c0_i32, %arg0 : i32, i32
  }
  func.func @transform_2(%arg0: i32) -> i32 {
    %c0_i32 = arith.constant 0 : i32
    %c0_i32_0 = arith.constant 0 : i32
    return %c0_i32 : i32
  }
  func.func @transform_3(%arg0: i32) -> (i32, i32) {
    %c0_i32 = arith.constant 0 : i32
    %c0_i32_0 = arith.constant 0 : i32
    %c0_i32_1 = arith.constant 0 : i32
    return %c0_i32, %c0_i32_0 : i32, i32
  }
  func.func @transform_4(%arg0: i32) -> i32 {
    %c0_i32 = arith.constant 0 : i32
    %c0_i32_0 = arith.constant 0 : i32
    return %c0_i32 : i32
  }
  func.func @transform_5(%arg0: i32) -> i32 {
    %c0_i32 = arith.constant 0 : i32
    %c0_i32_0 = arith.constant 0 : i32
    return %c0_i32 : i32
  }
  func.func @transform_6(%arg0: i32) -> (i32, i32) {
    %c0_i32 = arith.constant 0 : i32
    %c0_i32_0 = arith.constant 0 : i32
    return %arg0, %c0_i32 : i32, i32
  }
  func.func @transform_7(%arg0: i32) -> (i32, i32) {
    %c0_i32 = arith.constant 0 : i32
    %c0_i32_0 = arith.constant 0 : i32
    return %arg0, %c0_i32 : i32, i32
  }
  func.func @transform_8(%arg0: i32) -> (i32, i32) {
    %c0_i32 = arith.constant 0 : i32
    %c0_i32_0 = arith.constant 0 : i32
    return %c0_i32, %arg0 : i32, i32
  }
  func.func @transform_9(%arg0: i32) -> (i32, i32) {
    %c0_i32 = arith.constant 0 : i32
    %c0_i32_0 = arith.constant 0 : i32
    %c0_i32_1 = arith.constant 0 : i32
    return %c0_i32, %c0_i32_0 : i32, i32
  }
  func.func @transform_10(%arg0: i32) -> (i32, i32) {
    %c0_i32 = arith.constant 0 : i32
    %c0_i32_0 = arith.constant 0 : i32
    %c0_i32_1 = arith.constant 0 : i32
    return %c0_i32, %c0_i32_0 : i32, i32
  }
}

module attributes {stable_mosaic.version = 14 : i64} {
  func.func @body(%arg0: i32, %arg1: memref<2x1024x64xf32, #tpu.memory_space<vmem>>, %arg2: memref<2x1024xf32, #tpu.memory_space<vmem>>, %arg3: memref<128xf32, #tpu.memory_space<vmem>>, %arg4: memref<1024x128xf32, #tpu.memory_space<vmem>>) attributes {dimension_semantics = [#tpu.dimension_semantics<arbitrary>], iteration_bounds = array<i64: 10>, scalar_prefetch = 0 : i64, scratch_operands = 0 : i64, tpu.core_type = #tpu.core_type<tc>, window_params = [{transform_indices = @transform_0, window_bounds = array<i64: 2, 1024, 64>}, {transform_indices = @transform_1, window_bounds = array<i64: 2, 1024>}, {pipeline_mode = #tpu.pipeline_mode<synchronous>, transform_indices = @transform_2, window_bounds = array<i64: 128>}, {transform_indices = @transform_3, window_bounds = array<i64: 1024, 128>}]} {
    %get3A = arith.constant 0 : index
    %get3A_0 = arith.constant 0 : index
    %get3A_1 = arith.constant 0 : index
    %get3A_2 = vector.load %arg1[%get3A, %get3A_0, %get3A_1] : memref<2x1024x64xf32, #tpu.memory_space<vmem>>, vector<1x1024x64xf32>
    %get3A_3 = vector.shape_cast %get3A_2 : vector<1x1024x64xf32> to vector<1024x64xf32>
    %get3A_4 = arith.constant 1 : index
    %get3A_5 = arith.constant 0 : index
    %get3A_6 = arith.constant 0 : index
    %get3A_7 = vector.load %arg1[%get3A_4, %get3A_5, %get3A_6] : memref<2x1024x64xf32, #tpu.memory_space<vmem>>, vector<1x1024x64xf32>
    %get3A_8 = vector.shape_cast %get3A_7 : vector<1x1024x64xf32> to vector<1024x64xf32>
    %concatenate3A = tpu.concatenate %get3A_3, %get3A_8 in 1 : vector<1024x64xf32>, vector<1024x64xf32> -> vector<1024x128xf32>
    %get3A_9 = arith.constant 0 : index
    %get3A_10 = arith.constant 0 : index
    %get3A_11 = vector.load %arg2[%get3A_9, %get3A_10] : memref<2x1024xf32, #tpu.memory_space<vmem>>, vector<1x1024xf32>
    %get3A_12 = vector.shape_cast %get3A_11 : vector<1x1024xf32> to vector<1024xf32>
    %broadcast_in_dim3A = vector.shape_cast %get3A_12 : vector<1024xf32> to vector<1024x1xf32>
    %add3A = arith.constant 1.000000e-16 : f32
    %add3A_13 = vector.broadcast %add3A : f32 to vector<1024x1xf32>
    %add3A_14 = arith.addf %broadcast_in_dim3A, %add3A_13 : vector<1024x1xf32>
    %div3A = vector.broadcast %add3A_14 : vector<1024x1xf32> to vector<1024x128xf32>
    %div3A_15 = arith.divf %concatenate3A, %div3A : vector<1024x128xf32>
    %get3A_16 = arith.constant 0 : index
    %get3A_17 = vector.load %arg3[%get3A_16] : memref<128xf32, #tpu.memory_space<vmem>>, vector<128xf32>
    %broadcast_in_dim3A_18 = vector.shape_cast %get3A_17 : vector<128xf32> to vector<1x128xf32>
    %add3A_19 = vector.broadcast %broadcast_in_dim3A_18 : vector<1x128xf32> to vector<1024x128xf32>
    %add3A_20 = arith.addf %div3A_15, %add3A_19 : vector<1024x128xf32>
    %swap3A = arith.constant 0 : index
    %swap3A_21 = arith.constant 0 : index
    %swap3A_22 = vector.load %arg4[%swap3A, %swap3A_21] : memref<1024x128xf32, #tpu.memory_space<vmem>>, vector<1024x128xf32>
    tpu.vector_store %arg4[%swap3A, %swap3A_21], %add3A_20 {strides = array<i32>} : memref<1024x128xf32, #tpu.memory_space<vmem>>, vector<1024x128xf32>,
    return
  }
  func.func @transform_0(%arg0: i32) -> (i32, i32, i32) {
    %c0_i32 = arith.constant 0 : i32
    %c0_i32_0 = arith.constant 0 : i32
    %c0_i32_1 = arith.constant 0 : i32
    return %c0_i32, %arg0, %c0_i32_0 : i32, i32, i32
  }
  func.func @transform_1(%arg0: i32) -> (i32, i32) {
    %c0_i32 = arith.constant 0 : i32
    %c0_i32_0 = arith.constant 0 : i32
    return %c0_i32, %arg0 : i32, i32
  }
  func.func @transform_2(%arg0: i32) -> i32 {
    %c0_i32 = arith.constant 0 : i32
    %c0_i32_0 = arith.constant 0 : i32
    return %c0_i32 : i32
  }
  func.func @transform_3(%arg0: i32) -> (i32, i32) {
    %c0_i32 = arith.constant 0 : i32
    %c0_i32_0 = arith.constant 0 : i32
    return %arg0, %c0_i32 : i32, i32
  }
}

</mosaic_0001>

<sc_bundles>
// kernel: kernel.11.cloned.1.call-start
scs
__scs_entry_jumppad:
0x0: {  	(pc) =	sbr.rel $0x88, $3  }
0x1: {  	(tag) =	ssettag $0x0;
	lr =	simm.s32 $0x1  }
0x2: {  	[smem:$0x3F92] =	sst lr;
	_ =	strace $0xD0000000  }
0x3: {  	_ = 	snop  }
0x4: {  	_ = 	snop  }
0x5: {  	_ = 	snop  }
0x6: {  	_ = 	snop  }
0x7: {  	_ = 	snop  }
__scs_overlays_trampoline_lowered:
0x8: {  	[smem:$0x3FA1] =	sst s0  }
0x9: {  	[smem:$0x3FA2] =	sst s1  }
0xa: {  	[smem:$0x3FA3] =	sst s2  }
0xb: {  	[smem:$0x3FA4] =	sst s3  }
0xc: {  	[smem:$0x3FA5] =	sst s4  }
0xd: {  	[smem:$0x3FA6] =	sst s5  }
0xe: {  	[smem:$0x3FA7] =	sst s6  }
0xf: {  	[smem:$0x3FA8] =	sst s7  }
0x10: {  	[smem:$0x3FA9] =	sst s8  }
0x11: {  	[smem:$0x3FAA] =	sst s9;
	s0 =	simm.s32 @!p0 $0x0  }
0x12: {  	s1 =	sld [smem:$0x3F90];
	s0 =	simm.s32 @p0 $0x1  }
0x13: {  	[smem:$0x3FAB] =	sst s0;
	s0 =	simm.s32 @!p1 $0x0  }
0x14: {  	s2 =	sld [smem:$0x3F8F];
	s0 =	simm.s32 @p1 $0x1  }
0x15: {  	[smem:$0x3FAC] =	sst s0;
	s0 =	simm.s32 @!p2 $0x0  }
0x16: {  	s3 =	sld [smem:$0x3FDB];
	s0 =	simm.s32 @p2 $0x1  }
0x17: {  	s4 =	simm.s32 $0x1BF5;
	[smem:$0x3FAE] =	sst s0  }
0x18: {  	s0 =	sld [smem:$0x3F91];
	_ =	swait.ge [sflag:s4], $0x0  }
0x19: {  	s7 =	sld [smem:$0x3F92]  }
0x1a: {  	s8 =	sadd.s32 $0xFFFFE003, lr  }
0x1b: {  	s9 =	sadd.s32 $0xFFFFFEF7, lr;
	s5 =	simm.s32 $0xFFFFFFFF;
	p2 =	slt.u32 s8, $0xFFFFF086  }
0x1c: {  	p1 =	slt.u32 s9, $0xF7A;
	s5 =	simm.s32 @!p2 $0x0  }
0x1d: {  	s5 =	simm.s32 @p1 $0x1;
	p0 =	seq.s32 s7, s2  }
0x1e: {  	s7 =	smul.u32 @!p0 $0xF7A, s2;
	p2 =	seq.s32 @!p0 s5, $0x0  }
0x1f: {  	s9 =	smul.u32 $0xF7A, s1;
	s8 =	simm.s32 @!p0 $0x1BF5;
	p2 =	por !p2, p0  }
0x20: {  	[sflag:s8] =	ssyncset.s32 @!p0 $0xFFFFF086;
	s6 =	sadd.s32 @!p0 s3, s7;
	s7 =	simm.s32 @!p0 $0x108  }
0x21: {  	s3 =	sadd.s32 s3, s9;
	s6 =	sadd.s32 @!p0 $0x88, s6;
	s7 =	simm.s32 @p2 $0x1082  }
0x22: {  	[simem:s7], [sflag:s8] =	dma.local @!p0 [hbm:s6], $0xF7A  }
0x23: {  	s9 =	sor.u32 $0xD0000000, s2;
	s6 =	simm.s32 $0x108;
	_ =	swait.ge @!p0 [sflag:s8], $0x0  }
0x24: {  	s3 =	sadd.s32 $0x88, s3;
	s6 =	simm.s32 @!p1 $0x1082;
	[sflag:s4] =	ssyncset.s32 $0xFFFFF086  }
0x25: {  	[simem:s6], [sflag:s4] =	dma.local [hbm:s3], $0xF7A  }
0x26: {  	[smem:$0x3F92] =	sst s1;
	(tag) =	ssettag s2;
	_ =	strace s9  }
0x27: {  	s1 =	sld [smem:$0x3FA2]  }
0x28: {  	s2 =	sld [smem:$0x3FA3]  }
0x29: {  	s4 =	sld [smem:$0x3FA5]  }
0x2a: {  	p0 =	seq.s32 s5, $0x0;
	s5 =	sld [smem:$0x3FA6]  }
0x2b: {  	s6 =	sld [smem:$0x3FA7]  }
0x2c: {  	s7 =	sld [smem:$0x3FA8]  }
0x2d: {  	s3 =	simm.s32 $0x108;
	s8 =	sld [smem:$0x3FA9]  }
0x2e: {  	s3 =	simm.s32 @!p0 $0x1082;
	s9 =	sld [smem:$0x3FAA]  }
0x2f: {  	lr =	sadd.s32 s0, s3;
	s0 =	sld [smem:$0x3FA1]  }
0x30: {  	s3 =	sld [smem:$0x3FA4]  }
0x31: {  	[smem:$0x3FAD] =	sst s10  }
0x32: {  	s10 =	sld [smem:$0x3FAB];
	_ =	sdelay $0x3  }
0x33: {  	p0 =	seq.s32 s10, $0x1;
	s10 =	sld [smem:$0x3FAD];
	_ =	sdelay $0x3  }
0x34: {  	[smem:$0x3FAD] =	sst s10  }
0x35: {  	s10 =	sld [smem:$0x3FAC];
	_ =	sdelay $0x3  }
0x36: {  	p1 =	seq.s32 s10, $0x1;
	s10 =	sld [smem:$0x3FAD];
	_ =	sdelay $0x3  }
0x37: {  	[smem:$0x3FAD] =	sst s10  }
0x38: {  	s10 =	sld [smem:$0x3FAE]  }
0x39: {  	_ = 	snop;
	(pc) =	sbr.ind lr, $3  }
0x3a: {  	_ = 	snop  }
0x3b: {  	_ = 	snop  }
0x3c: {  	p2 =	seq.s32 s10, $0x1;
	s10 =	sld [smem:$0x3FAD]  }
0x3d: {  	_ =	shalt  }
0x3e: {  	_ =	shalt  }
0x3f: {  	_ =	shalt  }
0x40: {  	_ =	shalt  }
0x41: {  	_ =	shalt  }
0x42: {  	_ =	shalt  }
0x43: {  	_ =	shalt  }
0x44: {  	_ =	shalt  }
0x45: {  	_ =	shalt  }
0x46: {  	_ =	shalt  }
0x47: {  	_ =	shalt  }
0x48: {  	_ =	shalt  }
0x49: {  	_ =	shalt  }
0x4a: {  	_ =	shalt  }
0x4b: {  	_ =	shalt  }
0x4c: {  	_ =	shalt  }
0x4d: {  	_ =	shalt  }
0x4e: {  	_ =	shalt  }
0x4f: {  	_ =	shalt  }
0x50: {  	_ =	shalt  }
0x51: {  	_ =	shalt  }
0x52: {  	_ =	shalt  }
0x53: {  	_ =	shalt  }
0x54: {  	_ =	shalt  }
0x55: {  	_ =	shalt  }
0x56: {  	_ =	shalt  }
0x57: {  	_ =	shalt  }
0x58: {  	_ =	shalt  }
0x59: {  	_ =	shalt  }
0x5a: {  	_ =	shalt  }
0x5b: {  	_ =	shalt  }
0x5c: {  	_ =	shalt  }
0x5d: {  	_ =	shalt  }
0x5e: {  	_ =	shalt  }
0x5f: {  	_ =	shalt  }
0x60: {  	_ =	shalt  }
0x61: {  	_ =	shalt  }
0x62: {  	_ =	shalt  }
0x63: {  	_ =	shalt  }
0x64: {  	_ =	shalt  }
0x65: {  	_ =	shalt  }
0x66: {  	_ =	shalt  }
0x67: {  	_ =	shalt  }
0x68: {  	_ =	shalt  }
0x69: {  	_ =	shalt  }
0x6a: {  	_ =	shalt  }
0x6b: {  	_ =	shalt  }
0x6c: {  	_ =	shalt  }
0x6d: {  	_ =	shalt  }
0x6e: {  	_ =	shalt  }
0x6f: {  	_ =	shalt  }
0x70: {  	_ =	shalt  }
0x71: {  	_ =	shalt  }
0x72: {  	_ =	shalt  }
0x73: {  	_ =	shalt  }
0x74: {  	_ =	shalt  }
0x75: {  	_ =	shalt  }
0x76: {  	_ =	shalt  }
0x77: {  	_ =	shalt  }
0x78: {  	_ =	shalt  }
0x79: {  	_ =	shalt  }
0x7a: {  	_ =	shalt  }
0x7b: {  	_ =	shalt  }
0x7c: {  	_ =	shalt  }
0x7d: {  	_ =	shalt  }
0x7e: {  	_ =	shalt  }
0x7f: {  	_ =	shalt  }
0x80: {  	_ =	shalt  }
0x81: {  	_ =	shalt  }
0x82: {  	_ =	shalt  }
0x83: {  	_ =	shalt  }
0x84: {  	_ =	shalt  }
0x85: {  	_ =	shalt  }
0x86: {  	_ =	shalt  }
0x87: {  	_ =	shalt  }
.Lfunc_end0:
.L_simem_size_0:
called_computation.1_lowered:
.L_overlay_start_0:
0x88: {  	s2 =	sld [smem:$0x3FD9]  }
0x89: {  	s3 =	sld [smem:$0x3FFE];
	_ =	sdelay $0x1  }
0x8a: {  	s1 =	srdreg.scid  }
0x8b: {  	s0 =	sand.u32 $0x1, s1  }
0x8c: {  	s17 =	sshll.u32 s0, $0xA;
	s2 =	sadd.s32 s3, s2  }
0x8d: {  	s2 =	sadd.s32 s2, s17  }
0x8e: {  	[smem:$0x3FB9] =	sst s2  }
0x8f: {  	_ = 	snop  }
0x90: {  	s2 =	sld [smem:$0x3FD0];
	(tm) =	ssettm $0x1  }
0x91: {  	s18 =	sld [smem:$0x3FFB];
	_ =	sdelay $0x3  }
0x92: {  	_ =	strace s18  }
0x93: {  	s3 =	sld [smem:$0x3FFC];
	_ =	sdelay $0x3  }
0x94: {  	_ =	strace s3  }
0x95: {  	s3 =	sld [smem:$0x3FFD];
	_ =	sdelay $0x3  }
0x96: {  	_ =	strace s3  }
0x97: {  	_ =	strace $0x8FFFFFFF  }
0x98: {  	s19 =	sld [smem:$0x3FDB];
	_ =	sdelay $0x1  }
0x99: {  	s4 =	simm.s32 $_scs_section_size  }
0x9a: {  	s5 =	simm.s32 $_size__tile_overlayer_lowered;
	s6 =	simm.s32 $_tile_overlayer_lowered  }
0x9b: {  	s22 =	simm.s32 $0x1BFF;
	s21 =	sshll.u32 s6, $0x1;
	s3 =	sadd.s32 s4, s19  }
0x9c: {  	s7 =	simm.s32 $0x0;
	s20 =	sshll.u32 s5, $0x1;
	s5 =	sadd.s32 s21, s3  }
0x9d: {  	[timem:s7], [sflag:s22] =	dma.local [hbm:s5], s20  }
0x9e: {  	_ =	swait.ge [sflag:s22], s20  }
0x9f: {  	s4 =	ssub.s32 $0x0, s20;
	[sflag:s22] =	ssyncset.done $0x0  }
0xa0: {  	[sflag:s22] =	ssyncadd.s32 s4;
	_ =	sdelay $0x1  }
0xa1: {  	s23 =	simm.s32 $0x1B8B  }
0xa2: {  	_ =	swait.ge [sflag:s23], $0x1  }
0xa3: {  	[sflag:s23] =	ssyncset.done $0x0  }
0xa4: {  	s25 =	simm.s32 $0x1B8E;
	s24 =	sld [smem:$0x3FFE];
	[sflag:s23] =	ssyncadd.s32 $0xFFFFFFFF  }
0xa5: {  	s26 =	simm.s32 $execute0_lowered;
	[smem:$0x3FD2] =	sst s25  }
0xa6: {  	s5 =	sshll.u32 s26, $0x1;
	_ =	strace $0x80000049;
	[dreg:$0x1] =	wrdreg $0xFFFFFFFF  }
0xa7: {  	s28 =	simm.s32 $_size_execute0_lowered;
	s3 =	sadd.s32 s3, s5;
	[dreg:$0x0] =	wrdreg $0x0  }
0xa8: {  	s5 =	sshll.u32 s28, $0x1;
	[dreg:$0x2] =	wrdreg s3  }
0xa9: {  	[dreg:$0x3] =	wrdreg s5  }
0xaa: {  	[dreg:$0x4] =	wrdreg $0xC0  }
0xab: {  	_ =	task [dreg:s7], $0x5FFFF  }
0xac: {  	[dreg:$0x1] =	wrdreg $0xFFFFFFFF  }
0xad: {  	[dreg:$0x0] =	wrdreg $0x60  }
0xae: {  	[dreg:$0x2] =	wrdreg s2  }
0xaf: {  	[dreg:$0x3] =	wrdreg s24  }
0xb0: {  	[dreg:$0x4] =	wrdreg $0x147300  }
0xb1: {  	[dreg:$0x5] =	wrdreg $0xA7300  }
0xb2: {  	[dreg:$0x6] =	wrdreg $0x1E7300  }
0xb3: {  	[dreg:$0x7] =	wrdreg $0x9  }
0xb4: {  	_ =	task.clear_ibuf [dreg:s7], $0x8FFFF;
	_ =	strace $0x90000049  }
0xb5: {  	s29 =	simm.s32 $0x9;
	_ =	strace $0x8000004B  }
0xb6: {  	_ =	swait.ge [sflag:s29], $0x1  }
0xb7: {  	[sflag:s29] =	ssyncadd.s32 $0xFFFFFFFF  }
0xb8: {  	_ =	strace $0x9000004B  }
0xb9: {  	_ =	sfence  }
0xba: {  	s30 =	sld [smem:$0x0];
	_ =	sdelay $0x2  }
0xbb: {  	s31 =	sshll.u32 s1, $0xD;
	s1 =	sshrl.u32 s1, $0x2  }
0xbc: {  	s3 =	sand.u32 $0x4000, s31;
	s1 =	sadd.s32 s1, s30  }
0xbd: {  	s0 =	sor.u32 s3, s0;
	s1 =	sshll.u32 s1, $0x11  }
0xbe: {  	s0 =	sor.u32 s1, s0  }
0xbf: {  	s0 =	sadd.s32 $0x8F2B, s0  }
0xc0: {  	[sflag:s0] =	ssyncadd.remote.s32 $0x1  }
0xc1: {  	_ =	sfence.sel $0xFFFF  }
0xc2: {  	[dreg:$0x0] =	wrdreg $0xFFFFFFFF;
	(pc) =	sbr.abs _section_cstart, $3  }
0xc3: {  	[dreg:$0x1] =	wrdreg $0xFFFFFFFF  }
0xc4: {  	_ =	task.clear_ibuf [dreg:s7], $0x2FFFF;
	_ =	strace $0x9FFFFFFF  }
0xc5: {  	(tm) =	ssettm $0x7FFFFFFF  }
tec
execute0_lowered:
.L_overlay_start_1:
0x0: {  	(tag) =	ssettag $0x1  }
0x1: {  	s0 =	rddreg [dreg:$0x0]  }
0x2: {  	s3 =	rddreg [dreg:$0x1]  }
0x3: {  	s1 =	rddreg [dreg:$0x2]  }
0x4: {  	s2 =	rddreg [dreg:$0x3]  }
0x5: {  	s4 =	rddreg [dreg:$0x4]  }
0x6: {  	s5 =	srdreg.scid;
	s6 =	simm.s32 $0x0;
	s22 =	stileid.u32  }
0x7: {  	s5 =	sand.u32 $0x1, s5;
	[smem:$0x7FF] =	sst s6;
	s6 =	smul.u32 $0x280, s22  }
0x8: {  	s10 =	sadd.s32 $0x23400, s3;
	s7 =	ssub.s32 $0x2, s5;
	s8 =	smul.u32 $0x2800, s5  }
0x9: {  	_ =	strace $0x8000004A;
	p0 =	seq.s32 s5, $0x1;
	s5 =	smul.u32 $0xA0000, s5  }
0xa: {  	s9 =	sshrl.u32 s7, $0x1;
	s11 =	sadd.s32 $0x80, s6;
	s13 =	sadd.s32 $0x100, s6  }
0xb: {  	s17 =	sadd.s32 $0x180, s6;
	s20 =	sadd.s32 $0x200, s6;
	s7 =	ssub.s32 s7, s9  }
0xc: {  	s9 =	smul.u32 $0xA000, s22;
	s12 =	sshll.u32 s11, $0x6;
	s18 =	sshll.u32 s13, $0x6  }
0xd: {  	s19 =	sshll.u32 s17, $0x6;
	s21 =	sshll.u32 s20, $0x6;
	s8 =	sadd.s32 s6, s8  }
0xe: {  	s15 =	sadd.s32 s5, s12;
	s25 =	sadd.s32 s5, s18;
	s26 =	sadd.s32 s5, s19  }
0xf: {  	s8 =	sshrl.u32 s8, $0x3;
	s28 =	sadd.s32 s12, s2;
	s12 =	sadd.s32 s11, s4  }
0x10: {  	s29 =	sadd.s32 s18, s2;
	s18 =	sadd.s32 s13, s4;
	s30 =	sadd.s32 s19, s2  }
0x11: {  	s19 =	sadd.s32 s17, s4;
	s31 =	sadd.s32 s21, s2;
	[dreg:$0x12] =	wrdreg s12  }
0x12: {  	s11 =	simm.s32 $0x5E20;
	s13 =	simm.s32 $0x1;
	[dreg:$0x14] =	wrdreg s18  }
0x13: {  	s17 =	simm.s32 $0x2;
	s14 =	sadd.s32 s9, s5;
	[dreg:$0x16] =	wrdreg s19  }
0x14: {  	s24 =	sshrl.u32 s15, $0x3;
	s15 =	sshrl.u32 s26, $0x3;
	[dreg:$0x11] =	wrdreg s28  }
0x15: {  	s5 =	sadd.s32 s5, s21;
	s23 =	sshrl.u32 s9, $0x3;
	[dreg:$0x13] =	wrdreg s29  }
0x16: {  	s26 =	sadd.s32 s6, s4;
	s21 =	sadd.s32 s20, s4;
	[dreg:$0x15] =	wrdreg s30  }
0x17: {  	s6 =	simm.s32 $0x2710;
	s12 =	simm.s32 $0x80;
	[dreg:$0x17] =	wrdreg s31  }
0x18: {  	s14 =	sshrl.u32 s14, $0x3;
	s16 =	sadd.s32 s10, s15;
	[dreg:$0x18] =	wrdreg s21  }
0x19: {  	s5 =	sshrl.u32 s5, $0x3;
	s15 =	sadd.s32 $0xB5C00, s3;
	[dreg:$0x10] =	wrdreg s26  }
0x1a: {  	s21 =	simm.s32 $0x3;
	s14 =	sadd.s32 s10, s14;
	[dreg:$0x9] =	wrdreg s16  }
0x1b: {  	s5 =	sadd.s32 s10, s5;
	s16 =	sadd.s32 $0xBFC00, s3;
	[dreg:$0x6] =	wrdreg s14  }
0x1c: {  	s14 =	sadd.s32 s10, s24;
	[dreg:$0xa] =	wrdreg s5;
	s5 =	sadd.s32 $0x4800, s3  }
0x1d: {  	s24 =	sadd.s32 $0x18E00, s3;
	[dreg:$0x7] =	wrdreg s14;
	s14 =	sshrl.u32 s25, $0x3  }
0x1e: {  	[dreg:$0xc] =	wrdreg s24;
	s25 =	sadd.s32 s8, s3;
	s8 =	sadd.s32 $0x18800, s3  }
0x1f: {  	s0 =	smov.u32 @p0 s5;
	s24 =	sadd.s32 s9, s2;
	[dreg:$0xd] =	wrdreg s8  }
0x20: {  	s14 =	sadd.s32 s10, s14;
	s0 =	sadd.s32 s0, s23;
	[dreg:$0xf] =	wrdreg s24  }
0x21: {  	s10 =	sadd.s32 s9, s1;
	s23 =	smax.u32 s7, $0x1;
	[dreg:$0x8] =	wrdreg s14  }
0x22: {  	s7 =	simm.s32 $0x6620;
	s9 =	simm.s32 $0x4E20;
	[dreg:$0xb] =	wrdreg s0  }
0x23: {  	s14 =	sadd.s32 $0x19400, s3;
	s3 =	sadd.s32 $0x4600, s3;
	[dreg:$0x1a] =	wrdreg s23  }
0x24: {  	s0 =	sadd.s32 $0x4B400, s25;
	s25 =	sshrl.u32 s10, $0x3;
	[dreg:$0xe] =	wrdreg s3  }
0x25: {  	s10 =	simm.s32 $0x5620;
	s23 =	simm.s32 $0x0;
	[dreg:$0x19] =	wrdreg s0  }
0x26: {  	v0 =	vimm.f32 $0.0e+00;
	[dreg:$0x1b] =	wrdreg s25;
	s0 =	smul.u32 $0x5000, s22;
	s3 =	simm.s32 $0x4  }
.LBB2_1:
0x27: {  	s5 =	simm.s32 $0x0;
	s8 =	rddreg [dreg:$0xc]  }
0x28: {  	[tilespmem:s5], [sflag:$0x4] =	stream.linear.gather [hbm4b:s8+s5], $0x2710, $0x38;
	[tilespmem:$0x1E9B0] =	vst v63  }
0x29: {  	_ =	swait.ge [sflag:s3], $0x2710  }
0x2a: {  	[sflag:s3] =	ssyncset.done $0x0  }
0x2b: {  	s22 =	rddreg [dreg:$0xd];
	[sflag:s3] =	ssyncadd.s32 $0xFFFFD8F0  }
0x2c: {  	[tilespmem:s6], [sflag:$0x4] =	stream.linear.gather [hbm4b:s22+s5], $0x2710, $0x38;
	[tilespmem:$0x1E9B0] =	vst v63  }
0x2d: {  	_ =	swait.ge [sflag:s3], $0x2710  }
0x2e: {  	[sflag:s3] =	ssyncset.done $0x0  }
0x2f: {  	s18 =	simm.s32 $0xA720;
	s25 =	rddreg [dreg:$0xe];
	[sflag:s3] =	ssyncadd.s32 $0xFFFFD8F0  }
0x30: {  	[tilespmem:s18], [sflag:$0x4] =	stream.linear.gather [hbm4b:s25+s5], $0x10, $0x38;
	[tilespmem:$0x1E9B0] =	vst v63  }
0x31: {  	s19 =	stileid.u32;
	_ =	swait.ge [sflag:s3], $0x10  }
0x32: {  	s5 =	sshll.u32 s19, $0x6;
	[sflag:s3] =	ssyncset.done $0x0;
	s20 =	rddreg [dreg:$0xb]  }
0x33: {  	s25 =	sor.u32 $0x1C04, s5;
	s22 =	rddreg [dreg:$0x1b];
	[sflag:s3] =	ssyncadd.s32 $0xFFFFFFF0  }
0x34: {  	[spmem:s22], [sflag:s25] =	dma.local [hbm:s20], $0x1400  }
0x35: {  	_ =	swait.ge [sflag:s3], $0x1400  }
0x36: {  	[sflag:s3] =	ssyncset.done $0x0  }
0x37: {  	s18 =	simm.s32 $0x100;
	s5 =	simm.s32 $0x0;
	[sflag:s3] =	ssyncadd.s32 $0xFFFFEC00  }
.LBB2_2:
0x38: {  	p0 =	sne.s32 s18, $0x7F00;
	[tilespmem:s5+$0x6650] =	vst v0;
	s19 =	smov.u32 s18;
	s18 =	sadd.s32 $0x100, s18  }
.Ltmp0:
0x39: {  	[tilespmem:s5+$0x6640] =	vst v0;
	(pc) =	sbr.rel @p0 .LBB2_2-.Ltmp0, $3  }
0x3a: {  	[tilespmem:s5+$0x6620] =	vst v0  }
0x3b: {  	[tilespmem:s5+$0x6630] =	vst v0;
	_ =	sdelay $0x1  }
0x3c: {  	s5 =	sshra.s32 s19, $0x2  }
0x3d: {  	[tilespmem:s5+$0x6650] =	vst v0  }
0x3e: {  	[tilespmem:s5+$0x6640] =	vst v0  }
0x3f: {  	[tilespmem:s5+$0x6620] =	vst v0  }
0x40: {  	[tilespmem:s5+$0x6630] =	vst v0  }
0x41: {  	[tilespmem:$0xA620] =	vst v0  }
0x42: {  	[tilespmem:$0xA630] =	vst v0  }
0x43: {  	[tilespmem:$0xA640] =	vst v0  }
0x44: {  	[tilespmem:$0xA650] =	vst v0  }
0x45: {  	[tilespmem:$0xA660] =	vst v0  }
0x46: {  	[tilespmem:$0xA670] =	vst v0  }
0x47: {  	[tilespmem:$0xA680] =	vst v0  }
0x48: {  	[tilespmem:$0xA690] =	vst v0  }
0x49: {  	[spmem:s24] =	stream.linear.scatter [tilespmem:s7], [sflag:$0x4], $0x2000, $0x38;
	[tilespmem:$0x1E9B0] =	vst v63  }
0x4a: {  	_ =	swait.ge [sflag:s3], $0x2000  }
0x4b: {  	[sflag:s3] =	ssyncset.done $0x0  }
0x4c: {  	s8 =	simm.s32 $0xA620;
	[sflag:s3] =	ssyncadd.s32 $0xFFFFE000  }
0x4d: {  	[spmem:s26] =	stream.linear.scatter [tilespmem:s8], [sflag:$0x4], $0x80, $0x38;
	[tilespmem:$0x1E9B0] =	vst v63  }
0x4e: {  	_ =	swait.ge [sflag:s3], $0x80  }
0x4f: {  	[sflag:s3] =	ssyncset.done $0x0  }
0x50: {  	[sflag:s3] =	ssyncadd.s32 $0xFFFFFF80  }
0x51: {  	[spmem:s28] =	stream.linear.scatter [tilespmem:s7], [sflag:$0x4], $0x2000, $0x38;
	[tilespmem:$0x1E9B0] =	vst v63  }
0x52: {  	_ =	swait.ge [sflag:s3], $0x2000  }
0x53: {  	[sflag:s3] =	ssyncset.done $0x0  }
0x54: {  	s24 =	rddreg [dreg:$0x12];
	[sflag:s3] =	ssyncadd.s32 $0xFFFFE000  }
0x55: {  	[spmem:s24] =	stream.linear.scatter [tilespmem:s8], [sflag:$0x4], $0x80, $0x38;
	[tilespmem:$0x1E9B0] =	vst v63  }
0x56: {  	_ =	swait.ge [sflag:s3], $0x80  }
0x57: {  	[sflag:s3] =	ssyncset.done $0x0  }
0x58: {  	[sflag:s3] =	ssyncadd.s32 $0xFFFFFF80  }
0x59: {  	[spmem:s29] =	stream.linear.scatter [tilespmem:s7], [sflag:$0x4], $0x2000, $0x38;
	[tilespmem:$0x1E9B0] =	vst v63  }
0x5a: {  	_ =	swait.ge [sflag:s3], $0x2000  }
0x5b: {  	[sflag:s3] =	ssyncset.done $0x0  }
0x5c: {  	s26 =	rddreg [dreg:$0x14];
	[sflag:s3] =	ssyncadd.s32 $0xFFFFE000  }
0x5d: {  	[spmem:s26] =	stream.linear.scatter [tilespmem:s8], [sflag:$0x4], $0x80, $0x38;
	[tilespmem:$0x1E9B0] =	vst v63  }
0x5e: {  	_ =	swait.ge [sflag:s3], $0x80  }
0x5f: {  	[sflag:s3] =	ssyncset.done $0x0  }
0x60: {  	[sflag:s3] =	ssyncadd.s32 $0xFFFFFF80  }
0x61: {  	[spmem:s30] =	stream.linear.scatter [tilespmem:s7], [sflag:$0x4], $0x2000, $0x38;
	[tilespmem:$0x1E9B0] =	vst v63  }
0x62: {  	_ =	swait.ge [sflag:s3], $0x2000  }
0x63: {  	[sflag:s3] =	ssyncset.done $0x0  }
0x64: {  	s30 =	rddreg [dreg:$0x16];
	[sflag:s3] =	ssyncadd.s32 $0xFFFFE000  }
0x65: {  	[spmem:s30] =	stream.linear.scatter [tilespmem:s8], [sflag:$0x4], $0x80, $0x38;
	[tilespmem:$0x1E9B0] =	vst v63  }
0x66: {  	_ =	swait.ge [sflag:s3], $0x80  }
0x67: {  	[sflag:s3] =	ssyncset.done $0x0  }
0x68: {  	[sflag:s3] =	ssyncadd.s32 $0xFFFFFF80  }
0x69: {  	[spmem:s31] =	stream.linear.scatter [tilespmem:s7], [sflag:$0x4], $0x2000, $0x38;
	[tilespmem:$0x1E9B0] =	vst v63  }
0x6a: {  	_ =	swait.ge [sflag:s3], $0x2000  }
0x6b: {  	[sflag:s3] =	ssyncset.done $0x0  }
0x6c: {  	s31 =	rddreg [dreg:$0x18];
	[sflag:s3] =	ssyncadd.s32 $0xFFFFE000  }
0x6d: {  	[spmem:s31] =	stream.linear.scatter [tilespmem:s8], [sflag:$0x4], $0x80, $0x38;
	[tilespmem:$0x1E9B0] =	vst v63  }
0x6e: {  	_ =	swait.ge [sflag:s3], $0x80  }
0x6f: {  	[sflag:s3] =	ssyncset.done $0x0  }
0x70: {  	[sflag:s3] =	ssyncadd.s32 $0xFFFFFF80  }
0x71: {  	[bflag:$0x0] =	sbarrier.arrive $0xFFFF  }
0x72: {  	s28 =	simm.s32 $0x0;
	s29 =	simm.s32 $0x0;
	v1 =	vld [tilespmem:$0xA720]  }
.LBB2_4:
0x73: {  	s5 =	sshll.u32 s29, $0xB  }
0x74: {  	s5 =	sadd.s32 s0, s5  }
0x75: {  	s5 =	sshrl.u32 s5, $0x3  }
0x76: {  	s18 =	sadd.s32 s14, s5  }
0x77: {  	[tilespmem:s9], [sflag:$0x4] =	stream.linear.gather [hbm4b:s18+s28], $0x800, $0x38;
	[tilespmem:$0x1E9B0] =	vst v63  }
0x78: {  	_ =	swait.ge [sflag:s3], $0x800  }
0x79: {  	[sflag:s3] =	ssyncset.done $0x0  }
0x7a: {  	s31 =	sadd.s32 s15, s5;
	[sflag:s3] =	ssyncadd.s32 $0xFFFFF800  }
0x7b: {  	[tilespmem:s10], [sflag:$0x4] =	stream.linear.gather [hbm4b:s31+s28], $0x800, $0x38;
	[tilespmem:$0x1E9B0] =	vst v63  }
0x7c: {  	_ =	swait.ge [sflag:s3], $0x800  }
0x7d: {  	[sflag:s3] =	ssyncset.done $0x0  }
0x7e: {  	s5 =	sadd.s32 s16, s5;
	[sflag:s3] =	ssyncadd.s32 $0xFFFFF800  }
0x7f: {  	[tilespmem:s11], [sflag:$0x4] =	stream.linear.gather [hbm4b:s5+s28], $0x800, $0x38;
	[tilespmem:$0x1E9B0] =	vst v63  }
0x80: {  	_ =	swait.ge [sflag:s3], $0x800  }
0x81: {  	[sflag:s3] =	ssyncset.done $0x0  }
0x82: {  	s19 =	simm.s32 $0x0;
	[sflag:s3] =	ssyncadd.s32 $0xFFFFF800  }
0x83: {  	[tilespmem:s7], [sflag:$0x1] =	stream.indirect.gather [spmem:s1], $0x40, s10, s12, $0xb8;
	[tilespmem:$0x1E9B0] =	vst v63  }
.LBB2_5:
0x84: {  	p0 =	seq.s32 s19, $0x0  }
0x85: {  	s5 =	simm.s32 @!p0 $0x2;
	p1 =	seq.s32 @!p0 s19, $0xF  }
0x86: {  	_ =	swait.ge @!p0 [sflag:s5], $0x2000;
	p1 =	por p0, !p1  }
.Ltmp1:
0x87: {  	[sflag:s5] =	ssyncset.done @!p0 $0x0;
	(pc) =	sbr.rel @!p1 .LBB2_7-.Ltmp1, $4  }
0x88: {  	[sflag:s5] =	ssyncadd.s32 @!p0 $0xFFFFE000;
	s5 =	simm.s32 @!p0 $0x3  }
0x89: {  	_ =	swait.ge @!p0 [sflag:s5], $0x80  }
0x8a: {  	[sflag:s5] =	ssyncset.done @!p0 $0x0  }
0x8b: {  	s30 =	simm.s32 @!p0 $0x10;
	[sflag:s5] =	ssyncadd.s32 @!p0 $0xFFFFFF80  }
0x8c: {  	s30 =	sadd.s32 @!p0 $0x1, s19  }
0x8d: {  	s30 =	simm.s32 @p0 $0x1  }
0x8e: {  	s5 =	sshll.u32 s30, $0xD;
	s18 =	sshll.u32 s30, $0x7  }
0x8f: {  	s5 =	sand.u32 $0x2000, s5;
	s18 =	sand.u32 $0x3FFFFF80, s18  }
0x90: {  	s5 =	sadd.s32 $0x6620, s5;
	s18 =	sadd.s32 $0x5620, s18  }
0x91: {  	[tilespmem:s5], [sflag:$0x1] =	stream.indirect.gather [spmem:s1], $0x40, s18, s12, $0xb8;
	[tilespmem:$0x1E9B0] =	vst v63  }
.LBB2_7:
0x92: {  	_ =	swait.ge [sflag:s13], $0x2000  }
0x93: {  	[sflag:s13] =	ssyncset.done $0x0  }
0x94: {  	s5 =	sshll.u32 s19, $0x7;
	[sflag:s13] =	ssyncadd.s32 $0xFFFFE000  }
0x95: {  	v2 =	vld [tilespmem:s5+$0x5620]  }
0x96: {  	v3 =	vld [tilespmem:s5+$0x5E20];
	_ =	sdelay $0x5  }
0x97: {  	s18 =	simm.s32 $0x0  }
0x98: {  	v2 =	vld.idx.msk [tilespmem:v2+s18+$0x0], $0xffff  }
0x99: {  	v3 =	vld.idx.msk [tilespmem:v3+s6+$0x0], $0xffff;
	_ =	sdelay $0x1  }
0x9a: {  	v4 =	vld [tilespmem:s5+$0x4E20];
	_ =	sdelay $0x2  }
0x9b: {  	v2 =	vadd.f32 v3, v2;
	_ =	sdelay $0x1  }
0x9c: {  	v2 =	vadd.f32 v2, v4;
	_ =	sdelay $0x1  }
0x9d: {  	v3 =	vmul.f32 $2.000000030e-01, v2  }
0x9e: {  	vm0 =	vge.f32 v2, $0.0e+00  }
0x9f: {  	v2 =	vsel vm0, v2, v3  }
0xa0: {  	v2 =	vsub.f32 v2, v1;
	_ =	sdelay $0x1  }
0xa1: {  	v2 =	vmul.f32 $1.442695020e+00, v2;
	_ =	sdelay $0x1  }
0xa2: {  	(erf) = vpow2.f32 v2;
	_ =	sdelay $0x7  }
0xa3: {  	s26 =	sand.u32 $0x1, s19  }
0xa4: {  	s20 =	sshll.u32 s26, $0x7;
	v2 =	vpop (erf)  }
0xa5: {  	[tilespmem:s20+$0xA620] =	vst v2  }
0xa6: {  	v2 =	vld [tilespmem:s5+$0x5630]  }
0xa7: {  	v3 =	vld [tilespmem:s5+$0x5E30];
	_ =	sdelay $0x6  }
0xa8: {  	v2 =	vld.idx.msk [tilespmem:v2+s18+$0x0], $0xffff  }
0xa9: {  	v3 =	vld.idx.msk [tilespmem:v3+s6+$0x0], $0xffff;
	_ =	sdelay $0x1  }
0xaa: {  	v4 =	vld [tilespmem:s5+$0x4E30];
	_ =	sdelay $0x2  }
0xab: {  	v2 =	vadd.f32 v3, v2;
	_ =	sdelay $0x1  }
0xac: {  	v2 =	vadd.f32 v2, v4;
	_ =	sdelay $0x1  }
0xad: {  	v3 =	vmul.f32 $2.000000030e-01, v2  }
0xae: {  	vm9 =	vge.f32 v2, $0.0e+00  }
0xaf: {  	v2 =	vsel vm9, v2, v3  }
0xb0: {  	v2 =	vsub.f32 v2, v1;
	_ =	sdelay $0x1  }
0xb1: {  	v2 =	vmul.f32 $1.442695020e+00, v2;
	_ =	sdelay $0x1  }
0xb2: {  	(erf) = vpow2.f32 v2;
	_ =	sdelay $0x8  }
0xb3: {  	v2 =	vpop (erf)  }
0xb4: {  	[tilespmem:s20+$0xA630] =	vst v2  }
0xb5: {  	v2 =	vld [tilespmem:s5+$0x5640]  }
0xb6: {  	v3 =	vld [tilespmem:s5+$0x5E40];
	_ =	sdelay $0x6  }
0xb7: {  	v2 =	vld.idx.msk [tilespmem:v2+s18+$0x0], $0xffff  }
0xb8: {  	v3 =	vld.idx.msk [tilespmem:v3+s6+$0x0], $0xffff;
	_ =	sdelay $0x1  }
0xb9: {  	v4 =	vld [tilespmem:s5+$0x4E40];
	_ =	sdelay $0x2  }
0xba: {  	v2 =	vadd.f32 v3, v2;
	_ =	sdelay $0x1  }
0xbb: {  	v2 =	vadd.f32 v2, v4;
	_ =	sdelay $0x1  }
0xbc: {  	v3 =	vmul.f32 $2.000000030e-01, v2  }
0xbd: {  	vm10 =	vge.f32 v2, $0.0e+00  }
0xbe: {  	v2 =	vsel vm10, v2, v3  }
0xbf: {  	v2 =	vsub.f32 v2, v1;
	_ =	sdelay $0x1  }
0xc0: {  	v2 =	vmul.f32 $1.442695020e+00, v2;
	_ =	sdelay $0x1  }
0xc1: {  	(erf) = vpow2.f32 v2;
	_ =	sdelay $0x8  }
0xc2: {  	v2 =	vpop (erf)  }
0xc3: {  	[tilespmem:s20+$0xA640] =	vst v2  }
0xc4: {  	v2 =	vld [tilespmem:s5+$0x5650]  }
0xc5: {  	v3 =	vld [tilespmem:s5+$0x5E50];
	_ =	sdelay $0x6  }
0xc6: {  	v2 =	vld.idx.msk [tilespmem:v2+s18+$0x0], $0xffff  }
0xc7: {  	v3 =	vld.idx.msk [tilespmem:v3+s6+$0x0], $0xffff;
	_ =	sdelay $0x1  }
0xc8: {  	v4 =	vld [tilespmem:s5+$0x4E50];
	_ =	sdelay $0x2  }
0xc9: {  	v2 =	vadd.f32 v3, v2;
	_ =	sdelay $0x1  }
0xca: {  	v2 =	vadd.f32 v2, v4;
	_ =	sdelay $0x1  }
0xcb: {  	v3 =	vmul.f32 $2.000000030e-01, v2  }
0xcc: {  	vm11 =	vge.f32 v2, $0.0e+00  }
0xcd: {  	v2 =	vsel vm11, v2, v3  }
0xce: {  	v2 =	vsub.f32 v2, v1;
	_ =	sdelay $0x1  }
0xcf: {  	v2 =	vmul.f32 $1.442695020e+00, v2;
	_ =	sdelay $0x1  }
0xd0: {  	(erf) = vpow2.f32 v2;
	_ =	sdelay $0x8  }
0xd1: {  	v2 =	vpop (erf)  }
0xd2: {  	[tilespmem:s20+$0xA650] =	vst v2  }
0xd3: {  	v2 =	vld [tilespmem:s5+$0x5660]  }
0xd4: {  	v3 =	vld [tilespmem:s5+$0x5E60];
	_ =	sdelay $0x6  }
0xd5: {  	v2 =	vld.idx.msk [tilespmem:v2+s18+$0x0], $0xffff  }
0xd6: {  	v3 =	vld.idx.msk [tilespmem:v3+s6+$0x0], $0xffff;
	_ =	sdelay $0x1  }
0xd7: {  	v4 =	vld [tilespmem:s5+$0x4E60];
	_ =	sdelay $0x2  }
0xd8: {  	v2 =	vadd.f32 v3, v2;
	_ =	sdelay $0x1  }
0xd9: {  	v2 =	vadd.f32 v2, v4;
	_ =	sdelay $0x1  }
0xda: {  	v3 =	vmul.f32 $2.000000030e-01, v2  }
0xdb: {  	vm12 =	vge.f32 v2, $0.0e+00  }
0xdc: {  	v2 =	vsel vm12, v2, v3  }
0xdd: {  	v2 =	vsub.f32 v2, v1;
	_ =	sdelay $0x1  }
0xde: {  	v2 =	vmul.f32 $1.442695020e+00, v2;
	_ =	sdelay $0x1  }
0xdf: {  	(erf) = vpow2.f32 v2;
	_ =	sdelay $0x8  }
0xe0: {  	v2 =	vpop (erf)  }
0xe1: {  	[tilespmem:s20+$0xA660] =	vst v2  }
0xe2: {  	v2 =	vld [tilespmem:s5+$0x5670]  }
0xe3: {  	v3 =	vld [tilespmem:s5+$0x5E70];
	_ =	sdelay $0x6  }
0xe4: {  	v2 =	vld.idx.msk [tilespmem:v2+s18+$0x0], $0xffff  }
0xe5: {  	v3 =	vld.idx.msk [tilespmem:v3+s6+$0x0], $0xffff;
	_ =	sdelay $0x1  }
0xe6: {  	v4 =	vld [tilespmem:s5+$0x4E70];
	_ =	sdelay $0x2  }
0xe7: {  	v2 =	vadd.f32 v3, v2;
	_ =	sdelay $0x1  }
0xe8: {  	v2 =	vadd.f32 v2, v4;
	_ =	sdelay $0x1  }
0xe9: {  	v3 =	vmul.f32 $2.000000030e-01, v2  }
0xea: {  	vm13 =	vge.f32 v2, $0.0e+00  }
0xeb: {  	v2 =	vsel vm13, v2, v3  }
0xec: {  	v2 =	vsub.f32 v2, v1;
	_ =	sdelay $0x1  }
0xed: {  	v2 =	vmul.f32 $1.442695020e+00, v2;
	_ =	sdelay $0x1  }
0xee: {  	(erf) = vpow2.f32 v2;
	_ =	sdelay $0x8  }
0xef: {  	v2 =	vpop (erf)  }
0xf0: {  	[tilespmem:s20+$0xA670] =	vst v2  }
0xf1: {  	v2 =	vld [tilespmem:s5+$0x5680]  }
0xf2: {  	v3 =	vld [tilespmem:s5+$0x5E80];
	_ =	sdelay $0x6  }
0xf3: {  	v2 =	vld.idx.msk [tilespmem:v2+s18+$0x0], $0xffff  }
0xf4: {  	v3 =	vld.idx.msk [tilespmem:v3+s6+$0x0], $0xffff;
	_ =	sdelay $0x1  }
0xf5: {  	v4 =	vld [tilespmem:s5+$0x4E80];
	_ =	sdelay $0x2  }
0xf6: {  	v2 =	vadd.f32 v3, v2;
	_ =	sdelay $0x1  }
0xf7: {  	v2 =	vadd.f32 v2, v4;
	_ =	sdelay $0x1  }
0xf8: {  	v3 =	vmul.f32 $2.000000030e-01, v2  }
0xf9: {  	vm14 =	vge.f32 v2, $0.0e+00  }
0xfa: {  	v2 =	vsel vm14, v2, v3  }
0xfb: {  	v2 =	vsub.f32 v2, v1;
	_ =	sdelay $0x1  }
0xfc: {  	v2 =	vmul.f32 $1.442695020e+00, v2;
	_ =	sdelay $0x1  }
0xfd: {  	(erf) = vpow2.f32 v2;
	_ =	sdelay $0x8  }
0xfe: {  	v2 =	vpop (erf)  }
0xff: {  	[tilespmem:s20+$0xA680] =	vst v2  }
0x100: {  	v2 =	vld [tilespmem:s5+$0x5690]  }
0x101: {  	v3 =	vld [tilespmem:s5+$0x5E90];
	_ =	sdelay $0x6  }
0x102: {  	v2 =	vld.idx.msk [tilespmem:v2+s18+$0x0], $0xffff  }
0x103: {  	v3 =	vld.idx.msk [tilespmem:v3+s6+$0x0], $0xffff;
	_ =	sdelay $0x1  }
0x104: {  	v4 =	vld [tilespmem:s5+$0x4E90];
	_ =	sdelay $0x2  }
0x105: {  	v2 =	vadd.f32 v3, v2;
	_ =	sdelay $0x1  }
0x106: {  	v2 =	vadd.f32 v2, v4;
	_ =	sdelay $0x1  }
0x107: {  	v3 =	vmul.f32 $2.000000030e-01, v2  }
0x108: {  	vm15 =	vge.f32 v2, $0.0e+00  }
0x109: {  	v2 =	vsel vm15, v2, v3  }
0x10a: {  	v2 =	vsub.f32 v2, v1;
	_ =	sdelay $0x1  }
0x10b: {  	v2 =	vmul.f32 $1.442695020e+00, v2;
	_ =	sdelay $0x1  }
0x10c: {  	(erf) = vpow2.f32 v2;
	_ =	sdelay $0x3  }
0x10d: {  	v2 =	vmov s18  }
0x10e: {  	v2 =	vand.u32 $0xFFFFFFFC, v2  }
0x10f: {  	v2 =	vbroadcast v2, $0x0;
	_ =	sdelay $0x2  }
0x110: {  	v3 =	vpop (erf)  }
0x111: {  	s31 =	sadd.s32 $0x5E20, s5;
	s8 =	sshll.u32 s26, $0xD;
	s5 =	sor.u32 $0xA620, s20;
	[tilespmem:s20+$0xA690] =	vst v3  }
0x112: {  	[spmem:s4] =	stream.indirect.scatter.add.f32 [tilespmem:s5], [sflag:$0x3], $0x1, s31, s12, $0xb8;
	[tilespmem:$0x1E9B0] =	vst v63  }
0x113: {  	s19 =	sadd.s32 $0x66A0, s8;
	v2 =	vld.idx.msk [tilespmem:v2+s5+$0x0], $0xffff  }
0x114: {  	v3 =	vld [tilespmem:s19+$0xFFFFFF80]  }
0x115: {  	v4 =	vld [tilespmem:s19+$0xFFFFFFA0]  }
0x116: {  	s22 =	simm.s32 $0x1;
	v5 =	vld [tilespmem:s19+$0xFFFFFF90]  }
0x117: {  	v6 =	vmov s22;
	v7 =	vld [tilespmem:s19+$0xFFFFFFB0]  }
0x118: {  	v6 =	vand.u32 $0xFFFFFFFD, v6  }
0x119: {  	v6 =	vbroadcast v6, $0x0;
	v3 =	vmul.f32 v3, v2  }
0x11a: {  	v4 =	vmul.f32 v4, v2  }
0x11b: {  	[tilespmem:s19+$0xFFFFFF80] =	vst v3;
	v3 =	vmul.f32 v5, v2  }
0x11c: {  	s18 =	sadd.s32 $0x100, s19;
	[tilespmem:s19+$0xFFFFFFA0] =	vst v4;
	v4 =	vmul.f32 v7, v2  }
0x11d: {  	v2 =	vld [tilespmem:s18+$0xFFFFFFA0];
	[tilespmem:s19+$0xFFFFFF90] =	vst v3  }
0x11e: {  	v3 =	vld [tilespmem:s19+$0xFFFFFFF0];
	[tilespmem:s19+$0xFFFFFFB0] =	vst v4  }
0x11f: {  	v4 =	vld.idx.msk [tilespmem:v6+s5+$0x0], $0xffff  }
0x120: {  	v5 =	vld [tilespmem:s19+$0xFFFFFFD0]  }
0x121: {  	s22 =	simm.s32 $0x2;
	v6 =	vld [tilespmem:s19+$0xFFFFFFC0]  }
0x122: {  	v8 =	vld [tilespmem:s19+$0xFFFFFFE0];
	v7 =	vmov s22  }
0x123: {  	v7 =	vand.u32 $0xFFFFFFFE, v7  }
0x124: {  	v7 =	vbroadcast v7, $0x0;
	v3 =	vmul.f32 v3, v4  }
0x125: {  	v5 =	vmul.f32 v5, v4  }
0x126: {  	v6 =	vmul.f32 v6, v4;
	[tilespmem:s19+$0xFFFFFFF0] =	vst v3  }
0x127: {  	v4 =	vmul.f32 v8, v4;
	[tilespmem:s19+$0xFFFFFFD0] =	vst v5  }
0x128: {  	v3 =	vld [tilespmem:s18+$0xFFFFFF90];
	[tilespmem:s19+$0xFFFFFFC0] =	vst v6  }
0x129: {  	v5 =	vld [tilespmem:s19+$0x0];
	[tilespmem:s19+$0xFFFFFFE0] =	vst v4  }
0x12a: {  	v4 =	vld.idx.msk [tilespmem:v7+s5+$0x0], $0xffff  }
0x12b: {  	v6 =	vld [tilespmem:s19+$0x10]  }
0x12c: {  	v7 =	vld [tilespmem:s19+$0x30]  }
0x12d: {  	v8 =	vld [tilespmem:s19+$0x20];
	_ =	sdelay $0x1  }
0x12e: {  	s24 =	simm.s32 $0x3;
	v5 =	vmul.f32 v5, v4  }
0x12f: {  	v9 =	vmov s24;
	v6 =	vmul.f32 v6, v4  }
0x130: {  	v7 =	vmul.f32 v7, v4;
	[tilespmem:s19+$0x0] =	vst v5  }
0x131: {  	v4 =	vmul.f32 v8, v4;
	[tilespmem:s19+$0x10] =	vst v6  }
0x132: {  	[tilespmem:s19+$0x30] =	vst v7;
	v5 =	vld [tilespmem:s19+$0x40]  }
0x133: {  	[tilespmem:s19+$0x20] =	vst v4;
	v4 =	vld [tilespmem:s19+$0x50]  }
0x134: {  	v7 =	vld.idx.msk [tilespmem:v9+s5+$0x0], $0xffff  }
0x135: {  	v6 =	vld [tilespmem:s19+$0x70];
	_ =	sdelay $0x1  }
0x136: {  	s22 =	simm.s32 $0x4;
	v8 =	vld [tilespmem:s19+$0x60]  }
0x137: {  	v62 =	vmov s22  }
0x138: {  	v9 =	vand.u32 $0xFFFFFFFC, v62;
	v5 =	vmul.f32 v5, v7;
	v11 =	vmul.f32 v4, v7  }
0x139: {  	s24 =	simm.s32 $0x5;
	s26 =	simm.s32 $0x6;
	v12 =	vmul.f32 v6, v7;
	v6 =	vbroadcast v9, $0x0  }
0x13a: {  	v10 =	vmov s24;
	v63 =	vmov s26;
	[tilespmem:s19+$0x40] =	vst v5  }
0x13b: {  	v4 =	vand.u32 $0xFFFFFFFD, v10;
	v7 =	vmul.f32 v8, v7;
	v5 =	vand.u32 $0xFFFFFFFE, v63;
	[tilespmem:s19+$0x50] =	vst v11  }
0x13c: {  	s24 =	simm.s32 $0x8;
	s20 =	sadd.s32 $0x6620, s8;
	v4 =	vbroadcast v4, $0x0;
	[tilespmem:s19+$0x70] =	vst v12;
	v5 =	vbroadcast v5, $0x0  }
.LBB2_8:
0x13d: {  	p0 =	sne.s32 s24, $0x7C;
	s26 =	smov.u32 s24  }
0x13e: {  	[tilespmem:s19+$0x60] =	vst v7;
	s24 =	sadd.s32 $0x4, s24;
	s19 =	smov.u32 s18;
	s18 =	sadd.s32 $0x100, s18  }
0x13f: {  	v7 =	vld.idx.msk [tilespmem:v6+s5+$0x0], $0xffff  }
0x140: {  	v8 =	vld [tilespmem:s19+$0xFFFFFF80];
	_ =	sdelay $0x1  }
0x141: {  	v9 =	vld [tilespmem:s19+$0xFFFFFFB0]  }
0x142: {  	v6 =	vmov s26  }
0x143: {  	v6 =	vand.u32 $0xFFFFFFFC, v6  }
0x144: {  	v6 =	vbroadcast v6, $0x0;
	v8 =	vmul.f32 v8, v7  }
0x145: {  	v3 =	vmul.f32 v3, v7;
	v2 =	vmul.f32 v2, v7  }
0x146: {  	[tilespmem:s19+$0xFFFFFF80] =	vst v8;
	v7 =	vmul.f32 v9, v7  }
0x147: {  	[tilespmem:s19+$0xFFFFFFA0] =	vst v2;
	v8 =	vld [tilespmem:s19+$0xFFFFFFF0]  }
0x148: {  	v2 =	vld [tilespmem:s18+$0xFFFFFFA0];
	[tilespmem:s19+$0xFFFFFF90] =	vst v3  }
0x149: {  	[tilespmem:s19+$0xFFFFFFB0] =	vst v7;
	v7 =	vld [tilespmem:s19+$0xFFFFFFC0]  }
0x14a: {  	v9 =	vld.idx.msk [tilespmem:v4+s5+$0x0], $0xffff  }
0x14b: {  	v10 =	vld [tilespmem:s19+$0xFFFFFFD0]  }
0x14c: {  	v11 =	vld [tilespmem:s19+$0xFFFFFFE0]  }
0x14d: {  	s8 =	sadd.s32 $0x1, s26;
	v3 =	vld [tilespmem:s18+$0xFFFFFF90]  }
0x14e: {  	v4 =	vmov s8  }
0x14f: {  	v4 =	vand.u32 $0xFFFFFFFD, v4  }
0x150: {  	v4 =	vbroadcast v4, $0x0;
	v8 =	vmul.f32 v8, v9  }
0x151: {  	v10 =	vmul.f32 v10, v9;
	v11 =	vmul.f32 v11, v9  }
0x152: {  	v7 =	vmul.f32 v7, v9;
	[tilespmem:s19+$0xFFFFFFF0] =	vst v8  }
0x153: {  	[tilespmem:s19+$0xFFFFFFD0] =	vst v10  }
0x154: {  	[tilespmem:s19+$0xFFFFFFC0] =	vst v7;
	v7 =	vld [tilespmem:s19+$0x0]  }
0x155: {  	[tilespmem:s19+$0xFFFFFFE0] =	vst v11;
	v8 =	vld [tilespmem:s19+$0x30]  }
0x156: {  	v5 =	vld.idx.msk [tilespmem:v5+s5+$0x0], $0xffff  }
0x157: {  	v9 =	vld [tilespmem:s19+$0x10]  }
0x158: {  	v10 =	vld [tilespmem:s19+$0x20];
	_ =	sdelay $0x3  }
0x159: {  	s8 =	sadd.s32 $0x3, s22;
	s22 =	smov.u32 s26;
	v7 =	vmul.f32 v7, v5;
	v9 =	vmul.f32 v9, v5  }
0x15a: {  	s26 =	sadd.s32 $0x2, s22;
	v10 =	vmul.f32 v10, v5;
	v5 =	vmul.f32 v8, v5;
	v8 =	vmov s8  }
0x15b: {  	v11 =	vmov s26;
	[tilespmem:s19+$0x0] =	vst v7  }
0x15c: {  	v7 =	vand.u32 $0xFFFFFFFE, v11;
	[tilespmem:s19+$0x10] =	vst v9  }
0x15d: {  	[tilespmem:s19+$0x30] =	vst v5;
	v9 =	vld [tilespmem:s19+$0x40]  }
0x15e: {  	v5 =	vbroadcast v7, $0x0;
	[tilespmem:s19+$0x20] =	vst v10;
	v10 =	vld [tilespmem:s19+$0x70]  }
0x15f: {  	v8 =	vld.idx.msk [tilespmem:v8+s5+$0x0], $0xffff  }
0x160: {  	v7 =	vld [tilespmem:s19+$0x50]  }
0x161: {  	v11 =	vld [tilespmem:s19+$0x60];
	_ =	sdelay $0x3  }
.Ltmp2:
0x162: {  	v9 =	vmul.f32 v9, v8;
	v12 =	vmul.f32 v7, v8;
	(pc) =	sbr.rel @p0 .LBB2_8-.Ltmp2, $4  }
0x163: {  	v7 =	vmul.f32 v11, v8;
	v8 =	vmul.f32 v10, v8  }
0x164: {  	[tilespmem:s19+$0x40] =	vst v9  }
0x165: {  	[tilespmem:s19+$0x50] =	vst v12  }
0x166: {  	[tilespmem:s19+$0x70] =	vst v8  }
0x167: {  	_ =	sdelay $0x2  }
0x168: {  	[tilespmem:s19+$0x60] =	vst v7;
	v53 =	vld [tilespmem:s18+$0xFFFFFF80]  }
0x169: {  	v6 =	vld.idx.msk [tilespmem:v6+s5+$0x0], $0xffff;
	_ =	sdelay $0x2  }
0x16a: {  	v8 =	vld [tilespmem:s18+$0xFFFFFFB0];
	_ =	sdelay $0x1  }
0x16b: {  	v7 =	vmul.f32 v53, v6  }
0x16c: {  	v2 =	vmul.f32 v2, v6  }
0x16d: {  	v3 =	vmul.f32 v3, v6;
	[tilespmem:s18+$0xFFFFFF80] =	vst v7  }
0x16e: {  	v6 =	vmul.f32 v8, v6;
	[tilespmem:s18+$0xFFFFFFA0] =	vst v2  }
0x16f: {  	[tilespmem:s18+$0xFFFFFF90] =	vst v3  }
0x170: {  	v2 =	vld [tilespmem:s18+$0xFFFFFFF0];
	[tilespmem:s18+$0xFFFFFFB0] =	vst v6  }
0x171: {  	v3 =	vld.idx.msk [tilespmem:v4+s5+$0x0], $0xffff  }
0x172: {  	v54 =	vld [tilespmem:s18+$0xFFFFFFD0]  }
0x173: {  	v55 =	vld [tilespmem:s18+$0xFFFFFFC0]  }
0x174: {  	v56 =	vld [tilespmem:s18+$0xFFFFFFE0];
	_ =	sdelay $0x1  }
0x175: {  	v2 =	vmul.f32 v2, v3  }
0x176: {  	v4 =	vmul.f32 v54, v3  }
0x177: {  	v6 =	vmul.f32 v55, v3;
	[tilespmem:s18+$0xFFFFFFF0] =	vst v2  }
0x178: {  	v2 =	vmul.f32 v56, v3;
	[tilespmem:s18+$0xFFFFFFD0] =	vst v4  }
0x179: {  	[tilespmem:s18+$0xFFFFFFC0] =	vst v6  }
0x17a: {  	v3 =	vld [tilespmem:s18+$0x0];
	[tilespmem:s18+$0xFFFFFFE0] =	vst v2  }
0x17b: {  	v2 =	vld.idx.msk [tilespmem:v5+s5+$0x0], $0xffff  }
0x17c: {  	v57 =	vld [tilespmem:s18+$0x10]  }
0x17d: {  	v58 =	vld [tilespmem:s18+$0x30]  }
0x17e: {  	v59 =	vld [tilespmem:s18+$0x20];
	_ =	sdelay $0x1  }
0x17f: {  	s8 =	sadd.s32 $0x3, s22;
	v3 =	vmul.f32 v3, v2  }
0x180: {  	v60 =	vmov s8;
	v4 =	vmul.f32 v57, v2  }
0x181: {  	v5 =	vmul.f32 v58, v2;
	[tilespmem:s18+$0x0] =	vst v3  }
0x182: {  	v2 =	vmul.f32 v59, v2;
	[tilespmem:s18+$0x10] =	vst v4  }
0x183: {  	[tilespmem:s18+$0x30] =	vst v5  }
0x184: {  	v3 =	vld [tilespmem:s18+$0x40];
	[tilespmem:s18+$0x20] =	vst v2  }
0x185: {  	v2 =	vld.idx.msk [tilespmem:v60+s5+$0x0], $0xffff  }
0x186: {  	v61 =	vld [tilespmem:s18+$0x50]  }
0x187: {  	v62 =	vld [tilespmem:s18+$0x70]  }
0x188: {  	v63 =	vld [tilespmem:s18+$0x60];
	_ =	sdelay $0x1  }
0x189: {  	v3 =	vmul.f32 v3, v2  }
0x18a: {  	p0 =	slt.u32 s30, $0x10;
	v4 =	vmul.f32 v61, v2  }
.Ltmp3:
0x18b: {  	v5 =	vmul.f32 v62, v2;
	[tilespmem:s18+$0x40] =	vst v3;
	(pc) =	sbr.rel @p0 .LBB2_5-.Ltmp3, $4  }
0x18c: {  	v2 =	vmul.f32 v63, v2;
	[tilespmem:s18+$0x50] =	vst v4  }
0x18d: {  	[tilespmem:s18+$0x70] =	vst v5  }
0x18e: {  	s19 =	smov.u32 s30;
	[tilespmem:s18+$0x60] =	vst v2  }
0x18f: {  	[spmem:s2] =	stream.indirect.scatter.add.f32 [tilespmem:s20], [sflag:$0x2], $0x40, s31, s12, $0xb8;
	[tilespmem:$0x1E9B0] =	vst v63  }
0x190: {  	s29 =	sadd.s32 $0x1, s29  }
0x191: {  	_ =	swait.ge [sflag:s17], $0x2000;
	p0 =	sne.s32 s29, $0xA  }
.Ltmp4:
0x192: {  	[sflag:s17] =	ssyncset.done $0x0;
	(pc) =	sbr.rel @p0 .LBB2_4-.Ltmp4, $4  }
0x193: {  	[sflag:s17] =	ssyncadd.s32 $0xFFFFE000  }
0x194: {  	_ =	swait.ge [sflag:s21], $0x80  }
0x195: {  	[sflag:s21] =	ssyncset.done $0x0  }
0x196: {  	[sflag:s21] =	ssyncadd.s32 $0xFFFFFF80  }
0x197: {  	[bflag:$0x0] =	sbarrier.arrive $0xFFFF  }
0x198: {  	s24 =	rddreg [dreg:$0xf]  }
0x199: {  	s8 =	rddreg [dreg:$0x6];
	s5 =	sshrl.u32 s24, $0x3  }
0x19a: {  	[hbm:s8], [sflag:s25] =	dma.local [spmem:s5], $0x400  }
0x19b: {  	_ =	swait.ge [sflag:s3], $0x400  }
0x19c: {  	[sflag:s3] =	ssyncset.done $0x0;
	s28 =	rddreg [dreg:$0x11]  }
0x19d: {  	s18 =	rddreg [dreg:$0x7];
	[sflag:s3] =	ssyncadd.s32 $0xFFFFFC00;
	s8 =	sshrl.u32 s28, $0x3  }
0x19e: {  	[hbm:s18], [sflag:s25] =	dma.local [spmem:s8], $0x400  }
0x19f: {  	_ =	swait.ge [sflag:s3], $0x400  }
0x1a0: {  	[sflag:s3] =	ssyncset.done $0x0;
	s29 =	rddreg [dreg:$0x13]  }
0x1a1: {  	s20 =	rddreg [dreg:$0x8];
	[sflag:s3] =	ssyncadd.s32 $0xFFFFFC00;
	s19 =	sshrl.u32 s29, $0x3  }
0x1a2: {  	[hbm:s20], [sflag:s25] =	dma.local [spmem:s19], $0x400  }
0x1a3: {  	_ =	swait.ge [sflag:s3], $0x400  }
0x1a4: {  	[sflag:s3] =	ssyncset.done $0x0;
	s30 =	rddreg [dreg:$0x15]  }
0x1a5: {  	s26 =	rddreg [dreg:$0x9];
	[sflag:s3] =	ssyncadd.s32 $0xFFFFFC00;
	s22 =	sshrl.u32 s30, $0x3  }
0x1a6: {  	[hbm:s26], [sflag:s25] =	dma.local [spmem:s22], $0x400  }
0x1a7: {  	_ =	swait.ge [sflag:s3], $0x400  }
0x1a8: {  	[sflag:s3] =	ssyncset.done $0x0;
	s31 =	rddreg [dreg:$0x17]  }
0x1a9: {  	s19 =	rddreg [dreg:$0xa];
	[sflag:s3] =	ssyncadd.s32 $0xFFFFFC00;
	s18 =	sshrl.u32 s31, $0x3  }
0x1aa: {  	[hbm:s19], [sflag:s25] =	dma.local [spmem:s18], $0x400  }
0x1ab: {  	_ =	swait.ge [sflag:s3], $0x400  }
0x1ac: {  	[sflag:s3] =	ssyncset.done $0x0;
	s26 =	rddreg [dreg:$0x10]  }
0x1ad: {  	s22 =	rddreg [dreg:$0x19];
	[sflag:s3] =	ssyncadd.s32 $0xFFFFFC00;
	s20 =	sshrl.u32 s26, $0x3  }
0x1ae: {  	[hbm:s22], [sflag:s25] =	dma.local [spmem:s20], $0x50  }
0x1af: {  	_ =	swait.ge [sflag:s3], $0x50  }
0x1b0: {  	s23 =	sadd.s32 $0x1, s23;
	s25 =	rddreg [dreg:$0x1a]  }
0x1b1: {  	p0 =	sne.s32 s23, s25  }
.Ltmp5:
0x1b2: {  	_ = 	snop;
	(pc) =	sbr.rel @p0 .LBB2_1-.Ltmp5, $3  }
0x1b3: {  	_ =	sdelay $0x1  }
0x1b4: {  	[sflag:s3] =	ssyncset.done $0x0  }
0x1b5: {  	[sflag:s3] =	ssyncadd.s32 $0xFFFFFFB0  }
0x1b6: {  	_ =	sfence.sel $0x180000  }
0x1b7: {  	[bflag:$0x0] =	sbarrier.arrive $0xFFFF  }
0x1b8: {  	_ =	strace $0x9000004A  }
0x1b9: {  	s0 =	stileid.u32;
	[bflag:$0x2] =	sbarrier.arrive $0xFFFF  }
0x1ba: {  	p0 =	sne.s32 s0, $0x0;
	s0 =	rddreg [dreg:$0x5]  }
0x1bb: {  	s0 =	sadd.s32 @!p0 $0x100000, s0  }
0x1bc: {  	[sflag:s0] =	ssyncadd.tile.s32 @!p0 $0x1;
	_ =	shalt  }
.Lfunc_end2:
_tile_overlayer_lowered:
.L_overlay_start_2:
0x1bd: {  	(tag) =	ssettag $0x2  }
0x1be: {  	s0 =	rddreg [dreg:$0x0];
	s2 =	stileid.u32  }
0x1bf: {  	s1 =	rddreg [dreg:$0x1];
	p0 =	sne.s32 s2, $0x0  }
0x1c0: {  	s3 =	rddreg [dreg:$0x2];
	[bflag:$0x3] =	sbarrier.arrive $0xFFFF;
	s2 =	simm.s32 @!p0 $0x1C04  }
0x1c1: {  	[timem:s3], [sflag:s2] =	dma.local @!p0 [hbm:s0], s1  }
0x1c2: {  	s0 =	simm.s32 @!p0 $0x4  }
0x1c3: {  	_ =	swait.ge @!p0 [sflag:s0], s1  }
0x1c4: {  	s1 =	ssub.s32 @!p0 $0x0, s1;
	[sflag:s0] =	ssyncset.done @!p0 $0x0  }
0x1c5: {  	[sflag:s0] =	ssyncadd.s32 @!p0 s1  }
0x1c6: {  	[bflag:$0x3] =	sbarrier.arrive $0xFFFF  }
0x1c7: {  	_ =	shalt  }

// kernel: kernel.8.cloned.1.call-start
scs
__scs_entry_jumppad:
0x0: {  	(pc) =	sbr.rel $0x88, $3  }
0x1: {  	(tag) =	ssettag $0x0;
	lr =	simm.s32 $0x1  }
0x2: {  	[smem:$0x3F92] =	sst lr;
	_ =	strace $0xD0000000  }
0x3: {  	_ = 	snop  }
0x4: {  	_ = 	snop  }
0x5: {  	_ = 	snop  }
0x6: {  	_ = 	snop  }
0x7: {  	_ = 	snop  }
__scs_overlays_trampoline_lowered:
0x8: {  	[smem:$0x3FA1] =	sst s0  }
0x9: {  	[smem:$0x3FA2] =	sst s1  }
0xa: {  	[smem:$0x3FA3] =	sst s2  }
0xb: {  	[smem:$0x3FA4] =	sst s3  }
0xc: {  	[smem:$0x3FA5] =	sst s4  }
0xd: {  	[smem:$0x3FA6] =	sst s5  }
0xe: {  	[smem:$0x3FA7] =	sst s6  }
0xf: {  	[smem:$0x3FA8] =	sst s7  }
0x10: {  	[smem:$0x3FA9] =	sst s8  }
0x11: {  	[smem:$0x3FAA] =	sst s9;
	s0 =	simm.s32 @!p0 $0x0  }
0x12: {  	s1 =	sld [smem:$0x3F90];
	s0 =	simm.s32 @p0 $0x1  }
0x13: {  	[smem:$0x3FAB] =	sst s0;
	s0 =	simm.s32 @!p1 $0x0  }
0x14: {  	s2 =	sld [smem:$0x3F8F];
	s0 =	simm.s32 @p1 $0x1  }
0x15: {  	[smem:$0x3FAC] =	sst s0;
	s0 =	simm.s32 @!p2 $0x0  }
0x16: {  	s3 =	sld [smem:$0x3FDB];
	s0 =	simm.s32 @p2 $0x1  }
0x17: {  	s4 =	simm.s32 $0x1BF5;
	[smem:$0x3FAE] =	sst s0  }
0x18: {  	s0 =	sld [smem:$0x3F91];
	_ =	swait.ge [sflag:s4], $0x0  }
0x19: {  	s7 =	sld [smem:$0x3F92]  }
0x1a: {  	s8 =	sadd.s32 $0xFFFFE003, lr  }
0x1b: {  	s9 =	sadd.s32 $0xFFFFFEF7, lr;
	s5 =	simm.s32 $0xFFFFFFFF;
	p2 =	slt.u32 s8, $0xFFFFF086  }
0x1c: {  	p1 =	slt.u32 s9, $0xF7A;
	s5 =	simm.s32 @!p2 $0x0  }
0x1d: {  	s5 =	simm.s32 @p1 $0x1;
	p0 =	seq.s32 s7, s2  }
0x1e: {  	s7 =	smul.u32 @!p0 $0xF7A, s2;
	p2 =	seq.s32 @!p0 s5, $0x0  }
0x1f: {  	s9 =	smul.u32 $0xF7A, s1;
	s8 =	simm.s32 @!p0 $0x1BF5;
	p2 =	por !p2, p0  }
0x20: {  	[sflag:s8] =	ssyncset.s32 @!p0 $0xFFFFF086;
	s6 =	sadd.s32 @!p0 s3, s7;
	s7 =	simm.s32 @!p0 $0x108  }
0x21: {  	s3 =	sadd.s32 s3, s9;
	s6 =	sadd.s32 @!p0 $0x88, s6;
	s7 =	simm.s32 @p2 $0x1082  }
0x22: {  	[simem:s7], [sflag:s8] =	dma.local @!p0 [hbm:s6], $0xF7A  }
0x23: {  	s9 =	sor.u32 $0xD0000000, s2;
	s6 =	simm.s32 $0x108;
	_ =	swait.ge @!p0 [sflag:s8], $0x0  }
0x24: {  	s3 =	sadd.s32 $0x88, s3;
	s6 =	simm.s32 @!p1 $0x1082;
	[sflag:s4] =	ssyncset.s32 $0xFFFFF086  }
0x25: {  	[simem:s6], [sflag:s4] =	dma.local [hbm:s3], $0xF7A  }
0x26: {  	[smem:$0x3F92] =	sst s1;
	(tag) =	ssettag s2;
	_ =	strace s9  }
0x27: {  	s1 =	sld [smem:$0x3FA2]  }
0x28: {  	s2 =	sld [smem:$0x3FA3]  }
0x29: {  	s4 =	sld [smem:$0x3FA5]  }
0x2a: {  	p0 =	seq.s32 s5, $0x0;
	s5 =	sld [smem:$0x3FA6]  }
0x2b: {  	s6 =	sld [smem:$0x3FA7]  }
0x2c: {  	s7 =	sld [smem:$0x3FA8]  }
0x2d: {  	s3 =	simm.s32 $0x108;
	s8 =	sld [smem:$0x3FA9]  }
0x2e: {  	s3 =	simm.s32 @!p0 $0x1082;
	s9 =	sld [smem:$0x3FAA]  }
0x2f: {  	lr =	sadd.s32 s0, s3;
	s0 =	sld [smem:$0x3FA1]  }
0x30: {  	s3 =	sld [smem:$0x3FA4]  }
0x31: {  	[smem:$0x3FAD] =	sst s10  }
0x32: {  	s10 =	sld [smem:$0x3FAB];
	_ =	sdelay $0x3  }
0x33: {  	p0 =	seq.s32 s10, $0x1;
	s10 =	sld [smem:$0x3FAD];
	_ =	sdelay $0x3  }
0x34: {  	[smem:$0x3FAD] =	sst s10  }
0x35: {  	s10 =	sld [smem:$0x3FAC];
	_ =	sdelay $0x3  }
0x36: {  	p1 =	seq.s32 s10, $0x1;
	s10 =	sld [smem:$0x3FAD];
	_ =	sdelay $0x3  }
0x37: {  	[smem:$0x3FAD] =	sst s10  }
0x38: {  	s10 =	sld [smem:$0x3FAE]  }
0x39: {  	_ = 	snop;
	(pc) =	sbr.ind lr, $3  }
0x3a: {  	_ = 	snop  }
0x3b: {  	_ = 	snop  }
0x3c: {  	p2 =	seq.s32 s10, $0x1;
	s10 =	sld [smem:$0x3FAD]  }
0x3d: {  	_ =	shalt  }
0x3e: {  	_ =	shalt  }
0x3f: {  	_ =	shalt  }
0x40: {  	_ =	shalt  }
0x41: {  	_ =	shalt  }
0x42: {  	_ =	shalt  }
0x43: {  	_ =	shalt  }
0x44: {  	_ =	shalt  }
0x45: {  	_ =	shalt  }
0x46: {  	_ =	shalt  }
0x47: {  	_ =	shalt  }
0x48: {  	_ =	shalt  }
0x49: {  	_ =	shalt  }
0x4a: {  	_ =	shalt  }
0x4b: {  	_ =	shalt  }
0x4c: {  	_ =	shalt  }
0x4d: {  	_ =	shalt  }
0x4e: {  	_ =	shalt  }
0x4f: {  	_ =	shalt  }
0x50: {  	_ =	shalt  }
0x51: {  	_ =	shalt  }
0x52: {  	_ =	shalt  }
0x53: {  	_ =	shalt  }
0x54: {  	_ =	shalt  }
0x55: {  	_ =	shalt  }
0x56: {  	_ =	shalt  }
0x57: {  	_ =	shalt  }
0x58: {  	_ =	shalt  }
0x59: {  	_ =	shalt  }
0x5a: {  	_ =	shalt  }
0x5b: {  	_ =	shalt  }
0x5c: {  	_ =	shalt  }
0x5d: {  	_ =	shalt  }
0x5e: {  	_ =	shalt  }
0x5f: {  	_ =	shalt  }
0x60: {  	_ =	shalt  }
0x61: {  	_ =	shalt  }
0x62: {  	_ =	shalt  }
0x63: {  	_ =	shalt  }
0x64: {  	_ =	shalt  }
0x65: {  	_ =	shalt  }
0x66: {  	_ =	shalt  }
0x67: {  	_ =	shalt  }
0x68: {  	_ =	shalt  }
0x69: {  	_ =	shalt  }
0x6a: {  	_ =	shalt  }
0x6b: {  	_ =	shalt  }
0x6c: {  	_ =	shalt  }
0x6d: {  	_ =	shalt  }
0x6e: {  	_ =	shalt  }
0x6f: {  	_ =	shalt  }
0x70: {  	_ =	shalt  }
0x71: {  	_ =	shalt  }
0x72: {  	_ =	shalt  }
0x73: {  	_ =	shalt  }
0x74: {  	_ =	shalt  }
0x75: {  	_ =	shalt  }
0x76: {  	_ =	shalt  }
0x77: {  	_ =	shalt  }
0x78: {  	_ =	shalt  }
0x79: {  	_ =	shalt  }
0x7a: {  	_ =	shalt  }
0x7b: {  	_ =	shalt  }
0x7c: {  	_ =	shalt  }
0x7d: {  	_ =	shalt  }
0x7e: {  	_ =	shalt  }
0x7f: {  	_ =	shalt  }
0x80: {  	_ =	shalt  }
0x81: {  	_ =	shalt  }
0x82: {  	_ =	shalt  }
0x83: {  	_ =	shalt  }
0x84: {  	_ =	shalt  }
0x85: {  	_ =	shalt  }
0x86: {  	_ =	shalt  }
0x87: {  	_ =	shalt  }
.Lfunc_end0:
.L_simem_size_0:
called_computation_lowered:
.L_overlay_start_0:
0x88: {  	s2 =	sld [smem:$0x3FD9]  }
0x89: {  	s3 =	sld [smem:$0x3FFE];
	_ =	sdelay $0x1  }
0x8a: {  	s1 =	srdreg.scid  }
0x8b: {  	s0 =	sand.u32 $0x1, s1  }
0x8c: {  	s17 =	sshll.u32 s0, $0xA;
	s2 =	sadd.s32 s3, s2  }
0x8d: {  	s2 =	sadd.s32 s2, s17  }
0x8e: {  	[smem:$0x3FB9] =	sst s2  }
0x8f: {  	_ = 	snop  }
0x90: {  	s2 =	sld [smem:$0x3FD0];
	(tm) =	ssettm $0x1  }
0x91: {  	s18 =	sld [smem:$0x3FFB];
	_ =	sdelay $0x3  }
0x92: {  	_ =	strace s18  }
0x93: {  	s3 =	sld [smem:$0x3FFC];
	_ =	sdelay $0x3  }
0x94: {  	_ =	strace s3  }
0x95: {  	s3 =	sld [smem:$0x3FFD];
	_ =	sdelay $0x3  }
0x96: {  	_ =	strace s3  }
0x97: {  	_ =	strace $0x8FFFFFFF  }
0x98: {  	s19 =	sld [smem:$0x3FDB];
	_ =	sdelay $0x1  }
0x99: {  	s4 =	simm.s32 $_scs_section_size  }
0x9a: {  	s5 =	simm.s32 $_size__tile_overlayer_lowered;
	s6 =	simm.s32 $_tile_overlayer_lowered  }
0x9b: {  	s22 =	simm.s32 $0x1BFF;
	s21 =	sshll.u32 s6, $0x1;
	s3 =	sadd.s32 s4, s19  }
0x9c: {  	s7 =	simm.s32 $0x0;
	s20 =	sshll.u32 s5, $0x1;
	s5 =	sadd.s32 s21, s3  }
0x9d: {  	[timem:s7], [sflag:s22] =	dma.local [hbm:s5], s20  }
0x9e: {  	_ =	swait.ge [sflag:s22], s20  }
0x9f: {  	s4 =	ssub.s32 $0x0, s20;
	[sflag:s22] =	ssyncset.done $0x0  }
0xa0: {  	[sflag:s22] =	ssyncadd.s32 s4;
	_ =	sdelay $0x1  }
0xa1: {  	s23 =	simm.s32 $0x1B8B  }
0xa2: {  	_ =	swait.ge [sflag:s23], $0x1  }
0xa3: {  	[sflag:s23] =	ssyncset.done $0x0  }
0xa4: {  	s25 =	simm.s32 $0x1B8E;
	s24 =	sld [smem:$0x3FFE];
	[sflag:s23] =	ssyncadd.s32 $0xFFFFFFFF  }
0xa5: {  	s26 =	simm.s32 $execute0_lowered;
	[smem:$0x3FD2] =	sst s25  }
0xa6: {  	s5 =	sshll.u32 s26, $0x1;
	_ =	strace $0x80000046;
	[dreg:$0x1] =	wrdreg $0xFFFFFFFF  }
0xa7: {  	s28 =	simm.s32 $_size_execute0_lowered;
	s3 =	sadd.s32 s3, s5;
	[dreg:$0x0] =	wrdreg $0x0  }
0xa8: {  	s5 =	sshll.u32 s28, $0x1;
	[dreg:$0x2] =	wrdreg s3  }
0xa9: {  	[dreg:$0x3] =	wrdreg s5  }
0xaa: {  	[dreg:$0x4] =	wrdreg $0xC0  }
0xab: {  	_ =	task [dreg:s7], $0x5FFFF  }
0xac: {  	[dreg:$0x1] =	wrdreg $0xFFFFFFFF  }
0xad: {  	[dreg:$0x0] =	wrdreg $0x60  }
0xae: {  	[dreg:$0x2] =	wrdreg s2  }
0xaf: {  	[dreg:$0x3] =	wrdreg s24  }
0xb0: {  	[dreg:$0x4] =	wrdreg $0x147300  }
0xb1: {  	[dreg:$0x5] =	wrdreg $0xA7300  }
0xb2: {  	[dreg:$0x6] =	wrdreg $0x1E7300  }
0xb3: {  	[dreg:$0x7] =	wrdreg $0x9  }
0xb4: {  	_ =	task.clear_ibuf [dreg:s7], $0x8FFFF;
	_ =	strace $0x90000046  }
0xb5: {  	s29 =	simm.s32 $0x9;
	_ =	strace $0x80000048  }
0xb6: {  	_ =	swait.ge [sflag:s29], $0x1  }
0xb7: {  	[sflag:s29] =	ssyncadd.s32 $0xFFFFFFFF  }
0xb8: {  	_ =	strace $0x90000048  }
0xb9: {  	_ =	sfence  }
0xba: {  	s30 =	sld [smem:$0x0];
	_ =	sdelay $0x2  }
0xbb: {  	s31 =	sshll.u32 s1, $0xD;
	s1 =	sshrl.u32 s1, $0x2  }
0xbc: {  	s3 =	sand.u32 $0x4000, s31;
	s1 =	sadd.s32 s1, s30  }
0xbd: {  	s0 =	sor.u32 s3, s0;
	s1 =	sshll.u32 s1, $0x11  }
0xbe: {  	s0 =	sor.u32 s1, s0  }
0xbf: {  	s0 =	sadd.s32 $0x8F2B, s0  }
0xc0: {  	[sflag:s0] =	ssyncadd.remote.s32 $0x1  }
0xc1: {  	_ =	sfence.sel $0xFFFF  }
0xc2: {  	[dreg:$0x0] =	wrdreg $0xFFFFFFFF;
	(pc) =	sbr.abs _section_cstart, $3  }
0xc3: {  	[dreg:$0x1] =	wrdreg $0xFFFFFFFF  }
0xc4: {  	_ =	task.clear_ibuf [dreg:s7], $0x2FFFF;
	_ =	strace $0x9FFFFFFF  }
0xc5: {  	(tm) =	ssettm $0x7FFFFFFF  }
tec
execute0_lowered:
.L_overlay_start_1:
0x0: {  	(tag) =	ssettag $0x1  }
0x1: {  	s0 =	rddreg [dreg:$0x0]  }
0x2: {  	s3 =	rddreg [dreg:$0x1]  }
0x3: {  	s1 =	rddreg [dreg:$0x2]  }
0x4: {  	s2 =	rddreg [dreg:$0x3]  }
0x5: {  	s4 =	rddreg [dreg:$0x4]  }
0x6: {  	s5 =	srdreg.scid;
	s6 =	simm.s32 $0x0;
	s22 =	stileid.u32  }
0x7: {  	s5 =	sand.u32 $0x1, s5;
	[smem:$0x7FF] =	sst s6;
	s6 =	smul.u32 $0x280, s22  }
0x8: {  	s10 =	sadd.s32 $0xD3C00, s3;
	s7 =	ssub.s32 $0x2, s5;
	s8 =	smul.u32 $0x2800, s5  }
0x9: {  	_ =	strace $0x80000047;
	p0 =	seq.s32 s5, $0x1;
	s5 =	smul.u32 $0xA0000, s5  }
0xa: {  	s9 =	sshrl.u32 s7, $0x1;
	s11 =	sadd.s32 $0x80, s6;
	s13 =	sadd.s32 $0x100, s6  }
0xb: {  	s17 =	sadd.s32 $0x180, s6;
	s20 =	sadd.s32 $0x200, s6;
	s7 =	ssub.s32 s7, s9  }
0xc: {  	s9 =	smul.u32 $0xA000, s22;
	s12 =	sshll.u32 s11, $0x6;
	s18 =	sshll.u32 s13, $0x6  }
0xd: {  	s19 =	sshll.u32 s17, $0x6;
	s21 =	sshll.u32 s20, $0x6;
	s8 =	sadd.s32 s6, s8  }
0xe: {  	s15 =	sadd.s32 s5, s12;
	s25 =	sadd.s32 s5, s18;
	s26 =	sadd.s32 s5, s19  }
0xf: {  	s8 =	sshrl.u32 s8, $0x3;
	s28 =	sadd.s32 s12, s2;
	s12 =	sadd.s32 s11, s4  }
0x10: {  	s29 =	sadd.s32 s18, s2;
	s18 =	sadd.s32 s13, s4;
	s30 =	sadd.s32 s19, s2  }
0x11: {  	s19 =	sadd.s32 s17, s4;
	s31 =	sadd.s32 s21, s2;
	[dreg:$0x12] =	wrdreg s12  }
0x12: {  	s11 =	simm.s32 $0x5E20;
	s13 =	simm.s32 $0x1;
	[dreg:$0x14] =	wrdreg s18  }
0x13: {  	s17 =	simm.s32 $0x2;
	s14 =	sadd.s32 s9, s5;
	[dreg:$0x16] =	wrdreg s19  }
0x14: {  	s24 =	sshrl.u32 s15, $0x3;
	s15 =	sshrl.u32 s26, $0x3;
	[dreg:$0x11] =	wrdreg s28  }
0x15: {  	s5 =	sadd.s32 s5, s21;
	s23 =	sshrl.u32 s9, $0x3;
	[dreg:$0x13] =	wrdreg s29  }
0x16: {  	s26 =	sadd.s32 s6, s4;
	s21 =	sadd.s32 s20, s4;
	[dreg:$0x15] =	wrdreg s30  }
0x17: {  	s6 =	simm.s32 $0x2710;
	s12 =	simm.s32 $0x80;
	[dreg:$0x17] =	wrdreg s31  }
0x18: {  	s14 =	sshrl.u32 s14, $0x3;
	s16 =	sadd.s32 s10, s15;
	[dreg:$0x18] =	wrdreg s21  }
0x19: {  	s5 =	sshrl.u32 s5, $0x3;
	s15 =	sadd.s32 $0xB5C00, s3;
	[dreg:$0x10] =	wrdreg s26  }
0x1a: {  	s21 =	simm.s32 $0x3;
	s14 =	sadd.s32 s10, s14;
	[dreg:$0x9] =	wrdreg s16  }
0x1b: {  	s5 =	sadd.s32 s10, s5;
	s16 =	sadd.s32 $0xBFC00, s3;
	[dreg:$0x6] =	wrdreg s14  }
0x1c: {  	s14 =	sadd.s32 s10, s24;
	[dreg:$0xa] =	wrdreg s5;
	s5 =	sadd.s32 $0x4800, s3  }
0x1d: {  	s24 =	sadd.s32 $0x18E00, s3;
	[dreg:$0x7] =	wrdreg s14;
	s14 =	sshrl.u32 s25, $0x3  }
0x1e: {  	[dreg:$0xc] =	wrdreg s24;
	s25 =	sadd.s32 s8, s3;
	s8 =	sadd.s32 $0x18800, s3  }
0x1f: {  	s0 =	smov.u32 @p0 s5;
	s24 =	sadd.s32 s9, s2;
	[dreg:$0xd] =	wrdreg s8  }
0x20: {  	s14 =	sadd.s32 s10, s14;
	s0 =	sadd.s32 s0, s23;
	[dreg:$0xf] =	wrdreg s24  }
0x21: {  	s10 =	sadd.s32 s9, s1;
	s23 =	smax.u32 s7, $0x1;
	[dreg:$0x8] =	wrdreg s14  }
0x22: {  	s7 =	simm.s32 $0x6620;
	s9 =	simm.s32 $0x4E20;
	[dreg:$0xb] =	wrdreg s0  }
0x23: {  	s14 =	sadd.s32 $0xC9C00, s3;
	s3 =	sadd.s32 $0x4400, s3;
	[dreg:$0x1a] =	wrdreg s23  }
0x24: {  	s0 =	sadd.s32 $0xFBC00, s25;
	s25 =	sshrl.u32 s10, $0x3;
	[dreg:$0xe] =	wrdreg s3  }
0x25: {  	s10 =	simm.s32 $0x5620;
	s23 =	simm.s32 $0x0;
	[dreg:$0x19] =	wrdreg s0  }
0x26: {  	v0 =	vimm.f32 $0.0e+00;
	[dreg:$0x1b] =	wrdreg s25;
	s0 =	smul.u32 $0x5000, s22;
	s3 =	simm.s32 $0x4  }
.LBB2_1:
0x27: {  	s5 =	simm.s32 $0x0;
	s8 =	rddreg [dreg:$0xc]  }
0x28: {  	[tilespmem:s5], [sflag:$0x4] =	stream.linear.gather [hbm4b:s8+s5], $0x2710, $0x38;
	[tilespmem:$0x1E9B0] =	vst v63  }
0x29: {  	_ =	swait.ge [sflag:s3], $0x2710  }
0x2a: {  	[sflag:s3] =	ssyncset.done $0x0  }
0x2b: {  	s22 =	rddreg [dreg:$0xd];
	[sflag:s3] =	ssyncadd.s32 $0xFFFFD8F0  }
0x2c: {  	[tilespmem:s6], [sflag:$0x4] =	stream.linear.gather [hbm4b:s22+s5], $0x2710, $0x38;
	[tilespmem:$0x1E9B0] =	vst v63  }
0x2d: {  	_ =	swait.ge [sflag:s3], $0x2710  }
0x2e: {  	[sflag:s3] =	ssyncset.done $0x0  }
0x2f: {  	s18 =	simm.s32 $0xA720;
	s25 =	rddreg [dreg:$0xe];
	[sflag:s3] =	ssyncadd.s32 $0xFFFFD8F0  }
0x30: {  	[tilespmem:s18], [sflag:$0x4] =	stream.linear.gather [hbm4b:s25+s5], $0x10, $0x38;
	[tilespmem:$0x1E9B0] =	vst v63  }
0x31: {  	s19 =	stileid.u32;
	_ =	swait.ge [sflag:s3], $0x10  }
0x32: {  	s5 =	sshll.u32 s19, $0x6;
	[sflag:s3] =	ssyncset.done $0x0;
	s20 =	rddreg [dreg:$0xb]  }
0x33: {  	s25 =	sor.u32 $0x1C04, s5;
	s22 =	rddreg [dreg:$0x1b];
	[sflag:s3] =	ssyncadd.s32 $0xFFFFFFF0  }
0x34: {  	[spmem:s22], [sflag:s25] =	dma.local [hbm:s20], $0x1400  }
0x35: {  	_ =	swait.ge [sflag:s3], $0x1400  }
0x36: {  	[sflag:s3] =	ssyncset.done $0x0  }
0x37: {  	s18 =	simm.s32 $0x100;
	s5 =	simm.s32 $0x0;
	[sflag:s3] =	ssyncadd.s32 $0xFFFFEC00  }
.LBB2_2:
0x38: {  	p0 =	sne.s32 s18, $0x7F00;
	[tilespmem:s5+$0x6650] =	vst v0;
	s19 =	smov.u32 s18;
	s18 =	sadd.s32 $0x100, s18  }
.Ltmp0:
0x39: {  	[tilespmem:s5+$0x6640] =	vst v0;
	(pc) =	sbr.rel @p0 .LBB2_2-.Ltmp0, $3  }
0x3a: {  	[tilespmem:s5+$0x6620] =	vst v0  }
0x3b: {  	[tilespmem:s5+$0x6630] =	vst v0;
	_ =	sdelay $0x1  }
0x3c: {  	s5 =	sshra.s32 s19, $0x2  }
0x3d: {  	[tilespmem:s5+$0x6650] =	vst v0  }
0x3e: {  	[tilespmem:s5+$0x6640] =	vst v0  }
0x3f: {  	[tilespmem:s5+$0x6620] =	vst v0  }
0x40: {  	[tilespmem:s5+$0x6630] =	vst v0  }
0x41: {  	[tilespmem:$0xA620] =	vst v0  }
0x42: {  	[tilespmem:$0xA630] =	vst v0  }
0x43: {  	[tilespmem:$0xA640] =	vst v0  }
0x44: {  	[tilespmem:$0xA650] =	vst v0  }
0x45: {  	[tilespmem:$0xA660] =	vst v0  }
0x46: {  	[tilespmem:$0xA670] =	vst v0  }
0x47: {  	[tilespmem:$0xA680] =	vst v0  }
0x48: {  	[tilespmem:$0xA690] =	vst v0  }
0x49: {  	[spmem:s24] =	stream.linear.scatter [tilespmem:s7], [sflag:$0x4], $0x2000, $0x38;
	[tilespmem:$0x1E9B0] =	vst v63  }
0x4a: {  	_ =	swait.ge [sflag:s3], $0x2000  }
0x4b: {  	[sflag:s3] =	ssyncset.done $0x0  }
0x4c: {  	s8 =	simm.s32 $0xA620;
	[sflag:s3] =	ssyncadd.s32 $0xFFFFE000  }
0x4d: {  	[spmem:s26] =	stream.linear.scatter [tilespmem:s8], [sflag:$0x4], $0x80, $0x38;
	[tilespmem:$0x1E9B0] =	vst v63  }
0x4e: {  	_ =	swait.ge [sflag:s3], $0x80  }
0x4f: {  	[sflag:s3] =	ssyncset.done $0x0  }
0x50: {  	[sflag:s3] =	ssyncadd.s32 $0xFFFFFF80  }
0x51: {  	[spmem:s28] =	stream.linear.scatter [tilespmem:s7], [sflag:$0x4], $0x2000, $0x38;
	[tilespmem:$0x1E9B0] =	vst v63  }
0x52: {  	_ =	swait.ge [sflag:s3], $0x2000  }
0x53: {  	[sflag:s3] =	ssyncset.done $0x0  }
0x54: {  	s24 =	rddreg [dreg:$0x12];
	[sflag:s3] =	ssyncadd.s32 $0xFFFFE000  }
0x55: {  	[spmem:s24] =	stream.linear.scatter [tilespmem:s8], [sflag:$0x4], $0x80, $0x38;
	[tilespmem:$0x1E9B0] =	vst v63  }
0x56: {  	_ =	swait.ge [sflag:s3], $0x80  }
0x57: {  	[sflag:s3] =	ssyncset.done $0x0  }
0x58: {  	[sflag:s3] =	ssyncadd.s32 $0xFFFFFF80  }
0x59: {  	[spmem:s29] =	stream.linear.scatter [tilespmem:s7], [sflag:$0x4], $0x2000, $0x38;
	[tilespmem:$0x1E9B0] =	vst v63  }
0x5a: {  	_ =	swait.ge [sflag:s3], $0x2000  }
0x5b: {  	[sflag:s3] =	ssyncset.done $0x0  }
0x5c: {  	s26 =	rddreg [dreg:$0x14];
	[sflag:s3] =	ssyncadd.s32 $0xFFFFE000  }
0x5d: {  	[spmem:s26] =	stream.linear.scatter [tilespmem:s8], [sflag:$0x4], $0x80, $0x38;
	[tilespmem:$0x1E9B0] =	vst v63  }
0x5e: {  	_ =	swait.ge [sflag:s3], $0x80  }
0x5f: {  	[sflag:s3] =	ssyncset.done $0x0  }
0x60: {  	[sflag:s3] =	ssyncadd.s32 $0xFFFFFF80  }
0x61: {  	[spmem:s30] =	stream.linear.scatter [tilespmem:s7], [sflag:$0x4], $0x2000, $0x38;
	[tilespmem:$0x1E9B0] =	vst v63  }
0x62: {  	_ =	swait.ge [sflag:s3], $0x2000  }
0x63: {  	[sflag:s3] =	ssyncset.done $0x0  }
0x64: {  	s30 =	rddreg [dreg:$0x16];
	[sflag:s3] =	ssyncadd.s32 $0xFFFFE000  }
0x65: {  	[spmem:s30] =	stream.linear.scatter [tilespmem:s8], [sflag:$0x4], $0x80, $0x38;
	[tilespmem:$0x1E9B0] =	vst v63  }
0x66: {  	_ =	swait.ge [sflag:s3], $0x80  }
0x67: {  	[sflag:s3] =	ssyncset.done $0x0  }
0x68: {  	[sflag:s3] =	ssyncadd.s32 $0xFFFFFF80  }
0x69: {  	[spmem:s31] =	stream.linear.scatter [tilespmem:s7], [sflag:$0x4], $0x2000, $0x38;
	[tilespmem:$0x1E9B0] =	vst v63  }
0x6a: {  	_ =	swait.ge [sflag:s3], $0x2000  }
0x6b: {  	[sflag:s3] =	ssyncset.done $0x0  }
0x6c: {  	s31 =	rddreg [dreg:$0x18];
	[sflag:s3] =	ssyncadd.s32 $0xFFFFE000  }
0x6d: {  	[spmem:s31] =	stream.linear.scatter [tilespmem:s8], [sflag:$0x4], $0x80, $0x38;
	[tilespmem:$0x1E9B0] =	vst v63  }
0x6e: {  	_ =	swait.ge [sflag:s3], $0x80  }
0x6f: {  	[sflag:s3] =	ssyncset.done $0x0  }
0x70: {  	[sflag:s3] =	ssyncadd.s32 $0xFFFFFF80  }
0x71: {  	[bflag:$0x0] =	sbarrier.arrive $0xFFFF  }
0x72: {  	s28 =	simm.s32 $0x0;
	s29 =	simm.s32 $0x0;
	v1 =	vld [tilespmem:$0xA720]  }
.LBB2_4:
0x73: {  	s5 =	sshll.u32 s29, $0xB  }
0x74: {  	s5 =	sadd.s32 s0, s5  }
0x75: {  	s5 =	sshrl.u32 s5, $0x3  }
0x76: {  	s18 =	sadd.s32 s14, s5  }
0x77: {  	[tilespmem:s9], [sflag:$0x4] =	stream.linear.gather [hbm4b:s18+s28], $0x800, $0x38;
	[tilespmem:$0x1E9B0] =	vst v63  }
0x78: {  	_ =	swait.ge [sflag:s3], $0x800  }
0x79: {  	[sflag:s3] =	ssyncset.done $0x0  }
0x7a: {  	s31 =	sadd.s32 s15, s5;
	[sflag:s3] =	ssyncadd.s32 $0xFFFFF800  }
0x7b: {  	[tilespmem:s10], [sflag:$0x4] =	stream.linear.gather [hbm4b:s31+s28], $0x800, $0x38;
	[tilespmem:$0x1E9B0] =	vst v63  }
0x7c: {  	_ =	swait.ge [sflag:s3], $0x800  }
0x7d: {  	[sflag:s3] =	ssyncset.done $0x0  }
0x7e: {  	s5 =	sadd.s32 s16, s5;
	[sflag:s3] =	ssyncadd.s32 $0xFFFFF800  }
0x7f: {  	[tilespmem:s11], [sflag:$0x4] =	stream.linear.gather [hbm4b:s5+s28], $0x800, $0x38;
	[tilespmem:$0x1E9B0] =	vst v63  }
0x80: {  	_ =	swait.ge [sflag:s3], $0x800  }
0x81: {  	[sflag:s3] =	ssyncset.done $0x0  }
0x82: {  	s19 =	simm.s32 $0x0;
	[sflag:s3] =	ssyncadd.s32 $0xFFFFF800  }
0x83: {  	[tilespmem:s7], [sflag:$0x1] =	stream.indirect.gather [spmem:s1], $0x40, s10, s12, $0xb8;
	[tilespmem:$0x1E9B0] =	vst v63  }
.LBB2_5:
0x84: {  	p0 =	seq.s32 s19, $0x0  }
0x85: {  	s5 =	simm.s32 @!p0 $0x2;
	p1 =	seq.s32 @!p0 s19, $0xF  }
0x86: {  	_ =	swait.ge @!p0 [sflag:s5], $0x2000;
	p1 =	por p0, !p1  }
.Ltmp1:
0x87: {  	[sflag:s5] =	ssyncset.done @!p0 $0x0;
	(pc) =	sbr.rel @!p1 .LBB2_7-.Ltmp1, $4  }
0x88: {  	[sflag:s5] =	ssyncadd.s32 @!p0 $0xFFFFE000;
	s5 =	simm.s32 @!p0 $0x3  }
0x89: {  	_ =	swait.ge @!p0 [sflag:s5], $0x80  }
0x8a: {  	[sflag:s5] =	ssyncset.done @!p0 $0x0  }
0x8b: {  	s30 =	simm.s32 @!p0 $0x10;
	[sflag:s5] =	ssyncadd.s32 @!p0 $0xFFFFFF80  }
0x8c: {  	s30 =	sadd.s32 @!p0 $0x1, s19  }
0x8d: {  	s30 =	simm.s32 @p0 $0x1  }
0x8e: {  	s5 =	sshll.u32 s30, $0xD;
	s18 =	sshll.u32 s30, $0x7  }
0x8f: {  	s5 =	sand.u32 $0x2000, s5;
	s18 =	sand.u32 $0x3FFFFF80, s18  }
0x90: {  	s5 =	sadd.s32 $0x6620, s5;
	s18 =	sadd.s32 $0x5620, s18  }
0x91: {  	[tilespmem:s5], [sflag:$0x1] =	stream.indirect.gather [spmem:s1], $0x40, s18, s12, $0xb8;
	[tilespmem:$0x1E9B0] =	vst v63  }
.LBB2_7:
0x92: {  	_ =	swait.ge [sflag:s13], $0x2000  }
0x93: {  	[sflag:s13] =	ssyncset.done $0x0  }
0x94: {  	s5 =	sshll.u32 s19, $0x7;
	[sflag:s13] =	ssyncadd.s32 $0xFFFFE000  }
0x95: {  	v2 =	vld [tilespmem:s5+$0x5620]  }
0x96: {  	v3 =	vld [tilespmem:s5+$0x5E20];
	_ =	sdelay $0x5  }
0x97: {  	s18 =	simm.s32 $0x0  }
0x98: {  	v2 =	vld.idx.msk [tilespmem:v2+s18+$0x0], $0xffff  }
0x99: {  	v3 =	vld.idx.msk [tilespmem:v3+s6+$0x0], $0xffff;
	_ =	sdelay $0x1  }
0x9a: {  	v4 =	vld [tilespmem:s5+$0x4E20];
	_ =	sdelay $0x2  }
0x9b: {  	v2 =	vadd.f32 v3, v2;
	_ =	sdelay $0x1  }
0x9c: {  	v2 =	vadd.f32 v2, v4;
	_ =	sdelay $0x1  }
0x9d: {  	v3 =	vmul.f32 $2.000000030e-01, v2  }
0x9e: {  	vm0 =	vge.f32 v2, $0.0e+00  }
0x9f: {  	v2 =	vsel vm0, v2, v3  }
0xa0: {  	v2 =	vsub.f32 v2, v1;
	_ =	sdelay $0x1  }
0xa1: {  	v2 =	vmul.f32 $1.442695020e+00, v2;
	_ =	sdelay $0x1  }
0xa2: {  	(erf) = vpow2.f32 v2;
	_ =	sdelay $0x7  }
0xa3: {  	s26 =	sand.u32 $0x1, s19  }
0xa4: {  	s20 =	sshll.u32 s26, $0x7;
	v2 =	vpop (erf)  }
0xa5: {  	[tilespmem:s20+$0xA620] =	vst v2  }
0xa6: {  	v2 =	vld [tilespmem:s5+$0x5630]  }
0xa7: {  	v3 =	vld [tilespmem:s5+$0x5E30];
	_ =	sdelay $0x6  }
0xa8: {  	v2 =	vld.idx.msk [tilespmem:v2+s18+$0x0], $0xffff  }
0xa9: {  	v3 =	vld.idx.msk [tilespmem:v3+s6+$0x0], $0xffff;
	_ =	sdelay $0x1  }
0xaa: {  	v4 =	vld [tilespmem:s5+$0x4E30];
	_ =	sdelay $0x2  }
0xab: {  	v2 =	vadd.f32 v3, v2;
	_ =	sdelay $0x1  }
0xac: {  	v2 =	vadd.f32 v2, v4;
	_ =	sdelay $0x1  }
0xad: {  	v3 =	vmul.f32 $2.000000030e-01, v2  }
0xae: {  	vm9 =	vge.f32 v2, $0.0e+00  }
0xaf: {  	v2 =	vsel vm9, v2, v3  }
0xb0: {  	v2 =	vsub.f32 v2, v1;
	_ =	sdelay $0x1  }
0xb1: {  	v2 =	vmul.f32 $1.442695020e+00, v2;
	_ =	sdelay $0x1  }
0xb2: {  	(erf) = vpow2.f32 v2;
	_ =	sdelay $0x8  }
0xb3: {  	v2 =	vpop (erf)  }
0xb4: {  	[tilespmem:s20+$0xA630] =	vst v2  }
0xb5: {  	v2 =	vld [tilespmem:s5+$0x5640]  }
0xb6: {  	v3 =	vld [tilespmem:s5+$0x5E40];
	_ =	sdelay $0x6  }
0xb7: {  	v2 =	vld.idx.msk [tilespmem:v2+s18+$0x0], $0xffff  }
0xb8: {  	v3 =	vld.idx.msk [tilespmem:v3+s6+$0x0], $0xffff;
	_ =	sdelay $0x1  }
0xb9: {  	v4 =	vld [tilespmem:s5+$0x4E40];
	_ =	sdelay $0x2  }
0xba: {  	v2 =	vadd.f32 v3, v2;
	_ =	sdelay $0x1  }
0xbb: {  	v2 =	vadd.f32 v2, v4;
	_ =	sdelay $0x1  }
0xbc: {  	v3 =	vmul.f32 $2.000000030e-01, v2  }
0xbd: {  	vm10 =	vge.f32 v2, $0.0e+00  }
0xbe: {  	v2 =	vsel vm10, v2, v3  }
0xbf: {  	v2 =	vsub.f32 v2, v1;
	_ =	sdelay $0x1  }
0xc0: {  	v2 =	vmul.f32 $1.442695020e+00, v2;
	_ =	sdelay $0x1  }
0xc1: {  	(erf) = vpow2.f32 v2;
	_ =	sdelay $0x8  }
0xc2: {  	v2 =	vpop (erf)  }
0xc3: {  	[tilespmem:s20+$0xA640] =	vst v2  }
0xc4: {  	v2 =	vld [tilespmem:s5+$0x5650]  }
0xc5: {  	v3 =	vld [tilespmem:s5+$0x5E50];
	_ =	sdelay $0x6  }
0xc6: {  	v2 =	vld.idx.msk [tilespmem:v2+s18+$0x0], $0xffff  }
0xc7: {  	v3 =	vld.idx.msk [tilespmem:v3+s6+$0x0], $0xffff;
	_ =	sdelay $0x1  }
0xc8: {  	v4 =	vld [tilespmem:s5+$0x4E50];
	_ =	sdelay $0x2  }
0xc9: {  	v2 =	vadd.f32 v3, v2;
	_ =	sdelay $0x1  }
0xca: {  	v2 =	vadd.f32 v2, v4;
	_ =	sdelay $0x1  }
0xcb: {  	v3 =	vmul.f32 $2.000000030e-01, v2  }
0xcc: {  	vm11 =	vge.f32 v2, $0.0e+00  }
0xcd: {  	v2 =	vsel vm11, v2, v3  }
0xce: {  	v2 =	vsub.f32 v2, v1;
	_ =	sdelay $0x1  }
0xcf: {  	v2 =	vmul.f32 $1.442695020e+00, v2;
	_ =	sdelay $0x1  }
0xd0: {  	(erf) = vpow2.f32 v2;
	_ =	sdelay $0x8  }
0xd1: {  	v2 =	vpop (erf)  }
0xd2: {  	[tilespmem:s20+$0xA650] =	vst v2  }
0xd3: {  	v2 =	vld [tilespmem:s5+$0x5660]  }
0xd4: {  	v3 =	vld [tilespmem:s5+$0x5E60];
	_ =	sdelay $0x6  }
0xd5: {  	v2 =	vld.idx.msk [tilespmem:v2+s18+$0x0], $0xffff  }
0xd6: {  	v3 =	vld.idx.msk [tilespmem:v3+s6+$0x0], $0xffff;
	_ =	sdelay $0x1  }
0xd7: {  	v4 =	vld [tilespmem:s5+$0x4E60];
	_ =	sdelay $0x2  }
0xd8: {  	v2 =	vadd.f32 v3, v2;
	_ =	sdelay $0x1  }
0xd9: {  	v2 =	vadd.f32 v2, v4;
	_ =	sdelay $0x1  }
0xda: {  	v3 =	vmul.f32 $2.000000030e-01, v2  }
0xdb: {  	vm12 =	vge.f32 v2, $0.0e+00  }
0xdc: {  	v2 =	vsel vm12, v2, v3  }
0xdd: {  	v2 =	vsub.f32 v2, v1;
	_ =	sdelay $0x1  }
0xde: {  	v2 =	vmul.f32 $1.442695020e+00, v2;
	_ =	sdelay $0x1  }
0xdf: {  	(erf) = vpow2.f32 v2;
	_ =	sdelay $0x8  }
0xe0: {  	v2 =	vpop (erf)  }
0xe1: {  	[tilespmem:s20+$0xA660] =	vst v2  }
0xe2: {  	v2 =	vld [tilespmem:s5+$0x5670]  }
0xe3: {  	v3 =	vld [tilespmem:s5+$0x5E70];
	_ =	sdelay $0x6  }
0xe4: {  	v2 =	vld.idx.msk [tilespmem:v2+s18+$0x0], $0xffff  }
0xe5: {  	v3 =	vld.idx.msk [tilespmem:v3+s6+$0x0], $0xffff;
	_ =	sdelay $0x1  }
0xe6: {  	v4 =	vld [tilespmem:s5+$0x4E70];
	_ =	sdelay $0x2  }
0xe7: {  	v2 =	vadd.f32 v3, v2;
	_ =	sdelay $0x1  }
0xe8: {  	v2 =	vadd.f32 v2, v4;
	_ =	sdelay $0x1  }
0xe9: {  	v3 =	vmul.f32 $2.000000030e-01, v2  }
0xea: {  	vm13 =	vge.f32 v2, $0.0e+00  }
0xeb: {  	v2 =	vsel vm13, v2, v3  }
0xec: {  	v2 =	vsub.f32 v2, v1;
	_ =	sdelay $0x1  }
0xed: {  	v2 =	vmul.f32 $1.442695020e+00, v2;
	_ =	sdelay $0x1  }
0xee: {  	(erf) = vpow2.f32 v2;
	_ =	sdelay $0x8  }
0xef: {  	v2 =	vpop (erf)  }
0xf0: {  	[tilespmem:s20+$0xA670] =	vst v2  }
0xf1: {  	v2 =	vld [tilespmem:s5+$0x5680]  }
0xf2: {  	v3 =	vld [tilespmem:s5+$0x5E80];
	_ =	sdelay $0x6  }
0xf3: {  	v2 =	vld.idx.msk [tilespmem:v2+s18+$0x0], $0xffff  }
0xf4: {  	v3 =	vld.idx.msk [tilespmem:v3+s6+$0x0], $0xffff;
	_ =	sdelay $0x1  }
0xf5: {  	v4 =	vld [tilespmem:s5+$0x4E80];
	_ =	sdelay $0x2  }
0xf6: {  	v2 =	vadd.f32 v3, v2;
	_ =	sdelay $0x1  }
0xf7: {  	v2 =	vadd.f32 v2, v4;
	_ =	sdelay $0x1  }
0xf8: {  	v3 =	vmul.f32 $2.000000030e-01, v2  }
0xf9: {  	vm14 =	vge.f32 v2, $0.0e+00  }
0xfa: {  	v2 =	vsel vm14, v2, v3  }
0xfb: {  	v2 =	vsub.f32 v2, v1;
	_ =	sdelay $0x1  }
0xfc: {  	v2 =	vmul.f32 $1.442695020e+00, v2;
	_ =	sdelay $0x1  }
0xfd: {  	(erf) = vpow2.f32 v2;
	_ =	sdelay $0x8  }
0xfe: {  	v2 =	vpop (erf)  }
0xff: {  	[tilespmem:s20+$0xA680] =	vst v2  }
0x100: {  	v2 =	vld [tilespmem:s5+$0x5690]  }
0x101: {  	v3 =	vld [tilespmem:s5+$0x5E90];
	_ =	sdelay $0x6  }
0x102: {  	v2 =	vld.idx.msk [tilespmem:v2+s18+$0x0], $0xffff  }
0x103: {  	v3 =	vld.idx.msk [tilespmem:v3+s6+$0x0], $0xffff;
	_ =	sdelay $0x1  }
0x104: {  	v4 =	vld [tilespmem:s5+$0x4E90];
	_ =	sdelay $0x2  }
0x105: {  	v2 =	vadd.f32 v3, v2;
	_ =	sdelay $0x1  }
0x106: {  	v2 =	vadd.f32 v2, v4;
	_ =	sdelay $0x1  }
0x107: {  	v3 =	vmul.f32 $2.000000030e-01, v2  }
0x108: {  	vm15 =	vge.f32 v2, $0.0e+00  }
0x109: {  	v2 =	vsel vm15, v2, v3  }
0x10a: {  	v2 =	vsub.f32 v2, v1;
	_ =	sdelay $0x1  }
0x10b: {  	v2 =	vmul.f32 $1.442695020e+00, v2;
	_ =	sdelay $0x1  }
0x10c: {  	(erf) = vpow2.f32 v2;
	_ =	sdelay $0x3  }
0x10d: {  	v2 =	vmov s18  }
0x10e: {  	v2 =	vand.u32 $0xFFFFFFFC, v2  }
0x10f: {  	v2 =	vbroadcast v2, $0x0;
	_ =	sdelay $0x2  }
0x110: {  	v3 =	vpop (erf)  }
0x111: {  	s31 =	sadd.s32 $0x5E20, s5;
	s8 =	sshll.u32 s26, $0xD;
	s5 =	sor.u32 $0xA620, s20;
	[tilespmem:s20+$0xA690] =	vst v3  }
0x112: {  	[spmem:s4] =	stream.indirect.scatter.add.f32 [tilespmem:s5], [sflag:$0x3], $0x1, s31, s12, $0xb8;
	[tilespmem:$0x1E9B0] =	vst v63  }
0x113: {  	s19 =	sadd.s32 $0x66A0, s8;
	v2 =	vld.idx.msk [tilespmem:v2+s5+$0x0], $0xffff  }
0x114: {  	v3 =	vld [tilespmem:s19+$0xFFFFFF80]  }
0x115: {  	v4 =	vld [tilespmem:s19+$0xFFFFFFA0]  }
0x116: {  	s22 =	simm.s32 $0x1;
	v5 =	vld [tilespmem:s19+$0xFFFFFF90]  }
0x117: {  	v6 =	vmov s22;
	v7 =	vld [tilespmem:s19+$0xFFFFFFB0]  }
0x118: {  	v6 =	vand.u32 $0xFFFFFFFD, v6  }
0x119: {  	v6 =	vbroadcast v6, $0x0;
	v3 =	vmul.f32 v3, v2  }
0x11a: {  	v4 =	vmul.f32 v4, v2  }
0x11b: {  	[tilespmem:s19+$0xFFFFFF80] =	vst v3;
	v3 =	vmul.f32 v5, v2  }
0x11c: {  	s18 =	sadd.s32 $0x100, s19;
	[tilespmem:s19+$0xFFFFFFA0] =	vst v4;
	v4 =	vmul.f32 v7, v2  }
0x11d: {  	v2 =	vld [tilespmem:s18+$0xFFFFFFA0];
	[tilespmem:s19+$0xFFFFFF90] =	vst v3  }
0x11e: {  	v3 =	vld [tilespmem:s19+$0xFFFFFFF0];
	[tilespmem:s19+$0xFFFFFFB0] =	vst v4  }
0x11f: {  	v4 =	vld.idx.msk [tilespmem:v6+s5+$0x0], $0xffff  }
0x120: {  	v5 =	vld [tilespmem:s19+$0xFFFFFFD0]  }
0x121: {  	s22 =	simm.s32 $0x2;
	v6 =	vld [tilespmem:s19+$0xFFFFFFC0]  }
0x122: {  	v8 =	vld [tilespmem:s19+$0xFFFFFFE0];
	v7 =	vmov s22  }
0x123: {  	v7 =	vand.u32 $0xFFFFFFFE, v7  }
0x124: {  	v7 =	vbroadcast v7, $0x0;
	v3 =	vmul.f32 v3, v4  }
0x125: {  	v5 =	vmul.f32 v5, v4  }
0x126: {  	v6 =	vmul.f32 v6, v4;
	[tilespmem:s19+$0xFFFFFFF0] =	vst v3  }
0x127: {  	v4 =	vmul.f32 v8, v4;
	[tilespmem:s19+$0xFFFFFFD0] =	vst v5  }
0x128: {  	v3 =	vld [tilespmem:s18+$0xFFFFFF90];
	[tilespmem:s19+$0xFFFFFFC0] =	vst v6  }
0x129: {  	v5 =	vld [tilespmem:s19+$0x0];
	[tilespmem:s19+$0xFFFFFFE0] =	vst v4  }
0x12a: {  	v4 =	vld.idx.msk [tilespmem:v7+s5+$0x0], $0xffff  }
0x12b: {  	v6 =	vld [tilespmem:s19+$0x10]  }
0x12c: {  	v7 =	vld [tilespmem:s19+$0x30]  }
0x12d: {  	v8 =	vld [tilespmem:s19+$0x20];
	_ =	sdelay $0x1  }
0x12e: {  	s24 =	simm.s32 $0x3;
	v5 =	vmul.f32 v5, v4  }
0x12f: {  	v9 =	vmov s24;
	v6 =	vmul.f32 v6, v4  }
0x130: {  	v7 =	vmul.f32 v7, v4;
	[tilespmem:s19+$0x0] =	vst v5  }
0x131: {  	v4 =	vmul.f32 v8, v4;
	[tilespmem:s19+$0x10] =	vst v6  }
0x132: {  	[tilespmem:s19+$0x30] =	vst v7;
	v5 =	vld [tilespmem:s19+$0x40]  }
0x133: {  	[tilespmem:s19+$0x20] =	vst v4;
	v4 =	vld [tilespmem:s19+$0x50]  }
0x134: {  	v7 =	vld.idx.msk [tilespmem:v9+s5+$0x0], $0xffff  }
0x135: {  	v6 =	vld [tilespmem:s19+$0x70];
	_ =	sdelay $0x1  }
0x136: {  	s22 =	simm.s32 $0x4;
	v8 =	vld [tilespmem:s19+$0x60]  }
0x137: {  	v62 =	vmov s22  }
0x138: {  	v9 =	vand.u32 $0xFFFFFFFC, v62;
	v5 =	vmul.f32 v5, v7;
	v11 =	vmul.f32 v4, v7  }
0x139: {  	s24 =	simm.s32 $0x5;
	s26 =	simm.s32 $0x6;
	v12 =	vmul.f32 v6, v7;
	v6 =	vbroadcast v9, $0x0  }
0x13a: {  	v10 =	vmov s24;
	v63 =	vmov s26;
	[tilespmem:s19+$0x40] =	vst v5  }
0x13b: {  	v4 =	vand.u32 $0xFFFFFFFD, v10;
	v7 =	vmul.f32 v8, v7;
	v5 =	vand.u32 $0xFFFFFFFE, v63;
	[tilespmem:s19+$0x50] =	vst v11  }
0x13c: {  	s24 =	simm.s32 $0x8;
	s20 =	sadd.s32 $0x6620, s8;
	v4 =	vbroadcast v4, $0x0;
	[tilespmem:s19+$0x70] =	vst v12;
	v5 =	vbroadcast v5, $0x0  }
.LBB2_8:
0x13d: {  	p0 =	sne.s32 s24, $0x7C;
	s26 =	smov.u32 s24  }
0x13e: {  	[tilespmem:s19+$0x60] =	vst v7;
	s24 =	sadd.s32 $0x4, s24;
	s19 =	smov.u32 s18;
	s18 =	sadd.s32 $0x100, s18  }
0x13f: {  	v7 =	vld.idx.msk [tilespmem:v6+s5+$0x0], $0xffff  }
0x140: {  	v8 =	vld [tilespmem:s19+$0xFFFFFF80];
	_ =	sdelay $0x1  }
0x141: {  	v9 =	vld [tilespmem:s19+$0xFFFFFFB0]  }
0x142: {  	v6 =	vmov s26  }
0x143: {  	v6 =	vand.u32 $0xFFFFFFFC, v6  }
0x144: {  	v6 =	vbroadcast v6, $0x0;
	v8 =	vmul.f32 v8, v7  }
0x145: {  	v3 =	vmul.f32 v3, v7;
	v2 =	vmul.f32 v2, v7  }
0x146: {  	[tilespmem:s19+$0xFFFFFF80] =	vst v8;
	v7 =	vmul.f32 v9, v7  }
0x147: {  	[tilespmem:s19+$0xFFFFFFA0] =	vst v2;
	v8 =	vld [tilespmem:s19+$0xFFFFFFF0]  }
0x148: {  	v2 =	vld [tilespmem:s18+$0xFFFFFFA0];
	[tilespmem:s19+$0xFFFFFF90] =	vst v3  }
0x149: {  	[tilespmem:s19+$0xFFFFFFB0] =	vst v7;
	v7 =	vld [tilespmem:s19+$0xFFFFFFC0]  }
0x14a: {  	v9 =	vld.idx.msk [tilespmem:v4+s5+$0x0], $0xffff  }
0x14b: {  	v10 =	vld [tilespmem:s19+$0xFFFFFFD0]  }
0x14c: {  	v11 =	vld [tilespmem:s19+$0xFFFFFFE0]  }
0x14d: {  	s8 =	sadd.s32 $0x1, s26;
	v3 =	vld [tilespmem:s18+$0xFFFFFF90]  }
0x14e: {  	v4 =	vmov s8  }
0x14f: {  	v4 =	vand.u32 $0xFFFFFFFD, v4  }
0x150: {  	v4 =	vbroadcast v4, $0x0;
	v8 =	vmul.f32 v8, v9  }
0x151: {  	v10 =	vmul.f32 v10, v9;
	v11 =	vmul.f32 v11, v9  }
0x152: {  	v7 =	vmul.f32 v7, v9;
	[tilespmem:s19+$0xFFFFFFF0] =	vst v8  }
0x153: {  	[tilespmem:s19+$0xFFFFFFD0] =	vst v10  }
0x154: {  	[tilespmem:s19+$0xFFFFFFC0] =	vst v7;
	v7 =	vld [tilespmem:s19+$0x0]  }
0x155: {  	[tilespmem:s19+$0xFFFFFFE0] =	vst v11;
	v8 =	vld [tilespmem:s19+$0x30]  }
0x156: {  	v5 =	vld.idx.msk [tilespmem:v5+s5+$0x0], $0xffff  }
0x157: {  	v9 =	vld [tilespmem:s19+$0x10]  }
0x158: {  	v10 =	vld [tilespmem:s19+$0x20];
	_ =	sdelay $0x3  }
0x159: {  	s8 =	sadd.s32 $0x3, s22;
	s22 =	smov.u32 s26;
	v7 =	vmul.f32 v7, v5;
	v9 =	vmul.f32 v9, v5  }
0x15a: {  	s26 =	sadd.s32 $0x2, s22;
	v10 =	vmul.f32 v10, v5;
	v5 =	vmul.f32 v8, v5;
	v8 =	vmov s8  }
0x15b: {  	v11 =	vmov s26;
	[tilespmem:s19+$0x0] =	vst v7  }
0x15c: {  	v7 =	vand.u32 $0xFFFFFFFE, v11;
	[tilespmem:s19+$0x10] =	vst v9  }
0x15d: {  	[tilespmem:s19+$0x30] =	vst v5;
	v9 =	vld [tilespmem:s19+$0x40]  }
0x15e: {  	v5 =	vbroadcast v7, $0x0;
	[tilespmem:s19+$0x20] =	vst v10;
	v10 =	vld [tilespmem:s19+$0x70]  }
0x15f: {  	v8 =	vld.idx.msk [tilespmem:v8+s5+$0x0], $0xffff  }
0x160: {  	v7 =	vld [tilespmem:s19+$0x50]  }
0x161: {  	v11 =	vld [tilespmem:s19+$0x60];
	_ =	sdelay $0x3  }
.Ltmp2:
0x162: {  	v9 =	vmul.f32 v9, v8;
	v12 =	vmul.f32 v7, v8;
	(pc) =	sbr.rel @p0 .LBB2_8-.Ltmp2, $4  }
0x163: {  	v7 =	vmul.f32 v11, v8;
	v8 =	vmul.f32 v10, v8  }
0x164: {  	[tilespmem:s19+$0x40] =	vst v9  }
0x165: {  	[tilespmem:s19+$0x50] =	vst v12  }
0x166: {  	[tilespmem:s19+$0x70] =	vst v8  }
0x167: {  	_ =	sdelay $0x2  }
0x168: {  	[tilespmem:s19+$0x60] =	vst v7;
	v53 =	vld [tilespmem:s18+$0xFFFFFF80]  }
0x169: {  	v6 =	vld.idx.msk [tilespmem:v6+s5+$0x0], $0xffff;
	_ =	sdelay $0x2  }
0x16a: {  	v8 =	vld [tilespmem:s18+$0xFFFFFFB0];
	_ =	sdelay $0x1  }
0x16b: {  	v7 =	vmul.f32 v53, v6  }
0x16c: {  	v2 =	vmul.f32 v2, v6  }
0x16d: {  	v3 =	vmul.f32 v3, v6;
	[tilespmem:s18+$0xFFFFFF80] =	vst v7  }
0x16e: {  	v6 =	vmul.f32 v8, v6;
	[tilespmem:s18+$0xFFFFFFA0] =	vst v2  }
0x16f: {  	[tilespmem:s18+$0xFFFFFF90] =	vst v3  }
0x170: {  	v2 =	vld [tilespmem:s18+$0xFFFFFFF0];
	[tilespmem:s18+$0xFFFFFFB0] =	vst v6  }
0x171: {  	v3 =	vld.idx.msk [tilespmem:v4+s5+$0x0], $0xffff  }
0x172: {  	v54 =	vld [tilespmem:s18+$0xFFFFFFD0]  }
0x173: {  	v55 =	vld [tilespmem:s18+$0xFFFFFFC0]  }
0x174: {  	v56 =	vld [tilespmem:s18+$0xFFFFFFE0];
	_ =	sdelay $0x1  }
0x175: {  	v2 =	vmul.f32 v2, v3  }
0x176: {  	v4 =	vmul.f32 v54, v3  }
0x177: {  	v6 =	vmul.f32 v55, v3;
	[tilespmem:s18+$0xFFFFFFF0] =	vst v2  }
0x178: {  	v2 =	vmul.f32 v56, v3;
	[tilespmem:s18+$0xFFFFFFD0] =	vst v4  }
0x179: {  	[tilespmem:s18+$0xFFFFFFC0] =	vst v6  }
0x17a: {  	v3 =	vld [tilespmem:s18+$0x0];
	[tilespmem:s18+$0xFFFFFFE0] =	vst v2  }
0x17b: {  	v2 =	vld.idx.msk [tilespmem:v5+s5+$0x0], $0xffff  }
0x17c: {  	v57 =	vld [tilespmem:s18+$0x10]  }
0x17d: {  	v58 =	vld [tilespmem:s18+$0x30]  }
0x17e: {  	v59 =	vld [tilespmem:s18+$0x20];
	_ =	sdelay $0x1  }
0x17f: {  	s8 =	sadd.s32 $0x3, s22;
	v3 =	vmul.f32 v3, v2  }
0x180: {  	v60 =	vmov s8;
	v4 =	vmul.f32 v57, v2  }
0x181: {  	v5 =	vmul.f32 v58, v2;
	[tilespmem:s18+$0x0] =	vst v3  }
0x182: {  	v2 =	vmul.f32 v59, v2;
	[tilespmem:s18+$0x10] =	vst v4  }
0x183: {  	[tilespmem:s18+$0x30] =	vst v5  }
0x184: {  	v3 =	vld [tilespmem:s18+$0x40];
	[tilespmem:s18+$0x20] =	vst v2  }
0x185: {  	v2 =	vld.idx.msk [tilespmem:v60+s5+$0x0], $0xffff  }
0x186: {  	v61 =	vld [tilespmem:s18+$0x50]  }
0x187: {  	v62 =	vld [tilespmem:s18+$0x70]  }
0x188: {  	v63 =	vld [tilespmem:s18+$0x60];
	_ =	sdelay $0x1  }
0x189: {  	v3 =	vmul.f32 v3, v2  }
0x18a: {  	p0 =	slt.u32 s30, $0x10;
	v4 =	vmul.f32 v61, v2  }
.Ltmp3:
0x18b: {  	v5 =	vmul.f32 v62, v2;
	[tilespmem:s18+$0x40] =	vst v3;
	(pc) =	sbr.rel @p0 .LBB2_5-.Ltmp3, $4  }
0x18c: {  	v2 =	vmul.f32 v63, v2;
	[tilespmem:s18+$0x50] =	vst v4  }
0x18d: {  	[tilespmem:s18+$0x70] =	vst v5  }
0x18e: {  	s19 =	smov.u32 s30;
	[tilespmem:s18+$0x60] =	vst v2  }
0x18f: {  	[spmem:s2] =	stream.indirect.scatter.add.f32 [tilespmem:s20], [sflag:$0x2], $0x40, s31, s12, $0xb8;
	[tilespmem:$0x1E9B0] =	vst v63  }
0x190: {  	s29 =	sadd.s32 $0x1, s29  }
0x191: {  	_ =	swait.ge [sflag:s17], $0x2000;
	p0 =	sne.s32 s29, $0xA  }
.Ltmp4:
0x192: {  	[sflag:s17] =	ssyncset.done $0x0;
	(pc) =	sbr.rel @p0 .LBB2_4-.Ltmp4, $4  }
0x193: {  	[sflag:s17] =	ssyncadd.s32 $0xFFFFE000  }
0x194: {  	_ =	swait.ge [sflag:s21], $0x80  }
0x195: {  	[sflag:s21] =	ssyncset.done $0x0  }
0x196: {  	[sflag:s21] =	ssyncadd.s32 $0xFFFFFF80  }
0x197: {  	[bflag:$0x0] =	sbarrier.arrive $0xFFFF  }
0x198: {  	s24 =	rddreg [dreg:$0xf]  }
0x199: {  	s8 =	rddreg [dreg:$0x6];
	s5 =	sshrl.u32 s24, $0x3  }
0x19a: {  	[hbm:s8], [sflag:s25] =	dma.local [spmem:s5], $0x400  }
0x19b: {  	_ =	swait.ge [sflag:s3], $0x400  }
0x19c: {  	[sflag:s3] =	ssyncset.done $0x0;
	s28 =	rddreg [dreg:$0x11]  }
0x19d: {  	s18 =	rddreg [dreg:$0x7];
	[sflag:s3] =	ssyncadd.s32 $0xFFFFFC00;
	s8 =	sshrl.u32 s28, $0x3  }
0x19e: {  	[hbm:s18], [sflag:s25] =	dma.local [spmem:s8], $0x400  }
0x19f: {  	_ =	swait.ge [sflag:s3], $0x400  }
0x1a0: {  	[sflag:s3] =	ssyncset.done $0x0;
	s29 =	rddreg [dreg:$0x13]  }
0x1a1: {  	s20 =	rddreg [dreg:$0x8];
	[sflag:s3] =	ssyncadd.s32 $0xFFFFFC00;
	s19 =	sshrl.u32 s29, $0x3  }
0x1a2: {  	[hbm:s20], [sflag:s25] =	dma.local [spmem:s19], $0x400  }
0x1a3: {  	_ =	swait.ge [sflag:s3], $0x400  }
0x1a4: {  	[sflag:s3] =	ssyncset.done $0x0;
	s30 =	rddreg [dreg:$0x15]  }
0x1a5: {  	s26 =	rddreg [dreg:$0x9];
	[sflag:s3] =	ssyncadd.s32 $0xFFFFFC00;
	s22 =	sshrl.u32 s30, $0x3  }
0x1a6: {  	[hbm:s26], [sflag:s25] =	dma.local [spmem:s22], $0x400  }
0x1a7: {  	_ =	swait.ge [sflag:s3], $0x400  }
0x1a8: {  	[sflag:s3] =	ssyncset.done $0x0;
	s31 =	rddreg [dreg:$0x17]  }
0x1a9: {  	s19 =	rddreg [dreg:$0xa];
	[sflag:s3] =	ssyncadd.s32 $0xFFFFFC00;
	s18 =	sshrl.u32 s31, $0x3  }
0x1aa: {  	[hbm:s19], [sflag:s25] =	dma.local [spmem:s18], $0x400  }
0x1ab: {  	_ =	swait.ge [sflag:s3], $0x400  }
0x1ac: {  	[sflag:s3] =	ssyncset.done $0x0;
	s26 =	rddreg [dreg:$0x10]  }
0x1ad: {  	s22 =	rddreg [dreg:$0x19];
	[sflag:s3] =	ssyncadd.s32 $0xFFFFFC00;
	s20 =	sshrl.u32 s26, $0x3  }
0x1ae: {  	[hbm:s22], [sflag:s25] =	dma.local [spmem:s20], $0x50  }
0x1af: {  	_ =	swait.ge [sflag:s3], $0x50  }
0x1b0: {  	s23 =	sadd.s32 $0x1, s23;
	s25 =	rddreg [dreg:$0x1a]  }
0x1b1: {  	p0 =	sne.s32 s23, s25  }
.Ltmp5:
0x1b2: {  	_ = 	snop;
	(pc) =	sbr.rel @p0 .LBB2_1-.Ltmp5, $3  }
0x1b3: {  	_ =	sdelay $0x1  }
0x1b4: {  	[sflag:s3] =	ssyncset.done $0x0  }
0x1b5: {  	[sflag:s3] =	ssyncadd.s32 $0xFFFFFFB0  }
0x1b6: {  	_ =	sfence.sel $0x180000  }
0x1b7: {  	[bflag:$0x0] =	sbarrier.arrive $0xFFFF  }
0x1b8: {  	_ =	strace $0x90000047  }
0x1b9: {  	s0 =	stileid.u32;
	[bflag:$0x2] =	sbarrier.arrive $0xFFFF  }
0x1ba: {  	p0 =	sne.s32 s0, $0x0;
	s0 =	rddreg [dreg:$0x5]  }
0x1bb: {  	s0 =	sadd.s32 @!p0 $0x100000, s0  }
0x1bc: {  	[sflag:s0] =	ssyncadd.tile.s32 @!p0 $0x1;
	_ =	shalt  }
.Lfunc_end2:
_tile_overlayer_lowered:
.L_overlay_start_2:
0x1bd: {  	(tag) =	ssettag $0x2  }
0x1be: {  	s0 =	rddreg [dreg:$0x0];
	s2 =	stileid.u32  }
0x1bf: {  	s1 =	rddreg [dreg:$0x1];
	p0 =	sne.s32 s2, $0x0  }
0x1c0: {  	s3 =	rddreg [dreg:$0x2];
	[bflag:$0x3] =	sbarrier.arrive $0xFFFF;
	s2 =	simm.s32 @!p0 $0x1C04  }
0x1c1: {  	[timem:s3], [sflag:s2] =	dma.local @!p0 [hbm:s0], s1  }
0x1c2: {  	s0 =	simm.s32 @!p0 $0x4  }
0x1c3: {  	_ =	swait.ge @!p0 [sflag:s0], s1  }
0x1c4: {  	s1 =	ssub.s32 @!p0 $0x0, s1;
	[sflag:s0] =	ssyncset.done @!p0 $0x0  }
0x1c5: {  	[sflag:s0] =	ssyncadd.s32 @!p0 s1  }
0x1c6: {  	[bflag:$0x3] =	sbarrier.arrive $0xFFFF  }
0x1c7: {  	_ =	shalt  }

</sc_bundles>
